<compile_context>
chip_gen: v7x
topology: tpu7x:2x2x1
jax: 0.10.2.dev20260603
libtpu: 0.0.44.dev20260713+nightly
codegen_flags: <defaults>
</compile_context>

<pallas_src>
import functools

import jax
import jax.numpy as jnp
from jax import lax
from jax.experimental import pallas as pl
from jax.experimental.pallas import tpu as pltpu
from jax.experimental.pallas import tpu_sc as plsc

N = 10000
E = 320000
D = 128
H = 4
DH = 32
INV_SQRT_DH = 0.17677669529663687

NC, NS = 2, 16
NW = NC * NS
EPW = E // NW
C = 80
NCHUNK = EPW // C
G = C // 16

_MESH = plsc.VectorSubcoreMesh(
    core_axis_name="c", subcore_axis_name="s", num_cores=NC, num_subcores=NS
)


def _mm_body(x_ref, w_ref, o_ref):
    o_ref[...] = jnp.dot(x_ref[...], w_ref[...],
                         preferred_element_type=jnp.float32)


def _project(x, W):
    return pl.pallas_call(
        _mm_body,
        grid=(10,),
        in_specs=[
            pl.BlockSpec((N // 10, D), lambda i: (i, 0)),
            pl.BlockSpec((D, D), lambda i: (0, 0)),
        ],
        out_specs=pl.BlockSpec((N // 10, D), lambda i: (i, 0)),
        out_shape=jax.ShapeDtypeStruct((N, D), jnp.float32),
    )(x, W)


def _add_body(a_ref, b_ref, o_ref):
    o_ref[...] = a_ref[...] + b_ref[...]


def _combine(p0, p1):
    return pl.pallas_call(
        _add_body,
        grid=(10,),
        in_specs=[
            pl.BlockSpec((N // 10, D), lambda i: (i, 0)),
            pl.BlockSpec((N // 10, D), lambda i: (i, 0)),
        ],
        out_specs=pl.BlockSpec((N // 10, D), lambda i: (i, 0)),
        out_shape=jax.ShapeDtypeStruct((N, D), jnp.float32),
    )(p0, p1)


def _norm_body(p0_ref, p1_ref, s0_ref, s1_ref, o_ref):
    s = jnp.maximum(s0_ref[...] + s1_ref[...], jnp.float32(1e-30))
    inv = (jnp.float32(1.0) / s).reshape(N // 10, H, 1)
    p = (p0_ref[...] + p1_ref[...]).reshape(N // 10, H, DH)
    o_ref[...] = (p * inv).reshape(N // 10, D)


def _norm_combine(p0, p1, s0, s1):
    return pl.pallas_call(
        _norm_body,
        grid=(10,),
        in_specs=[
            pl.BlockSpec((N // 10, D), lambda i: (i, 0)),
            pl.BlockSpec((N // 10, D), lambda i: (i, 0)),
            pl.BlockSpec((N // 10, H), lambda i: (i, 0)),
            pl.BlockSpec((N // 10, H), lambda i: (i, 0)),
        ],
        out_specs=pl.BlockSpec((N // 10, D), lambda i: (i, 0)),
        out_shape=jax.ShapeDtypeStruct((N, D), jnp.float32),
    )(p0, p1, s0.reshape(N, H), s1.reshape(N, H))


def _zero_vec(ref, nelem):
    z = jnp.zeros((16,), jnp.float32)

    def body(i, _):
        ref[pl.ds(i * 16, 16)] = z
        return 0

    lax.fori_loop(0, nelem // 16, body, 0)


@functools.partial(
    pl.kernel,
    out_type=(
        jax.ShapeDtypeStruct((E * H,), jnp.float32),
        jax.ShapeDtypeStruct((NC * N * H,), jnp.float32),
    ),
    mesh=_MESH,
    compiler_params=pltpu.CompilerParams(needs_layout_passes=False),
    scratch_types=[
        pltpu.VMEM((EPW,), jnp.int32),
        pltpu.VMEM((EPW,), jnp.int32),
        pltpu.VMEM((C, D), jnp.float32),
        pltpu.VMEM((C, D), jnp.float32),
        pltpu.VMEM((C, D), jnp.float32),
        pltpu.VMEM((C, D), jnp.float32),
        pltpu.VMEM((H * 16 * (C + 1),), jnp.float32),
        pltpu.VMEM((EPW * H,), jnp.float32),
        pltpu.VMEM((H * C,), jnp.float32),
        pltpu.VMEM((H * C,), jnp.int32),
        pltpu.VMEM((2560,), jnp.float32),
        pltpu.VMEM_SHARED((N * H,), jnp.float32),
        pltpu.SemaphoreType.DMA,
        pltpu.SemaphoreType.DMA,
    ],
)
def _attn_scores(ft_hbm, src_hbm, dst_hbm, ee_hbm, sp_hbm,
                 src_ids, dst_ids, srows_a, drows_a, srows_b, drows_b,
                 pt, ee_all, ee_chunk, sidx, zbuf, s_acc, sem_a, sem_b):
    cid = lax.axis_index("c")
    sid = lax.axis_index("s")
    wid = cid * NS + sid
    e0 = wid * EPW

    pltpu.sync_copy(src_hbm.at[pl.ds(e0, EPW)], src_ids)
    pltpu.sync_copy(dst_hbm.at[pl.ds(e0, EPW)], dst_ids)

    _zero_vec(zbuf, 2560)

    @pl.when(sid < NS - 1)
    def _():
        pltpu.sync_copy(zbuf, s_acc.at[pl.ds(sid * 2560, 2560)])

    @pl.when(sid == NS - 1)
    def _():
        pltpu.sync_copy(zbuf.at[pl.ds(0, 1600)],
                        s_acc.at[pl.ds(38400, 1600)])

    plsc.subcore_barrier()

    lanes = lax.iota(jnp.int32, 16)
    ST = C + 1
    lst = lanes * ST

    def start_gathers(j, sr, dr, sem):
        cb = j * C
        pltpu.async_copy(ft_hbm.at[src_ids.at[pl.ds(cb, C)]], sr, sem)
        pltpu.async_copy(ft_hbm.at[dst_ids.at[pl.ds(cb, C)]], dr, sem)

    def wait_gathers(sr, dr, sem):
        pltpu.make_async_copy(ft_hbm.at[src_ids.at[pl.ds(0, C)]], sr,
                              sem).wait()
        pltpu.make_async_copy(ft_hbm.at[dst_ids.at[pl.ds(0, C)]], dr,
                              sem).wait()

    def compute(j, sr, dr):
        cb = j * C

        def prod_body(e, _):
            for h in range(H):
                v = (sr[e, pl.ds(2 * h * 16, 16)]
                     * dr[e, pl.ds(2 * h * 16, 16)]
                     + sr[e, pl.ds((2 * h + 1) * 16, 16)]
                     * dr[e, pl.ds((2 * h + 1) * 16, 16)])
                plsc.store_scatter(pt, [lst + (h * 16 * ST + e)], v)
            return 0

        lax.fori_loop(0, C, prod_body, 0)

        def group_body(g, _):
            d16 = dst_ids[pl.ds(cb + g * 16, 16)]
            for h in range(H):
                acc = pt[pl.ds(h * 16 * ST + g * 16, 16)]
                for t in range(1, 16):
                    acc = acc + pt[pl.ds((h * 16 + t) * ST + g * 16, 16)]
                eeh = jnp.exp(acc * INV_SQRT_DH)
                ee_all[pl.ds((j * H + h) * C + g * 16, 16)] = eeh
                ee_chunk[pl.ds(h * C + g * 16, 16)] = eeh
                sidx[pl.ds(h * C + g * 16, 16)] = d16 * H + h
            return 0

        lax.fori_loop(0, G, group_body, 0)

        pltpu.sync_copy(ee_chunk, s_acc.at[sidx], add=True)

    start_gathers(0, srows_a, drows_a, sem_a)

    def pair_body(jj, _):
        j0 = jj * 2
        start_gathers(j0 + 1, srows_b, drows_b, sem_b)
        wait_gathers(srows_a, drows_a, sem_a)
        compute(j0, srows_a, drows_a)
        start_gathers(j0 + 2, srows_a, drows_a, sem_a)
        wait_gathers(srows_b, drows_b, sem_b)
        compute(j0 + 1, srows_b, drows_b)
        return 0

    lax.fori_loop(0, (NCHUNK - 1) // 2, pair_body, 0)
    wait_gathers(srows_a, drows_a, sem_a)
    compute(NCHUNK - 1, srows_a, drows_a)

    pltpu.sync_copy(ee_all, ee_hbm.at[pl.ds(wid * EPW * H, EPW * H)])
    plsc.subcore_barrier()

    @pl.when(sid == 0)
    def _():
        pltpu.sync_copy(s_acc, ee_all)
        pltpu.sync_copy(ee_all, sp_hbm.at[pl.ds(cid * N * H, N * H)])


@functools.partial(
    pl.kernel,
    out_type=jax.ShapeDtypeStruct((NC, N, D), jnp.float32),
    mesh=_MESH,
    compiler_params=pltpu.CompilerParams(needs_layout_passes=False),
    scratch_types=[
        pltpu.VMEM((EPW,), jnp.int32),
        pltpu.VMEM((EPW,), jnp.int32),
        pltpu.VMEM((C, D), jnp.float32),
        pltpu.VMEM((C, D), jnp.float32),
        pltpu.VMEM((H * C + 16,), jnp.float32),
        pltpu.VMEM((H * C + 16,), jnp.float32),
        pltpu.VMEM((C,), jnp.int32),
        pltpu.VMEM_SHARED((N, D), jnp.float32),
        pltpu.SemaphoreType.DMA,
        pltpu.SemaphoreType.DMA,
    ],
)
def _aggregate(ft_hbm, src_hbm, dst_hbm, ee_hbm, pout_hbm,
               src_ids, dst_ids, srows_a, srows_b, ee_a, ee_b,
               didx, out_acc, sem_a, sem_b):
    cid = lax.axis_index("c")
    sid = lax.axis_index("s")
    wid = cid * NS + sid
    e0 = wid * EPW

    pltpu.sync_copy(src_hbm.at[pl.ds(e0, EPW)], src_ids)
    pltpu.sync_copy(dst_hbm.at[pl.ds(e0, EPW)], dst_ids)

    z = jnp.zeros((16,), jnp.float32)

    def zrow_body(i, _):
        for k in range(8):
            srows_a[i, pl.ds(k * 16, 16)] = z
        return 0

    lax.fori_loop(0, C, zrow_body, 0)
    r0 = sid * 624

    @pl.when(sid < NS - 1)
    def _():
        for k in range(7):
            pltpu.sync_copy(srows_a, out_acc.at[pl.ds(r0 + k * C, C), :])
        pltpu.sync_copy(srows_a.at[pl.ds(0, 64), :],
                        out_acc.at[pl.ds(r0 + 560, 64), :])

    @pl.when(sid == NS - 1)
    def _():
        for k in range(8):
            pltpu.sync_copy(srows_a, out_acc.at[pl.ds(9360 + k * C, C), :])

    plsc.subcore_barrier()

    def start_fetch(j, sr, eec, sem):
        cb = j * C
        pltpu.async_copy(ft_hbm.at[src_ids.at[pl.ds(cb, C)]], sr, sem)
        pltpu.async_copy(
            ee_hbm.at[pl.ds((wid * EPW + cb) * H, H * C)],
            eec.at[pl.ds(0, H * C)], sem)

    def wait_fetch(j, sr, eec, sem):
        cb = j * C
        pltpu.make_async_copy(ft_hbm.at[src_ids.at[pl.ds(cb, C)]], sr,
                              sem).wait()
        pltpu.make_async_copy(
            ee_hbm.at[pl.ds((wid * EPW + cb) * H, H * C)],
            eec.at[pl.ds(0, H * C)], sem).wait()

    def compute(j, sr, eec):
        cb = j * C

        def didx_body(g, _):
            didx[pl.ds(g * 16, 16)] = dst_ids[pl.ds(cb + g * 16, 16)]
            return 0

        lax.fori_loop(0, G, didx_body, 0)

        def scale_body(e, _):
            for h in range(H):
                av = jnp.broadcast_to(eec[pl.ds(h * C + e, 16)][0], (16,))
                for k in range(2 * h, 2 * h + 2):
                    sr[e, pl.ds(k * 16, 16)] = sr[e, pl.ds(k * 16, 16)] * av
            return 0

        lax.fori_loop(0, C, scale_body, 0)
        pltpu.sync_copy(sr, out_acc.at[didx], add=True)

    start_fetch(0, srows_a, ee_a, sem_a)

    def pair_body(jj, _):
        j0 = jj * 2
        start_fetch(j0 + 1, srows_b, ee_b, sem_b)
        wait_fetch(j0, srows_a, ee_a, sem_a)
        compute(j0, srows_a, ee_a)
        start_fetch(j0 + 2, srows_a, ee_a, sem_a)
        wait_fetch(j0 + 1, srows_b, ee_b, sem_b)
        compute(j0 + 1, srows_b, ee_b)
        return 0

    lax.fori_loop(0, (NCHUNK - 1) // 2, pair_body, 0)
    wait_fetch(NCHUNK - 1, srows_a, ee_a, sem_a)
    compute(NCHUNK - 1, srows_a, ee_a)
    plsc.subcore_barrier()

    @pl.when(sid < NS - 1)
    def _():
        pltpu.sync_copy(out_acc.at[pl.ds(r0, 624), :],
                        pout_hbm.at[cid, pl.ds(r0, 624), :])

    @pl.when(sid == NS - 1)
    def _():
        pltpu.sync_copy(out_acc.at[pl.ds(9360, 640), :],
                        pout_hbm.at[cid, pl.ds(9360, 640), :])


def kernel(x, edge_index, W):
    src = edge_index[0]
    dst = edge_index[1]
    ft = _project(x, W)
    ee, sparts = _attn_scores(ft, src, dst)
    pout = _aggregate(ft, src, dst, ee)
    return _norm_combine(pout[0], pout[1], sparts[:N * H], sparts[N * H:])

# --- scband reference (transcript-rebuilt; emitter-appended) ---
"""Pipeline reference for scband-dotgatconv-dgl-75393855913985 (READ-ONLY COPY).

The authoritative reference and input builder live on the scoring server;
editing this copy changes nothing except your own understanding.
"""

import jax, jax.numpy as jnp
import numpy as np

N = 10000
E = 320000
D_IN = 128
H = 4
D_HEAD = 32


def setup_inputs(seed: int = 0) -> dict:
    key = jax.random.key(seed)
    k1, k2, k3 = jax.random.split(key, 3)
    x = jax.random.normal(k1, (N, D_IN), dtype=jnp.float32)
    edge_index = jax.random.randint(k2, (2, E), 0, N, dtype=jnp.int32)
    # fc projection weight of DGL DotGatConv (Linear without bias): [D_IN, H*D_HEAD]
    W = jax.random.normal(k3, (D_IN, H * D_HEAD), dtype=jnp.float32) / np.sqrt(D_IN)
    return {"x": x, "edge_index": edge_index, "W": W}


def reference(x, edge_index, W):
    # DGL DotGatConv: project, per-edge dot-product attention, edge softmax over
    # incoming edges at dst, weighted aggregation of source features.
    src = edge_index[0]
    dst = edge_index[1]
    ft = (x @ W).reshape(-1, H, D_HEAD)          # [N, H, d]
    ft_src = ft[src]                              # gather: [E, H, d]
    ft_dst = ft[dst]                              # gather: [E, H, d]
    e = jnp.sum(ft_src * ft_dst, axis=-1) / np.float32(np.sqrt(D_HEAD))  # [E, H]
    # numerically-stable edge softmax grouped by dst node
    m = jax.ops.segment_max(e, dst, num_segments=N)      # [N, H]
    ee = jnp.exp(e - m[dst])                              # [E, H]
    s = jax.ops.segment_sum(ee, dst, num_segments=N)      # [N, H]
    a = ee / s[dst]                                       # [E, H]
    msg = ft_src * a[..., None]                           # [E, H, d]
    out = jax.ops.segment_sum(msg, dst, num_segments=N)   # [N, H, d]
    return out.reshape(N, -1)                              # [N, H*d] as in forward_nofuse

if __name__ == "__main__":
    import jax
    _d = setup_inputs()
    print(jax.jit(kernel)(*tuple(_d.values())))

</pallas_src>

<mosaic_0001>
#map = affine_map<(d0, d1) -> (0, 0)>
#map1 = affine_map<(d0, d1) -> (0)>
#map2 = affine_map<(d0, d1) -> (0, 0, 0)>
module attributes {stable_mosaic.version = 14 : i64} {
  func.func @_aggregate(%arg0: i32, %arg1: i32, %arg2: memref<10000x128xf32, #tpu.memory_space<hbm>>, %arg3: memref<320000xi32, #tpu.memory_space<hbm>>, %arg4: memref<320000xi32, #tpu.memory_space<hbm>>, %arg5: memref<1280000xf32, #tpu.memory_space<hbm>>, %arg6: memref<2x10000x128xf32, #tpu.memory_space<hbm>>, %arg7: memref<10000xi32, #tpu.memory_space<vmem>>, %arg8: memref<10000xi32, #tpu.memory_space<vmem>>, %arg9: memref<80x128xf32, #tpu.memory_space<vmem>>, %arg10: memref<80x128xf32, #tpu.memory_space<vmem>>, %arg11: memref<336xf32, #tpu.memory_space<vmem>>, %arg12: memref<336xf32, #tpu.memory_space<vmem>>, %arg13: memref<80xi32, #tpu.memory_space<vmem>>, %arg14: memref<10000x128xf32, #tpu.memory_space<vmem_shared>>, %arg15: memref<!tpu.dma_semaphore, #tpu.memory_space<semaphore_mem>>, %arg16: memref<!tpu.dma_semaphore, #tpu.memory_space<semaphore_mem>>) attributes {dimension_semantics = [#tpu.dimension_semantics<core_parallel>, #tpu.dimension_semantics<subcore_parallel>], iteration_bounds = array<i64: 2, 16>, scalar_prefetch = 0 : i64, scratch_operands = 10 : i64, tpu.core_type = #tpu.core_type<sc_vector_subcore>, window_params = [{transform_indices = #map}, {transform_indices = #map1}, {transform_indices = #map1}, {transform_indices = #map1}, {transform_indices = #map2}]} {
    %mul3A = arith.constant 16 : i32
    %mul3A_0 = arith.muli %arg0, %mul3A : i32
    %add3A = arith.addi %mul3A_0, %arg1 : i32
    %mul3A_1 = arith.constant 10000 : i32
    %mul3A_2 = arith.muli %add3A, %mul3A_1 : i32
    "tpu.region"() ({
      %run_scoped3A = tpu.sem_alloc : memref<!tpu.dma_semaphore, #tpu.memory_space<semaphore_mem>>
      %dma_start3A_82 = tpu.memref_slice %arg3[%mul3A_2] : memref<320000xi32, #tpu.memory_space<hbm>> -> memref<10000xi32, #tpu.memory_space<hbm>>
      %dma_start3A_83 = tpu.memref_slice %arg3[%mul3A_2] : memref<320000xi32, #tpu.memory_space<hbm>> -> memref<10000xi32, #tpu.memory_space<hbm>>
      tpu.enqueue_dma source(%dma_start3A_83 : memref<10000xi32, #tpu.memory_space<hbm>>) target(%arg7 : memref<10000xi32, #tpu.memory_space<vmem>>) target_semaphore(%run_scoped3A : memref<!tpu.dma_semaphore, #tpu.memory_space<semaphore_mem>>)
      %dma_wait3A_84 = tpu.memref_slice %arg3[%mul3A_2] : memref<320000xi32, #tpu.memory_space<hbm>> -> memref<10000xi32, #tpu.memory_space<hbm>>
      %dma_wait3A_85 = tpu.memref_slice %arg3[%mul3A_2] : memref<320000xi32, #tpu.memory_space<hbm>> -> memref<10000xi32, #tpu.memory_space<hbm>>
      tpu.wait_dma2 semaphore(%run_scoped3A : memref<!tpu.dma_semaphore, #tpu.memory_space<semaphore_mem>>) src(%dma_wait3A_85 : memref<10000xi32, #tpu.memory_space<hbm>>) dst(%arg7 : memref<10000xi32, #tpu.memory_space<vmem>>)
      tpu.yield
    }) : () -> ()
    "tpu.region"() ({
      %run_scoped3A = tpu.sem_alloc : memref<!tpu.dma_semaphore, #tpu.memory_space<semaphore_mem>>
      %dma_start3A_82 = tpu.memref_slice %arg4[%mul3A_2] : memref<320000xi32, #tpu.memory_space<hbm>> -> memref<10000xi32, #tpu.memory_space<hbm>>
      %dma_start3A_83 = tpu.memref_slice %arg4[%mul3A_2] : memref<320000xi32, #tpu.memory_space<hbm>> -> memref<10000xi32, #tpu.memory_space<hbm>>
      tpu.enqueue_dma source(%dma_start3A_83 : memref<10000xi32, #tpu.memory_space<hbm>>) target(%arg8 : memref<10000xi32, #tpu.memory_space<vmem>>) target_semaphore(%run_scoped3A : memref<!tpu.dma_semaphore, #tpu.memory_space<semaphore_mem>>)
      %dma_wait3A_84 = tpu.memref_slice %arg4[%mul3A_2] : memref<320000xi32, #tpu.memory_space<hbm>> -> memref<10000xi32, #tpu.memory_space<hbm>>
      %dma_wait3A_85 = tpu.memref_slice %arg4[%mul3A_2] : memref<320000xi32, #tpu.memory_space<hbm>> -> memref<10000xi32, #tpu.memory_space<hbm>>
      tpu.wait_dma2 semaphore(%run_scoped3A : memref<!tpu.dma_semaphore, #tpu.memory_space<semaphore_mem>>) src(%dma_wait3A_85 : memref<10000xi32, #tpu.memory_space<hbm>>) dst(%arg8 : memref<10000xi32, #tpu.memory_space<vmem>>)
      tpu.yield
    }) : () -> ()
    %broadcast_in_dim3A = arith.constant 0.000000e+00 : f32
    %broadcast_in_dim3A_3 = vector.broadcast %broadcast_in_dim3A : f32 to vector<16xf32>
    %scan3A = arith.constant 0 : i32
    %scan3A_4 = arith.constant 0 : i32
    %scan3A_5 = arith.constant 80 : i32
    %scan3A_6 = arith.addi %scan3A_4, %scan3A_5 : i32
    %scan3A_7 = arith.constant 1 : i32
    %scan3A_8 = scf.for %scan3A_82 = %scan3A_4 to %scan3A_6 step %scan3A_7 iter_args(%scan3A_83 = %scan3A) -> (i32)  : i32 {
      %swap3A = arith.index_cast %scan3A_82 : i32 to index
      %swap3A_84 = arith.constant 0 : index
      %swap3A_85 = tpu.vector_load %arg9[%swap3A, %swap3A_84] {strides = array<i32>} : memref<80x128xf32, #tpu.memory_space<vmem>>, vector<16xf32>,
      tpu.vector_store %arg9[%swap3A, %swap3A_84], %broadcast_in_dim3A_3 {strides = array<i32>} : memref<80x128xf32, #tpu.memory_space<vmem>>, vector<16xf32>,
      %swap3A_86 = arith.index_cast %scan3A_82 : i32 to index
      %swap3A_87 = arith.constant 16 : index
      %swap3A_88 = tpu.vector_load %arg9[%swap3A_86, %swap3A_87] {strides = array<i32>} : memref<80x128xf32, #tpu.memory_space<vmem>>, vector<16xf32>,
      tpu.vector_store %arg9[%swap3A_86, %swap3A_87], %broadcast_in_dim3A_3 {strides = array<i32>} : memref<80x128xf32, #tpu.memory_space<vmem>>, vector<16xf32>,
      %swap3A_89 = arith.index_cast %scan3A_82 : i32 to index
      %swap3A_90 = arith.constant 32 : index
      %swap3A_91 = tpu.vector_load %arg9[%swap3A_89, %swap3A_90] {strides = array<i32>} : memref<80x128xf32, #tpu.memory_space<vmem>>, vector<16xf32>,
      tpu.vector_store %arg9[%swap3A_89, %swap3A_90], %broadcast_in_dim3A_3 {strides = array<i32>} : memref<80x128xf32, #tpu.memory_space<vmem>>, vector<16xf32>,
      %swap3A_92 = arith.index_cast %scan3A_82 : i32 to index
      %swap3A_93 = arith.constant 48 : index
      %swap3A_94 = tpu.vector_load %arg9[%swap3A_92, %swap3A_93] {strides = array<i32>} : memref<80x128xf32, #tpu.memory_space<vmem>>, vector<16xf32>,
      tpu.vector_store %arg9[%swap3A_92, %swap3A_93], %broadcast_in_dim3A_3 {strides = array<i32>} : memref<80x128xf32, #tpu.memory_space<vmem>>, vector<16xf32>,
      %swap3A_95 = arith.index_cast %scan3A_82 : i32 to index
      %swap3A_96 = arith.constant 64 : index
      %swap3A_97 = tpu.vector_load %arg9[%swap3A_95, %swap3A_96] {strides = array<i32>} : memref<80x128xf32, #tpu.memory_space<vmem>>, vector<16xf32>,
      tpu.vector_store %arg9[%swap3A_95, %swap3A_96], %broadcast_in_dim3A_3 {strides = array<i32>} : memref<80x128xf32, #tpu.memory_space<vmem>>, vector<16xf32>,
      %swap3A_98 = arith.index_cast %scan3A_82 : i32 to index
      %swap3A_99 = arith.constant 80 : index
      %swap3A_100 = tpu.vector_load %arg9[%swap3A_98, %swap3A_99] {strides = array<i32>} : memref<80x128xf32, #tpu.memory_space<vmem>>, vector<16xf32>,
      tpu.vector_store %arg9[%swap3A_98, %swap3A_99], %broadcast_in_dim3A_3 {strides = array<i32>} : memref<80x128xf32, #tpu.memory_space<vmem>>, vector<16xf32>,
      %swap3A_101 = arith.index_cast %scan3A_82 : i32 to index
      %swap3A_102 = arith.constant 96 : index
      %swap3A_103 = tpu.vector_load %arg9[%swap3A_101, %swap3A_102] {strides = array<i32>} : memref<80x128xf32, #tpu.memory_space<vmem>>, vector<16xf32>,
      tpu.vector_store %arg9[%swap3A_101, %swap3A_102], %broadcast_in_dim3A_3 {strides = array<i32>} : memref<80x128xf32, #tpu.memory_space<vmem>>, vector<16xf32>,
      %swap3A_104 = arith.index_cast %scan3A_82 : i32 to index
      %swap3A_105 = arith.constant 112 : index
      %swap3A_106 = tpu.vector_load %arg9[%swap3A_104, %swap3A_105] {strides = array<i32>} : memref<80x128xf32, #tpu.memory_space<vmem>>, vector<16xf32>,
      tpu.vector_store %arg9[%swap3A_104, %swap3A_105], %broadcast_in_dim3A_3 {strides = array<i32>} : memref<80x128xf32, #tpu.memory_space<vmem>>, vector<16xf32>,
      %scan3A_107 = arith.constant 0 : i32
      scf.yield %scan3A_107 : i32
    }
    %scan3A_9 = arith.constant 80 : i32
    %mul3A_10 = arith.constant 624 : i32
    %mul3A_11 = arith.muli %arg1, %mul3A_10 : i32
    %lt3A = arith.constant 15 : i32
    %lt3A_12 = arith.cmpi slt, %arg1, %lt3A : i32
    %convert_element_type3A = arith.extui %lt3A_12 : i1 to i32
    %cond3A = arith.constant 0 : i32
    %cond3A_13 = arith.cmpi ne, %convert_element_type3A, %cond3A : i32
    scf.if %cond3A_13 {
      %add3A_82 = arith.constant 0 : i32
      %add3A_83 = arith.addi %mul3A_11, %add3A_82 : i32
      "tpu.region"() ({
        %run_scoped3A = tpu.sem_alloc : memref<!tpu.dma_semaphore, #tpu.memory_space<semaphore_mem>>
        %dma_start3A_98 = arith.constant 0 : i32
        %dma_start3A_99 = tpu.memref_slice %arg14[%add3A_83, %dma_start3A_98] : memref<10000x128xf32, #tpu.memory_space<vmem_shared>> -> memref<80x128xf32, #tpu.memory_space<vmem_shared>>
        %dma_start3A_100 = arith.constant 0 : i32
        %dma_start3A_101 = tpu.memref_slice %arg14[%add3A_83, %dma_start3A_100] : memref<10000x128xf32, #tpu.memory_space<vmem_shared>> -> memref<80x128xf32, #tpu.memory_space<vmem_shared>>
        tpu.enqueue_dma source(%arg9 : memref<80x128xf32, #tpu.memory_space<vmem>>) target(%dma_start3A_101 : memref<80x128xf32, #tpu.memory_space<vmem_shared>>) target_semaphore(%run_scoped3A : memref<!tpu.dma_semaphore, #tpu.memory_space<semaphore_mem>>)
        %dma_wait3A_102 = arith.constant 0 : i32
        %dma_wait3A_103 = tpu.memref_slice %arg14[%add3A_83, %dma_wait3A_102] : memref<10000x128xf32, #tpu.memory_space<vmem_shared>> -> memref<80x128xf32, #tpu.memory_space<vmem_shared>>
        %dma_wait3A_104 = arith.constant 0 : i32
        %dma_wait3A_105 = tpu.memref_slice %arg14[%add3A_83, %dma_wait3A_104] : memref<10000x128xf32, #tpu.memory_space<vmem_shared>> -> memref<80x128xf32, #tpu.memory_space<vmem_shared>>
        tpu.wait_dma2 semaphore(%run_scoped3A : memref<!tpu.dma_semaphore, #tpu.memory_space<semaphore_mem>>) src(%arg9 : memref<80x128xf32, #tpu.memory_space<vmem>>) dst(%dma_wait3A_105 : memref<80x128xf32, #tpu.memory_space<vmem_shared>>)
        tpu.yield
      }) : () -> ()
      %add3A_84 = arith.constant 80 : i32
      %add3A_85 = arith.addi %mul3A_11, %add3A_84 : i32
      "tpu.region"() ({
        %run_scoped3A = tpu.sem_alloc : memref<!tpu.dma_semaphore, #tpu.memory_space<semaphore_mem>>
        %dma_start3A_98 = arith.constant 0 : i32
        %dma_start3A_99 = tpu.memref_slice %arg14[%add3A_85, %dma_start3A_98] : memref<10000x128xf32, #tpu.memory_space<vmem_shared>> -> memref<80x128xf32, #tpu.memory_space<vmem_shared>>
        %dma_start3A_100 = arith.constant 0 : i32
        %dma_start3A_101 = tpu.memref_slice %arg14[%add3A_85, %dma_start3A_100] : memref<10000x128xf32, #tpu.memory_space<vmem_shared>> -> memref<80x128xf32, #tpu.memory_space<vmem_shared>>
        tpu.enqueue_dma source(%arg9 : memref<80x128xf32, #tpu.memory_space<vmem>>) target(%dma_start3A_101 : memref<80x128xf32, #tpu.memory_space<vmem_shared>>) target_semaphore(%run_scoped3A : memref<!tpu.dma_semaphore, #tpu.memory_space<semaphore_mem>>)
        %dma_wait3A_102 = arith.constant 0 : i32
        %dma_wait3A_103 = tpu.memref_slice %arg14[%add3A_85, %dma_wait3A_102] : memref<10000x128xf32, #tpu.memory_space<vmem_shared>> -> memref<80x128xf32, #tpu.memory_space<vmem_shared>>
        %dma_wait3A_104 = arith.constant 0 : i32
        %dma_wait3A_105 = tpu.memref_slice %arg14[%add3A_85, %dma_wait3A_104] : memref<10000x128xf32, #tpu.memory_space<vmem_shared>> -> memref<80x128xf32, #tpu.memory_space<vmem_shared>>
        tpu.wait_dma2 semaphore(%run_scoped3A : memref<!tpu.dma_semaphore, #tpu.memory_space<semaphore_mem>>) src(%arg9 : memref<80x128xf32, #tpu.memory_space<vmem>>) dst(%dma_wait3A_105 : memref<80x128xf32, #tpu.memory_space<vmem_shared>>)
        tpu.yield
      }) : () -> ()
      %add3A_86 = arith.constant 160 : i32
      %add3A_87 = arith.addi %mul3A_11, %add3A_86 : i32
      "tpu.region"() ({
        %run_scoped3A = tpu.sem_alloc : memref<!tpu.dma_semaphore, #tpu.memory_space<semaphore_mem>>
        %dma_start3A_98 = arith.constant 0 : i32
        %dma_start3A_99 = tpu.memref_slice %arg14[%add3A_87, %dma_start3A_98] : memref<10000x128xf32, #tpu.memory_space<vmem_shared>> -> memref<80x128xf32, #tpu.memory_space<vmem_shared>>
        %dma_start3A_100 = arith.constant 0 : i32
        %dma_start3A_101 = tpu.memref_slice %arg14[%add3A_87, %dma_start3A_100] : memref<10000x128xf32, #tpu.memory_space<vmem_shared>> -> memref<80x128xf32, #tpu.memory_space<vmem_shared>>
        tpu.enqueue_dma source(%arg9 : memref<80x128xf32, #tpu.memory_space<vmem>>) target(%dma_start3A_101 : memref<80x128xf32, #tpu.memory_space<vmem_shared>>) target_semaphore(%run_scoped3A : memref<!tpu.dma_semaphore, #tpu.memory_space<semaphore_mem>>)
        %dma_wait3A_102 = arith.constant 0 : i32
        %dma_wait3A_103 = tpu.memref_slice %arg14[%add3A_87, %dma_wait3A_102] : memref<10000x128xf32, #tpu.memory_space<vmem_shared>> -> memref<80x128xf32, #tpu.memory_space<vmem_shared>>
        %dma_wait3A_104 = arith.constant 0 : i32
        %dma_wait3A_105 = tpu.memref_slice %arg14[%add3A_87, %dma_wait3A_104] : memref<10000x128xf32, #tpu.memory_space<vmem_shared>> -> memref<80x128xf32, #tpu.memory_space<vmem_shared>>
        tpu.wait_dma2 semaphore(%run_scoped3A : memref<!tpu.dma_semaphore, #tpu.memory_space<semaphore_mem>>) src(%arg9 : memref<80x128xf32, #tpu.memory_space<vmem>>) dst(%dma_wait3A_105 : memref<80x128xf32, #tpu.memory_space<vmem_shared>>)
        tpu.yield
      }) : () -> ()
      %add3A_88 = arith.constant 240 : i32
      %add3A_89 = arith.addi %mul3A_11, %add3A_88 : i32
      "tpu.region"() ({
        %run_scoped3A = tpu.sem_alloc : memref<!tpu.dma_semaphore, #tpu.memory_space<semaphore_mem>>
        %dma_start3A_98 = arith.constant 0 : i32
        %dma_start3A_99 = tpu.memref_slice %arg14[%add3A_89, %dma_start3A_98] : memref<10000x128xf32, #tpu.memory_space<vmem_shared>> -> memref<80x128xf32, #tpu.memory_space<vmem_shared>>
        %dma_start3A_100 = arith.constant 0 : i32
        %dma_start3A_101 = tpu.memref_slice %arg14[%add3A_89, %dma_start3A_100] : memref<10000x128xf32, #tpu.memory_space<vmem_shared>> -> memref<80x128xf32, #tpu.memory_space<vmem_shared>>
        tpu.enqueue_dma source(%arg9 : memref<80x128xf32, #tpu.memory_space<vmem>>) target(%dma_start3A_101 : memref<80x128xf32, #tpu.memory_space<vmem_shared>>) target_semaphore(%run_scoped3A : memref<!tpu.dma_semaphore, #tpu.memory_space<semaphore_mem>>)
        %dma_wait3A_102 = arith.constant 0 : i32
        %dma_wait3A_103 = tpu.memref_slice %arg14[%add3A_89, %dma_wait3A_102] : memref<10000x128xf32, #tpu.memory_space<vmem_shared>> -> memref<80x128xf32, #tpu.memory_space<vmem_shared>>
        %dma_wait3A_104 = arith.constant 0 : i32
        %dma_wait3A_105 = tpu.memref_slice %arg14[%add3A_89, %dma_wait3A_104] : memref<10000x128xf32, #tpu.memory_space<vmem_shared>> -> memref<80x128xf32, #tpu.memory_space<vmem_shared>>
        tpu.wait_dma2 semaphore(%run_scoped3A : memref<!tpu.dma_semaphore, #tpu.memory_space<semaphore_mem>>) src(%arg9 : memref<80x128xf32, #tpu.memory_space<vmem>>) dst(%dma_wait3A_105 : memref<80x128xf32, #tpu.memory_space<vmem_shared>>)
        tpu.yield
      }) : () -> ()
      %add3A_90 = arith.constant 320 : i32
      %add3A_91 = arith.addi %mul3A_11, %add3A_90 : i32
      "tpu.region"() ({
        %run_scoped3A = tpu.sem_alloc : memref<!tpu.dma_semaphore, #tpu.memory_space<semaphore_mem>>
        %dma_start3A_98 = arith.constant 0 : i32
        %dma_start3A_99 = tpu.memref_slice %arg14[%add3A_91, %dma_start3A_98] : memref<10000x128xf32, #tpu.memory_space<vmem_shared>> -> memref<80x128xf32, #tpu.memory_space<vmem_shared>>
        %dma_start3A_100 = arith.constant 0 : i32
        %dma_start3A_101 = tpu.memref_slice %arg14[%add3A_91, %dma_start3A_100] : memref<10000x128xf32, #tpu.memory_space<vmem_shared>> -> memref<80x128xf32, #tpu.memory_space<vmem_shared>>
        tpu.enqueue_dma source(%arg9 : memref<80x128xf32, #tpu.memory_space<vmem>>) target(%dma_start3A_101 : memref<80x128xf32, #tpu.memory_space<vmem_shared>>) target_semaphore(%run_scoped3A : memref<!tpu.dma_semaphore, #tpu.memory_space<semaphore_mem>>)
        %dma_wait3A_102 = arith.constant 0 : i32
        %dma_wait3A_103 = tpu.memref_slice %arg14[%add3A_91, %dma_wait3A_102] : memref<10000x128xf32, #tpu.memory_space<vmem_shared>> -> memref<80x128xf32, #tpu.memory_space<vmem_shared>>
        %dma_wait3A_104 = arith.constant 0 : i32
        %dma_wait3A_105 = tpu.memref_slice %arg14[%add3A_91, %dma_wait3A_104] : memref<10000x128xf32, #tpu.memory_space<vmem_shared>> -> memref<80x128xf32, #tpu.memory_space<vmem_shared>>
        tpu.wait_dma2 semaphore(%run_scoped3A : memref<!tpu.dma_semaphore, #tpu.memory_space<semaphore_mem>>) src(%arg9 : memref<80x128xf32, #tpu.memory_space<vmem>>) dst(%dma_wait3A_105 : memref<80x128xf32, #tpu.memory_space<vmem_shared>>)
        tpu.yield
      }) : () -> ()
      %add3A_92 = arith.constant 400 : i32
      %add3A_93 = arith.addi %mul3A_11, %add3A_92 : i32
      "tpu.region"() ({
        %run_scoped3A = tpu.sem_alloc : memref<!tpu.dma_semaphore, #tpu.memory_space<semaphore_mem>>
        %dma_start3A_98 = arith.constant 0 : i32
        %dma_start3A_99 = tpu.memref_slice %arg14[%add3A_93, %dma_start3A_98] : memref<10000x128xf32, #tpu.memory_space<vmem_shared>> -> memref<80x128xf32, #tpu.memory_space<vmem_shared>>
        %dma_start3A_100 = arith.constant 0 : i32
        %dma_start3A_101 = tpu.memref_slice %arg14[%add3A_93, %dma_start3A_100] : memref<10000x128xf32, #tpu.memory_space<vmem_shared>> -> memref<80x128xf32, #tpu.memory_space<vmem_shared>>
        tpu.enqueue_dma source(%arg9 : memref<80x128xf32, #tpu.memory_space<vmem>>) target(%dma_start3A_101 : memref<80x128xf32, #tpu.memory_space<vmem_shared>>) target_semaphore(%run_scoped3A : memref<!tpu.dma_semaphore, #tpu.memory_space<semaphore_mem>>)
        %dma_wait3A_102 = arith.constant 0 : i32
        %dma_wait3A_103 = tpu.memref_slice %arg14[%add3A_93, %dma_wait3A_102] : memref<10000x128xf32, #tpu.memory_space<vmem_shared>> -> memref<80x128xf32, #tpu.memory_space<vmem_shared>>
        %dma_wait3A_104 = arith.constant 0 : i32
        %dma_wait3A_105 = tpu.memref_slice %arg14[%add3A_93, %dma_wait3A_104] : memref<10000x128xf32, #tpu.memory_space<vmem_shared>> -> memref<80x128xf32, #tpu.memory_space<vmem_shared>>
        tpu.wait_dma2 semaphore(%run_scoped3A : memref<!tpu.dma_semaphore, #tpu.memory_space<semaphore_mem>>) src(%arg9 : memref<80x128xf32, #tpu.memory_space<vmem>>) dst(%dma_wait3A_105 : memref<80x128xf32, #tpu.memory_space<vmem_shared>>)
        tpu.yield
      }) : () -> ()
      %add3A_94 = arith.constant 480 : i32
      %add3A_95 = arith.addi %mul3A_11, %add3A_94 : i32
      "tpu.region"() ({
        %run_scoped3A = tpu.sem_alloc : memref<!tpu.dma_semaphore, #tpu.memory_space<semaphore_mem>>
        %dma_start3A_98 = arith.constant 0 : i32
        %dma_start3A_99 = tpu.memref_slice %arg14[%add3A_95, %dma_start3A_98] : memref<10000x128xf32, #tpu.memory_space<vmem_shared>> -> memref<80x128xf32, #tpu.memory_space<vmem_shared>>
        %dma_start3A_100 = arith.constant 0 : i32
        %dma_start3A_101 = tpu.memref_slice %arg14[%add3A_95, %dma_start3A_100] : memref<10000x128xf32, #tpu.memory_space<vmem_shared>> -> memref<80x128xf32, #tpu.memory_space<vmem_shared>>
        tpu.enqueue_dma source(%arg9 : memref<80x128xf32, #tpu.memory_space<vmem>>) target(%dma_start3A_101 : memref<80x128xf32, #tpu.memory_space<vmem_shared>>) target_semaphore(%run_scoped3A : memref<!tpu.dma_semaphore, #tpu.memory_space<semaphore_mem>>)
        %dma_wait3A_102 = arith.constant 0 : i32
        %dma_wait3A_103 = tpu.memref_slice %arg14[%add3A_95, %dma_wait3A_102] : memref<10000x128xf32, #tpu.memory_space<vmem_shared>> -> memref<80x128xf32, #tpu.memory_space<vmem_shared>>
        %dma_wait3A_104 = arith.constant 0 : i32
        %dma_wait3A_105 = tpu.memref_slice %arg14[%add3A_95, %dma_wait3A_104] : memref<10000x128xf32, #tpu.memory_space<vmem_shared>> -> memref<80x128xf32, #tpu.memory_space<vmem_shared>>
        tpu.wait_dma2 semaphore(%run_scoped3A : memref<!tpu.dma_semaphore, #tpu.memory_space<semaphore_mem>>) src(%arg9 : memref<80x128xf32, #tpu.memory_space<vmem>>) dst(%dma_wait3A_105 : memref<80x128xf32, #tpu.memory_space<vmem_shared>>)
        tpu.yield
      }) : () -> ()
      %add3A_96 = arith.constant 560 : i32
      %add3A_97 = arith.addi %mul3A_11, %add3A_96 : i32
      "tpu.region"() ({
        %run_scoped3A = tpu.sem_alloc : memref<!tpu.dma_semaphore, #tpu.memory_space<semaphore_mem>>
        %dma_start3A_98 = arith.constant 0 : i32
        %dma_start3A_99 = arith.constant 0 : i32
        %dma_start3A_100 = tpu.memref_slice %arg9[%dma_start3A_98, %dma_start3A_99] : memref<80x128xf32, #tpu.memory_space<vmem>> -> memref<64x128xf32, #tpu.memory_space<vmem>>
        %dma_start3A_101 = arith.constant 0 : i32
        %dma_start3A_102 = tpu.memref_slice %arg14[%add3A_97, %dma_start3A_101] : memref<10000x128xf32, #tpu.memory_space<vmem_shared>> -> memref<64x128xf32, #tpu.memory_space<vmem_shared>>
        %dma_start3A_103 = arith.constant 0 : i32
        %dma_start3A_104 = tpu.memref_slice %arg14[%add3A_97, %dma_start3A_103] : memref<10000x128xf32, #tpu.memory_space<vmem_shared>> -> memref<64x128xf32, #tpu.memory_space<vmem_shared>>
        %dma_start3A_105 = arith.constant 0 : i32
        %dma_start3A_106 = arith.constant 0 : i32
        %dma_start3A_107 = tpu.memref_slice %arg9[%dma_start3A_105, %dma_start3A_106] : memref<80x128xf32, #tpu.memory_space<vmem>> -> memref<64x128xf32, #tpu.memory_space<vmem>>
        tpu.enqueue_dma source(%dma_start3A_107 : memref<64x128xf32, #tpu.memory_space<vmem>>) target(%dma_start3A_104 : memref<64x128xf32, #tpu.memory_space<vmem_shared>>) target_semaphore(%run_scoped3A : memref<!tpu.dma_semaphore, #tpu.memory_space<semaphore_mem>>)
        %dma_wait3A_108 = arith.constant 0 : i32
        %dma_wait3A_109 = arith.constant 0 : i32
        %dma_wait3A_110 = tpu.memref_slice %arg9[%dma_wait3A_108, %dma_wait3A_109] : memref<80x128xf32, #tpu.memory_space<vmem>> -> memref<64x128xf32, #tpu.memory_space<vmem>>
        %dma_wait3A_111 = arith.constant 0 : i32
        %dma_wait3A_112 = tpu.memref_slice %arg14[%add3A_97, %dma_wait3A_111] : memref<10000x128xf32, #tpu.memory_space<vmem_shared>> -> memref<64x128xf32, #tpu.memory_space<vmem_shared>>
        %dma_wait3A_113 = arith.constant 0 : i32
        %dma_wait3A_114 = tpu.memref_slice %arg14[%add3A_97, %dma_wait3A_113] : memref<10000x128xf32, #tpu.memory_space<vmem_shared>> -> memref<64x128xf32, #tpu.memory_space<vmem_shared>>
        %dma_wait3A_115 = arith.constant 0 : i32
        %dma_wait3A_116 = arith.constant 0 : i32
        %dma_wait3A_117 = tpu.memref_slice %arg9[%dma_wait3A_115, %dma_wait3A_116] : memref<80x128xf32, #tpu.memory_space<vmem>> -> memref<64x128xf32, #tpu.memory_space<vmem>>
        tpu.wait_dma2 semaphore(%run_scoped3A : memref<!tpu.dma_semaphore, #tpu.memory_space<semaphore_mem>>) src(%dma_wait3A_117 : memref<64x128xf32, #tpu.memory_space<vmem>>) dst(%dma_wait3A_114 : memref<64x128xf32, #tpu.memory_space<vmem_shared>>)
        tpu.yield
      }) : () -> ()
    } else {
    }
    %eq3A = arith.constant 15 : i32
    %eq3A_14 = arith.cmpi eq, %arg1, %eq3A : i32
    %convert_element_type3A_15 = arith.extui %eq3A_14 : i1 to i32
    %cond3A_16 = arith.constant 0 : i32
    %cond3A_17 = arith.cmpi ne, %convert_element_type3A_15, %cond3A_16 : i32
    scf.if %cond3A_17 {
      "tpu.region"() ({
        %run_scoped3A = tpu.sem_alloc : memref<!tpu.dma_semaphore, #tpu.memory_space<semaphore_mem>>
        %dma_start3A_82 = arith.constant 9360 : i32
        %dma_start3A_83 = arith.constant 0 : i32
        %dma_start3A_84 = tpu.memref_slice %arg14[%dma_start3A_82, %dma_start3A_83] : memref<10000x128xf32, #tpu.memory_space<vmem_shared>> -> memref<80x128xf32, #tpu.memory_space<vmem_shared>>
        %dma_start3A_85 = arith.constant 9360 : i32
        %dma_start3A_86 = arith.constant 0 : i32
        %dma_start3A_87 = tpu.memref_slice %arg14[%dma_start3A_85, %dma_start3A_86] : memref<10000x128xf32, #tpu.memory_space<vmem_shared>> -> memref<80x128xf32, #tpu.memory_space<vmem_shared>>
        tpu.enqueue_dma source(%arg9 : memref<80x128xf32, #tpu.memory_space<vmem>>) target(%dma_start3A_87 : memref<80x128xf32, #tpu.memory_space<vmem_shared>>) target_semaphore(%run_scoped3A : memref<!tpu.dma_semaphore, #tpu.memory_space<semaphore_mem>>)
        %dma_wait3A_88 = arith.constant 9360 : i32
        %dma_wait3A_89 = arith.constant 0 : i32
        %dma_wait3A_90 = tpu.memref_slice %arg14[%dma_wait3A_88, %dma_wait3A_89] : memref<10000x128xf32, #tpu.memory_space<vmem_shared>> -> memref<80x128xf32, #tpu.memory_space<vmem_shared>>
        %dma_wait3A_91 = arith.constant 9360 : i32
        %dma_wait3A_92 = arith.constant 0 : i32
        %dma_wait3A_93 = tpu.memref_slice %arg14[%dma_wait3A_91, %dma_wait3A_92] : memref<10000x128xf32, #tpu.memory_space<vmem_shared>> -> memref<80x128xf32, #tpu.memory_space<vmem_shared>>
        tpu.wait_dma2 semaphore(%run_scoped3A : memref<!tpu.dma_semaphore, #tpu.memory_space<semaphore_mem>>) src(%arg9 : memref<80x128xf32, #tpu.memory_space<vmem>>) dst(%dma_wait3A_93 : memref<80x128xf32, #tpu.memory_space<vmem_shared>>)
        tpu.yield
      }) : () -> ()
      "tpu.region"() ({
        %run_scoped3A = tpu.sem_alloc : memref<!tpu.dma_semaphore, #tpu.memory_space<semaphore_mem>>
        %dma_start3A_82 = arith.constant 9440 : i32
        %dma_start3A_83 = arith.constant 0 : i32
        %dma_start3A_84 = tpu.memref_slice %arg14[%dma_start3A_82, %dma_start3A_83] : memref<10000x128xf32, #tpu.memory_space<vmem_shared>> -> memref<80x128xf32, #tpu.memory_space<vmem_shared>>
        %dma_start3A_85 = arith.constant 9440 : i32
        %dma_start3A_86 = arith.constant 0 : i32
        %dma_start3A_87 = tpu.memref_slice %arg14[%dma_start3A_85, %dma_start3A_86] : memref<10000x128xf32, #tpu.memory_space<vmem_shared>> -> memref<80x128xf32, #tpu.memory_space<vmem_shared>>
        tpu.enqueue_dma source(%arg9 : memref<80x128xf32, #tpu.memory_space<vmem>>) target(%dma_start3A_87 : memref<80x128xf32, #tpu.memory_space<vmem_shared>>) target_semaphore(%run_scoped3A : memref<!tpu.dma_semaphore, #tpu.memory_space<semaphore_mem>>)
        %dma_wait3A_88 = arith.constant 9440 : i32
        %dma_wait3A_89 = arith.constant 0 : i32
        %dma_wait3A_90 = tpu.memref_slice %arg14[%dma_wait3A_88, %dma_wait3A_89] : memref<10000x128xf32, #tpu.memory_space<vmem_shared>> -> memref<80x128xf32, #tpu.memory_space<vmem_shared>>
        %dma_wait3A_91 = arith.constant 9440 : i32
        %dma_wait3A_92 = arith.constant 0 : i32
        %dma_wait3A_93 = tpu.memref_slice %arg14[%dma_wait3A_91, %dma_wait3A_92] : memref<10000x128xf32, #tpu.memory_space<vmem_shared>> -> memref<80x128xf32, #tpu.memory_space<vmem_shared>>
        tpu.wait_dma2 semaphore(%run_scoped3A : memref<!tpu.dma_semaphore, #tpu.memory_space<semaphore_mem>>) src(%arg9 : memref<80x128xf32, #tpu.memory_space<vmem>>) dst(%dma_wait3A_93 : memref<80x128xf32, #tpu.memory_space<vmem_shared>>)
        tpu.yield
      }) : () -> ()
      "tpu.region"() ({
        %run_scoped3A = tpu.sem_alloc : memref<!tpu.dma_semaphore, #tpu.memory_space<semaphore_mem>>
        %dma_start3A_82 = arith.constant 9520 : i32
        %dma_start3A_83 = arith.constant 0 : i32
        %dma_start3A_84 = tpu.memref_slice %arg14[%dma_start3A_82, %dma_start3A_83] : memref<10000x128xf32, #tpu.memory_space<vmem_shared>> -> memref<80x128xf32, #tpu.memory_space<vmem_shared>>
        %dma_start3A_85 = arith.constant 9520 : i32
        %dma_start3A_86 = arith.constant 0 : i32
        %dma_start3A_87 = tpu.memref_slice %arg14[%dma_start3A_85, %dma_start3A_86] : memref<10000x128xf32, #tpu.memory_space<vmem_shared>> -> memref<80x128xf32, #tpu.memory_space<vmem_shared>>
        tpu.enqueue_dma source(%arg9 : memref<80x128xf32, #tpu.memory_space<vmem>>) target(%dma_start3A_87 : memref<80x128xf32, #tpu.memory_space<vmem_shared>>) target_semaphore(%run_scoped3A : memref<!tpu.dma_semaphore, #tpu.memory_space<semaphore_mem>>)
        %dma_wait3A_88 = arith.constant 9520 : i32
        %dma_wait3A_89 = arith.constant 0 : i32
        %dma_wait3A_90 = tpu.memref_slice %arg14[%dma_wait3A_88, %dma_wait3A_89] : memref<10000x128xf32, #tpu.memory_space<vmem_shared>> -> memref<80x128xf32, #tpu.memory_space<vmem_shared>>
        %dma_wait3A_91 = arith.constant 9520 : i32
        %dma_wait3A_92 = arith.constant 0 : i32
        %dma_wait3A_93 = tpu.memref_slice %arg14[%dma_wait3A_91, %dma_wait3A_92] : memref<10000x128xf32, #tpu.memory_space<vmem_shared>> -> memref<80x128xf32, #tpu.memory_space<vmem_shared>>
        tpu.wait_dma2 semaphore(%run_scoped3A : memref<!tpu.dma_semaphore, #tpu.memory_space<semaphore_mem>>) src(%arg9 : memref<80x128xf32, #tpu.memory_space<vmem>>) dst(%dma_wait3A_93 : memref<80x128xf32, #tpu.memory_space<vmem_shared>>)
        tpu.yield
      }) : () -> ()
      "tpu.region"() ({
        %run_scoped3A = tpu.sem_alloc : memref<!tpu.dma_semaphore, #tpu.memory_space<semaphore_mem>>
        %dma_start3A_82 = arith.constant 9600 : i32
        %dma_start3A_83 = arith.constant 0 : i32
        %dma_start3A_84 = tpu.memref_slice %arg14[%dma_start3A_82, %dma_start3A_83] : memref<10000x128xf32, #tpu.memory_space<vmem_shared>> -> memref<80x128xf32, #tpu.memory_space<vmem_shared>>
        %dma_start3A_85 = arith.constant 9600 : i32
        %dma_start3A_86 = arith.constant 0 : i32
        %dma_start3A_87 = tpu.memref_slice %arg14[%dma_start3A_85, %dma_start3A_86] : memref<10000x128xf32, #tpu.memory_space<vmem_shared>> -> memref<80x128xf32, #tpu.memory_space<vmem_shared>>
        tpu.enqueue_dma source(%arg9 : memref<80x128xf32, #tpu.memory_space<vmem>>) target(%dma_start3A_87 : memref<80x128xf32, #tpu.memory_space<vmem_shared>>) target_semaphore(%run_scoped3A : memref<!tpu.dma_semaphore, #tpu.memory_space<semaphore_mem>>)
        %dma_wait3A_88 = arith.constant 9600 : i32
        %dma_wait3A_89 = arith.constant 0 : i32
        %dma_wait3A_90 = tpu.memref_slice %arg14[%dma_wait3A_88, %dma_wait3A_89] : memref<10000x128xf32, #tpu.memory_space<vmem_shared>> -> memref<80x128xf32, #tpu.memory_space<vmem_shared>>
        %dma_wait3A_91 = arith.constant 9600 : i32
        %dma_wait3A_92 = arith.constant 0 : i32
        %dma_wait3A_93 = tpu.memref_slice %arg14[%dma_wait3A_91, %dma_wait3A_92] : memref<10000x128xf32, #tpu.memory_space<vmem_shared>> -> memref<80x128xf32, #tpu.memory_space<vmem_shared>>
        tpu.wait_dma2 semaphore(%run_scoped3A : memref<!tpu.dma_semaphore, #tpu.memory_space<semaphore_mem>>) src(%arg9 : memref<80x128xf32, #tpu.memory_space<vmem>>) dst(%dma_wait3A_93 : memref<80x128xf32, #tpu.memory_space<vmem_shared>>)
        tpu.yield
      }) : () -> ()
      "tpu.region"() ({
        %run_scoped3A = tpu.sem_alloc : memref<!tpu.dma_semaphore, #tpu.memory_space<semaphore_mem>>
        %dma_start3A_82 = arith.constant 9680 : i32
        %dma_start3A_83 = arith.constant 0 : i32
        %dma_start3A_84 = tpu.memref_slice %arg14[%dma_start3A_82, %dma_start3A_83] : memref<10000x128xf32, #tpu.memory_space<vmem_shared>> -> memref<80x128xf32, #tpu.memory_space<vmem_shared>>
        %dma_start3A_85 = arith.constant 9680 : i32
        %dma_start3A_86 = arith.constant 0 : i32
        %dma_start3A_87 = tpu.memref_slice %arg14[%dma_start3A_85, %dma_start3A_86] : memref<10000x128xf32, #tpu.memory_space<vmem_shared>> -> memref<80x128xf32, #tpu.memory_space<vmem_shared>>
        tpu.enqueue_dma source(%arg9 : memref<80x128xf32, #tpu.memory_space<vmem>>) target(%dma_start3A_87 : memref<80x128xf32, #tpu.memory_space<vmem_shared>>) target_semaphore(%run_scoped3A : memref<!tpu.dma_semaphore, #tpu.memory_space<semaphore_mem>>)
        %dma_wait3A_88 = arith.constant 9680 : i32
        %dma_wait3A_89 = arith.constant 0 : i32
        %dma_wait3A_90 = tpu.memref_slice %arg14[%dma_wait3A_88, %dma_wait3A_89] : memref<10000x128xf32, #tpu.memory_space<vmem_shared>> -> memref<80x128xf32, #tpu.memory_space<vmem_shared>>
        %dma_wait3A_91 = arith.constant 9680 : i32
        %dma_wait3A_92 = arith.constant 0 : i32
        %dma_wait3A_93 = tpu.memref_slice %arg14[%dma_wait3A_91, %dma_wait3A_92] : memref<10000x128xf32, #tpu.memory_space<vmem_shared>> -> memref<80x128xf32, #tpu.memory_space<vmem_shared>>
        tpu.wait_dma2 semaphore(%run_scoped3A : memref<!tpu.dma_semaphore, #tpu.memory_space<semaphore_mem>>) src(%arg9 : memref<80x128xf32, #tpu.memory_space<vmem>>) dst(%dma_wait3A_93 : memref<80x128xf32, #tpu.memory_space<vmem_shared>>)
        tpu.yield
      }) : () -> ()
      "tpu.region"() ({
        %run_scoped3A = tpu.sem_alloc : memref<!tpu.dma_semaphore, #tpu.memory_space<semaphore_mem>>
        %dma_start3A_82 = arith.constant 9760 : i32
        %dma_start3A_83 = arith.constant 0 : i32
        %dma_start3A_84 = tpu.memref_slice %arg14[%dma_start3A_82, %dma_start3A_83] : memref<10000x128xf32, #tpu.memory_space<vmem_shared>> -> memref<80x128xf32, #tpu.memory_space<vmem_shared>>
        %dma_start3A_85 = arith.constant 9760 : i32
        %dma_start3A_86 = arith.constant 0 : i32
        %dma_start3A_87 = tpu.memref_slice %arg14[%dma_start3A_85, %dma_start3A_86] : memref<10000x128xf32, #tpu.memory_space<vmem_shared>> -> memref<80x128xf32, #tpu.memory_space<vmem_shared>>
        tpu.enqueue_dma source(%arg9 : memref<80x128xf32, #tpu.memory_space<vmem>>) target(%dma_start3A_87 : memref<80x128xf32, #tpu.memory_space<vmem_shared>>) target_semaphore(%run_scoped3A : memref<!tpu.dma_semaphore, #tpu.memory_space<semaphore_mem>>)
        %dma_wait3A_88 = arith.constant 9760 : i32
        %dma_wait3A_89 = arith.constant 0 : i32
        %dma_wait3A_90 = tpu.memref_slice %arg14[%dma_wait3A_88, %dma_wait3A_89] : memref<10000x128xf32, #tpu.memory_space<vmem_shared>> -> memref<80x128xf32, #tpu.memory_space<vmem_shared>>
        %dma_wait3A_91 = arith.constant 9760 : i32
        %dma_wait3A_92 = arith.constant 0 : i32
        %dma_wait3A_93 = tpu.memref_slice %arg14[%dma_wait3A_91, %dma_wait3A_92] : memref<10000x128xf32, #tpu.memory_space<vmem_shared>> -> memref<80x128xf32, #tpu.memory_space<vmem_shared>>
        tpu.wait_dma2 semaphore(%run_scoped3A : memref<!tpu.dma_semaphore, #tpu.memory_space<semaphore_mem>>) src(%arg9 : memref<80x128xf32, #tpu.memory_space<vmem>>) dst(%dma_wait3A_93 : memref<80x128xf32, #tpu.memory_space<vmem_shared>>)
        tpu.yield
      }) : () -> ()
      "tpu.region"() ({
        %run_scoped3A = tpu.sem_alloc : memref<!tpu.dma_semaphore, #tpu.memory_space<semaphore_mem>>
        %dma_start3A_82 = arith.constant 9840 : i32
        %dma_start3A_83 = arith.constant 0 : i32
        %dma_start3A_84 = tpu.memref_slice %arg14[%dma_start3A_82, %dma_start3A_83] : memref<10000x128xf32, #tpu.memory_space<vmem_shared>> -> memref<80x128xf32, #tpu.memory_space<vmem_shared>>
        %dma_start3A_85 = arith.constant 9840 : i32
        %dma_start3A_86 = arith.constant 0 : i32
        %dma_start3A_87 = tpu.memref_slice %arg14[%dma_start3A_85, %dma_start3A_86] : memref<10000x128xf32, #tpu.memory_space<vmem_shared>> -> memref<80x128xf32, #tpu.memory_space<vmem_shared>>
        tpu.enqueue_dma source(%arg9 : memref<80x128xf32, #tpu.memory_space<vmem>>) target(%dma_start3A_87 : memref<80x128xf32, #tpu.memory_space<vmem_shared>>) target_semaphore(%run_scoped3A : memref<!tpu.dma_semaphore, #tpu.memory_space<semaphore_mem>>)
        %dma_wait3A_88 = arith.constant 9840 : i32
        %dma_wait3A_89 = arith.constant 0 : i32
        %dma_wait3A_90 = tpu.memref_slice %arg14[%dma_wait3A_88, %dma_wait3A_89] : memref<10000x128xf32, #tpu.memory_space<vmem_shared>> -> memref<80x128xf32, #tpu.memory_space<vmem_shared>>
        %dma_wait3A_91 = arith.constant 9840 : i32
        %dma_wait3A_92 = arith.constant 0 : i32
        %dma_wait3A_93 = tpu.memref_slice %arg14[%dma_wait3A_91, %dma_wait3A_92] : memref<10000x128xf32, #tpu.memory_space<vmem_shared>> -> memref<80x128xf32, #tpu.memory_space<vmem_shared>>
        tpu.wait_dma2 semaphore(%run_scoped3A : memref<!tpu.dma_semaphore, #tpu.memory_space<semaphore_mem>>) src(%arg9 : memref<80x128xf32, #tpu.memory_space<vmem>>) dst(%dma_wait3A_93 : memref<80x128xf32, #tpu.memory_space<vmem_shared>>)
        tpu.yield
      }) : () -> ()
      "tpu.region"() ({
        %run_scoped3A = tpu.sem_alloc : memref<!tpu.dma_semaphore, #tpu.memory_space<semaphore_mem>>
        %dma_start3A_82 = arith.constant 9920 : i32
        %dma_start3A_83 = arith.constant 0 : i32
        %dma_start3A_84 = tpu.memref_slice %arg14[%dma_start3A_82, %dma_start3A_83] : memref<10000x128xf32, #tpu.memory_space<vmem_shared>> -> memref<80x128xf32, #tpu.memory_space<vmem_shared>>
        %dma_start3A_85 = arith.constant 9920 : i32
        %dma_start3A_86 = arith.constant 0 : i32
        %dma_start3A_87 = tpu.memref_slice %arg14[%dma_start3A_85, %dma_start3A_86] : memref<10000x128xf32, #tpu.memory_space<vmem_shared>> -> memref<80x128xf32, #tpu.memory_space<vmem_shared>>
        tpu.enqueue_dma source(%arg9 : memref<80x128xf32, #tpu.memory_space<vmem>>) target(%dma_start3A_87 : memref<80x128xf32, #tpu.memory_space<vmem_shared>>) target_semaphore(%run_scoped3A : memref<!tpu.dma_semaphore, #tpu.memory_space<semaphore_mem>>)
        %dma_wait3A_88 = arith.constant 9920 : i32
        %dma_wait3A_89 = arith.constant 0 : i32
        %dma_wait3A_90 = tpu.memref_slice %arg14[%dma_wait3A_88, %dma_wait3A_89] : memref<10000x128xf32, #tpu.memory_space<vmem_shared>> -> memref<80x128xf32, #tpu.memory_space<vmem_shared>>
        %dma_wait3A_91 = arith.constant 9920 : i32
        %dma_wait3A_92 = arith.constant 0 : i32
        %dma_wait3A_93 = tpu.memref_slice %arg14[%dma_wait3A_91, %dma_wait3A_92] : memref<10000x128xf32, #tpu.memory_space<vmem_shared>> -> memref<80x128xf32, #tpu.memory_space<vmem_shared>>
        tpu.wait_dma2 semaphore(%run_scoped3A : memref<!tpu.dma_semaphore, #tpu.memory_space<semaphore_mem>>) src(%arg9 : memref<80x128xf32, #tpu.memory_space<vmem>>) dst(%dma_wait3A_93 : memref<80x128xf32, #tpu.memory_space<vmem_shared>>)
        tpu.yield
      }) : () -> ()
    } else {
    }
    %barrier3A = arith.constant 0 : index
    tpu.barrier barrier_id(%barrier3A)
    %dma_start3A = arith.constant 0 : i32
    %dma_start3A_18 = tpu.memref_slice %arg7[%dma_start3A] : memref<10000xi32, #tpu.memory_space<vmem>> -> memref<80xi32, #tpu.memory_space<vmem>>
    %dma_start3A_19 = arith.constant 0 : i32
    %dma_start3A_20 = arith.constant 0 : i32
    %dma_start3A_21 = tpu.memref_slice %arg2[%dma_start3A_19, %dma_start3A_20] : memref<10000x128xf32, #tpu.memory_space<hbm>> -> memref<10000x128xf32, #tpu.memory_space<hbm>>
    tpu.enqueue_indirect_dma source(%dma_start3A_21 : memref<10000x128xf32, #tpu.memory_space<hbm>>) target(%arg9 : memref<80x128xf32, #tpu.memory_space<vmem>>) offsets(%dma_start3A_18 : memref<80xi32, #tpu.memory_space<vmem>>) semaphore(%arg15 : memref<!tpu.dma_semaphore, #tpu.memory_space<semaphore_mem>>)
    %mul3A_22 = arith.constant 10000 : i32
    %mul3A_23 = arith.muli %add3A, %mul3A_22 : i32
    %add3A_24 = arith.constant 0 : i32
    %add3A_25 = arith.addi %mul3A_23, %add3A_24 : i32
    %mul3A_26 = arith.constant 4 : i32
    %mul3A_27 = arith.muli %add3A_25, %mul3A_26 : i32
    %dma_start3A_28 = arith.constant 0 : i32
    %dma_start3A_29 = tpu.memref_slice %arg11[%dma_start3A_28] : memref<336xf32, #tpu.memory_space<vmem>> -> memref<320xf32, #tpu.memory_space<vmem>>
    %dma_start3A_30 = tpu.memref_slice %arg5[%mul3A_27] : memref<1280000xf32, #tpu.memory_space<hbm>> -> memref<320xf32, #tpu.memory_space<hbm>>
    %dma_start3A_31 = arith.constant 0 : i32
    %dma_start3A_32 = tpu.memref_slice %arg11[%dma_start3A_31] : memref<336xf32, #tpu.memory_space<vmem>> -> memref<320xf32, #tpu.memory_space<vmem>>
    %dma_start3A_33 = tpu.memref_slice %arg5[%mul3A_27] : memref<1280000xf32, #tpu.memory_space<hbm>> -> memref<320xf32, #tpu.memory_space<hbm>>
    tpu.enqueue_dma source(%dma_start3A_33 : memref<320xf32, #tpu.memory_space<hbm>>) target(%dma_start3A_32 : memref<320xf32, #tpu.memory_space<vmem>>) target_semaphore(%arg15 : memref<!tpu.dma_semaphore, #tpu.memory_space<semaphore_mem>>)
    %scan3A_34 = arith.constant 0 : i32
    %scan3A_35 = arith.constant 0 : i32
    %scan3A_36 = arith.constant 62 : i32
    %scan3A_37 = arith.addi %scan3A_35, %scan3A_36 : i32
    %scan3A_38 = arith.constant 1 : i32
    %scan3A_39 = scf.for %scan3A_82 = %scan3A_35 to %scan3A_37 step %scan3A_38 iter_args(%scan3A_83 = %scan3A_34) -> (i32)  : i32 {
      %mul3A_84 = arith.constant 2 : i32
      %mul3A_85 = arith.muli %scan3A_82, %mul3A_84 : i32
      %add3A_86 = arith.constant 1 : i32
      %add3A_87 = arith.addi %mul3A_85, %add3A_86 : i32
      %mul3A_88 = arith.constant 80 : i32
      %mul3A_89 = arith.muli %add3A_87, %mul3A_88 : i32
      %dma_start3A_90 = tpu.memref_slice %arg7[%mul3A_89] : memref<10000xi32, #tpu.memory_space<vmem>> -> memref<80xi32, #tpu.memory_space<vmem>>
      %dma_start3A_91 = arith.constant 0 : i32
      %dma_start3A_92 = arith.constant 0 : i32
      %dma_start3A_93 = tpu.memref_slice %arg2[%dma_start3A_91, %dma_start3A_92] : memref<10000x128xf32, #tpu.memory_space<hbm>> -> memref<10000x128xf32, #tpu.memory_space<hbm>>
      tpu.enqueue_indirect_dma source(%dma_start3A_93 : memref<10000x128xf32, #tpu.memory_space<hbm>>) target(%arg10 : memref<80x128xf32, #tpu.memory_space<vmem>>) offsets(%dma_start3A_90 : memref<80xi32, #tpu.memory_space<vmem>>) semaphore(%arg16 : memref<!tpu.dma_semaphore, #tpu.memory_space<semaphore_mem>>)
      %mul3A_94 = arith.constant 10000 : i32
      %mul3A_95 = arith.muli %add3A, %mul3A_94 : i32
      %add3A_96 = arith.addi %mul3A_95, %mul3A_89 : i32
      %mul3A_97 = arith.constant 4 : i32
      %mul3A_98 = arith.muli %add3A_96, %mul3A_97 : i32
      %dma_start3A_99 = arith.constant 0 : i32
      %dma_start3A_100 = tpu.memref_slice %arg12[%dma_start3A_99] : memref<336xf32, #tpu.memory_space<vmem>> -> memref<320xf32, #tpu.memory_space<vmem>>
      %dma_start3A_101 = tpu.memref_slice %arg5[%mul3A_98] : memref<1280000xf32, #tpu.memory_space<hbm>> -> memref<320xf32, #tpu.memory_space<hbm>>
      %dma_start3A_102 = arith.constant 0 : i32
      %dma_start3A_103 = tpu.memref_slice %arg12[%dma_start3A_102] : memref<336xf32, #tpu.memory_space<vmem>> -> memref<320xf32, #tpu.memory_space<vmem>>
      %dma_start3A_104 = tpu.memref_slice %arg5[%mul3A_98] : memref<1280000xf32, #tpu.memory_space<hbm>> -> memref<320xf32, #tpu.memory_space<hbm>>
      tpu.enqueue_dma source(%dma_start3A_104 : memref<320xf32, #tpu.memory_space<hbm>>) target(%dma_start3A_103 : memref<320xf32, #tpu.memory_space<vmem>>) target_semaphore(%arg16 : memref<!tpu.dma_semaphore, #tpu.memory_space<semaphore_mem>>)
      %mul3A_105 = arith.constant 80 : i32
      %mul3A_106 = arith.muli %mul3A_85, %mul3A_105 : i32
      %dma_wait3A_107 = tpu.memref_slice %arg7[%mul3A_106] : memref<10000xi32, #tpu.memory_space<vmem>> -> memref<80xi32, #tpu.memory_space<vmem>>
      %dma_wait3A_108 = arith.constant 0 : i32
      %dma_wait3A_109 = arith.constant 0 : i32
      %dma_wait3A_110 = tpu.memref_slice %arg2[%dma_wait3A_108, %dma_wait3A_109] : memref<10000x128xf32, #tpu.memory_space<hbm>> -> memref<10000x128xf32, #tpu.memory_space<hbm>>
      tpu.wait_indirect_dma semaphore(%arg15 : memref<!tpu.dma_semaphore, #tpu.memory_space<semaphore_mem>>) src(%dma_wait3A_110 : memref<10000x128xf32, #tpu.memory_space<hbm>>) dst(%arg9 : memref<80x128xf32, #tpu.memory_space<vmem>>)
      %mul3A_111 = arith.constant 10000 : i32
      %mul3A_112 = arith.muli %add3A, %mul3A_111 : i32
      %add3A_113 = arith.addi %mul3A_112, %mul3A_106 : i32
      %mul3A_114 = arith.constant 4 : i32
      %mul3A_115 = arith.muli %add3A_113, %mul3A_114 : i32
      %dma_wait3A_116 = arith.constant 0 : i32
      %dma_wait3A_117 = tpu.memref_slice %arg11[%dma_wait3A_116] : memref<336xf32, #tpu.memory_space<vmem>> -> memref<320xf32, #tpu.memory_space<vmem>>
      %dma_wait3A_118 = tpu.memref_slice %arg5[%mul3A_115] : memref<1280000xf32, #tpu.memory_space<hbm>> -> memref<320xf32, #tpu.memory_space<hbm>>
      %dma_wait3A_119 = arith.constant 0 : i32
      %dma_wait3A_120 = tpu.memref_slice %arg11[%dma_wait3A_119] : memref<336xf32, #tpu.memory_space<vmem>> -> memref<320xf32, #tpu.memory_space<vmem>>
      %dma_wait3A_121 = tpu.memref_slice %arg5[%mul3A_115] : memref<1280000xf32, #tpu.memory_space<hbm>> -> memref<320xf32, #tpu.memory_space<hbm>>
      tpu.wait_dma2 semaphore(%arg15 : memref<!tpu.dma_semaphore, #tpu.memory_space<semaphore_mem>>) src(%dma_wait3A_121 : memref<320xf32, #tpu.memory_space<hbm>>) dst(%dma_wait3A_120 : memref<320xf32, #tpu.memory_space<vmem>>)
      %mul3A_122 = arith.constant 80 : i32
      %mul3A_123 = arith.muli %mul3A_85, %mul3A_122 : i32
      %scan3A_124 = arith.constant 0 : i32
      %scan3A_125 = arith.constant 0 : i32
      %scan3A_126 = arith.constant 5 : i32
      %scan3A_127 = arith.addi %scan3A_125, %scan3A_126 : i32
      %scan3A_128 = arith.constant 1 : i32
      %scan3A_129 = scf.for %scan3A_195 = %scan3A_125 to %scan3A_127 step %scan3A_128 iter_args(%scan3A_196 = %scan3A_124) -> (i32)  : i32 {
        %mul3A_197 = arith.constant 16 : i32
        %mul3A_198 = arith.muli %scan3A_195, %mul3A_197 : i32
        %add3A_199 = arith.addi %mul3A_123, %mul3A_198 : i32
        %get3A = arith.index_cast %add3A_199 : i32 to index
        %get3A_200 = tpu.vector_load %arg8[%get3A] {strides = array<i32>} : memref<10000xi32, #tpu.memory_space<vmem>>, vector<16xi32>,
        %mul3A_201 = arith.constant 16 : i32
        %mul3A_202 = arith.muli %scan3A_195, %mul3A_201 : i32
        %swap3A = arith.index_cast %mul3A_202 : i32 to index
        %swap3A_203 = tpu.vector_load %arg13[%swap3A] {strides = array<i32>} : memref<80xi32, #tpu.memory_space<vmem>>, vector<16xi32>,
        tpu.vector_store %arg13[%swap3A], %get3A_200 {strides = array<i32>} : memref<80xi32, #tpu.memory_space<vmem>>, vector<16xi32>,
        %scan3A_204 = arith.constant 0 : i32
        scf.yield %scan3A_204 : i32
      }
      %scan3A_130 = arith.constant 5 : i32
      %scan3A_131 = arith.constant 0 : i32
      %scan3A_132 = arith.constant 0 : i32
      %scan3A_133 = arith.constant 80 : i32
      %scan3A_134 = arith.addi %scan3A_132, %scan3A_133 : i32
      %scan3A_135 = arith.constant 1 : i32
      %scan3A_136 = scf.for %scan3A_195 = %scan3A_132 to %scan3A_134 step %scan3A_135 iter_args(%scan3A_196 = %scan3A_131) -> (i32)  : i32 {
        %add3A_197 = arith.constant 0 : i32
        %add3A_198 = arith.addi %add3A_197, %scan3A_195 : i32
        %get3A = arith.index_cast %add3A_198 : i32 to index
        %get3A_199 = tpu.vector_load %arg11[%get3A] {strides = array<i32>} : memref<336xf32, #tpu.memory_space<vmem>>, vector<16xf32>,
        %slice3A = vector.extract_strided_slice %get3A_199 {offsets = [0], sizes = [1], strides = [1]} : vector<16xf32> to vector<1xf32>
        %squeeze3A = vector.extract %slice3A[0] : f32 from vector<1xf32>
        %broadcast_in_dim3A_200 = vector.broadcast %squeeze3A : f32 to vector<16xf32>
        %get3A_201 = arith.index_cast %scan3A_195 : i32 to index
        %get3A_202 = arith.constant 0 : index
        %get3A_203 = tpu.vector_load %arg9[%get3A_201, %get3A_202] {strides = array<i32>} : memref<80x128xf32, #tpu.memory_space<vmem>>, vector<16xf32>,
        %mul3A_204 = arith.mulf %get3A_203, %broadcast_in_dim3A_200 : vector<16xf32>
        %swap3A = arith.index_cast %scan3A_195 : i32 to index
        %swap3A_205 = arith.constant 0 : index
        %swap3A_206 = tpu.vector_load %arg9[%swap3A, %swap3A_205] {strides = array<i32>} : memref<80x128xf32, #tpu.memory_space<vmem>>, vector<16xf32>,
        tpu.vector_store %arg9[%swap3A, %swap3A_205], %mul3A_204 {strides = array<i32>} : memref<80x128xf32, #tpu.memory_space<vmem>>, vector<16xf32>,
        %get3A_207 = arith.index_cast %scan3A_195 : i32 to index
        %get3A_208 = arith.constant 16 : index
        %get3A_209 = tpu.vector_load %arg9[%get3A_207, %get3A_208] {strides = array<i32>} : memref<80x128xf32, #tpu.memory_space<vmem>>, vector<16xf32>,
        %mul3A_210 = arith.mulf %get3A_209, %broadcast_in_dim3A_200 : vector<16xf32>
        %swap3A_211 = arith.index_cast %scan3A_195 : i32 to index
        %swap3A_212 = arith.constant 16 : index
        %swap3A_213 = tpu.vector_load %arg9[%swap3A_211, %swap3A_212] {strides = array<i32>} : memref<80x128xf32, #tpu.memory_space<vmem>>, vector<16xf32>,
        tpu.vector_store %arg9[%swap3A_211, %swap3A_212], %mul3A_210 {strides = array<i32>} : memref<80x128xf32, #tpu.memory_space<vmem>>, vector<16xf32>,
        %add3A_214 = arith.constant 80 : i32
        %add3A_215 = arith.addi %add3A_214, %scan3A_195 : i32
        %get3A_216 = arith.index_cast %add3A_215 : i32 to index
        %get3A_217 = tpu.vector_load %arg11[%get3A_216] {strides = array<i32>} : memref<336xf32, #tpu.memory_space<vmem>>, vector<16xf32>,
        %slice3A_218 = vector.extract_strided_slice %get3A_217 {offsets = [0], sizes = [1], strides = [1]} : vector<16xf32> to vector<1xf32>
        %squeeze3A_219 = vector.extract %slice3A_218[0] : f32 from vector<1xf32>
        %broadcast_in_dim3A_220 = vector.broadcast %squeeze3A_219 : f32 to vector<16xf32>
        %get3A_221 = arith.index_cast %scan3A_195 : i32 to index
        %get3A_222 = arith.constant 32 : index
        %get3A_223 = tpu.vector_load %arg9[%get3A_221, %get3A_222] {strides = array<i32>} : memref<80x128xf32, #tpu.memory_space<vmem>>, vector<16xf32>,
        %mul3A_224 = arith.mulf %get3A_223, %broadcast_in_dim3A_220 : vector<16xf32>
        %swap3A_225 = arith.index_cast %scan3A_195 : i32 to index
        %swap3A_226 = arith.constant 32 : index
        %swap3A_227 = tpu.vector_load %arg9[%swap3A_225, %swap3A_226] {strides = array<i32>} : memref<80x128xf32, #tpu.memory_space<vmem>>, vector<16xf32>,
        tpu.vector_store %arg9[%swap3A_225, %swap3A_226], %mul3A_224 {strides = array<i32>} : memref<80x128xf32, #tpu.memory_space<vmem>>, vector<16xf32>,
        %get3A_228 = arith.index_cast %scan3A_195 : i32 to index
        %get3A_229 = arith.constant 48 : index
        %get3A_230 = tpu.vector_load %arg9[%get3A_228, %get3A_229] {strides = array<i32>} : memref<80x128xf32, #tpu.memory_space<vmem>>, vector<16xf32>,
        %mul3A_231 = arith.mulf %get3A_230, %broadcast_in_dim3A_220 : vector<16xf32>
        %swap3A_232 = arith.index_cast %scan3A_195 : i32 to index
        %swap3A_233 = arith.constant 48 : index
        %swap3A_234 = tpu.vector_load %arg9[%swap3A_232, %swap3A_233] {strides = array<i32>} : memref<80x128xf32, #tpu.memory_space<vmem>>, vector<16xf32>,
        tpu.vector_store %arg9[%swap3A_232, %swap3A_233], %mul3A_231 {strides = array<i32>} : memref<80x128xf32, #tpu.memory_space<vmem>>, vector<16xf32>,
        %add3A_235 = arith.constant 160 : i32
        %add3A_236 = arith.addi %add3A_235, %scan3A_195 : i32
        %get3A_237 = arith.index_cast %add3A_236 : i32 to index
        %get3A_238 = tpu.vector_load %arg11[%get3A_237] {strides = array<i32>} : memref<336xf32, #tpu.memory_space<vmem>>, vector<16xf32>,
        %slice3A_239 = vector.extract_strided_slice %get3A_238 {offsets = [0], sizes = [1], strides = [1]} : vector<16xf32> to vector<1xf32>
        %squeeze3A_240 = vector.extract %slice3A_239[0] : f32 from vector<1xf32>
        %broadcast_in_dim3A_241 = vector.broadcast %squeeze3A_240 : f32 to vector<16xf32>
        %get3A_242 = arith.index_cast %scan3A_195 : i32 to index
        %get3A_243 = arith.constant 64 : index
        %get3A_244 = tpu.vector_load %arg9[%get3A_242, %get3A_243] {strides = array<i32>} : memref<80x128xf32, #tpu.memory_space<vmem>>, vector<16xf32>,
        %mul3A_245 = arith.mulf %get3A_244, %broadcast_in_dim3A_241 : vector<16xf32>
        %swap3A_246 = arith.index_cast %scan3A_195 : i32 to index
        %swap3A_247 = arith.constant 64 : index
        %swap3A_248 = tpu.vector_load %arg9[%swap3A_246, %swap3A_247] {strides = array<i32>} : memref<80x128xf32, #tpu.memory_space<vmem>>, vector<16xf32>,
        tpu.vector_store %arg9[%swap3A_246, %swap3A_247], %mul3A_245 {strides = array<i32>} : memref<80x128xf32, #tpu.memory_space<vmem>>, vector<16xf32>,
        %get3A_249 = arith.index_cast %scan3A_195 : i32 to index
        %get3A_250 = arith.constant 80 : index
        %get3A_251 = tpu.vector_load %arg9[%get3A_249, %get3A_250] {strides = array<i32>} : memref<80x128xf32, #tpu.memory_space<vmem>>, vector<16xf32>,
        %mul3A_252 = arith.mulf %get3A_251, %broadcast_in_dim3A_241 : vector<16xf32>
        %swap3A_253 = arith.index_cast %scan3A_195 : i32 to index
        %swap3A_254 = arith.constant 80 : index
        %swap3A_255 = tpu.vector_load %arg9[%swap3A_253, %swap3A_254] {strides = array<i32>} : memref<80x128xf32, #tpu.memory_space<vmem>>, vector<16xf32>,
        tpu.vector_store %arg9[%swap3A_253, %swap3A_254], %mul3A_252 {strides = array<i32>} : memref<80x128xf32, #tpu.memory_space<vmem>>, vector<16xf32>,
        %add3A_256 = arith.constant 240 : i32
        %add3A_257 = arith.addi %add3A_256, %scan3A_195 : i32
        %get3A_258 = arith.index_cast %add3A_257 : i32 to index
        %get3A_259 = tpu.vector_load %arg11[%get3A_258] {strides = array<i32>} : memref<336xf32, #tpu.memory_space<vmem>>, vector<16xf32>,
        %slice3A_260 = vector.extract_strided_slice %get3A_259 {offsets = [0], sizes = [1], strides = [1]} : vector<16xf32> to vector<1xf32>
        %squeeze3A_261 = vector.extract %slice3A_260[0] : f32 from vector<1xf32>
        %broadcast_in_dim3A_262 = vector.broadcast %squeeze3A_261 : f32 to vector<16xf32>
        %get3A_263 = arith.index_cast %scan3A_195 : i32 to index
        %get3A_264 = arith.constant 96 : index
        %get3A_265 = tpu.vector_load %arg9[%get3A_263, %get3A_264] {strides = array<i32>} : memref<80x128xf32, #tpu.memory_space<vmem>>, vector<16xf32>,
        %mul3A_266 = arith.mulf %get3A_265, %broadcast_in_dim3A_262 : vector<16xf32>
        %swap3A_267 = arith.index_cast %scan3A_195 : i32 to index
        %swap3A_268 = arith.constant 96 : index
        %swap3A_269 = tpu.vector_load %arg9[%swap3A_267, %swap3A_268] {strides = array<i32>} : memref<80x128xf32, #tpu.memory_space<vmem>>, vector<16xf32>,
        tpu.vector_store %arg9[%swap3A_267, %swap3A_268], %mul3A_266 {strides = array<i32>} : memref<80x128xf32, #tpu.memory_space<vmem>>, vector<16xf32>,
        %get3A_270 = arith.index_cast %scan3A_195 : i32 to index
        %get3A_271 = arith.constant 112 : index
        %get3A_272 = tpu.vector_load %arg9[%get3A_270, %get3A_271] {strides = array<i32>} : memref<80x128xf32, #tpu.memory_space<vmem>>, vector<16xf32>,
        %mul3A_273 = arith.mulf %get3A_272, %broadcast_in_dim3A_262 : vector<16xf32>
        %swap3A_274 = arith.index_cast %scan3A_195 : i32 to index
        %swap3A_275 = arith.constant 112 : index
        %swap3A_276 = tpu.vector_load %arg9[%swap3A_274, %swap3A_275] {strides = array<i32>} : memref<80x128xf32, #tpu.memory_space<vmem>>, vector<16xf32>,
        tpu.vector_store %arg9[%swap3A_274, %swap3A_275], %mul3A_273 {strides = array<i32>} : memref<80x128xf32, #tpu.memory_space<vmem>>, vector<16xf32>,
        %scan3A_277 = arith.constant 0 : i32
        scf.yield %scan3A_277 : i32
      }
      %scan3A_137 = arith.constant 80 : i32
      "tpu.region"() ({
        %run_scoped3A = tpu.sem_alloc : memref<!tpu.dma_semaphore, #tpu.memory_space<semaphore_mem>>
        %dma_start3A_195 = arith.constant 0 : i32
        %dma_start3A_196 = arith.constant 0 : i32
        %dma_start3A_197 = tpu.memref_slice %arg14[%dma_start3A_195, %dma_start3A_196] : memref<10000x128xf32, #tpu.memory_space<vmem_shared>> -> memref<10000x128xf32, #tpu.memory_space<vmem_shared>>
        tpu.enqueue_indirect_dma source(%arg9 : memref<80x128xf32, #tpu.memory_space<vmem>>) target(%dma_start3A_197 : memref<10000x128xf32, #tpu.memory_space<vmem_shared>>) offsets(%arg13 : memref<80xi32, #tpu.memory_space<vmem>>) semaphore(%run_scoped3A : memref<!tpu.dma_semaphore, #tpu.memory_space<semaphore_mem>>) {add = true}
        %dma_wait3A_198 = arith.constant 0 : i32
        %dma_wait3A_199 = arith.constant 0 : i32
        %dma_wait3A_200 = tpu.memref_slice %arg14[%dma_wait3A_198, %dma_wait3A_199] : memref<10000x128xf32, #tpu.memory_space<vmem_shared>> -> memref<10000x128xf32, #tpu.memory_space<vmem_shared>>
        tpu.wait_indirect_dma semaphore(%run_scoped3A : memref<!tpu.dma_semaphore, #tpu.memory_space<semaphore_mem>>) src(%arg9 : memref<80x128xf32, #tpu.memory_space<vmem>>) dst(%dma_wait3A_200 : memref<10000x128xf32, #tpu.memory_space<vmem_shared>>)
        tpu.yield
      }) : () -> ()
      %add3A_138 = arith.constant 2 : i32
      %add3A_139 = arith.addi %mul3A_85, %add3A_138 : i32
      %mul3A_140 = arith.constant 80 : i32
      %mul3A_141 = arith.muli %add3A_139, %mul3A_140 : i32
      %dma_start3A_142 = tpu.memref_slice %arg7[%mul3A_141] : memref<10000xi32, #tpu.memory_space<vmem>> -> memref<80xi32, #tpu.memory_space<vmem>>
      %dma_start3A_143 = arith.constant 0 : i32
      %dma_start3A_144 = arith.constant 0 : i32
      %dma_start3A_145 = tpu.memref_slice %arg2[%dma_start3A_143, %dma_start3A_144] : memref<10000x128xf32, #tpu.memory_space<hbm>> -> memref<10000x128xf32, #tpu.memory_space<hbm>>
      tpu.enqueue_indirect_dma source(%dma_start3A_145 : memref<10000x128xf32, #tpu.memory_space<hbm>>) target(%arg9 : memref<80x128xf32, #tpu.memory_space<vmem>>) offsets(%dma_start3A_142 : memref<80xi32, #tpu.memory_space<vmem>>) semaphore(%arg15 : memref<!tpu.dma_semaphore, #tpu.memory_space<semaphore_mem>>)
      %mul3A_146 = arith.constant 10000 : i32
      %mul3A_147 = arith.muli %add3A, %mul3A_146 : i32
      %add3A_148 = arith.addi %mul3A_147, %mul3A_141 : i32
      %mul3A_149 = arith.constant 4 : i32
      %mul3A_150 = arith.muli %add3A_148, %mul3A_149 : i32
      %dma_start3A_151 = arith.constant 0 : i32
      %dma_start3A_152 = tpu.memref_slice %arg11[%dma_start3A_151] : memref<336xf32, #tpu.memory_space<vmem>> -> memref<320xf32, #tpu.memory_space<vmem>>
      %dma_start3A_153 = tpu.memref_slice %arg5[%mul3A_150] : memref<1280000xf32, #tpu.memory_space<hbm>> -> memref<320xf32, #tpu.memory_space<hbm>>
      %dma_start3A_154 = arith.constant 0 : i32
      %dma_start3A_155 = tpu.memref_slice %arg11[%dma_start3A_154] : memref<336xf32, #tpu.memory_space<vmem>> -> memref<320xf32, #tpu.memory_space<vmem>>
      %dma_start3A_156 = tpu.memref_slice %arg5[%mul3A_150] : memref<1280000xf32, #tpu.memory_space<hbm>> -> memref<320xf32, #tpu.memory_space<hbm>>
      tpu.enqueue_dma source(%dma_start3A_156 : memref<320xf32, #tpu.memory_space<hbm>>) target(%dma_start3A_155 : memref<320xf32, #tpu.memory_space<vmem>>) target_semaphore(%arg15 : memref<!tpu.dma_semaphore, #tpu.memory_space<semaphore_mem>>)
      %add3A_157 = arith.constant 1 : i32
      %add3A_158 = arith.addi %mul3A_85, %add3A_157 : i32
      %mul3A_159 = arith.constant 80 : i32
      %mul3A_160 = arith.muli %add3A_158, %mul3A_159 : i32
      %dma_wait3A_161 = tpu.memref_slice %arg7[%mul3A_160] : memref<10000xi32, #tpu.memory_space<vmem>> -> memref<80xi32, #tpu.memory_space<vmem>>
      %dma_wait3A_162 = arith.constant 0 : i32
      %dma_wait3A_163 = arith.constant 0 : i32
      %dma_wait3A_164 = tpu.memref_slice %arg2[%dma_wait3A_162, %dma_wait3A_163] : memref<10000x128xf32, #tpu.memory_space<hbm>> -> memref<10000x128xf32, #tpu.memory_space<hbm>>
      tpu.wait_indirect_dma semaphore(%arg16 : memref<!tpu.dma_semaphore, #tpu.memory_space<semaphore_mem>>) src(%dma_wait3A_164 : memref<10000x128xf32, #tpu.memory_space<hbm>>) dst(%arg10 : memref<80x128xf32, #tpu.memory_space<vmem>>)
      %mul3A_165 = arith.constant 10000 : i32
      %mul3A_166 = arith.muli %add3A, %mul3A_165 : i32
      %add3A_167 = arith.addi %mul3A_166, %mul3A_160 : i32
      %mul3A_168 = arith.constant 4 : i32
      %mul3A_169 = arith.muli %add3A_167, %mul3A_168 : i32
      %dma_wait3A_170 = arith.constant 0 : i32
      %dma_wait3A_171 = tpu.memref_slice %arg12[%dma_wait3A_170] : memref<336xf32, #tpu.memory_space<vmem>> -> memref<320xf32, #tpu.memory_space<vmem>>
      %dma_wait3A_172 = tpu.memref_slice %arg5[%mul3A_169] : memref<1280000xf32, #tpu.memory_space<hbm>> -> memref<320xf32, #tpu.memory_space<hbm>>
      %dma_wait3A_173 = arith.constant 0 : i32
      %dma_wait3A_174 = tpu.memref_slice %arg12[%dma_wait3A_173] : memref<336xf32, #tpu.memory_space<vmem>> -> memref<320xf32, #tpu.memory_space<vmem>>
      %dma_wait3A_175 = tpu.memref_slice %arg5[%mul3A_169] : memref<1280000xf32, #tpu.memory_space<hbm>> -> memref<320xf32, #tpu.memory_space<hbm>>
      tpu.wait_dma2 semaphore(%arg16 : memref<!tpu.dma_semaphore, #tpu.memory_space<semaphore_mem>>) src(%dma_wait3A_175 : memref<320xf32, #tpu.memory_space<hbm>>) dst(%dma_wait3A_174 : memref<320xf32, #tpu.memory_space<vmem>>)
      %add3A_176 = arith.constant 1 : i32
      %add3A_177 = arith.addi %mul3A_85, %add3A_176 : i32
      %mul3A_178 = arith.constant 80 : i32
      %mul3A_179 = arith.muli %add3A_177, %mul3A_178 : i32
      %scan3A_180 = arith.constant 0 : i32
      %scan3A_181 = arith.constant 0 : i32
      %scan3A_182 = arith.constant 5 : i32
      %scan3A_183 = arith.addi %scan3A_181, %scan3A_182 : i32
      %scan3A_184 = arith.constant 1 : i32
      %scan3A_185 = scf.for %scan3A_195 = %scan3A_181 to %scan3A_183 step %scan3A_184 iter_args(%scan3A_196 = %scan3A_180) -> (i32)  : i32 {
        %mul3A_197 = arith.constant 16 : i32
        %mul3A_198 = arith.muli %scan3A_195, %mul3A_197 : i32
        %add3A_199 = arith.addi %mul3A_179, %mul3A_198 : i32
        %get3A = arith.index_cast %add3A_199 : i32 to index
        %get3A_200 = tpu.vector_load %arg8[%get3A] {strides = array<i32>} : memref<10000xi32, #tpu.memory_space<vmem>>, vector<16xi32>,
        %mul3A_201 = arith.constant 16 : i32
        %mul3A_202 = arith.muli %scan3A_195, %mul3A_201 : i32
        %swap3A = arith.index_cast %mul3A_202 : i32 to index
        %swap3A_203 = tpu.vector_load %arg13[%swap3A] {strides = array<i32>} : memref<80xi32, #tpu.memory_space<vmem>>, vector<16xi32>,
        tpu.vector_store %arg13[%swap3A], %get3A_200 {strides = array<i32>} : memref<80xi32, #tpu.memory_space<vmem>>, vector<16xi32>,
        %scan3A_204 = arith.constant 0 : i32
        scf.yield %scan3A_204 : i32
      }
      %scan3A_186 = arith.constant 5 : i32
      %scan3A_187 = arith.constant 0 : i32
      %scan3A_188 = arith.constant 0 : i32
      %scan3A_189 = arith.constant 80 : i32
      %scan3A_190 = arith.addi %scan3A_188, %scan3A_189 : i32
      %scan3A_191 = arith.constant 1 : i32
      %scan3A_192 = scf.for %scan3A_195 = %scan3A_188 to %scan3A_190 step %scan3A_191 iter_args(%scan3A_196 = %scan3A_187) -> (i32)  : i32 {
        %add3A_197 = arith.constant 0 : i32
        %add3A_198 = arith.addi %add3A_197, %scan3A_195 : i32
        %get3A = arith.index_cast %add3A_198 : i32 to index
        %get3A_199 = tpu.vector_load %arg12[%get3A] {strides = array<i32>} : memref<336xf32, #tpu.memory_space<vmem>>, vector<16xf32>,
        %slice3A = vector.extract_strided_slice %get3A_199 {offsets = [0], sizes = [1], strides = [1]} : vector<16xf32> to vector<1xf32>
        %squeeze3A = vector.extract %slice3A[0] : f32 from vector<1xf32>
        %broadcast_in_dim3A_200 = vector.broadcast %squeeze3A : f32 to vector<16xf32>
        %get3A_201 = arith.index_cast %scan3A_195 : i32 to index
        %get3A_202 = arith.constant 0 : index
        %get3A_203 = tpu.vector_load %arg10[%get3A_201, %get3A_202] {strides = array<i32>} : memref<80x128xf32, #tpu.memory_space<vmem>>, vector<16xf32>,
        %mul3A_204 = arith.mulf %get3A_203, %broadcast_in_dim3A_200 : vector<16xf32>
        %swap3A = arith.index_cast %scan3A_195 : i32 to index
        %swap3A_205 = arith.constant 0 : index
        %swap3A_206 = tpu.vector_load %arg10[%swap3A, %swap3A_205] {strides = array<i32>} : memref<80x128xf32, #tpu.memory_space<vmem>>, vector<16xf32>,
        tpu.vector_store %arg10[%swap3A, %swap3A_205], %mul3A_204 {strides = array<i32>} : memref<80x128xf32, #tpu.memory_space<vmem>>, vector<16xf32>,
        %get3A_207 = arith.index_cast %scan3A_195 : i32 to index
        %get3A_208 = arith.constant 16 : index
        %get3A_209 = tpu.vector_load %arg10[%get3A_207, %get3A_208] {strides = array<i32>} : memref<80x128xf32, #tpu.memory_space<vmem>>, vector<16xf32>,
        %mul3A_210 = arith.mulf %get3A_209, %broadcast_in_dim3A_200 : vector<16xf32>
        %swap3A_211 = arith.index_cast %scan3A_195 : i32 to index
        %swap3A_212 = arith.constant 16 : index
        %swap3A_213 = tpu.vector_load %arg10[%swap3A_211, %swap3A_212] {strides = array<i32>} : memref<80x128xf32, #tpu.memory_space<vmem>>, vector<16xf32>,
        tpu.vector_store %arg10[%swap3A_211, %swap3A_212], %mul3A_210 {strides = array<i32>} : memref<80x128xf32, #tpu.memory_space<vmem>>, vector<16xf32>,
        %add3A_214 = arith.constant 80 : i32
        %add3A_215 = arith.addi %add3A_214, %scan3A_195 : i32
        %get3A_216 = arith.index_cast %add3A_215 : i32 to index
        %get3A_217 = tpu.vector_load %arg12[%get3A_216] {strides = array<i32>} : memref<336xf32, #tpu.memory_space<vmem>>, vector<16xf32>,
        %slice3A_218 = vector.extract_strided_slice %get3A_217 {offsets = [0], sizes = [1], strides = [1]} : vector<16xf32> to vector<1xf32>
        %squeeze3A_219 = vector.extract %slice3A_218[0] : f32 from vector<1xf32>
        %broadcast_in_dim3A_220 = vector.broadcast %squeeze3A_219 : f32 to vector<16xf32>
        %get3A_221 = arith.index_cast %scan3A_195 : i32 to index
        %get3A_222 = arith.constant 32 : index
        %get3A_223 = tpu.vector_load %arg10[%get3A_221, %get3A_222] {strides = array<i32>} : memref<80x128xf32, #tpu.memory_space<vmem>>, vector<16xf32>,
        %mul3A_224 = arith.mulf %get3A_223, %broadcast_in_dim3A_220 : vector<16xf32>
        %swap3A_225 = arith.index_cast %scan3A_195 : i32 to index
        %swap3A_226 = arith.constant 32 : index
        %swap3A_227 = tpu.vector_load %arg10[%swap3A_225, %swap3A_226] {strides = array<i32>} : memref<80x128xf32, #tpu.memory_space<vmem>>, vector<16xf32>,
        tpu.vector_store %arg10[%swap3A_225, %swap3A_226], %mul3A_224 {strides = array<i32>} : memref<80x128xf32, #tpu.memory_space<vmem>>, vector<16xf32>,
        %get3A_228 = arith.index_cast %scan3A_195 : i32 to index
        %get3A_229 = arith.constant 48 : index
        %get3A_230 = tpu.vector_load %arg10[%get3A_228, %get3A_229] {strides = array<i32>} : memref<80x128xf32, #tpu.memory_space<vmem>>, vector<16xf32>,
        %mul3A_231 = arith.mulf %get3A_230, %broadcast_in_dim3A_220 : vector<16xf32>
        %swap3A_232 = arith.index_cast %scan3A_195 : i32 to index
        %swap3A_233 = arith.constant 48 : index
        %swap3A_234 = tpu.vector_load %arg10[%swap3A_232, %swap3A_233] {strides = array<i32>} : memref<80x128xf32, #tpu.memory_space<vmem>>, vector<16xf32>,
        tpu.vector_store %arg10[%swap3A_232, %swap3A_233], %mul3A_231 {strides = array<i32>} : memref<80x128xf32, #tpu.memory_space<vmem>>, vector<16xf32>,
        %add3A_235 = arith.constant 160 : i32
        %add3A_236 = arith.addi %add3A_235, %scan3A_195 : i32
        %get3A_237 = arith.index_cast %add3A_236 : i32 to index
        %get3A_238 = tpu.vector_load %arg12[%get3A_237] {strides = array<i32>} : memref<336xf32, #tpu.memory_space<vmem>>, vector<16xf32>,
        %slice3A_239 = vector.extract_strided_slice %get3A_238 {offsets = [0], sizes = [1], strides = [1]} : vector<16xf32> to vector<1xf32>
        %squeeze3A_240 = vector.extract %slice3A_239[0] : f32 from vector<1xf32>
        %broadcast_in_dim3A_241 = vector.broadcast %squeeze3A_240 : f32 to vector<16xf32>
        %get3A_242 = arith.index_cast %scan3A_195 : i32 to index
        %get3A_243 = arith.constant 64 : index
        %get3A_244 = tpu.vector_load %arg10[%get3A_242, %get3A_243] {strides = array<i32>} : memref<80x128xf32, #tpu.memory_space<vmem>>, vector<16xf32>,
        %mul3A_245 = arith.mulf %get3A_244, %broadcast_in_dim3A_241 : vector<16xf32>
        %swap3A_246 = arith.index_cast %scan3A_195 : i32 to index
        %swap3A_247 = arith.constant 64 : index
        %swap3A_248 = tpu.vector_load %arg10[%swap3A_246, %swap3A_247] {strides = array<i32>} : memref<80x128xf32, #tpu.memory_space<vmem>>, vector<16xf32>,
        tpu.vector_store %arg10[%swap3A_246, %swap3A_247], %mul3A_245 {strides = array<i32>} : memref<80x128xf32, #tpu.memory_space<vmem>>, vector<16xf32>,
        %get3A_249 = arith.index_cast %scan3A_195 : i32 to index
        %get3A_250 = arith.constant 80 : index
        %get3A_251 = tpu.vector_load %arg10[%get3A_249, %get3A_250] {strides = array<i32>} : memref<80x128xf32, #tpu.memory_space<vmem>>, vector<16xf32>,
        %mul3A_252 = arith.mulf %get3A_251, %broadcast_in_dim3A_241 : vector<16xf32>
        %swap3A_253 = arith.index_cast %scan3A_195 : i32 to index
        %swap3A_254 = arith.constant 80 : index
        %swap3A_255 = tpu.vector_load %arg10[%swap3A_253, %swap3A_254] {strides = array<i32>} : memref<80x128xf32, #tpu.memory_space<vmem>>, vector<16xf32>,
        tpu.vector_store %arg10[%swap3A_253, %swap3A_254], %mul3A_252 {strides = array<i32>} : memref<80x128xf32, #tpu.memory_space<vmem>>, vector<16xf32>,
        %add3A_256 = arith.constant 240 : i32
        %add3A_257 = arith.addi %add3A_256, %scan3A_195 : i32
        %get3A_258 = arith.index_cast %add3A_257 : i32 to index
        %get3A_259 = tpu.vector_load %arg12[%get3A_258] {strides = array<i32>} : memref<336xf32, #tpu.memory_space<vmem>>, vector<16xf32>,
        %slice3A_260 = vector.extract_strided_slice %get3A_259 {offsets = [0], sizes = [1], strides = [1]} : vector<16xf32> to vector<1xf32>
        %squeeze3A_261 = vector.extract %slice3A_260[0] : f32 from vector<1xf32>
        %broadcast_in_dim3A_262 = vector.broadcast %squeeze3A_261 : f32 to vector<16xf32>
        %get3A_263 = arith.index_cast %scan3A_195 : i32 to index
        %get3A_264 = arith.constant 96 : index
        %get3A_265 = tpu.vector_load %arg10[%get3A_263, %get3A_264] {strides = array<i32>} : memref<80x128xf32, #tpu.memory_space<vmem>>, vector<16xf32>,
        %mul3A_266 = arith.mulf %get3A_265, %broadcast_in_dim3A_262 : vector<16xf32>
        %swap3A_267 = arith.index_cast %scan3A_195 : i32 to index
        %swap3A_268 = arith.constant 96 : index
        %swap3A_269 = tpu.vector_load %arg10[%swap3A_267, %swap3A_268] {strides = array<i32>} : memref<80x128xf32, #tpu.memory_space<vmem>>, vector<16xf32>,
        tpu.vector_store %arg10[%swap3A_267, %swap3A_268], %mul3A_266 {strides = array<i32>} : memref<80x128xf32, #tpu.memory_space<vmem>>, vector<16xf32>,
        %get3A_270 = arith.index_cast %scan3A_195 : i32 to index
        %get3A_271 = arith.constant 112 : index
        %get3A_272 = tpu.vector_load %arg10[%get3A_270, %get3A_271] {strides = array<i32>} : memref<80x128xf32, #tpu.memory_space<vmem>>, vector<16xf32>,
        %mul3A_273 = arith.mulf %get3A_272, %broadcast_in_dim3A_262 : vector<16xf32>
        %swap3A_274 = arith.index_cast %scan3A_195 : i32 to index
        %swap3A_275 = arith.constant 112 : index
        %swap3A_276 = tpu.vector_load %arg10[%swap3A_274, %swap3A_275] {strides = array<i32>} : memref<80x128xf32, #tpu.memory_space<vmem>>, vector<16xf32>,
        tpu.vector_store %arg10[%swap3A_274, %swap3A_275], %mul3A_273 {strides = array<i32>} : memref<80x128xf32, #tpu.memory_space<vmem>>, vector<16xf32>,
        %scan3A_277 = arith.constant 0 : i32
        scf.yield %scan3A_277 : i32
      }
      %scan3A_193 = arith.constant 80 : i32
      "tpu.region"() ({
        %run_scoped3A = tpu.sem_alloc : memref<!tpu.dma_semaphore, #tpu.memory_space<semaphore_mem>>
        %dma_start3A_195 = arith.constant 0 : i32
        %dma_start3A_196 = arith.constant 0 : i32
        %dma_start3A_197 = tpu.memref_slice %arg14[%dma_start3A_195, %dma_start3A_196] : memref<10000x128xf32, #tpu.memory_space<vmem_shared>> -> memref<10000x128xf32, #tpu.memory_space<vmem_shared>>
        tpu.enqueue_indirect_dma source(%arg10 : memref<80x128xf32, #tpu.memory_space<vmem>>) target(%dma_start3A_197 : memref<10000x128xf32, #tpu.memory_space<vmem_shared>>) offsets(%arg13 : memref<80xi32, #tpu.memory_space<vmem>>) semaphore(%run_scoped3A : memref<!tpu.dma_semaphore, #tpu.memory_space<semaphore_mem>>) {add = true}
        %dma_wait3A_198 = arith.constant 0 : i32
        %dma_wait3A_199 = arith.constant 0 : i32
        %dma_wait3A_200 = tpu.memref_slice %arg14[%dma_wait3A_198, %dma_wait3A_199] : memref<10000x128xf32, #tpu.memory_space<vmem_shared>> -> memref<10000x128xf32, #tpu.memory_space<vmem_shared>>
        tpu.wait_indirect_dma semaphore(%run_scoped3A : memref<!tpu.dma_semaphore, #tpu.memory_space<semaphore_mem>>) src(%arg10 : memref<80x128xf32, #tpu.memory_space<vmem>>) dst(%dma_wait3A_200 : memref<10000x128xf32, #tpu.memory_space<vmem_shared>>)
        tpu.yield
      }) : () -> ()
      %scan3A_194 = arith.constant 0 : i32
      scf.yield %scan3A_194 : i32
    }
    %scan3A_40 = arith.constant 62 : i32
    %dma_wait3A = arith.constant 9920 : i32
    %dma_wait3A_41 = tpu.memref_slice %arg7[%dma_wait3A] : memref<10000xi32, #tpu.memory_space<vmem>> -> memref<80xi32, #tpu.memory_space<vmem>>
    %dma_wait3A_42 = arith.constant 0 : i32
    %dma_wait3A_43 = arith.constant 0 : i32
    %dma_wait3A_44 = tpu.memref_slice %arg2[%dma_wait3A_42, %dma_wait3A_43] : memref<10000x128xf32, #tpu.memory_space<hbm>> -> memref<10000x128xf32, #tpu.memory_space<hbm>>
    tpu.wait_indirect_dma semaphore(%arg15 : memref<!tpu.dma_semaphore, #tpu.memory_space<semaphore_mem>>) src(%dma_wait3A_44 : memref<10000x128xf32, #tpu.memory_space<hbm>>) dst(%arg9 : memref<80x128xf32, #tpu.memory_space<vmem>>)
    %mul3A_45 = arith.constant 10000 : i32
    %mul3A_46 = arith.muli %add3A, %mul3A_45 : i32
    %add3A_47 = arith.constant 9920 : i32
    %add3A_48 = arith.addi %mul3A_46, %add3A_47 : i32
    %mul3A_49 = arith.constant 4 : i32
    %mul3A_50 = arith.muli %add3A_48, %mul3A_49 : i32
    %dma_wait3A_51 = arith.constant 0 : i32
    %dma_wait3A_52 = tpu.memref_slice %arg11[%dma_wait3A_51] : memref<336xf32, #tpu.memory_space<vmem>> -> memref<320xf32, #tpu.memory_space<vmem>>
    %dma_wait3A_53 = tpu.memref_slice %arg5[%mul3A_50] : memref<1280000xf32, #tpu.memory_space<hbm>> -> memref<320xf32, #tpu.memory_space<hbm>>
    %dma_wait3A_54 = arith.constant 0 : i32
    %dma_wait3A_55 = tpu.memref_slice %arg11[%dma_wait3A_54] : memref<336xf32, #tpu.memory_space<vmem>> -> memref<320xf32, #tpu.memory_space<vmem>>
    %dma_wait3A_56 = tpu.memref_slice %arg5[%mul3A_50] : memref<1280000xf32, #tpu.memory_space<hbm>> -> memref<320xf32, #tpu.memory_space<hbm>>
    tpu.wait_dma2 semaphore(%arg15 : memref<!tpu.dma_semaphore, #tpu.memory_space<semaphore_mem>>) src(%dma_wait3A_56 : memref<320xf32, #tpu.memory_space<hbm>>) dst(%dma_wait3A_55 : memref<320xf32, #tpu.memory_space<vmem>>)
    %scan3A_57 = arith.constant 0 : i32
    %scan3A_58 = arith.constant 0 : i32
    %scan3A_59 = arith.constant 5 : i32
    %scan3A_60 = arith.addi %scan3A_58, %scan3A_59 : i32
    %scan3A_61 = arith.constant 1 : i32
    %scan3A_62 = scf.for %scan3A_82 = %scan3A_58 to %scan3A_60 step %scan3A_61 iter_args(%scan3A_83 = %scan3A_57) -> (i32)  : i32 {
      %mul3A_84 = arith.constant 16 : i32
      %mul3A_85 = arith.muli %scan3A_82, %mul3A_84 : i32
      %add3A_86 = arith.constant 9920 : i32
      %add3A_87 = arith.addi %add3A_86, %mul3A_85 : i32
      %get3A = arith.index_cast %add3A_87 : i32 to index
      %get3A_88 = tpu.vector_load %arg8[%get3A] {strides = array<i32>} : memref<10000xi32, #tpu.memory_space<vmem>>, vector<16xi32>,
      %mul3A_89 = arith.constant 16 : i32
      %mul3A_90 = arith.muli %scan3A_82, %mul3A_89 : i32
      %swap3A = arith.index_cast %mul3A_90 : i32 to index
      %swap3A_91 = tpu.vector_load %arg13[%swap3A] {strides = array<i32>} : memref<80xi32, #tpu.memory_space<vmem>>, vector<16xi32>,
      tpu.vector_store %arg13[%swap3A], %get3A_88 {strides = array<i32>} : memref<80xi32, #tpu.memory_space<vmem>>, vector<16xi32>,
      %scan3A_92 = arith.constant 0 : i32
      scf.yield %scan3A_92 : i32
    }
    %scan3A_63 = arith.constant 5 : i32
    %scan3A_64 = arith.constant 0 : i32
    %scan3A_65 = arith.constant 0 : i32
    %scan3A_66 = arith.constant 80 : i32
    %scan3A_67 = arith.addi %scan3A_65, %scan3A_66 : i32
    %scan3A_68 = arith.constant 1 : i32
    %scan3A_69 = scf.for %scan3A_82 = %scan3A_65 to %scan3A_67 step %scan3A_68 iter_args(%scan3A_83 = %scan3A_64) -> (i32)  : i32 {
      %add3A_84 = arith.constant 0 : i32
      %add3A_85 = arith.addi %add3A_84, %scan3A_82 : i32
      %get3A = arith.index_cast %add3A_85 : i32 to index
      %get3A_86 = tpu.vector_load %arg11[%get3A] {strides = array<i32>} : memref<336xf32, #tpu.memory_space<vmem>>, vector<16xf32>,
      %slice3A = vector.extract_strided_slice %get3A_86 {offsets = [0], sizes = [1], strides = [1]} : vector<16xf32> to vector<1xf32>
      %squeeze3A = vector.extract %slice3A[0] : f32 from vector<1xf32>
      %broadcast_in_dim3A_87 = vector.broadcast %squeeze3A : f32 to vector<16xf32>
      %get3A_88 = arith.index_cast %scan3A_82 : i32 to index
      %get3A_89 = arith.constant 0 : index
      %get3A_90 = tpu.vector_load %arg9[%get3A_88, %get3A_89] {strides = array<i32>} : memref<80x128xf32, #tpu.memory_space<vmem>>, vector<16xf32>,
      %mul3A_91 = arith.mulf %get3A_90, %broadcast_in_dim3A_87 : vector<16xf32>
      %swap3A = arith.index_cast %scan3A_82 : i32 to index
      %swap3A_92 = arith.constant 0 : index
      %swap3A_93 = tpu.vector_load %arg9[%swap3A, %swap3A_92] {strides = array<i32>} : memref<80x128xf32, #tpu.memory_space<vmem>>, vector<16xf32>,
      tpu.vector_store %arg9[%swap3A, %swap3A_92], %mul3A_91 {strides = array<i32>} : memref<80x128xf32, #tpu.memory_space<vmem>>, vector<16xf32>,
      %get3A_94 = arith.index_cast %scan3A_82 : i32 to index
      %get3A_95 = arith.constant 16 : index
      %get3A_96 = tpu.vector_load %arg9[%get3A_94, %get3A_95] {strides = array<i32>} : memref<80x128xf32, #tpu.memory_space<vmem>>, vector<16xf32>,
      %mul3A_97 = arith.mulf %get3A_96, %broadcast_in_dim3A_87 : vector<16xf32>
      %swap3A_98 = arith.index_cast %scan3A_82 : i32 to index
      %swap3A_99 = arith.constant 16 : index
      %swap3A_100 = tpu.vector_load %arg9[%swap3A_98, %swap3A_99] {strides = array<i32>} : memref<80x128xf32, #tpu.memory_space<vmem>>, vector<16xf32>,
      tpu.vector_store %arg9[%swap3A_98, %swap3A_99], %mul3A_97 {strides = array<i32>} : memref<80x128xf32, #tpu.memory_space<vmem>>, vector<16xf32>,
      %add3A_101 = arith.constant 80 : i32
      %add3A_102 = arith.addi %add3A_101, %scan3A_82 : i32
      %get3A_103 = arith.index_cast %add3A_102 : i32 to index
      %get3A_104 = tpu.vector_load %arg11[%get3A_103] {strides = array<i32>} : memref<336xf32, #tpu.memory_space<vmem>>, vector<16xf32>,
      %slice3A_105 = vector.extract_strided_slice %get3A_104 {offsets = [0], sizes = [1], strides = [1]} : vector<16xf32> to vector<1xf32>
      %squeeze3A_106 = vector.extract %slice3A_105[0] : f32 from vector<1xf32>
      %broadcast_in_dim3A_107 = vector.broadcast %squeeze3A_106 : f32 to vector<16xf32>
      %get3A_108 = arith.index_cast %scan3A_82 : i32 to index
      %get3A_109 = arith.constant 32 : index
      %get3A_110 = tpu.vector_load %arg9[%get3A_108, %get3A_109] {strides = array<i32>} : memref<80x128xf32, #tpu.memory_space<vmem>>, vector<16xf32>,
      %mul3A_111 = arith.mulf %get3A_110, %broadcast_in_dim3A_107 : vector<16xf32>
      %swap3A_112 = arith.index_cast %scan3A_82 : i32 to index
      %swap3A_113 = arith.constant 32 : index
      %swap3A_114 = tpu.vector_load %arg9[%swap3A_112, %swap3A_113] {strides = array<i32>} : memref<80x128xf32, #tpu.memory_space<vmem>>, vector<16xf32>,
      tpu.vector_store %arg9[%swap3A_112, %swap3A_113], %mul3A_111 {strides = array<i32>} : memref<80x128xf32, #tpu.memory_space<vmem>>, vector<16xf32>,
      %get3A_115 = arith.index_cast %scan3A_82 : i32 to index
      %get3A_116 = arith.constant 48 : index
      %get3A_117 = tpu.vector_load %arg9[%get3A_115, %get3A_116] {strides = array<i32>} : memref<80x128xf32, #tpu.memory_space<vmem>>, vector<16xf32>,
      %mul3A_118 = arith.mulf %get3A_117, %broadcast_in_dim3A_107 : vector<16xf32>
      %swap3A_119 = arith.index_cast %scan3A_82 : i32 to index
      %swap3A_120 = arith.constant 48 : index
      %swap3A_121 = tpu.vector_load %arg9[%swap3A_119, %swap3A_120] {strides = array<i32>} : memref<80x128xf32, #tpu.memory_space<vmem>>, vector<16xf32>,
      tpu.vector_store %arg9[%swap3A_119, %swap3A_120], %mul3A_118 {strides = array<i32>} : memref<80x128xf32, #tpu.memory_space<vmem>>, vector<16xf32>,
      %add3A_122 = arith.constant 160 : i32
      %add3A_123 = arith.addi %add3A_122, %scan3A_82 : i32
      %get3A_124 = arith.index_cast %add3A_123 : i32 to index
      %get3A_125 = tpu.vector_load %arg11[%get3A_124] {strides = array<i32>} : memref<336xf32, #tpu.memory_space<vmem>>, vector<16xf32>,
      %slice3A_126 = vector.extract_strided_slice %get3A_125 {offsets = [0], sizes = [1], strides = [1]} : vector<16xf32> to vector<1xf32>
      %squeeze3A_127 = vector.extract %slice3A_126[0] : f32 from vector<1xf32>
      %broadcast_in_dim3A_128 = vector.broadcast %squeeze3A_127 : f32 to vector<16xf32>
      %get3A_129 = arith.index_cast %scan3A_82 : i32 to index
      %get3A_130 = arith.constant 64 : index
      %get3A_131 = tpu.vector_load %arg9[%get3A_129, %get3A_130] {strides = array<i32>} : memref<80x128xf32, #tpu.memory_space<vmem>>, vector<16xf32>,
      %mul3A_132 = arith.mulf %get3A_131, %broadcast_in_dim3A_128 : vector<16xf32>
      %swap3A_133 = arith.index_cast %scan3A_82 : i32 to index
      %swap3A_134 = arith.constant 64 : index
      %swap3A_135 = tpu.vector_load %arg9[%swap3A_133, %swap3A_134] {strides = array<i32>} : memref<80x128xf32, #tpu.memory_space<vmem>>, vector<16xf32>,
      tpu.vector_store %arg9[%swap3A_133, %swap3A_134], %mul3A_132 {strides = array<i32>} : memref<80x128xf32, #tpu.memory_space<vmem>>, vector<16xf32>,
      %get3A_136 = arith.index_cast %scan3A_82 : i32 to index
      %get3A_137 = arith.constant 80 : index
      %get3A_138 = tpu.vector_load %arg9[%get3A_136, %get3A_137] {strides = array<i32>} : memref<80x128xf32, #tpu.memory_space<vmem>>, vector<16xf32>,
      %mul3A_139 = arith.mulf %get3A_138, %broadcast_in_dim3A_128 : vector<16xf32>
      %swap3A_140 = arith.index_cast %scan3A_82 : i32 to index
      %swap3A_141 = arith.constant 80 : index
      %swap3A_142 = tpu.vector_load %arg9[%swap3A_140, %swap3A_141] {strides = array<i32>} : memref<80x128xf32, #tpu.memory_space<vmem>>, vector<16xf32>,
      tpu.vector_store %arg9[%swap3A_140, %swap3A_141], %mul3A_139 {strides = array<i32>} : memref<80x128xf32, #tpu.memory_space<vmem>>, vector<16xf32>,
      %add3A_143 = arith.constant 240 : i32
      %add3A_144 = arith.addi %add3A_143, %scan3A_82 : i32
      %get3A_145 = arith.index_cast %add3A_144 : i32 to index
      %get3A_146 = tpu.vector_load %arg11[%get3A_145] {strides = array<i32>} : memref<336xf32, #tpu.memory_space<vmem>>, vector<16xf32>,
      %slice3A_147 = vector.extract_strided_slice %get3A_146 {offsets = [0], sizes = [1], strides = [1]} : vector<16xf32> to vector<1xf32>
      %squeeze3A_148 = vector.extract %slice3A_147[0] : f32 from vector<1xf32>
      %broadcast_in_dim3A_149 = vector.broadcast %squeeze3A_148 : f32 to vector<16xf32>
      %get3A_150 = arith.index_cast %scan3A_82 : i32 to index
      %get3A_151 = arith.constant 96 : index
      %get3A_152 = tpu.vector_load %arg9[%get3A_150, %get3A_151] {strides = array<i32>} : memref<80x128xf32, #tpu.memory_space<vmem>>, vector<16xf32>,
      %mul3A_153 = arith.mulf %get3A_152, %broadcast_in_dim3A_149 : vector<16xf32>
      %swap3A_154 = arith.index_cast %scan3A_82 : i32 to index
      %swap3A_155 = arith.constant 96 : index
      %swap3A_156 = tpu.vector_load %arg9[%swap3A_154, %swap3A_155] {strides = array<i32>} : memref<80x128xf32, #tpu.memory_space<vmem>>, vector<16xf32>,
      tpu.vector_store %arg9[%swap3A_154, %swap3A_155], %mul3A_153 {strides = array<i32>} : memref<80x128xf32, #tpu.memory_space<vmem>>, vector<16xf32>,
      %get3A_157 = arith.index_cast %scan3A_82 : i32 to index
      %get3A_158 = arith.constant 112 : index
      %get3A_159 = tpu.vector_load %arg9[%get3A_157, %get3A_158] {strides = array<i32>} : memref<80x128xf32, #tpu.memory_space<vmem>>, vector<16xf32>,
      %mul3A_160 = arith.mulf %get3A_159, %broadcast_in_dim3A_149 : vector<16xf32>
      %swap3A_161 = arith.index_cast %scan3A_82 : i32 to index
      %swap3A_162 = arith.constant 112 : index
      %swap3A_163 = tpu.vector_load %arg9[%swap3A_161, %swap3A_162] {strides = array<i32>} : memref<80x128xf32, #tpu.memory_space<vmem>>, vector<16xf32>,
      tpu.vector_store %arg9[%swap3A_161, %swap3A_162], %mul3A_160 {strides = array<i32>} : memref<80x128xf32, #tpu.memory_space<vmem>>, vector<16xf32>,
      %scan3A_164 = arith.constant 0 : i32
      scf.yield %scan3A_164 : i32
    }
    %scan3A_70 = arith.constant 80 : i32
    "tpu.region"() ({
      %run_scoped3A = tpu.sem_alloc : memref<!tpu.dma_semaphore, #tpu.memory_space<semaphore_mem>>
      %dma_start3A_82 = arith.constant 0 : i32
      %dma_start3A_83 = arith.constant 0 : i32
      %dma_start3A_84 = tpu.memref_slice %arg14[%dma_start3A_82, %dma_start3A_83] : memref<10000x128xf32, #tpu.memory_space<vmem_shared>> -> memref<10000x128xf32, #tpu.memory_space<vmem_shared>>
      tpu.enqueue_indirect_dma source(%arg9 : memref<80x128xf32, #tpu.memory_space<vmem>>) target(%dma_start3A_84 : memref<10000x128xf32, #tpu.memory_space<vmem_shared>>) offsets(%arg13 : memref<80xi32, #tpu.memory_space<vmem>>) semaphore(%run_scoped3A : memref<!tpu.dma_semaphore, #tpu.memory_space<semaphore_mem>>) {add = true}
      %dma_wait3A_85 = arith.constant 0 : i32
      %dma_wait3A_86 = arith.constant 0 : i32
      %dma_wait3A_87 = tpu.memref_slice %arg14[%dma_wait3A_85, %dma_wait3A_86] : memref<10000x128xf32, #tpu.memory_space<vmem_shared>> -> memref<10000x128xf32, #tpu.memory_space<vmem_shared>>
      tpu.wait_indirect_dma semaphore(%run_scoped3A : memref<!tpu.dma_semaphore, #tpu.memory_space<semaphore_mem>>) src(%arg9 : memref<80x128xf32, #tpu.memory_space<vmem>>) dst(%dma_wait3A_87 : memref<10000x128xf32, #tpu.memory_space<vmem_shared>>)
      tpu.yield
    }) : () -> ()
    %barrier3A_71 = arith.constant 0 : index
    tpu.barrier barrier_id(%barrier3A_71)
    %lt3A_72 = arith.constant 15 : i32
    %lt3A_73 = arith.cmpi slt, %arg1, %lt3A_72 : i32
    %convert_element_type3A_74 = arith.extui %lt3A_73 : i1 to i32
    %cond3A_75 = arith.constant 0 : i32
    %cond3A_76 = arith.cmpi ne, %convert_element_type3A_74, %cond3A_75 : i32
    scf.if %cond3A_76 {
      "tpu.region"() ({
        %run_scoped3A = tpu.sem_alloc : memref<!tpu.dma_semaphore, #tpu.memory_space<semaphore_mem>>
        %dma_start3A_82 = arith.constant 0 : i32
        %dma_start3A_83 = tpu.memref_slice %arg6[%arg0, %mul3A_11, %dma_start3A_82] : memref<2x10000x128xf32, #tpu.memory_space<hbm>> -> memref<1x624x128xf32, #tpu.memory_space<hbm>>
        %dma_start3A_84 = tpu.memref_squeeze %dma_start3A_83 : memref<1x624x128xf32, #tpu.memory_space<hbm>> -> memref<624x128xf32, #tpu.memory_space<hbm>>
        %dma_start3A_85 = arith.constant 0 : i32
        %dma_start3A_86 = tpu.memref_slice %arg14[%mul3A_11, %dma_start3A_85] : memref<10000x128xf32, #tpu.memory_space<vmem_shared>> -> memref<624x128xf32, #tpu.memory_space<vmem_shared>>
        tpu.enqueue_dma source(%dma_start3A_86 : memref<624x128xf32, #tpu.memory_space<vmem_shared>>) target(%dma_start3A_84 : memref<624x128xf32, #tpu.memory_space<hbm>>) target_semaphore(%run_scoped3A : memref<!tpu.dma_semaphore, #tpu.memory_space<semaphore_mem>>)
        %dma_wait3A_87 = arith.constant 0 : i32
        %dma_wait3A_88 = tpu.memref_slice %arg6[%arg0, %mul3A_11, %dma_wait3A_87] : memref<2x10000x128xf32, #tpu.memory_space<hbm>> -> memref<1x624x128xf32, #tpu.memory_space<hbm>>
        %dma_wait3A_89 = tpu.memref_squeeze %dma_wait3A_88 : memref<1x624x128xf32, #tpu.memory_space<hbm>> -> memref<624x128xf32, #tpu.memory_space<hbm>>
        %dma_wait3A_90 = arith.constant 0 : i32
        %dma_wait3A_91 = tpu.memref_slice %arg14[%mul3A_11, %dma_wait3A_90] : memref<10000x128xf32, #tpu.memory_space<vmem_shared>> -> memref<624x128xf32, #tpu.memory_space<vmem_shared>>
        tpu.wait_dma2 semaphore(%run_scoped3A : memref<!tpu.dma_semaphore, #tpu.memory_space<semaphore_mem>>) src(%dma_wait3A_91 : memref<624x128xf32, #tpu.memory_space<vmem_shared>>) dst(%dma_wait3A_89 : memref<624x128xf32, #tpu.memory_space<hbm>>)
        tpu.yield
      }) : () -> ()
    } else {
    }
    %eq3A_77 = arith.constant 15 : i32
    %eq3A_78 = arith.cmpi eq, %arg1, %eq3A_77 : i32
    %convert_element_type3A_79 = arith.extui %eq3A_78 : i1 to i32
    %cond3A_80 = arith.constant 0 : i32
    %cond3A_81 = arith.cmpi ne, %convert_element_type3A_79, %cond3A_80 : i32
    scf.if %cond3A_81 {
      "tpu.region"() ({
        %run_scoped3A = tpu.sem_alloc : memref<!tpu.dma_semaphore, #tpu.memory_space<semaphore_mem>>
        %dma_start3A_82 = arith.constant 9360 : i32
        %dma_start3A_83 = arith.constant 0 : i32
        %dma_start3A_84 = tpu.memref_slice %arg6[%arg0, %dma_start3A_82, %dma_start3A_83] : memref<2x10000x128xf32, #tpu.memory_space<hbm>> -> memref<1x640x128xf32, #tpu.memory_space<hbm>>
        %dma_start3A_85 = tpu.memref_squeeze %dma_start3A_84 : memref<1x640x128xf32, #tpu.memory_space<hbm>> -> memref<640x128xf32, #tpu.memory_space<hbm>>
        %dma_start3A_86 = arith.constant 9360 : i32
        %dma_start3A_87 = arith.constant 0 : i32
        %dma_start3A_88 = tpu.memref_slice %arg14[%dma_start3A_86, %dma_start3A_87] : memref<10000x128xf32, #tpu.memory_space<vmem_shared>> -> memref<640x128xf32, #tpu.memory_space<vmem_shared>>
        tpu.enqueue_dma source(%dma_start3A_88 : memref<640x128xf32, #tpu.memory_space<vmem_shared>>) target(%dma_start3A_85 : memref<640x128xf32, #tpu.memory_space<hbm>>) target_semaphore(%run_scoped3A : memref<!tpu.dma_semaphore, #tpu.memory_space<semaphore_mem>>)
        %dma_wait3A_89 = arith.constant 9360 : i32
        %dma_wait3A_90 = arith.constant 0 : i32
        %dma_wait3A_91 = tpu.memref_slice %arg6[%arg0, %dma_wait3A_89, %dma_wait3A_90] : memref<2x10000x128xf32, #tpu.memory_space<hbm>> -> memref<1x640x128xf32, #tpu.memory_space<hbm>>
        %dma_wait3A_92 = tpu.memref_squeeze %dma_wait3A_91 : memref<1x640x128xf32, #tpu.memory_space<hbm>> -> memref<640x128xf32, #tpu.memory_space<hbm>>
        %dma_wait3A_93 = arith.constant 9360 : i32
        %dma_wait3A_94 = arith.constant 0 : i32
        %dma_wait3A_95 = tpu.memref_slice %arg14[%dma_wait3A_93, %dma_wait3A_94] : memref<10000x128xf32, #tpu.memory_space<vmem_shared>> -> memref<640x128xf32, #tpu.memory_space<vmem_shared>>
        tpu.wait_dma2 semaphore(%run_scoped3A : memref<!tpu.dma_semaphore, #tpu.memory_space<semaphore_mem>>) src(%dma_wait3A_95 : memref<640x128xf32, #tpu.memory_space<vmem_shared>>) dst(%dma_wait3A_92 : memref<640x128xf32, #tpu.memory_space<hbm>>)
        tpu.yield
      }) : () -> ()
    } else {
    }
    return
  }
}

#map = affine_map<(d0, d1) -> (0, 0)>
#map1 = affine_map<(d0, d1) -> (0)>
module attributes {stable_mosaic.version = 14 : i64} {
  func.func @_attn_scores(%arg0: i32, %arg1: i32, %arg2: memref<10000x128xf32, #tpu.memory_space<hbm>>, %arg3: memref<320000xi32, #tpu.memory_space<hbm>>, %arg4: memref<320000xi32, #tpu.memory_space<hbm>>, %arg5: memref<1280000xf32, #tpu.memory_space<hbm>>, %arg6: memref<80000xf32, #tpu.memory_space<hbm>>, %arg7: memref<10000xi32, #tpu.memory_space<vmem>>, %arg8: memref<10000xi32, #tpu.memory_space<vmem>>, %arg9: memref<80x128xf32, #tpu.memory_space<vmem>>, %arg10: memref<80x128xf32, #tpu.memory_space<vmem>>, %arg11: memref<80x128xf32, #tpu.memory_space<vmem>>, %arg12: memref<80x128xf32, #tpu.memory_space<vmem>>, %arg13: memref<5184xf32, #tpu.memory_space<vmem>>, %arg14: memref<40000xf32, #tpu.memory_space<vmem>>, %arg15: memref<320xf32, #tpu.memory_space<vmem>>, %arg16: memref<320xi32, #tpu.memory_space<vmem>>, %arg17: memref<2560xf32, #tpu.memory_space<vmem>>, %arg18: memref<40000xf32, #tpu.memory_space<vmem_shared>>, %arg19: memref<!tpu.dma_semaphore, #tpu.memory_space<semaphore_mem>>, %arg20: memref<!tpu.dma_semaphore, #tpu.memory_space<semaphore_mem>>) attributes {dimension_semantics = [#tpu.dimension_semantics<core_parallel>, #tpu.dimension_semantics<subcore_parallel>], iteration_bounds = array<i64: 2, 16>, scalar_prefetch = 0 : i64, scratch_operands = 14 : i64, tpu.core_type = #tpu.core_type<sc_vector_subcore>, window_params = [{transform_indices = #map}, {transform_indices = #map1}, {transform_indices = #map1}, {transform_indices = #map1}, {transform_indices = #map1}]} {
    %mul3A = arith.constant 16 : i32
    %mul3A_0 = arith.muli %arg0, %mul3A : i32
    %add3A = arith.addi %mul3A_0, %arg1 : i32
    %mul3A_1 = arith.constant 10000 : i32
    %mul3A_2 = arith.muli %add3A, %mul3A_1 : i32
    "tpu.region"() ({
      %run_scoped3A = tpu.sem_alloc : memref<!tpu.dma_semaphore, #tpu.memory_space<semaphore_mem>>
      %dma_start3A_68 = tpu.memref_slice %arg3[%mul3A_2] : memref<320000xi32, #tpu.memory_space<hbm>> -> memref<10000xi32, #tpu.memory_space<hbm>>
      %dma_start3A_69 = tpu.memref_slice %arg3[%mul3A_2] : memref<320000xi32, #tpu.memory_space<hbm>> -> memref<10000xi32, #tpu.memory_space<hbm>>
      tpu.enqueue_dma source(%dma_start3A_69 : memref<10000xi32, #tpu.memory_space<hbm>>) target(%arg7 : memref<10000xi32, #tpu.memory_space<vmem>>) target_semaphore(%run_scoped3A : memref<!tpu.dma_semaphore, #tpu.memory_space<semaphore_mem>>)
      %dma_wait3A_70 = tpu.memref_slice %arg3[%mul3A_2] : memref<320000xi32, #tpu.memory_space<hbm>> -> memref<10000xi32, #tpu.memory_space<hbm>>
      %dma_wait3A_71 = tpu.memref_slice %arg3[%mul3A_2] : memref<320000xi32, #tpu.memory_space<hbm>> -> memref<10000xi32, #tpu.memory_space<hbm>>
      tpu.wait_dma2 semaphore(%run_scoped3A : memref<!tpu.dma_semaphore, #tpu.memory_space<semaphore_mem>>) src(%dma_wait3A_71 : memref<10000xi32, #tpu.memory_space<hbm>>) dst(%arg7 : memref<10000xi32, #tpu.memory_space<vmem>>)
      tpu.yield
    }) : () -> ()
    "tpu.region"() ({
      %run_scoped3A = tpu.sem_alloc : memref<!tpu.dma_semaphore, #tpu.memory_space<semaphore_mem>>
      %dma_start3A_68 = tpu.memref_slice %arg4[%mul3A_2] : memref<320000xi32, #tpu.memory_space<hbm>> -> memref<10000xi32, #tpu.memory_space<hbm>>
      %dma_start3A_69 = tpu.memref_slice %arg4[%mul3A_2] : memref<320000xi32, #tpu.memory_space<hbm>> -> memref<10000xi32, #tpu.memory_space<hbm>>
      tpu.enqueue_dma source(%dma_start3A_69 : memref<10000xi32, #tpu.memory_space<hbm>>) target(%arg8 : memref<10000xi32, #tpu.memory_space<vmem>>) target_semaphore(%run_scoped3A : memref<!tpu.dma_semaphore, #tpu.memory_space<semaphore_mem>>)
      %dma_wait3A_70 = tpu.memref_slice %arg4[%mul3A_2] : memref<320000xi32, #tpu.memory_space<hbm>> -> memref<10000xi32, #tpu.memory_space<hbm>>
      %dma_wait3A_71 = tpu.memref_slice %arg4[%mul3A_2] : memref<320000xi32, #tpu.memory_space<hbm>> -> memref<10000xi32, #tpu.memory_space<hbm>>
      tpu.wait_dma2 semaphore(%run_scoped3A : memref<!tpu.dma_semaphore, #tpu.memory_space<semaphore_mem>>) src(%dma_wait3A_71 : memref<10000xi32, #tpu.memory_space<hbm>>) dst(%arg8 : memref<10000xi32, #tpu.memory_space<vmem>>)
      tpu.yield
    }) : () -> ()
    %broadcast_in_dim3A = arith.constant 0.000000e+00 : f32
    %broadcast_in_dim3A_3 = vector.broadcast %broadcast_in_dim3A : f32 to vector<16xf32>
    %scan3A = arith.constant 0 : i32
    %scan3A_4 = arith.constant 0 : i32
    %scan3A_5 = arith.constant 160 : i32
    %scan3A_6 = arith.addi %scan3A_4, %scan3A_5 : i32
    %scan3A_7 = arith.constant 1 : i32
    %scan3A_8 = scf.for %scan3A_68 = %scan3A_4 to %scan3A_6 step %scan3A_7 iter_args(%scan3A_69 = %scan3A) -> (i32)  : i32 {
      %mul3A_70 = arith.constant 16 : i32
      %mul3A_71 = arith.muli %scan3A_68, %mul3A_70 : i32
      %swap3A = arith.index_cast %mul3A_71 : i32 to index
      %swap3A_72 = tpu.vector_load %arg17[%swap3A] {strides = array<i32>} : memref<2560xf32, #tpu.memory_space<vmem>>, vector<16xf32>,
      tpu.vector_store %arg17[%swap3A], %broadcast_in_dim3A_3 {strides = array<i32>} : memref<2560xf32, #tpu.memory_space<vmem>>, vector<16xf32>,
      %scan3A_73 = arith.constant 0 : i32
      scf.yield %scan3A_73 : i32
    }
    %scan3A_9 = arith.constant 160 : i32
    %lt3A = arith.constant 15 : i32
    %lt3A_10 = arith.cmpi slt, %arg1, %lt3A : i32
    %convert_element_type3A = arith.extui %lt3A_10 : i1 to i32
    %cond3A = arith.constant 0 : i32
    %cond3A_11 = arith.cmpi ne, %convert_element_type3A, %cond3A : i32
    scf.if %cond3A_11 {
      %mul3A_68 = arith.constant 2560 : i32
      %mul3A_69 = arith.muli %arg1, %mul3A_68 : i32
      "tpu.region"() ({
        %run_scoped3A = tpu.sem_alloc : memref<!tpu.dma_semaphore, #tpu.memory_space<semaphore_mem>>
        %dma_start3A_70 = tpu.memref_slice %arg18[%mul3A_69] : memref<40000xf32, #tpu.memory_space<vmem_shared>> -> memref<2560xf32, #tpu.memory_space<vmem_shared>>
        %dma_start3A_71 = tpu.memref_slice %arg18[%mul3A_69] : memref<40000xf32, #tpu.memory_space<vmem_shared>> -> memref<2560xf32, #tpu.memory_space<vmem_shared>>
        tpu.enqueue_dma source(%arg17 : memref<2560xf32, #tpu.memory_space<vmem>>) target(%dma_start3A_71 : memref<2560xf32, #tpu.memory_space<vmem_shared>>) target_semaphore(%run_scoped3A : memref<!tpu.dma_semaphore, #tpu.memory_space<semaphore_mem>>)
        %dma_wait3A_72 = tpu.memref_slice %arg18[%mul3A_69] : memref<40000xf32, #tpu.memory_space<vmem_shared>> -> memref<2560xf32, #tpu.memory_space<vmem_shared>>
        %dma_wait3A_73 = tpu.memref_slice %arg18[%mul3A_69] : memref<40000xf32, #tpu.memory_space<vmem_shared>> -> memref<2560xf32, #tpu.memory_space<vmem_shared>>
        tpu.wait_dma2 semaphore(%run_scoped3A : memref<!tpu.dma_semaphore, #tpu.memory_space<semaphore_mem>>) src(%arg17 : memref<2560xf32, #tpu.memory_space<vmem>>) dst(%dma_wait3A_73 : memref<2560xf32, #tpu.memory_space<vmem_shared>>)
        tpu.yield
      }) : () -> ()
    } else {
    }
    %eq3A = arith.constant 15 : i32
    %eq3A_12 = arith.cmpi eq, %arg1, %eq3A : i32
    %convert_element_type3A_13 = arith.extui %eq3A_12 : i1 to i32
    %cond3A_14 = arith.constant 0 : i32
    %cond3A_15 = arith.cmpi ne, %convert_element_type3A_13, %cond3A_14 : i32
    scf.if %cond3A_15 {
      "tpu.region"() ({
        %run_scoped3A = tpu.sem_alloc : memref<!tpu.dma_semaphore, #tpu.memory_space<semaphore_mem>>
        %dma_start3A_68 = arith.constant 0 : i32
        %dma_start3A_69 = tpu.memref_slice %arg17[%dma_start3A_68] : memref<2560xf32, #tpu.memory_space<vmem>> -> memref<1600xf32, #tpu.memory_space<vmem>>
        %dma_start3A_70 = arith.constant 38400 : i32
        %dma_start3A_71 = tpu.memref_slice %arg18[%dma_start3A_70] : memref<40000xf32, #tpu.memory_space<vmem_shared>> -> memref<1600xf32, #tpu.memory_space<vmem_shared>>
        %dma_start3A_72 = arith.constant 38400 : i32
        %dma_start3A_73 = tpu.memref_slice %arg18[%dma_start3A_72] : memref<40000xf32, #tpu.memory_space<vmem_shared>> -> memref<1600xf32, #tpu.memory_space<vmem_shared>>
        %dma_start3A_74 = arith.constant 0 : i32
        %dma_start3A_75 = tpu.memref_slice %arg17[%dma_start3A_74] : memref<2560xf32, #tpu.memory_space<vmem>> -> memref<1600xf32, #tpu.memory_space<vmem>>
        tpu.enqueue_dma source(%dma_start3A_75 : memref<1600xf32, #tpu.memory_space<vmem>>) target(%dma_start3A_73 : memref<1600xf32, #tpu.memory_space<vmem_shared>>) target_semaphore(%run_scoped3A : memref<!tpu.dma_semaphore, #tpu.memory_space<semaphore_mem>>)
        %dma_wait3A_76 = arith.constant 0 : i32
        %dma_wait3A_77 = tpu.memref_slice %arg17[%dma_wait3A_76] : memref<2560xf32, #tpu.memory_space<vmem>> -> memref<1600xf32, #tpu.memory_space<vmem>>
        %dma_wait3A_78 = arith.constant 38400 : i32
        %dma_wait3A_79 = tpu.memref_slice %arg18[%dma_wait3A_78] : memref<40000xf32, #tpu.memory_space<vmem_shared>> -> memref<1600xf32, #tpu.memory_space<vmem_shared>>
        %dma_wait3A_80 = arith.constant 38400 : i32
        %dma_wait3A_81 = tpu.memref_slice %arg18[%dma_wait3A_80] : memref<40000xf32, #tpu.memory_space<vmem_shared>> -> memref<1600xf32, #tpu.memory_space<vmem_shared>>
        %dma_wait3A_82 = arith.constant 0 : i32
        %dma_wait3A_83 = tpu.memref_slice %arg17[%dma_wait3A_82] : memref<2560xf32, #tpu.memory_space<vmem>> -> memref<1600xf32, #tpu.memory_space<vmem>>
        tpu.wait_dma2 semaphore(%run_scoped3A : memref<!tpu.dma_semaphore, #tpu.memory_space<semaphore_mem>>) src(%dma_wait3A_83 : memref<1600xf32, #tpu.memory_space<vmem>>) dst(%dma_wait3A_81 : memref<1600xf32, #tpu.memory_space<vmem_shared>>)
        tpu.yield
      }) : () -> ()
    } else {
    }
    %barrier3A = arith.constant 0 : index
    tpu.barrier barrier_id(%barrier3A)
    %iota3A = tpu.iota {dimensions = array<i32: 0>} : vector<16xi32>
    %mul3A_16 = arith.constant 81 : i32
    %mul3A_17 = vector.broadcast %mul3A_16 : i32 to vector<16xi32>
    %mul3A_18 = arith.muli %iota3A, %mul3A_17 : vector<16xi32>
    %dma_start3A = arith.constant 0 : i32
    %dma_start3A_19 = tpu.memref_slice %arg7[%dma_start3A] : memref<10000xi32, #tpu.memory_space<vmem>> -> memref<80xi32, #tpu.memory_space<vmem>>
    %dma_start3A_20 = arith.constant 0 : i32
    %dma_start3A_21 = arith.constant 0 : i32
    %dma_start3A_22 = tpu.memref_slice %arg2[%dma_start3A_20, %dma_start3A_21] : memref<10000x128xf32, #tpu.memory_space<hbm>> -> memref<10000x128xf32, #tpu.memory_space<hbm>>
    tpu.enqueue_indirect_dma source(%dma_start3A_22 : memref<10000x128xf32, #tpu.memory_space<hbm>>) target(%arg9 : memref<80x128xf32, #tpu.memory_space<vmem>>) offsets(%dma_start3A_19 : memref<80xi32, #tpu.memory_space<vmem>>) semaphore(%arg19 : memref<!tpu.dma_semaphore, #tpu.memory_space<semaphore_mem>>)
    %dma_start3A_23 = arith.constant 0 : i32
    %dma_start3A_24 = tpu.memref_slice %arg8[%dma_start3A_23] : memref<10000xi32, #tpu.memory_space<vmem>> -> memref<80xi32, #tpu.memory_space<vmem>>
    %dma_start3A_25 = arith.constant 0 : i32
    %dma_start3A_26 = arith.constant 0 : i32
    %dma_start3A_27 = tpu.memref_slice %arg2[%dma_start3A_25, %dma_start3A_26] : memref<10000x128xf32, #tpu.memory_space<hbm>> -> memref<10000x128xf32, #tpu.memory_space<hbm>>
    tpu.enqueue_indirect_dma source(%dma_start3A_27 : memref<10000x128xf32, #tpu.memory_space<hbm>>) target(%arg10 : memref<80x128xf32, #tpu.memory_space<vmem>>) offsets(%dma_start3A_24 : memref<80xi32, #tpu.memory_space<vmem>>) semaphore(%arg19 : memref<!tpu.dma_semaphore, #tpu.memory_space<semaphore_mem>>)
    %scan3A_28 = arith.constant 0 : i32
    %scan3A_29 = arith.constant 0 : i32
    %scan3A_30 = arith.constant 62 : i32
    %scan3A_31 = arith.addi %scan3A_29, %scan3A_30 : i32
    %scan3A_32 = arith.constant 1 : i32
    %scan3A_33 = scf.for %scan3A_68 = %scan3A_29 to %scan3A_31 step %scan3A_32 iter_args(%scan3A_69 = %scan3A_28) -> (i32)  : i32 {
      %mul3A_70 = arith.constant 2 : i32
      %mul3A_71 = arith.muli %scan3A_68, %mul3A_70 : i32
      %add3A_72 = arith.constant 1 : i32
      %add3A_73 = arith.addi %mul3A_71, %add3A_72 : i32
      %mul3A_74 = arith.constant 80 : i32
      %mul3A_75 = arith.muli %add3A_73, %mul3A_74 : i32
      %dma_start3A_76 = tpu.memref_slice %arg7[%mul3A_75] : memref<10000xi32, #tpu.memory_space<vmem>> -> memref<80xi32, #tpu.memory_space<vmem>>
      %dma_start3A_77 = arith.constant 0 : i32
      %dma_start3A_78 = arith.constant 0 : i32
      %dma_start3A_79 = tpu.memref_slice %arg2[%dma_start3A_77, %dma_start3A_78] : memref<10000x128xf32, #tpu.memory_space<hbm>> -> memref<10000x128xf32, #tpu.memory_space<hbm>>
      tpu.enqueue_indirect_dma source(%dma_start3A_79 : memref<10000x128xf32, #tpu.memory_space<hbm>>) target(%arg11 : memref<80x128xf32, #tpu.memory_space<vmem>>) offsets(%dma_start3A_76 : memref<80xi32, #tpu.memory_space<vmem>>) semaphore(%arg20 : memref<!tpu.dma_semaphore, #tpu.memory_space<semaphore_mem>>)
      %dma_start3A_80 = tpu.memref_slice %arg8[%mul3A_75] : memref<10000xi32, #tpu.memory_space<vmem>> -> memref<80xi32, #tpu.memory_space<vmem>>
      %dma_start3A_81 = arith.constant 0 : i32
      %dma_start3A_82 = arith.constant 0 : i32
      %dma_start3A_83 = tpu.memref_slice %arg2[%dma_start3A_81, %dma_start3A_82] : memref<10000x128xf32, #tpu.memory_space<hbm>> -> memref<10000x128xf32, #tpu.memory_space<hbm>>
      tpu.enqueue_indirect_dma source(%dma_start3A_83 : memref<10000x128xf32, #tpu.memory_space<hbm>>) target(%arg12 : memref<80x128xf32, #tpu.memory_space<vmem>>) offsets(%dma_start3A_80 : memref<80xi32, #tpu.memory_space<vmem>>) semaphore(%arg20 : memref<!tpu.dma_semaphore, #tpu.memory_space<semaphore_mem>>)
      %dma_wait3A_84 = arith.constant 0 : i32
      %dma_wait3A_85 = tpu.memref_slice %arg7[%dma_wait3A_84] : memref<10000xi32, #tpu.memory_space<vmem>> -> memref<80xi32, #tpu.memory_space<vmem>>
      %dma_wait3A_86 = arith.constant 0 : i32
      %dma_wait3A_87 = arith.constant 0 : i32
      %dma_wait3A_88 = tpu.memref_slice %arg2[%dma_wait3A_86, %dma_wait3A_87] : memref<10000x128xf32, #tpu.memory_space<hbm>> -> memref<10000x128xf32, #tpu.memory_space<hbm>>
      tpu.wait_indirect_dma semaphore(%arg19 : memref<!tpu.dma_semaphore, #tpu.memory_space<semaphore_mem>>) src(%dma_wait3A_88 : memref<10000x128xf32, #tpu.memory_space<hbm>>) dst(%arg9 : memref<80x128xf32, #tpu.memory_space<vmem>>)
      %dma_wait3A_89 = arith.constant 0 : i32
      %dma_wait3A_90 = tpu.memref_slice %arg8[%dma_wait3A_89] : memref<10000xi32, #tpu.memory_space<vmem>> -> memref<80xi32, #tpu.memory_space<vmem>>
      %dma_wait3A_91 = arith.constant 0 : i32
      %dma_wait3A_92 = arith.constant 0 : i32
      %dma_wait3A_93 = tpu.memref_slice %arg2[%dma_wait3A_91, %dma_wait3A_92] : memref<10000x128xf32, #tpu.memory_space<hbm>> -> memref<10000x128xf32, #tpu.memory_space<hbm>>
      tpu.wait_indirect_dma semaphore(%arg19 : memref<!tpu.dma_semaphore, #tpu.memory_space<semaphore_mem>>) src(%dma_wait3A_93 : memref<10000x128xf32, #tpu.memory_space<hbm>>) dst(%arg10 : memref<80x128xf32, #tpu.memory_space<vmem>>)
      %mul3A_94 = arith.constant 80 : i32
      %mul3A_95 = arith.muli %mul3A_71, %mul3A_94 : i32
      %scan3A_96 = arith.constant 0 : i32
      %scan3A_97 = arith.constant 0 : i32
      %scan3A_98 = arith.constant 80 : i32
      %scan3A_99 = arith.addi %scan3A_97, %scan3A_98 : i32
      %scan3A_100 = arith.constant 1 : i32
      %scan3A_101 = scf.for %scan3A_151 = %scan3A_97 to %scan3A_99 step %scan3A_100 iter_args(%scan3A_152 = %scan3A_96) -> (i32)  : i32 {
        %get3A = arith.index_cast %scan3A_151 : i32 to index
        %get3A_153 = arith.constant 0 : index
        %get3A_154 = tpu.vector_load %arg9[%get3A, %get3A_153] {strides = array<i32>} : memref<80x128xf32, #tpu.memory_space<vmem>>, vector<16xf32>,
        %get3A_155 = arith.index_cast %scan3A_151 : i32 to index
        %get3A_156 = arith.constant 0 : index
        %get3A_157 = tpu.vector_load %arg10[%get3A_155, %get3A_156] {strides = array<i32>} : memref<80x128xf32, #tpu.memory_space<vmem>>, vector<16xf32>,
        %mul3A_158 = arith.mulf %get3A_154, %get3A_157 : vector<16xf32>
        %get3A_159 = arith.index_cast %scan3A_151 : i32 to index
        %get3A_160 = arith.constant 16 : index
        %get3A_161 = tpu.vector_load %arg9[%get3A_159, %get3A_160] {strides = array<i32>} : memref<80x128xf32, #tpu.memory_space<vmem>>, vector<16xf32>,
        %get3A_162 = arith.index_cast %scan3A_151 : i32 to index
        %get3A_163 = arith.constant 16 : index
        %get3A_164 = tpu.vector_load %arg10[%get3A_162, %get3A_163] {strides = array<i32>} : memref<80x128xf32, #tpu.memory_space<vmem>>, vector<16xf32>,
        %mul3A_165 = arith.mulf %get3A_161, %get3A_164 : vector<16xf32>
        %add3A_166 = arith.addf %mul3A_158, %mul3A_165 : vector<16xf32>
        %add3A_167 = arith.constant 0 : i32
        %add3A_168 = arith.addi %add3A_167, %scan3A_151 : i32
        %add3A_169 = vector.broadcast %add3A_168 : i32 to vector<16xi32>
        %add3A_170 = arith.addi %mul3A_18, %add3A_169 : vector<16xi32>
        tpu.vector_store_idx %arg13[%add3A_170], %add3A_166 : memref<5184xf32, #tpu.memory_space<vmem>>[vector<16xi32>], vector<16xf32>,
        %get3A_171 = arith.index_cast %scan3A_151 : i32 to index
        %get3A_172 = arith.constant 32 : index
        %get3A_173 = tpu.vector_load %arg9[%get3A_171, %get3A_172] {strides = array<i32>} : memref<80x128xf32, #tpu.memory_space<vmem>>, vector<16xf32>,
        %get3A_174 = arith.index_cast %scan3A_151 : i32 to index
        %get3A_175 = arith.constant 32 : index
        %get3A_176 = tpu.vector_load %arg10[%get3A_174, %get3A_175] {strides = array<i32>} : memref<80x128xf32, #tpu.memory_space<vmem>>, vector<16xf32>,
        %mul3A_177 = arith.mulf %get3A_173, %get3A_176 : vector<16xf32>
        %get3A_178 = arith.index_cast %scan3A_151 : i32 to index
        %get3A_179 = arith.constant 48 : index
        %get3A_180 = tpu.vector_load %arg9[%get3A_178, %get3A_179] {strides = array<i32>} : memref<80x128xf32, #tpu.memory_space<vmem>>, vector<16xf32>,
        %get3A_181 = arith.index_cast %scan3A_151 : i32 to index
        %get3A_182 = arith.constant 48 : index
        %get3A_183 = tpu.vector_load %arg10[%get3A_181, %get3A_182] {strides = array<i32>} : memref<80x128xf32, #tpu.memory_space<vmem>>, vector<16xf32>,
        %mul3A_184 = arith.mulf %get3A_180, %get3A_183 : vector<16xf32>
        %add3A_185 = arith.addf %mul3A_177, %mul3A_184 : vector<16xf32>
        %add3A_186 = arith.constant 1296 : i32
        %add3A_187 = arith.addi %add3A_186, %scan3A_151 : i32
        %add3A_188 = vector.broadcast %add3A_187 : i32 to vector<16xi32>
        %add3A_189 = arith.addi %mul3A_18, %add3A_188 : vector<16xi32>
        tpu.vector_store_idx %arg13[%add3A_189], %add3A_185 : memref<5184xf32, #tpu.memory_space<vmem>>[vector<16xi32>], vector<16xf32>,
        %get3A_190 = arith.index_cast %scan3A_151 : i32 to index
        %get3A_191 = arith.constant 64 : index
        %get3A_192 = tpu.vector_load %arg9[%get3A_190, %get3A_191] {strides = array<i32>} : memref<80x128xf32, #tpu.memory_space<vmem>>, vector<16xf32>,
        %get3A_193 = arith.index_cast %scan3A_151 : i32 to index
        %get3A_194 = arith.constant 64 : index
        %get3A_195 = tpu.vector_load %arg10[%get3A_193, %get3A_194] {strides = array<i32>} : memref<80x128xf32, #tpu.memory_space<vmem>>, vector<16xf32>,
        %mul3A_196 = arith.mulf %get3A_192, %get3A_195 : vector<16xf32>
        %get3A_197 = arith.index_cast %scan3A_151 : i32 to index
        %get3A_198 = arith.constant 80 : index
        %get3A_199 = tpu.vector_load %arg9[%get3A_197, %get3A_198] {strides = array<i32>} : memref<80x128xf32, #tpu.memory_space<vmem>>, vector<16xf32>,
        %get3A_200 = arith.index_cast %scan3A_151 : i32 to index
        %get3A_201 = arith.constant 80 : index
        %get3A_202 = tpu.vector_load %arg10[%get3A_200, %get3A_201] {strides = array<i32>} : memref<80x128xf32, #tpu.memory_space<vmem>>, vector<16xf32>,
        %mul3A_203 = arith.mulf %get3A_199, %get3A_202 : vector<16xf32>
        %add3A_204 = arith.addf %mul3A_196, %mul3A_203 : vector<16xf32>
        %add3A_205 = arith.constant 2592 : i32
        %add3A_206 = arith.addi %add3A_205, %scan3A_151 : i32
        %add3A_207 = vector.broadcast %add3A_206 : i32 to vector<16xi32>
        %add3A_208 = arith.addi %mul3A_18, %add3A_207 : vector<16xi32>
        tpu.vector_store_idx %arg13[%add3A_208], %add3A_204 : memref<5184xf32, #tpu.memory_space<vmem>>[vector<16xi32>], vector<16xf32>,
        %get3A_209 = arith.index_cast %scan3A_151 : i32 to index
        %get3A_210 = arith.constant 96 : index
        %get3A_211 = tpu.vector_load %arg9[%get3A_209, %get3A_210] {strides = array<i32>} : memref<80x128xf32, #tpu.memory_space<vmem>>, vector<16xf32>,
        %get3A_212 = arith.index_cast %scan3A_151 : i32 to index
        %get3A_213 = arith.constant 96 : index
        %get3A_214 = tpu.vector_load %arg10[%get3A_212, %get3A_213] {strides = array<i32>} : memref<80x128xf32, #tpu.memory_space<vmem>>, vector<16xf32>,
        %mul3A_215 = arith.mulf %get3A_211, %get3A_214 : vector<16xf32>
        %get3A_216 = arith.index_cast %scan3A_151 : i32 to index
        %get3A_217 = arith.constant 112 : index
        %get3A_218 = tpu.vector_load %arg9[%get3A_216, %get3A_217] {strides = array<i32>} : memref<80x128xf32, #tpu.memory_space<vmem>>, vector<16xf32>,
        %get3A_219 = arith.index_cast %scan3A_151 : i32 to index
        %get3A_220 = arith.constant 112 : index
        %get3A_221 = tpu.vector_load %arg10[%get3A_219, %get3A_220] {strides = array<i32>} : memref<80x128xf32, #tpu.memory_space<vmem>>, vector<16xf32>,
        %mul3A_222 = arith.mulf %get3A_218, %get3A_221 : vector<16xf32>
        %add3A_223 = arith.addf %mul3A_215, %mul3A_222 : vector<16xf32>
        %add3A_224 = arith.constant 3888 : i32
        %add3A_225 = arith.addi %add3A_224, %scan3A_151 : i32
        %add3A_226 = vector.broadcast %add3A_225 : i32 to vector<16xi32>
        %add3A_227 = arith.addi %mul3A_18, %add3A_226 : vector<16xi32>
        tpu.vector_store_idx %arg13[%add3A_227], %add3A_223 : memref<5184xf32, #tpu.memory_space<vmem>>[vector<16xi32>], vector<16xf32>,
        %scan3A_228 = arith.constant 0 : i32
        scf.yield %scan3A_228 : i32
      }
      %scan3A_102 = arith.constant 80 : i32
      %scan3A_103 = arith.constant 0 : i32
      %scan3A_104 = arith.constant 0 : i32
      %scan3A_105 = arith.constant 5 : i32
      %scan3A_106 = arith.addi %scan3A_104, %scan3A_105 : i32
      %scan3A_107 = arith.constant 1 : i32
      %scan3A_108 = scf.for %scan3A_151 = %scan3A_104 to %scan3A_106 step %scan3A_107 iter_args(%scan3A_152 = %scan3A_103) -> (i32)  : i32 {
        %mul3A_153 = arith.constant 16 : i32
        %mul3A_154 = arith.muli %scan3A_151, %mul3A_153 : i32
        %add3A_155 = arith.addi %mul3A_95, %mul3A_154 : i32
        %get3A = arith.index_cast %add3A_155 : i32 to index
        %get3A_156 = tpu.vector_load %arg8[%get3A] {strides = array<i32>} : memref<10000xi32, #tpu.memory_space<vmem>>, vector<16xi32>,
        %mul3A_157 = arith.constant 16 : i32
        %mul3A_158 = arith.muli %scan3A_151, %mul3A_157 : i32
        %add3A_159 = arith.constant 0 : i32
        %add3A_160 = arith.addi %add3A_159, %mul3A_158 : i32
        %get3A_161 = arith.index_cast %add3A_160 : i32 to index
        %get3A_162 = tpu.vector_load %arg13[%get3A_161] {strides = array<i32>} : memref<5184xf32, #tpu.memory_space<vmem>>, vector<16xf32>,
        %mul3A_163 = arith.constant 16 : i32
        %mul3A_164 = arith.muli %scan3A_151, %mul3A_163 : i32
        %add3A_165 = arith.constant 81 : i32
        %add3A_166 = arith.addi %add3A_165, %mul3A_164 : i32
        %get3A_167 = arith.index_cast %add3A_166 : i32 to index
        %get3A_168 = tpu.vector_load %arg13[%get3A_167] {strides = array<i32>} : memref<5184xf32, #tpu.memory_space<vmem>>, vector<16xf32>,
        %add3A_169 = arith.addf %get3A_162, %get3A_168 : vector<16xf32>
        %mul3A_170 = arith.constant 16 : i32
        %mul3A_171 = arith.muli %scan3A_151, %mul3A_170 : i32
        %add3A_172 = arith.constant 162 : i32
        %add3A_173 = arith.addi %add3A_172, %mul3A_171 : i32
        %get3A_174 = arith.index_cast %add3A_173 : i32 to index
        %get3A_175 = tpu.vector_load %arg13[%get3A_174] {strides = array<i32>} : memref<5184xf32, #tpu.memory_space<vmem>>, vector<16xf32>,
        %add3A_176 = arith.addf %add3A_169, %get3A_175 : vector<16xf32>
        %mul3A_177 = arith.constant 16 : i32
        %mul3A_178 = arith.muli %scan3A_151, %mul3A_177 : i32
        %add3A_179 = arith.constant 243 : i32
        %add3A_180 = arith.addi %add3A_179, %mul3A_178 : i32
        %get3A_181 = arith.index_cast %add3A_180 : i32 to index
        %get3A_182 = tpu.vector_load %arg13[%get3A_181] {strides = array<i32>} : memref<5184xf32, #tpu.memory_space<vmem>>, vector<16xf32>,
        %add3A_183 = arith.addf %add3A_176, %get3A_182 : vector<16xf32>
        %mul3A_184 = arith.constant 16 : i32
        %mul3A_185 = arith.muli %scan3A_151, %mul3A_184 : i32
        %add3A_186 = arith.constant 324 : i32
        %add3A_187 = arith.addi %add3A_186, %mul3A_185 : i32
        %get3A_188 = arith.index_cast %add3A_187 : i32 to index
        %get3A_189 = tpu.vector_load %arg13[%get3A_188] {strides = array<i32>} : memref<5184xf32, #tpu.memory_space<vmem>>, vector<16xf32>,
        %add3A_190 = arith.addf %add3A_183, %get3A_189 : vector<16xf32>
        %mul3A_191 = arith.constant 16 : i32
        %mul3A_192 = arith.muli %scan3A_151, %mul3A_191 : i32
        %add3A_193 = arith.constant 405 : i32
        %add3A_194 = arith.addi %add3A_193, %mul3A_192 : i32
        %get3A_195 = arith.index_cast %add3A_194 : i32 to index
        %get3A_196 = tpu.vector_load %arg13[%get3A_195] {strides = array<i32>} : memref<5184xf32, #tpu.memory_space<vmem>>, vector<16xf32>,
        %add3A_197 = arith.addf %add3A_190, %get3A_196 : vector<16xf32>
        %mul3A_198 = arith.constant 16 : i32
        %mul3A_199 = arith.muli %scan3A_151, %mul3A_198 : i32
        %add3A_200 = arith.constant 486 : i32
        %add3A_201 = arith.addi %add3A_200, %mul3A_199 : i32
        %get3A_202 = arith.index_cast %add3A_201 : i32 to index
        %get3A_203 = tpu.vector_load %arg13[%get3A_202] {strides = array<i32>} : memref<5184xf32, #tpu.memory_space<vmem>>, vector<16xf32>,
        %add3A_204 = arith.addf %add3A_197, %get3A_203 : vector<16xf32>
        %mul3A_205 = arith.constant 16 : i32
        %mul3A_206 = arith.muli %scan3A_151, %mul3A_205 : i32
        %add3A_207 = arith.constant 567 : i32
        %add3A_208 = arith.addi %add3A_207, %mul3A_206 : i32
        %get3A_209 = arith.index_cast %add3A_208 : i32 to index
        %get3A_210 = tpu.vector_load %arg13[%get3A_209] {strides = array<i32>} : memref<5184xf32, #tpu.memory_space<vmem>>, vector<16xf32>,
        %add3A_211 = arith.addf %add3A_204, %get3A_210 : vector<16xf32>
        %mul3A_212 = arith.constant 16 : i32
        %mul3A_213 = arith.muli %scan3A_151, %mul3A_212 : i32
        %add3A_214 = arith.constant 648 : i32
        %add3A_215 = arith.addi %add3A_214, %mul3A_213 : i32
        %get3A_216 = arith.index_cast %add3A_215 : i32 to index
        %get3A_217 = tpu.vector_load %arg13[%get3A_216] {strides = array<i32>} : memref<5184xf32, #tpu.memory_space<vmem>>, vector<16xf32>,
        %add3A_218 = arith.addf %add3A_211, %get3A_217 : vector<16xf32>
        %mul3A_219 = arith.constant 16 : i32
        %mul3A_220 = arith.muli %scan3A_151, %mul3A_219 : i32
        %add3A_221 = arith.constant 729 : i32
        %add3A_222 = arith.addi %add3A_221, %mul3A_220 : i32
        %get3A_223 = arith.index_cast %add3A_222 : i32 to index
        %get3A_224 = tpu.vector_load %arg13[%get3A_223] {strides = array<i32>} : memref<5184xf32, #tpu.memory_space<vmem>>, vector<16xf32>,
        %add3A_225 = arith.addf %add3A_218, %get3A_224 : vector<16xf32>
        %mul3A_226 = arith.constant 16 : i32
        %mul3A_227 = arith.muli %scan3A_151, %mul3A_226 : i32
        %add3A_228 = arith.constant 810 : i32
        %add3A_229 = arith.addi %add3A_228, %mul3A_227 : i32
        %get3A_230 = arith.index_cast %add3A_229 : i32 to index
        %get3A_231 = tpu.vector_load %arg13[%get3A_230] {strides = array<i32>} : memref<5184xf32, #tpu.memory_space<vmem>>, vector<16xf32>,
        %add3A_232 = arith.addf %add3A_225, %get3A_231 : vector<16xf32>
        %mul3A_233 = arith.constant 16 : i32
        %mul3A_234 = arith.muli %scan3A_151, %mul3A_233 : i32
        %add3A_235 = arith.constant 891 : i32
        %add3A_236 = arith.addi %add3A_235, %mul3A_234 : i32
        %get3A_237 = arith.index_cast %add3A_236 : i32 to index
        %get3A_238 = tpu.vector_load %arg13[%get3A_237] {strides = array<i32>} : memref<5184xf32, #tpu.memory_space<vmem>>, vector<16xf32>,
        %add3A_239 = arith.addf %add3A_232, %get3A_238 : vector<16xf32>
        %mul3A_240 = arith.constant 16 : i32
        %mul3A_241 = arith.muli %scan3A_151, %mul3A_240 : i32
        %add3A_242 = arith.constant 972 : i32
        %add3A_243 = arith.addi %add3A_242, %mul3A_241 : i32
        %get3A_244 = arith.index_cast %add3A_243 : i32 to index
        %get3A_245 = tpu.vector_load %arg13[%get3A_244] {strides = array<i32>} : memref<5184xf32, #tpu.memory_space<vmem>>, vector<16xf32>,
        %add3A_246 = arith.addf %add3A_239, %get3A_245 : vector<16xf32>
        %mul3A_247 = arith.constant 16 : i32
        %mul3A_248 = arith.muli %scan3A_151, %mul3A_247 : i32
        %add3A_249 = arith.constant 1053 : i32
        %add3A_250 = arith.addi %add3A_249, %mul3A_248 : i32
        %get3A_251 = arith.index_cast %add3A_250 : i32 to index
        %get3A_252 = tpu.vector_load %arg13[%get3A_251] {strides = array<i32>} : memref<5184xf32, #tpu.memory_space<vmem>>, vector<16xf32>,
        %add3A_253 = arith.addf %add3A_246, %get3A_252 : vector<16xf32>
        %mul3A_254 = arith.constant 16 : i32
        %mul3A_255 = arith.muli %scan3A_151, %mul3A_254 : i32
        %add3A_256 = arith.constant 1134 : i32
        %add3A_257 = arith.addi %add3A_256, %mul3A_255 : i32
        %get3A_258 = arith.index_cast %add3A_257 : i32 to index
        %get3A_259 = tpu.vector_load %arg13[%get3A_258] {strides = array<i32>} : memref<5184xf32, #tpu.memory_space<vmem>>, vector<16xf32>,
        %add3A_260 = arith.addf %add3A_253, %get3A_259 : vector<16xf32>
        %mul3A_261 = arith.constant 16 : i32
        %mul3A_262 = arith.muli %scan3A_151, %mul3A_261 : i32
        %add3A_263 = arith.constant 1215 : i32
        %add3A_264 = arith.addi %add3A_263, %mul3A_262 : i32
        %get3A_265 = arith.index_cast %add3A_264 : i32 to index
        %get3A_266 = tpu.vector_load %arg13[%get3A_265] {strides = array<i32>} : memref<5184xf32, #tpu.memory_space<vmem>>, vector<16xf32>,
        %add3A_267 = arith.addf %add3A_260, %get3A_266 : vector<16xf32>
        %mul3A_268 = arith.constant 0.176776692 : f32
        %mul3A_269 = vector.broadcast %mul3A_268 : f32 to vector<16xf32>
        %mul3A_270 = arith.mulf %add3A_267, %mul3A_269 : vector<16xf32>
        %exp3A = math.exp %mul3A_270 : vector<16xf32>
        %mul3A_271 = arith.constant 4 : i32
        %mul3A_272 = arith.muli %mul3A_71, %mul3A_271 : i32
        %add3A_273 = arith.constant 0 : i32
        %add3A_274 = arith.addi %mul3A_272, %add3A_273 : i32
        %mul3A_275 = arith.constant 80 : i32
        %mul3A_276 = arith.muli %add3A_274, %mul3A_275 : i32
        %mul3A_277 = arith.constant 16 : i32
        %mul3A_278 = arith.muli %scan3A_151, %mul3A_277 : i32
        %add3A_279 = arith.addi %mul3A_276, %mul3A_278 : i32
        %swap3A = arith.index_cast %add3A_279 : i32 to index
        %swap3A_280 = tpu.vector_load %arg14[%swap3A] {strides = array<i32>} : memref<40000xf32, #tpu.memory_space<vmem>>, vector<16xf32>,
        tpu.vector_store %arg14[%swap3A], %exp3A {strides = array<i32>} : memref<40000xf32, #tpu.memory_space<vmem>>, vector<16xf32>,
        %mul3A_281 = arith.constant 16 : i32
        %mul3A_282 = arith.muli %scan3A_151, %mul3A_281 : i32
        %add3A_283 = arith.constant 0 : i32
        %add3A_284 = arith.addi %add3A_283, %mul3A_282 : i32
        %swap3A_285 = arith.index_cast %add3A_284 : i32 to index
        %swap3A_286 = tpu.vector_load %arg15[%swap3A_285] {strides = array<i32>} : memref<320xf32, #tpu.memory_space<vmem>>, vector<16xf32>,
        tpu.vector_store %arg15[%swap3A_285], %exp3A {strides = array<i32>} : memref<320xf32, #tpu.memory_space<vmem>>, vector<16xf32>,
        %mul3A_287 = arith.constant 4 : i32
        %mul3A_288 = vector.broadcast %mul3A_287 : i32 to vector<16xi32>
        %mul3A_289 = arith.muli %get3A_156, %mul3A_288 : vector<16xi32>
        %add3A_290 = arith.constant 0 : i32
        %add3A_291 = vector.broadcast %add3A_290 : i32 to vector<16xi32>
        %add3A_292 = arith.addi %mul3A_289, %add3A_291 : vector<16xi32>
        %mul3A_293 = arith.constant 16 : i32
        %mul3A_294 = arith.muli %scan3A_151, %mul3A_293 : i32
        %add3A_295 = arith.constant 0 : i32
        %add3A_296 = arith.addi %add3A_295, %mul3A_294 : i32
        %swap3A_297 = arith.index_cast %add3A_296 : i32 to index
        %swap3A_298 = tpu.vector_load %arg16[%swap3A_297] {strides = array<i32>} : memref<320xi32, #tpu.memory_space<vmem>>, vector<16xi32>,
        tpu.vector_store %arg16[%swap3A_297], %add3A_292 {strides = array<i32>} : memref<320xi32, #tpu.memory_space<vmem>>, vector<16xi32>,
        %mul3A_299 = arith.constant 16 : i32
        %mul3A_300 = arith.muli %scan3A_151, %mul3A_299 : i32
        %add3A_301 = arith.constant 1296 : i32
        %add3A_302 = arith.addi %add3A_301, %mul3A_300 : i32
        %get3A_303 = arith.index_cast %add3A_302 : i32 to index
        %get3A_304 = tpu.vector_load %arg13[%get3A_303] {strides = array<i32>} : memref<5184xf32, #tpu.memory_space<vmem>>, vector<16xf32>,
        %mul3A_305 = arith.constant 16 : i32
        %mul3A_306 = arith.muli %scan3A_151, %mul3A_305 : i32
        %add3A_307 = arith.constant 1377 : i32
        %add3A_308 = arith.addi %add3A_307, %mul3A_306 : i32
        %get3A_309 = arith.index_cast %add3A_308 : i32 to index
        %get3A_310 = tpu.vector_load %arg13[%get3A_309] {strides = array<i32>} : memref<5184xf32, #tpu.memory_space<vmem>>, vector<16xf32>,
        %add3A_311 = arith.addf %get3A_304, %get3A_310 : vector<16xf32>
        %mul3A_312 = arith.constant 16 : i32
        %mul3A_313 = arith.muli %scan3A_151, %mul3A_312 : i32
        %add3A_314 = arith.constant 1458 : i32
        %add3A_315 = arith.addi %add3A_314, %mul3A_313 : i32
        %get3A_316 = arith.index_cast %add3A_315 : i32 to index
        %get3A_317 = tpu.vector_load %arg13[%get3A_316] {strides = array<i32>} : memref<5184xf32, #tpu.memory_space<vmem>>, vector<16xf32>,
        %add3A_318 = arith.addf %add3A_311, %get3A_317 : vector<16xf32>
        %mul3A_319 = arith.constant 16 : i32
        %mul3A_320 = arith.muli %scan3A_151, %mul3A_319 : i32
        %add3A_321 = arith.constant 1539 : i32
        %add3A_322 = arith.addi %add3A_321, %mul3A_320 : i32
        %get3A_323 = arith.index_cast %add3A_322 : i32 to index
        %get3A_324 = tpu.vector_load %arg13[%get3A_323] {strides = array<i32>} : memref<5184xf32, #tpu.memory_space<vmem>>, vector<16xf32>,
        %add3A_325 = arith.addf %add3A_318, %get3A_324 : vector<16xf32>
        %mul3A_326 = arith.constant 16 : i32
        %mul3A_327 = arith.muli %scan3A_151, %mul3A_326 : i32
        %add3A_328 = arith.constant 1620 : i32
        %add3A_329 = arith.addi %add3A_328, %mul3A_327 : i32
        %get3A_330 = arith.index_cast %add3A_329 : i32 to index
        %get3A_331 = tpu.vector_load %arg13[%get3A_330] {strides = array<i32>} : memref<5184xf32, #tpu.memory_space<vmem>>, vector<16xf32>,
        %add3A_332 = arith.addf %add3A_325, %get3A_331 : vector<16xf32>
        %mul3A_333 = arith.constant 16 : i32
        %mul3A_334 = arith.muli %scan3A_151, %mul3A_333 : i32
        %add3A_335 = arith.constant 1701 : i32
        %add3A_336 = arith.addi %add3A_335, %mul3A_334 : i32
        %get3A_337 = arith.index_cast %add3A_336 : i32 to index
        %get3A_338 = tpu.vector_load %arg13[%get3A_337] {strides = array<i32>} : memref<5184xf32, #tpu.memory_space<vmem>>, vector<16xf32>,
        %add3A_339 = arith.addf %add3A_332, %get3A_338 : vector<16xf32>
        %mul3A_340 = arith.constant 16 : i32
        %mul3A_341 = arith.muli %scan3A_151, %mul3A_340 : i32
        %add3A_342 = arith.constant 1782 : i32
        %add3A_343 = arith.addi %add3A_342, %mul3A_341 : i32
        %get3A_344 = arith.index_cast %add3A_343 : i32 to index
        %get3A_345 = tpu.vector_load %arg13[%get3A_344] {strides = array<i32>} : memref<5184xf32, #tpu.memory_space<vmem>>, vector<16xf32>,
        %add3A_346 = arith.addf %add3A_339, %get3A_345 : vector<16xf32>
        %mul3A_347 = arith.constant 16 : i32
        %mul3A_348 = arith.muli %scan3A_151, %mul3A_347 : i32
        %add3A_349 = arith.constant 1863 : i32
        %add3A_350 = arith.addi %add3A_349, %mul3A_348 : i32
        %get3A_351 = arith.index_cast %add3A_350 : i32 to index
        %get3A_352 = tpu.vector_load %arg13[%get3A_351] {strides = array<i32>} : memref<5184xf32, #tpu.memory_space<vmem>>, vector<16xf32>,
        %add3A_353 = arith.addf %add3A_346, %get3A_352 : vector<16xf32>
        %mul3A_354 = arith.constant 16 : i32
        %mul3A_355 = arith.muli %scan3A_151, %mul3A_354 : i32
        %add3A_356 = arith.constant 1944 : i32
        %add3A_357 = arith.addi %add3A_356, %mul3A_355 : i32
        %get3A_358 = arith.index_cast %add3A_357 : i32 to index
        %get3A_359 = tpu.vector_load %arg13[%get3A_358] {strides = array<i32>} : memref<5184xf32, #tpu.memory_space<vmem>>, vector<16xf32>,
        %add3A_360 = arith.addf %add3A_353, %get3A_359 : vector<16xf32>
        %mul3A_361 = arith.constant 16 : i32
        %mul3A_362 = arith.muli %scan3A_151, %mul3A_361 : i32
        %add3A_363 = arith.constant 2025 : i32
        %add3A_364 = arith.addi %add3A_363, %mul3A_362 : i32
        %get3A_365 = arith.index_cast %add3A_364 : i32 to index
        %get3A_366 = tpu.vector_load %arg13[%get3A_365] {strides = array<i32>} : memref<5184xf32, #tpu.memory_space<vmem>>, vector<16xf32>,
        %add3A_367 = arith.addf %add3A_360, %get3A_366 : vector<16xf32>
        %mul3A_368 = arith.constant 16 : i32
        %mul3A_369 = arith.muli %scan3A_151, %mul3A_368 : i32
        %add3A_370 = arith.constant 2106 : i32
        %add3A_371 = arith.addi %add3A_370, %mul3A_369 : i32
        %get3A_372 = arith.index_cast %add3A_371 : i32 to index
        %get3A_373 = tpu.vector_load %arg13[%get3A_372] {strides = array<i32>} : memref<5184xf32, #tpu.memory_space<vmem>>, vector<16xf32>,
        %add3A_374 = arith.addf %add3A_367, %get3A_373 : vector<16xf32>
        %mul3A_375 = arith.constant 16 : i32
        %mul3A_376 = arith.muli %scan3A_151, %mul3A_375 : i32
        %add3A_377 = arith.constant 2187 : i32
        %add3A_378 = arith.addi %add3A_377, %mul3A_376 : i32
        %get3A_379 = arith.index_cast %add3A_378 : i32 to index
        %get3A_380 = tpu.vector_load %arg13[%get3A_379] {strides = array<i32>} : memref<5184xf32, #tpu.memory_space<vmem>>, vector<16xf32>,
        %add3A_381 = arith.addf %add3A_374, %get3A_380 : vector<16xf32>
        %mul3A_382 = arith.constant 16 : i32
        %mul3A_383 = arith.muli %scan3A_151, %mul3A_382 : i32
        %add3A_384 = arith.constant 2268 : i32
        %add3A_385 = arith.addi %add3A_384, %mul3A_383 : i32
        %get3A_386 = arith.index_cast %add3A_385 : i32 to index
        %get3A_387 = tpu.vector_load %arg13[%get3A_386] {strides = array<i32>} : memref<5184xf32, #tpu.memory_space<vmem>>, vector<16xf32>,
        %add3A_388 = arith.addf %add3A_381, %get3A_387 : vector<16xf32>
        %mul3A_389 = arith.constant 16 : i32
        %mul3A_390 = arith.muli %scan3A_151, %mul3A_389 : i32
        %add3A_391 = arith.constant 2349 : i32
        %add3A_392 = arith.addi %add3A_391, %mul3A_390 : i32
        %get3A_393 = arith.index_cast %add3A_392 : i32 to index
        %get3A_394 = tpu.vector_load %arg13[%get3A_393] {strides = array<i32>} : memref<5184xf32, #tpu.memory_space<vmem>>, vector<16xf32>,
        %add3A_395 = arith.addf %add3A_388, %get3A_394 : vector<16xf32>
        %mul3A_396 = arith.constant 16 : i32
        %mul3A_397 = arith.muli %scan3A_151, %mul3A_396 : i32
        %add3A_398 = arith.constant 2430 : i32
        %add3A_399 = arith.addi %add3A_398, %mul3A_397 : i32
        %get3A_400 = arith.index_cast %add3A_399 : i32 to index
        %get3A_401 = tpu.vector_load %arg13[%get3A_400] {strides = array<i32>} : memref<5184xf32, #tpu.memory_space<vmem>>, vector<16xf32>,
        %add3A_402 = arith.addf %add3A_395, %get3A_401 : vector<16xf32>
        %mul3A_403 = arith.constant 16 : i32
        %mul3A_404 = arith.muli %scan3A_151, %mul3A_403 : i32
        %add3A_405 = arith.constant 2511 : i32
        %add3A_406 = arith.addi %add3A_405, %mul3A_404 : i32
        %get3A_407 = arith.index_cast %add3A_406 : i32 to index
        %get3A_408 = tpu.vector_load %arg13[%get3A_407] {strides = array<i32>} : memref<5184xf32, #tpu.memory_space<vmem>>, vector<16xf32>,
        %add3A_409 = arith.addf %add3A_402, %get3A_408 : vector<16xf32>
        %mul3A_410 = arith.constant 0.176776692 : f32
        %mul3A_411 = vector.broadcast %mul3A_410 : f32 to vector<16xf32>
        %mul3A_412 = arith.mulf %add3A_409, %mul3A_411 : vector<16xf32>
        %exp3A_413 = math.exp %mul3A_412 : vector<16xf32>
        %mul3A_414 = arith.constant 4 : i32
        %mul3A_415 = arith.muli %mul3A_71, %mul3A_414 : i32
        %add3A_416 = arith.constant 1 : i32
        %add3A_417 = arith.addi %mul3A_415, %add3A_416 : i32
        %mul3A_418 = arith.constant 80 : i32
        %mul3A_419 = arith.muli %add3A_417, %mul3A_418 : i32
        %mul3A_420 = arith.constant 16 : i32
        %mul3A_421 = arith.muli %scan3A_151, %mul3A_420 : i32
        %add3A_422 = arith.addi %mul3A_419, %mul3A_421 : i32
        %swap3A_423 = arith.index_cast %add3A_422 : i32 to index
        %swap3A_424 = tpu.vector_load %arg14[%swap3A_423] {strides = array<i32>} : memref<40000xf32, #tpu.memory_space<vmem>>, vector<16xf32>,
        tpu.vector_store %arg14[%swap3A_423], %exp3A_413 {strides = array<i32>} : memref<40000xf32, #tpu.memory_space<vmem>>, vector<16xf32>,
        %mul3A_425 = arith.constant 16 : i32
        %mul3A_426 = arith.muli %scan3A_151, %mul3A_425 : i32
        %add3A_427 = arith.constant 80 : i32
        %add3A_428 = arith.addi %add3A_427, %mul3A_426 : i32
        %swap3A_429 = arith.index_cast %add3A_428 : i32 to index
        %swap3A_430 = tpu.vector_load %arg15[%swap3A_429] {strides = array<i32>} : memref<320xf32, #tpu.memory_space<vmem>>, vector<16xf32>,
        tpu.vector_store %arg15[%swap3A_429], %exp3A_413 {strides = array<i32>} : memref<320xf32, #tpu.memory_space<vmem>>, vector<16xf32>,
        %mul3A_431 = arith.constant 4 : i32
        %mul3A_432 = vector.broadcast %mul3A_431 : i32 to vector<16xi32>
        %mul3A_433 = arith.muli %get3A_156, %mul3A_432 : vector<16xi32>
        %add3A_434 = arith.constant 1 : i32
        %add3A_435 = vector.broadcast %add3A_434 : i32 to vector<16xi32>
        %add3A_436 = arith.addi %mul3A_433, %add3A_435 : vector<16xi32>
        %mul3A_437 = arith.constant 16 : i32
        %mul3A_438 = arith.muli %scan3A_151, %mul3A_437 : i32
        %add3A_439 = arith.constant 80 : i32
        %add3A_440 = arith.addi %add3A_439, %mul3A_438 : i32
        %swap3A_441 = arith.index_cast %add3A_440 : i32 to index
        %swap3A_442 = tpu.vector_load %arg16[%swap3A_441] {strides = array<i32>} : memref<320xi32, #tpu.memory_space<vmem>>, vector<16xi32>,
        tpu.vector_store %arg16[%swap3A_441], %add3A_436 {strides = array<i32>} : memref<320xi32, #tpu.memory_space<vmem>>, vector<16xi32>,
        %mul3A_443 = arith.constant 16 : i32
        %mul3A_444 = arith.muli %scan3A_151, %mul3A_443 : i32
        %add3A_445 = arith.constant 2592 : i32
        %add3A_446 = arith.addi %add3A_445, %mul3A_444 : i32
        %get3A_447 = arith.index_cast %add3A_446 : i32 to index
        %get3A_448 = tpu.vector_load %arg13[%get3A_447] {strides = array<i32>} : memref<5184xf32, #tpu.memory_space<vmem>>, vector<16xf32>,
        %mul3A_449 = arith.constant 16 : i32
        %mul3A_450 = arith.muli %scan3A_151, %mul3A_449 : i32
        %add3A_451 = arith.constant 2673 : i32
        %add3A_452 = arith.addi %add3A_451, %mul3A_450 : i32
        %get3A_453 = arith.index_cast %add3A_452 : i32 to index
        %get3A_454 = tpu.vector_load %arg13[%get3A_453] {strides = array<i32>} : memref<5184xf32, #tpu.memory_space<vmem>>, vector<16xf32>,
        %add3A_455 = arith.addf %get3A_448, %get3A_454 : vector<16xf32>
        %mul3A_456 = arith.constant 16 : i32
        %mul3A_457 = arith.muli %scan3A_151, %mul3A_456 : i32
        %add3A_458 = arith.constant 2754 : i32
        %add3A_459 = arith.addi %add3A_458, %mul3A_457 : i32
        %get3A_460 = arith.index_cast %add3A_459 : i32 to index
        %get3A_461 = tpu.vector_load %arg13[%get3A_460] {strides = array<i32>} : memref<5184xf32, #tpu.memory_space<vmem>>, vector<16xf32>,
        %add3A_462 = arith.addf %add3A_455, %get3A_461 : vector<16xf32>
        %mul3A_463 = arith.constant 16 : i32
        %mul3A_464 = arith.muli %scan3A_151, %mul3A_463 : i32
        %add3A_465 = arith.constant 2835 : i32
        %add3A_466 = arith.addi %add3A_465, %mul3A_464 : i32
        %get3A_467 = arith.index_cast %add3A_466 : i32 to index
        %get3A_468 = tpu.vector_load %arg13[%get3A_467] {strides = array<i32>} : memref<5184xf32, #tpu.memory_space<vmem>>, vector<16xf32>,
        %add3A_469 = arith.addf %add3A_462, %get3A_468 : vector<16xf32>
        %mul3A_470 = arith.constant 16 : i32
        %mul3A_471 = arith.muli %scan3A_151, %mul3A_470 : i32
        %add3A_472 = arith.constant 2916 : i32
        %add3A_473 = arith.addi %add3A_472, %mul3A_471 : i32
        %get3A_474 = arith.index_cast %add3A_473 : i32 to index
        %get3A_475 = tpu.vector_load %arg13[%get3A_474] {strides = array<i32>} : memref<5184xf32, #tpu.memory_space<vmem>>, vector<16xf32>,
        %add3A_476 = arith.addf %add3A_469, %get3A_475 : vector<16xf32>
        %mul3A_477 = arith.constant 16 : i32
        %mul3A_478 = arith.muli %scan3A_151, %mul3A_477 : i32
        %add3A_479 = arith.constant 2997 : i32
        %add3A_480 = arith.addi %add3A_479, %mul3A_478 : i32
        %get3A_481 = arith.index_cast %add3A_480 : i32 to index
        %get3A_482 = tpu.vector_load %arg13[%get3A_481] {strides = array<i32>} : memref<5184xf32, #tpu.memory_space<vmem>>, vector<16xf32>,
        %add3A_483 = arith.addf %add3A_476, %get3A_482 : vector<16xf32>
        %mul3A_484 = arith.constant 16 : i32
        %mul3A_485 = arith.muli %scan3A_151, %mul3A_484 : i32
        %add3A_486 = arith.constant 3078 : i32
        %add3A_487 = arith.addi %add3A_486, %mul3A_485 : i32
        %get3A_488 = arith.index_cast %add3A_487 : i32 to index
        %get3A_489 = tpu.vector_load %arg13[%get3A_488] {strides = array<i32>} : memref<5184xf32, #tpu.memory_space<vmem>>, vector<16xf32>,
        %add3A_490 = arith.addf %add3A_483, %get3A_489 : vector<16xf32>
        %mul3A_491 = arith.constant 16 : i32
        %mul3A_492 = arith.muli %scan3A_151, %mul3A_491 : i32
        %add3A_493 = arith.constant 3159 : i32
        %add3A_494 = arith.addi %add3A_493, %mul3A_492 : i32
        %get3A_495 = arith.index_cast %add3A_494 : i32 to index
        %get3A_496 = tpu.vector_load %arg13[%get3A_495] {strides = array<i32>} : memref<5184xf32, #tpu.memory_space<vmem>>, vector<16xf32>,
        %add3A_497 = arith.addf %add3A_490, %get3A_496 : vector<16xf32>
        %mul3A_498 = arith.constant 16 : i32
        %mul3A_499 = arith.muli %scan3A_151, %mul3A_498 : i32
        %add3A_500 = arith.constant 3240 : i32
        %add3A_501 = arith.addi %add3A_500, %mul3A_499 : i32
        %get3A_502 = arith.index_cast %add3A_501 : i32 to index
        %get3A_503 = tpu.vector_load %arg13[%get3A_502] {strides = array<i32>} : memref<5184xf32, #tpu.memory_space<vmem>>, vector<16xf32>,
        %add3A_504 = arith.addf %add3A_497, %get3A_503 : vector<16xf32>
        %mul3A_505 = arith.constant 16 : i32
        %mul3A_506 = arith.muli %scan3A_151, %mul3A_505 : i32
        %add3A_507 = arith.constant 3321 : i32
        %add3A_508 = arith.addi %add3A_507, %mul3A_506 : i32
        %get3A_509 = arith.index_cast %add3A_508 : i32 to index
        %get3A_510 = tpu.vector_load %arg13[%get3A_509] {strides = array<i32>} : memref<5184xf32, #tpu.memory_space<vmem>>, vector<16xf32>,
        %add3A_511 = arith.addf %add3A_504, %get3A_510 : vector<16xf32>
        %mul3A_512 = arith.constant 16 : i32
        %mul3A_513 = arith.muli %scan3A_151, %mul3A_512 : i32
        %add3A_514 = arith.constant 3402 : i32
        %add3A_515 = arith.addi %add3A_514, %mul3A_513 : i32
        %get3A_516 = arith.index_cast %add3A_515 : i32 to index
        %get3A_517 = tpu.vector_load %arg13[%get3A_516] {strides = array<i32>} : memref<5184xf32, #tpu.memory_space<vmem>>, vector<16xf32>,
        %add3A_518 = arith.addf %add3A_511, %get3A_517 : vector<16xf32>
        %mul3A_519 = arith.constant 16 : i32
        %mul3A_520 = arith.muli %scan3A_151, %mul3A_519 : i32
        %add3A_521 = arith.constant 3483 : i32
        %add3A_522 = arith.addi %add3A_521, %mul3A_520 : i32
        %get3A_523 = arith.index_cast %add3A_522 : i32 to index
        %get3A_524 = tpu.vector_load %arg13[%get3A_523] {strides = array<i32>} : memref<5184xf32, #tpu.memory_space<vmem>>, vector<16xf32>,
        %add3A_525 = arith.addf %add3A_518, %get3A_524 : vector<16xf32>
        %mul3A_526 = arith.constant 16 : i32
        %mul3A_527 = arith.muli %scan3A_151, %mul3A_526 : i32
        %add3A_528 = arith.constant 3564 : i32
        %add3A_529 = arith.addi %add3A_528, %mul3A_527 : i32
        %get3A_530 = arith.index_cast %add3A_529 : i32 to index
        %get3A_531 = tpu.vector_load %arg13[%get3A_530] {strides = array<i32>} : memref<5184xf32, #tpu.memory_space<vmem>>, vector<16xf32>,
        %add3A_532 = arith.addf %add3A_525, %get3A_531 : vector<16xf32>
        %mul3A_533 = arith.constant 16 : i32
        %mul3A_534 = arith.muli %scan3A_151, %mul3A_533 : i32
        %add3A_535 = arith.constant 3645 : i32
        %add3A_536 = arith.addi %add3A_535, %mul3A_534 : i32
        %get3A_537 = arith.index_cast %add3A_536 : i32 to index
        %get3A_538 = tpu.vector_load %arg13[%get3A_537] {strides = array<i32>} : memref<5184xf32, #tpu.memory_space<vmem>>, vector<16xf32>,
        %add3A_539 = arith.addf %add3A_532, %get3A_538 : vector<16xf32>
        %mul3A_540 = arith.constant 16 : i32
        %mul3A_541 = arith.muli %scan3A_151, %mul3A_540 : i32
        %add3A_542 = arith.constant 3726 : i32
        %add3A_543 = arith.addi %add3A_542, %mul3A_541 : i32
        %get3A_544 = arith.index_cast %add3A_543 : i32 to index
        %get3A_545 = tpu.vector_load %arg13[%get3A_544] {strides = array<i32>} : memref<5184xf32, #tpu.memory_space<vmem>>, vector<16xf32>,
        %add3A_546 = arith.addf %add3A_539, %get3A_545 : vector<16xf32>
        %mul3A_547 = arith.constant 16 : i32
        %mul3A_548 = arith.muli %scan3A_151, %mul3A_547 : i32
        %add3A_549 = arith.constant 3807 : i32
        %add3A_550 = arith.addi %add3A_549, %mul3A_548 : i32
        %get3A_551 = arith.index_cast %add3A_550 : i32 to index
        %get3A_552 = tpu.vector_load %arg13[%get3A_551] {strides = array<i32>} : memref<5184xf32, #tpu.memory_space<vmem>>, vector<16xf32>,
        %add3A_553 = arith.addf %add3A_546, %get3A_552 : vector<16xf32>
        %mul3A_554 = arith.constant 0.176776692 : f32
        %mul3A_555 = vector.broadcast %mul3A_554 : f32 to vector<16xf32>
        %mul3A_556 = arith.mulf %add3A_553, %mul3A_555 : vector<16xf32>
        %exp3A_557 = math.exp %mul3A_556 : vector<16xf32>
        %mul3A_558 = arith.constant 4 : i32
        %mul3A_559 = arith.muli %mul3A_71, %mul3A_558 : i32
        %add3A_560 = arith.constant 2 : i32
        %add3A_561 = arith.addi %mul3A_559, %add3A_560 : i32
        %mul3A_562 = arith.constant 80 : i32
        %mul3A_563 = arith.muli %add3A_561, %mul3A_562 : i32
        %mul3A_564 = arith.constant 16 : i32
        %mul3A_565 = arith.muli %scan3A_151, %mul3A_564 : i32
        %add3A_566 = arith.addi %mul3A_563, %mul3A_565 : i32
        %swap3A_567 = arith.index_cast %add3A_566 : i32 to index
        %swap3A_568 = tpu.vector_load %arg14[%swap3A_567] {strides = array<i32>} : memref<40000xf32, #tpu.memory_space<vmem>>, vector<16xf32>,
        tpu.vector_store %arg14[%swap3A_567], %exp3A_557 {strides = array<i32>} : memref<40000xf32, #tpu.memory_space<vmem>>, vector<16xf32>,
        %mul3A_569 = arith.constant 16 : i32
        %mul3A_570 = arith.muli %scan3A_151, %mul3A_569 : i32
        %add3A_571 = arith.constant 160 : i32
        %add3A_572 = arith.addi %add3A_571, %mul3A_570 : i32
        %swap3A_573 = arith.index_cast %add3A_572 : i32 to index
        %swap3A_574 = tpu.vector_load %arg15[%swap3A_573] {strides = array<i32>} : memref<320xf32, #tpu.memory_space<vmem>>, vector<16xf32>,
        tpu.vector_store %arg15[%swap3A_573], %exp3A_557 {strides = array<i32>} : memref<320xf32, #tpu.memory_space<vmem>>, vector<16xf32>,
        %mul3A_575 = arith.constant 4 : i32
        %mul3A_576 = vector.broadcast %mul3A_575 : i32 to vector<16xi32>
        %mul3A_577 = arith.muli %get3A_156, %mul3A_576 : vector<16xi32>
        %add3A_578 = arith.constant 2 : i32
        %add3A_579 = vector.broadcast %add3A_578 : i32 to vector<16xi32>
        %add3A_580 = arith.addi %mul3A_577, %add3A_579 : vector<16xi32>
        %mul3A_581 = arith.constant 16 : i32
        %mul3A_582 = arith.muli %scan3A_151, %mul3A_581 : i32
        %add3A_583 = arith.constant 160 : i32
        %add3A_584 = arith.addi %add3A_583, %mul3A_582 : i32
        %swap3A_585 = arith.index_cast %add3A_584 : i32 to index
        %swap3A_586 = tpu.vector_load %arg16[%swap3A_585] {strides = array<i32>} : memref<320xi32, #tpu.memory_space<vmem>>, vector<16xi32>,
        tpu.vector_store %arg16[%swap3A_585], %add3A_580 {strides = array<i32>} : memref<320xi32, #tpu.memory_space<vmem>>, vector<16xi32>,
        %mul3A_587 = arith.constant 16 : i32
        %mul3A_588 = arith.muli %scan3A_151, %mul3A_587 : i32
        %add3A_589 = arith.constant 3888 : i32
        %add3A_590 = arith.addi %add3A_589, %mul3A_588 : i32
        %get3A_591 = arith.index_cast %add3A_590 : i32 to index
        %get3A_592 = tpu.vector_load %arg13[%get3A_591] {strides = array<i32>} : memref<5184xf32, #tpu.memory_space<vmem>>, vector<16xf32>,
        %mul3A_593 = arith.constant 16 : i32
        %mul3A_594 = arith.muli %scan3A_151, %mul3A_593 : i32
        %add3A_595 = arith.constant 3969 : i32
        %add3A_596 = arith.addi %add3A_595, %mul3A_594 : i32
        %get3A_597 = arith.index_cast %add3A_596 : i32 to index
        %get3A_598 = tpu.vector_load %arg13[%get3A_597] {strides = array<i32>} : memref<5184xf32, #tpu.memory_space<vmem>>, vector<16xf32>,
        %add3A_599 = arith.addf %get3A_592, %get3A_598 : vector<16xf32>
        %mul3A_600 = arith.constant 16 : i32
        %mul3A_601 = arith.muli %scan3A_151, %mul3A_600 : i32
        %add3A_602 = arith.constant 4050 : i32
        %add3A_603 = arith.addi %add3A_602, %mul3A_601 : i32
        %get3A_604 = arith.index_cast %add3A_603 : i32 to index
        %get3A_605 = tpu.vector_load %arg13[%get3A_604] {strides = array<i32>} : memref<5184xf32, #tpu.memory_space<vmem>>, vector<16xf32>,
        %add3A_606 = arith.addf %add3A_599, %get3A_605 : vector<16xf32>
        %mul3A_607 = arith.constant 16 : i32
        %mul3A_608 = arith.muli %scan3A_151, %mul3A_607 : i32
        %add3A_609 = arith.constant 4131 : i32
        %add3A_610 = arith.addi %add3A_609, %mul3A_608 : i32
        %get3A_611 = arith.index_cast %add3A_610 : i32 to index
        %get3A_612 = tpu.vector_load %arg13[%get3A_611] {strides = array<i32>} : memref<5184xf32, #tpu.memory_space<vmem>>, vector<16xf32>,
        %add3A_613 = arith.addf %add3A_606, %get3A_612 : vector<16xf32>
        %mul3A_614 = arith.constant 16 : i32
        %mul3A_615 = arith.muli %scan3A_151, %mul3A_614 : i32
        %add3A_616 = arith.constant 4212 : i32
        %add3A_617 = arith.addi %add3A_616, %mul3A_615 : i32
        %get3A_618 = arith.index_cast %add3A_617 : i32 to index
        %get3A_619 = tpu.vector_load %arg13[%get3A_618] {strides = array<i32>} : memref<5184xf32, #tpu.memory_space<vmem>>, vector<16xf32>,
        %add3A_620 = arith.addf %add3A_613, %get3A_619 : vector<16xf32>
        %mul3A_621 = arith.constant 16 : i32
        %mul3A_622 = arith.muli %scan3A_151, %mul3A_621 : i32
        %add3A_623 = arith.constant 4293 : i32
        %add3A_624 = arith.addi %add3A_623, %mul3A_622 : i32
        %get3A_625 = arith.index_cast %add3A_624 : i32 to index
        %get3A_626 = tpu.vector_load %arg13[%get3A_625] {strides = array<i32>} : memref<5184xf32, #tpu.memory_space<vmem>>, vector<16xf32>,
        %add3A_627 = arith.addf %add3A_620, %get3A_626 : vector<16xf32>
        %mul3A_628 = arith.constant 16 : i32
        %mul3A_629 = arith.muli %scan3A_151, %mul3A_628 : i32
        %add3A_630 = arith.constant 4374 : i32
        %add3A_631 = arith.addi %add3A_630, %mul3A_629 : i32
        %get3A_632 = arith.index_cast %add3A_631 : i32 to index
        %get3A_633 = tpu.vector_load %arg13[%get3A_632] {strides = array<i32>} : memref<5184xf32, #tpu.memory_space<vmem>>, vector<16xf32>,
        %add3A_634 = arith.addf %add3A_627, %get3A_633 : vector<16xf32>
        %mul3A_635 = arith.constant 16 : i32
        %mul3A_636 = arith.muli %scan3A_151, %mul3A_635 : i32
        %add3A_637 = arith.constant 4455 : i32
        %add3A_638 = arith.addi %add3A_637, %mul3A_636 : i32
        %get3A_639 = arith.index_cast %add3A_638 : i32 to index
        %get3A_640 = tpu.vector_load %arg13[%get3A_639] {strides = array<i32>} : memref<5184xf32, #tpu.memory_space<vmem>>, vector<16xf32>,
        %add3A_641 = arith.addf %add3A_634, %get3A_640 : vector<16xf32>
        %mul3A_642 = arith.constant 16 : i32
        %mul3A_643 = arith.muli %scan3A_151, %mul3A_642 : i32
        %add3A_644 = arith.constant 4536 : i32
        %add3A_645 = arith.addi %add3A_644, %mul3A_643 : i32
        %get3A_646 = arith.index_cast %add3A_645 : i32 to index
        %get3A_647 = tpu.vector_load %arg13[%get3A_646] {strides = array<i32>} : memref<5184xf32, #tpu.memory_space<vmem>>, vector<16xf32>,
        %add3A_648 = arith.addf %add3A_641, %get3A_647 : vector<16xf32>
        %mul3A_649 = arith.constant 16 : i32
        %mul3A_650 = arith.muli %scan3A_151, %mul3A_649 : i32
        %add3A_651 = arith.constant 4617 : i32
        %add3A_652 = arith.addi %add3A_651, %mul3A_650 : i32
        %get3A_653 = arith.index_cast %add3A_652 : i32 to index
        %get3A_654 = tpu.vector_load %arg13[%get3A_653] {strides = array<i32>} : memref<5184xf32, #tpu.memory_space<vmem>>, vector<16xf32>,
        %add3A_655 = arith.addf %add3A_648, %get3A_654 : vector<16xf32>
        %mul3A_656 = arith.constant 16 : i32
        %mul3A_657 = arith.muli %scan3A_151, %mul3A_656 : i32
        %add3A_658 = arith.constant 4698 : i32
        %add3A_659 = arith.addi %add3A_658, %mul3A_657 : i32
        %get3A_660 = arith.index_cast %add3A_659 : i32 to index
        %get3A_661 = tpu.vector_load %arg13[%get3A_660] {strides = array<i32>} : memref<5184xf32, #tpu.memory_space<vmem>>, vector<16xf32>,
        %add3A_662 = arith.addf %add3A_655, %get3A_661 : vector<16xf32>
        %mul3A_663 = arith.constant 16 : i32
        %mul3A_664 = arith.muli %scan3A_151, %mul3A_663 : i32
        %add3A_665 = arith.constant 4779 : i32
        %add3A_666 = arith.addi %add3A_665, %mul3A_664 : i32
        %get3A_667 = arith.index_cast %add3A_666 : i32 to index
        %get3A_668 = tpu.vector_load %arg13[%get3A_667] {strides = array<i32>} : memref<5184xf32, #tpu.memory_space<vmem>>, vector<16xf32>,
        %add3A_669 = arith.addf %add3A_662, %get3A_668 : vector<16xf32>
        %mul3A_670 = arith.constant 16 : i32
        %mul3A_671 = arith.muli %scan3A_151, %mul3A_670 : i32
        %add3A_672 = arith.constant 4860 : i32
        %add3A_673 = arith.addi %add3A_672, %mul3A_671 : i32
        %get3A_674 = arith.index_cast %add3A_673 : i32 to index
        %get3A_675 = tpu.vector_load %arg13[%get3A_674] {strides = array<i32>} : memref<5184xf32, #tpu.memory_space<vmem>>, vector<16xf32>,
        %add3A_676 = arith.addf %add3A_669, %get3A_675 : vector<16xf32>
        %mul3A_677 = arith.constant 16 : i32
        %mul3A_678 = arith.muli %scan3A_151, %mul3A_677 : i32
        %add3A_679 = arith.constant 4941 : i32
        %add3A_680 = arith.addi %add3A_679, %mul3A_678 : i32
        %get3A_681 = arith.index_cast %add3A_680 : i32 to index
        %get3A_682 = tpu.vector_load %arg13[%get3A_681] {strides = array<i32>} : memref<5184xf32, #tpu.memory_space<vmem>>, vector<16xf32>,
        %add3A_683 = arith.addf %add3A_676, %get3A_682 : vector<16xf32>
        %mul3A_684 = arith.constant 16 : i32
        %mul3A_685 = arith.muli %scan3A_151, %mul3A_684 : i32
        %add3A_686 = arith.constant 5022 : i32
        %add3A_687 = arith.addi %add3A_686, %mul3A_685 : i32
        %get3A_688 = arith.index_cast %add3A_687 : i32 to index
        %get3A_689 = tpu.vector_load %arg13[%get3A_688] {strides = array<i32>} : memref<5184xf32, #tpu.memory_space<vmem>>, vector<16xf32>,
        %add3A_690 = arith.addf %add3A_683, %get3A_689 : vector<16xf32>
        %mul3A_691 = arith.constant 16 : i32
        %mul3A_692 = arith.muli %scan3A_151, %mul3A_691 : i32
        %add3A_693 = arith.constant 5103 : i32
        %add3A_694 = arith.addi %add3A_693, %mul3A_692 : i32
        %get3A_695 = arith.index_cast %add3A_694 : i32 to index
        %get3A_696 = tpu.vector_load %arg13[%get3A_695] {strides = array<i32>} : memref<5184xf32, #tpu.memory_space<vmem>>, vector<16xf32>,
        %add3A_697 = arith.addf %add3A_690, %get3A_696 : vector<16xf32>
        %mul3A_698 = arith.constant 0.176776692 : f32
        %mul3A_699 = vector.broadcast %mul3A_698 : f32 to vector<16xf32>
        %mul3A_700 = arith.mulf %add3A_697, %mul3A_699 : vector<16xf32>
        %exp3A_701 = math.exp %mul3A_700 : vector<16xf32>
        %mul3A_702 = arith.constant 4 : i32
        %mul3A_703 = arith.muli %mul3A_71, %mul3A_702 : i32
        %add3A_704 = arith.constant 3 : i32
        %add3A_705 = arith.addi %mul3A_703, %add3A_704 : i32
        %mul3A_706 = arith.constant 80 : i32
        %mul3A_707 = arith.muli %add3A_705, %mul3A_706 : i32
        %mul3A_708 = arith.constant 16 : i32
        %mul3A_709 = arith.muli %scan3A_151, %mul3A_708 : i32
        %add3A_710 = arith.addi %mul3A_707, %mul3A_709 : i32
        %swap3A_711 = arith.index_cast %add3A_710 : i32 to index
        %swap3A_712 = tpu.vector_load %arg14[%swap3A_711] {strides = array<i32>} : memref<40000xf32, #tpu.memory_space<vmem>>, vector<16xf32>,
        tpu.vector_store %arg14[%swap3A_711], %exp3A_701 {strides = array<i32>} : memref<40000xf32, #tpu.memory_space<vmem>>, vector<16xf32>,
        %mul3A_713 = arith.constant 16 : i32
        %mul3A_714 = arith.muli %scan3A_151, %mul3A_713 : i32
        %add3A_715 = arith.constant 240 : i32
        %add3A_716 = arith.addi %add3A_715, %mul3A_714 : i32
        %swap3A_717 = arith.index_cast %add3A_716 : i32 to index
        %swap3A_718 = tpu.vector_load %arg15[%swap3A_717] {strides = array<i32>} : memref<320xf32, #tpu.memory_space<vmem>>, vector<16xf32>,
        tpu.vector_store %arg15[%swap3A_717], %exp3A_701 {strides = array<i32>} : memref<320xf32, #tpu.memory_space<vmem>>, vector<16xf32>,
        %mul3A_719 = arith.constant 4 : i32
        %mul3A_720 = vector.broadcast %mul3A_719 : i32 to vector<16xi32>
        %mul3A_721 = arith.muli %get3A_156, %mul3A_720 : vector<16xi32>
        %add3A_722 = arith.constant 3 : i32
        %add3A_723 = vector.broadcast %add3A_722 : i32 to vector<16xi32>
        %add3A_724 = arith.addi %mul3A_721, %add3A_723 : vector<16xi32>
        %mul3A_725 = arith.constant 16 : i32
        %mul3A_726 = arith.muli %scan3A_151, %mul3A_725 : i32
        %add3A_727 = arith.constant 240 : i32
        %add3A_728 = arith.addi %add3A_727, %mul3A_726 : i32
        %swap3A_729 = arith.index_cast %add3A_728 : i32 to index
        %swap3A_730 = tpu.vector_load %arg16[%swap3A_729] {strides = array<i32>} : memref<320xi32, #tpu.memory_space<vmem>>, vector<16xi32>,
        tpu.vector_store %arg16[%swap3A_729], %add3A_724 {strides = array<i32>} : memref<320xi32, #tpu.memory_space<vmem>>, vector<16xi32>,
        %scan3A_731 = arith.constant 0 : i32
        scf.yield %scan3A_731 : i32
      }
      %scan3A_109 = arith.constant 5 : i32
      "tpu.region"() ({
        %run_scoped3A = tpu.sem_alloc : memref<!tpu.dma_semaphore, #tpu.memory_space<semaphore_mem>>
        %dma_start3A_151 = arith.constant 0 : i32
        %dma_start3A_152 = tpu.memref_slice %arg18[%dma_start3A_151] : memref<40000xf32, #tpu.memory_space<vmem_shared>> -> memref<40000xf32, #tpu.memory_space<vmem_shared>>
        tpu.enqueue_indirect_dma source(%arg15 : memref<320xf32, #tpu.memory_space<vmem>>) target(%dma_start3A_152 : memref<40000xf32, #tpu.memory_space<vmem_shared>>) offsets(%arg16 : memref<320xi32, #tpu.memory_space<vmem>>) semaphore(%run_scoped3A : memref<!tpu.dma_semaphore, #tpu.memory_space<semaphore_mem>>) {add = true}
        %dma_wait3A_153 = arith.constant 0 : i32
        %dma_wait3A_154 = tpu.memref_slice %arg18[%dma_wait3A_153] : memref<40000xf32, #tpu.memory_space<vmem_shared>> -> memref<40000xf32, #tpu.memory_space<vmem_shared>>
        tpu.wait_indirect_dma semaphore(%run_scoped3A : memref<!tpu.dma_semaphore, #tpu.memory_space<semaphore_mem>>) src(%arg15 : memref<320xf32, #tpu.memory_space<vmem>>) dst(%dma_wait3A_154 : memref<40000xf32, #tpu.memory_space<vmem_shared>>)
        tpu.yield
      }) : () -> ()
      %add3A_110 = arith.constant 2 : i32
      %add3A_111 = arith.addi %mul3A_71, %add3A_110 : i32
      %mul3A_112 = arith.constant 80 : i32
      %mul3A_113 = arith.muli %add3A_111, %mul3A_112 : i32
      %dma_start3A_114 = tpu.memref_slice %arg7[%mul3A_113] : memref<10000xi32, #tpu.memory_space<vmem>> -> memref<80xi32, #tpu.memory_space<vmem>>
      %dma_start3A_115 = arith.constant 0 : i32
      %dma_start3A_116 = arith.constant 0 : i32
      %dma_start3A_117 = tpu.memref_slice %arg2[%dma_start3A_115, %dma_start3A_116] : memref<10000x128xf32, #tpu.memory_space<hbm>> -> memref<10000x128xf32, #tpu.memory_space<hbm>>
      tpu.enqueue_indirect_dma source(%dma_start3A_117 : memref<10000x128xf32, #tpu.memory_space<hbm>>) target(%arg9 : memref<80x128xf32, #tpu.memory_space<vmem>>) offsets(%dma_start3A_114 : memref<80xi32, #tpu.memory_space<vmem>>) semaphore(%arg19 : memref<!tpu.dma_semaphore, #tpu.memory_space<semaphore_mem>>)
      %dma_start3A_118 = tpu.memref_slice %arg8[%mul3A_113] : memref<10000xi32, #tpu.memory_space<vmem>> -> memref<80xi32, #tpu.memory_space<vmem>>
      %dma_start3A_119 = arith.constant 0 : i32
      %dma_start3A_120 = arith.constant 0 : i32
      %dma_start3A_121 = tpu.memref_slice %arg2[%dma_start3A_119, %dma_start3A_120] : memref<10000x128xf32, #tpu.memory_space<hbm>> -> memref<10000x128xf32, #tpu.memory_space<hbm>>
      tpu.enqueue_indirect_dma source(%dma_start3A_121 : memref<10000x128xf32, #tpu.memory_space<hbm>>) target(%arg10 : memref<80x128xf32, #tpu.memory_space<vmem>>) offsets(%dma_start3A_118 : memref<80xi32, #tpu.memory_space<vmem>>) semaphore(%arg19 : memref<!tpu.dma_semaphore, #tpu.memory_space<semaphore_mem>>)
      %dma_wait3A_122 = arith.constant 0 : i32
      %dma_wait3A_123 = tpu.memref_slice %arg7[%dma_wait3A_122] : memref<10000xi32, #tpu.memory_space<vmem>> -> memref<80xi32, #tpu.memory_space<vmem>>
      %dma_wait3A_124 = arith.constant 0 : i32
      %dma_wait3A_125 = arith.constant 0 : i32
      %dma_wait3A_126 = tpu.memref_slice %arg2[%dma_wait3A_124, %dma_wait3A_125] : memref<10000x128xf32, #tpu.memory_space<hbm>> -> memref<10000x128xf32, #tpu.memory_space<hbm>>
      tpu.wait_indirect_dma semaphore(%arg20 : memref<!tpu.dma_semaphore, #tpu.memory_space<semaphore_mem>>) src(%dma_wait3A_126 : memref<10000x128xf32, #tpu.memory_space<hbm>>) dst(%arg11 : memref<80x128xf32, #tpu.memory_space<vmem>>)
      %dma_wait3A_127 = arith.constant 0 : i32
      %dma_wait3A_128 = tpu.memref_slice %arg8[%dma_wait3A_127] : memref<10000xi32, #tpu.memory_space<vmem>> -> memref<80xi32, #tpu.memory_space<vmem>>
      %dma_wait3A_129 = arith.constant 0 : i32
      %dma_wait3A_130 = arith.constant 0 : i32
      %dma_wait3A_131 = tpu.memref_slice %arg2[%dma_wait3A_129, %dma_wait3A_130] : memref<10000x128xf32, #tpu.memory_space<hbm>> -> memref<10000x128xf32, #tpu.memory_space<hbm>>
      tpu.wait_indirect_dma semaphore(%arg20 : memref<!tpu.dma_semaphore, #tpu.memory_space<semaphore_mem>>) src(%dma_wait3A_131 : memref<10000x128xf32, #tpu.memory_space<hbm>>) dst(%arg12 : memref<80x128xf32, #tpu.memory_space<vmem>>)
      %add3A_132 = arith.constant 1 : i32
      %add3A_133 = arith.addi %mul3A_71, %add3A_132 : i32
      %mul3A_134 = arith.constant 80 : i32
      %mul3A_135 = arith.muli %add3A_133, %mul3A_134 : i32
      %scan3A_136 = arith.constant 0 : i32
      %scan3A_137 = arith.constant 0 : i32
      %scan3A_138 = arith.constant 80 : i32
      %scan3A_139 = arith.addi %scan3A_137, %scan3A_138 : i32
      %scan3A_140 = arith.constant 1 : i32
      %scan3A_141 = scf.for %scan3A_151 = %scan3A_137 to %scan3A_139 step %scan3A_140 iter_args(%scan3A_152 = %scan3A_136) -> (i32)  : i32 {
        %get3A = arith.index_cast %scan3A_151 : i32 to index
        %get3A_153 = arith.constant 0 : index
        %get3A_154 = tpu.vector_load %arg11[%get3A, %get3A_153] {strides = array<i32>} : memref<80x128xf32, #tpu.memory_space<vmem>>, vector<16xf32>,
        %get3A_155 = arith.index_cast %scan3A_151 : i32 to index
        %get3A_156 = arith.constant 0 : index
        %get3A_157 = tpu.vector_load %arg12[%get3A_155, %get3A_156] {strides = array<i32>} : memref<80x128xf32, #tpu.memory_space<vmem>>, vector<16xf32>,
        %mul3A_158 = arith.mulf %get3A_154, %get3A_157 : vector<16xf32>
        %get3A_159 = arith.index_cast %scan3A_151 : i32 to index
        %get3A_160 = arith.constant 16 : index
        %get3A_161 = tpu.vector_load %arg11[%get3A_159, %get3A_160] {strides = array<i32>} : memref<80x128xf32, #tpu.memory_space<vmem>>, vector<16xf32>,
        %get3A_162 = arith.index_cast %scan3A_151 : i32 to index
        %get3A_163 = arith.constant 16 : index
        %get3A_164 = tpu.vector_load %arg12[%get3A_162, %get3A_163] {strides = array<i32>} : memref<80x128xf32, #tpu.memory_space<vmem>>, vector<16xf32>,
        %mul3A_165 = arith.mulf %get3A_161, %get3A_164 : vector<16xf32>
        %add3A_166 = arith.addf %mul3A_158, %mul3A_165 : vector<16xf32>
        %add3A_167 = arith.constant 0 : i32
        %add3A_168 = arith.addi %add3A_167, %scan3A_151 : i32
        %add3A_169 = vector.broadcast %add3A_168 : i32 to vector<16xi32>
        %add3A_170 = arith.addi %mul3A_18, %add3A_169 : vector<16xi32>
        tpu.vector_store_idx %arg13[%add3A_170], %add3A_166 : memref<5184xf32, #tpu.memory_space<vmem>>[vector<16xi32>], vector<16xf32>,
        %get3A_171 = arith.index_cast %scan3A_151 : i32 to index
        %get3A_172 = arith.constant 32 : index
        %get3A_173 = tpu.vector_load %arg11[%get3A_171, %get3A_172] {strides = array<i32>} : memref<80x128xf32, #tpu.memory_space<vmem>>, vector<16xf32>,
        %get3A_174 = arith.index_cast %scan3A_151 : i32 to index
        %get3A_175 = arith.constant 32 : index
        %get3A_176 = tpu.vector_load %arg12[%get3A_174, %get3A_175] {strides = array<i32>} : memref<80x128xf32, #tpu.memory_space<vmem>>, vector<16xf32>,
        %mul3A_177 = arith.mulf %get3A_173, %get3A_176 : vector<16xf32>
        %get3A_178 = arith.index_cast %scan3A_151 : i32 to index
        %get3A_179 = arith.constant 48 : index
        %get3A_180 = tpu.vector_load %arg11[%get3A_178, %get3A_179] {strides = array<i32>} : memref<80x128xf32, #tpu.memory_space<vmem>>, vector<16xf32>,
        %get3A_181 = arith.index_cast %scan3A_151 : i32 to index
        %get3A_182 = arith.constant 48 : index
        %get3A_183 = tpu.vector_load %arg12[%get3A_181, %get3A_182] {strides = array<i32>} : memref<80x128xf32, #tpu.memory_space<vmem>>, vector<16xf32>,
        %mul3A_184 = arith.mulf %get3A_180, %get3A_183 : vector<16xf32>
        %add3A_185 = arith.addf %mul3A_177, %mul3A_184 : vector<16xf32>
        %add3A_186 = arith.constant 1296 : i32
        %add3A_187 = arith.addi %add3A_186, %scan3A_151 : i32
        %add3A_188 = vector.broadcast %add3A_187 : i32 to vector<16xi32>
        %add3A_189 = arith.addi %mul3A_18, %add3A_188 : vector<16xi32>
        tpu.vector_store_idx %arg13[%add3A_189], %add3A_185 : memref<5184xf32, #tpu.memory_space<vmem>>[vector<16xi32>], vector<16xf32>,
        %get3A_190 = arith.index_cast %scan3A_151 : i32 to index
        %get3A_191 = arith.constant 64 : index
        %get3A_192 = tpu.vector_load %arg11[%get3A_190, %get3A_191] {strides = array<i32>} : memref<80x128xf32, #tpu.memory_space<vmem>>, vector<16xf32>,
        %get3A_193 = arith.index_cast %scan3A_151 : i32 to index
        %get3A_194 = arith.constant 64 : index
        %get3A_195 = tpu.vector_load %arg12[%get3A_193, %get3A_194] {strides = array<i32>} : memref<80x128xf32, #tpu.memory_space<vmem>>, vector<16xf32>,
        %mul3A_196 = arith.mulf %get3A_192, %get3A_195 : vector<16xf32>
        %get3A_197 = arith.index_cast %scan3A_151 : i32 to index
        %get3A_198 = arith.constant 80 : index
        %get3A_199 = tpu.vector_load %arg11[%get3A_197, %get3A_198] {strides = array<i32>} : memref<80x128xf32, #tpu.memory_space<vmem>>, vector<16xf32>,
        %get3A_200 = arith.index_cast %scan3A_151 : i32 to index
        %get3A_201 = arith.constant 80 : index
        %get3A_202 = tpu.vector_load %arg12[%get3A_200, %get3A_201] {strides = array<i32>} : memref<80x128xf32, #tpu.memory_space<vmem>>, vector<16xf32>,
        %mul3A_203 = arith.mulf %get3A_199, %get3A_202 : vector<16xf32>
        %add3A_204 = arith.addf %mul3A_196, %mul3A_203 : vector<16xf32>
        %add3A_205 = arith.constant 2592 : i32
        %add3A_206 = arith.addi %add3A_205, %scan3A_151 : i32
        %add3A_207 = vector.broadcast %add3A_206 : i32 to vector<16xi32>
        %add3A_208 = arith.addi %mul3A_18, %add3A_207 : vector<16xi32>
        tpu.vector_store_idx %arg13[%add3A_208], %add3A_204 : memref<5184xf32, #tpu.memory_space<vmem>>[vector<16xi32>], vector<16xf32>,
        %get3A_209 = arith.index_cast %scan3A_151 : i32 to index
        %get3A_210 = arith.constant 96 : index
        %get3A_211 = tpu.vector_load %arg11[%get3A_209, %get3A_210] {strides = array<i32>} : memref<80x128xf32, #tpu.memory_space<vmem>>, vector<16xf32>,
        %get3A_212 = arith.index_cast %scan3A_151 : i32 to index
        %get3A_213 = arith.constant 96 : index
        %get3A_214 = tpu.vector_load %arg12[%get3A_212, %get3A_213] {strides = array<i32>} : memref<80x128xf32, #tpu.memory_space<vmem>>, vector<16xf32>,
        %mul3A_215 = arith.mulf %get3A_211, %get3A_214 : vector<16xf32>
        %get3A_216 = arith.index_cast %scan3A_151 : i32 to index
        %get3A_217 = arith.constant 112 : index
        %get3A_218 = tpu.vector_load %arg11[%get3A_216, %get3A_217] {strides = array<i32>} : memref<80x128xf32, #tpu.memory_space<vmem>>, vector<16xf32>,
        %get3A_219 = arith.index_cast %scan3A_151 : i32 to index
        %get3A_220 = arith.constant 112 : index
        %get3A_221 = tpu.vector_load %arg12[%get3A_219, %get3A_220] {strides = array<i32>} : memref<80x128xf32, #tpu.memory_space<vmem>>, vector<16xf32>,
        %mul3A_222 = arith.mulf %get3A_218, %get3A_221 : vector<16xf32>
        %add3A_223 = arith.addf %mul3A_215, %mul3A_222 : vector<16xf32>
        %add3A_224 = arith.constant 3888 : i32
        %add3A_225 = arith.addi %add3A_224, %scan3A_151 : i32
        %add3A_226 = vector.broadcast %add3A_225 : i32 to vector<16xi32>
        %add3A_227 = arith.addi %mul3A_18, %add3A_226 : vector<16xi32>
        tpu.vector_store_idx %arg13[%add3A_227], %add3A_223 : memref<5184xf32, #tpu.memory_space<vmem>>[vector<16xi32>], vector<16xf32>,
        %scan3A_228 = arith.constant 0 : i32
        scf.yield %scan3A_228 : i32
      }
      %scan3A_142 = arith.constant 80 : i32
      %scan3A_143 = arith.constant 0 : i32
      %scan3A_144 = arith.constant 0 : i32
      %scan3A_145 = arith.constant 5 : i32
      %scan3A_146 = arith.addi %scan3A_144, %scan3A_145 : i32
      %scan3A_147 = arith.constant 1 : i32
      %scan3A_148 = scf.for %scan3A_151 = %scan3A_144 to %scan3A_146 step %scan3A_147 iter_args(%scan3A_152 = %scan3A_143) -> (i32)  : i32 {
        %mul3A_153 = arith.constant 16 : i32
        %mul3A_154 = arith.muli %scan3A_151, %mul3A_153 : i32
        %add3A_155 = arith.addi %mul3A_135, %mul3A_154 : i32
        %get3A = arith.index_cast %add3A_155 : i32 to index
        %get3A_156 = tpu.vector_load %arg8[%get3A] {strides = array<i32>} : memref<10000xi32, #tpu.memory_space<vmem>>, vector<16xi32>,
        %mul3A_157 = arith.constant 16 : i32
        %mul3A_158 = arith.muli %scan3A_151, %mul3A_157 : i32
        %add3A_159 = arith.constant 0 : i32
        %add3A_160 = arith.addi %add3A_159, %mul3A_158 : i32
        %get3A_161 = arith.index_cast %add3A_160 : i32 to index
        %get3A_162 = tpu.vector_load %arg13[%get3A_161] {strides = array<i32>} : memref<5184xf32, #tpu.memory_space<vmem>>, vector<16xf32>,
        %mul3A_163 = arith.constant 16 : i32
        %mul3A_164 = arith.muli %scan3A_151, %mul3A_163 : i32
        %add3A_165 = arith.constant 81 : i32
        %add3A_166 = arith.addi %add3A_165, %mul3A_164 : i32
        %get3A_167 = arith.index_cast %add3A_166 : i32 to index
        %get3A_168 = tpu.vector_load %arg13[%get3A_167] {strides = array<i32>} : memref<5184xf32, #tpu.memory_space<vmem>>, vector<16xf32>,
        %add3A_169 = arith.addf %get3A_162, %get3A_168 : vector<16xf32>
        %mul3A_170 = arith.constant 16 : i32
        %mul3A_171 = arith.muli %scan3A_151, %mul3A_170 : i32
        %add3A_172 = arith.constant 162 : i32
        %add3A_173 = arith.addi %add3A_172, %mul3A_171 : i32
        %get3A_174 = arith.index_cast %add3A_173 : i32 to index
        %get3A_175 = tpu.vector_load %arg13[%get3A_174] {strides = array<i32>} : memref<5184xf32, #tpu.memory_space<vmem>>, vector<16xf32>,
        %add3A_176 = arith.addf %add3A_169, %get3A_175 : vector<16xf32>
        %mul3A_177 = arith.constant 16 : i32
        %mul3A_178 = arith.muli %scan3A_151, %mul3A_177 : i32
        %add3A_179 = arith.constant 243 : i32
        %add3A_180 = arith.addi %add3A_179, %mul3A_178 : i32
        %get3A_181 = arith.index_cast %add3A_180 : i32 to index
        %get3A_182 = tpu.vector_load %arg13[%get3A_181] {strides = array<i32>} : memref<5184xf32, #tpu.memory_space<vmem>>, vector<16xf32>,
        %add3A_183 = arith.addf %add3A_176, %get3A_182 : vector<16xf32>
        %mul3A_184 = arith.constant 16 : i32
        %mul3A_185 = arith.muli %scan3A_151, %mul3A_184 : i32
        %add3A_186 = arith.constant 324 : i32
        %add3A_187 = arith.addi %add3A_186, %mul3A_185 : i32
        %get3A_188 = arith.index_cast %add3A_187 : i32 to index
        %get3A_189 = tpu.vector_load %arg13[%get3A_188] {strides = array<i32>} : memref<5184xf32, #tpu.memory_space<vmem>>, vector<16xf32>,
        %add3A_190 = arith.addf %add3A_183, %get3A_189 : vector<16xf32>
        %mul3A_191 = arith.constant 16 : i32
        %mul3A_192 = arith.muli %scan3A_151, %mul3A_191 : i32
        %add3A_193 = arith.constant 405 : i32
        %add3A_194 = arith.addi %add3A_193, %mul3A_192 : i32
        %get3A_195 = arith.index_cast %add3A_194 : i32 to index
        %get3A_196 = tpu.vector_load %arg13[%get3A_195] {strides = array<i32>} : memref<5184xf32, #tpu.memory_space<vmem>>, vector<16xf32>,
        %add3A_197 = arith.addf %add3A_190, %get3A_196 : vector<16xf32>
        %mul3A_198 = arith.constant 16 : i32
        %mul3A_199 = arith.muli %scan3A_151, %mul3A_198 : i32
        %add3A_200 = arith.constant 486 : i32
        %add3A_201 = arith.addi %add3A_200, %mul3A_199 : i32
        %get3A_202 = arith.index_cast %add3A_201 : i32 to index
        %get3A_203 = tpu.vector_load %arg13[%get3A_202] {strides = array<i32>} : memref<5184xf32, #tpu.memory_space<vmem>>, vector<16xf32>,
        %add3A_204 = arith.addf %add3A_197, %get3A_203 : vector<16xf32>
        %mul3A_205 = arith.constant 16 : i32
        %mul3A_206 = arith.muli %scan3A_151, %mul3A_205 : i32
        %add3A_207 = arith.constant 567 : i32
        %add3A_208 = arith.addi %add3A_207, %mul3A_206 : i32
        %get3A_209 = arith.index_cast %add3A_208 : i32 to index
        %get3A_210 = tpu.vector_load %arg13[%get3A_209] {strides = array<i32>} : memref<5184xf32, #tpu.memory_space<vmem>>, vector<16xf32>,
        %add3A_211 = arith.addf %add3A_204, %get3A_210 : vector<16xf32>
        %mul3A_212 = arith.constant 16 : i32
        %mul3A_213 = arith.muli %scan3A_151, %mul3A_212 : i32
        %add3A_214 = arith.constant 648 : i32
        %add3A_215 = arith.addi %add3A_214, %mul3A_213 : i32
        %get3A_216 = arith.index_cast %add3A_215 : i32 to index
        %get3A_217 = tpu.vector_load %arg13[%get3A_216] {strides = array<i32>} : memref<5184xf32, #tpu.memory_space<vmem>>, vector<16xf32>,
        %add3A_218 = arith.addf %add3A_211, %get3A_217 : vector<16xf32>
        %mul3A_219 = arith.constant 16 : i32
        %mul3A_220 = arith.muli %scan3A_151, %mul3A_219 : i32
        %add3A_221 = arith.constant 729 : i32
        %add3A_222 = arith.addi %add3A_221, %mul3A_220 : i32
        %get3A_223 = arith.index_cast %add3A_222 : i32 to index
        %get3A_224 = tpu.vector_load %arg13[%get3A_223] {strides = array<i32>} : memref<5184xf32, #tpu.memory_space<vmem>>, vector<16xf32>,
        %add3A_225 = arith.addf %add3A_218, %get3A_224 : vector<16xf32>
        %mul3A_226 = arith.constant 16 : i32
        %mul3A_227 = arith.muli %scan3A_151, %mul3A_226 : i32
        %add3A_228 = arith.constant 810 : i32
        %add3A_229 = arith.addi %add3A_228, %mul3A_227 : i32
        %get3A_230 = arith.index_cast %add3A_229 : i32 to index
        %get3A_231 = tpu.vector_load %arg13[%get3A_230] {strides = array<i32>} : memref<5184xf32, #tpu.memory_space<vmem>>, vector<16xf32>,
        %add3A_232 = arith.addf %add3A_225, %get3A_231 : vector<16xf32>
        %mul3A_233 = arith.constant 16 : i32
        %mul3A_234 = arith.muli %scan3A_151, %mul3A_233 : i32
        %add3A_235 = arith.constant 891 : i32
        %add3A_236 = arith.addi %add3A_235, %mul3A_234 : i32
        %get3A_237 = arith.index_cast %add3A_236 : i32 to index
        %get3A_238 = tpu.vector_load %arg13[%get3A_237] {strides = array<i32>} : memref<5184xf32, #tpu.memory_space<vmem>>, vector<16xf32>,
        %add3A_239 = arith.addf %add3A_232, %get3A_238 : vector<16xf32>
        %mul3A_240 = arith.constant 16 : i32
        %mul3A_241 = arith.muli %scan3A_151, %mul3A_240 : i32
        %add3A_242 = arith.constant 972 : i32
        %add3A_243 = arith.addi %add3A_242, %mul3A_241 : i32
        %get3A_244 = arith.index_cast %add3A_243 : i32 to index
        %get3A_245 = tpu.vector_load %arg13[%get3A_244] {strides = array<i32>} : memref<5184xf32, #tpu.memory_space<vmem>>, vector<16xf32>,
        %add3A_246 = arith.addf %add3A_239, %get3A_245 : vector<16xf32>
        %mul3A_247 = arith.constant 16 : i32
        %mul3A_248 = arith.muli %scan3A_151, %mul3A_247 : i32
        %add3A_249 = arith.constant 1053 : i32
        %add3A_250 = arith.addi %add3A_249, %mul3A_248 : i32
        %get3A_251 = arith.index_cast %add3A_250 : i32 to index
        %get3A_252 = tpu.vector_load %arg13[%get3A_251] {strides = array<i32>} : memref<5184xf32, #tpu.memory_space<vmem>>, vector<16xf32>,
        %add3A_253 = arith.addf %add3A_246, %get3A_252 : vector<16xf32>
        %mul3A_254 = arith.constant 16 : i32
        %mul3A_255 = arith.muli %scan3A_151, %mul3A_254 : i32
        %add3A_256 = arith.constant 1134 : i32
        %add3A_257 = arith.addi %add3A_256, %mul3A_255 : i32
        %get3A_258 = arith.index_cast %add3A_257 : i32 to index
        %get3A_259 = tpu.vector_load %arg13[%get3A_258] {strides = array<i32>} : memref<5184xf32, #tpu.memory_space<vmem>>, vector<16xf32>,
        %add3A_260 = arith.addf %add3A_253, %get3A_259 : vector<16xf32>
        %mul3A_261 = arith.constant 16 : i32
        %mul3A_262 = arith.muli %scan3A_151, %mul3A_261 : i32
        %add3A_263 = arith.constant 1215 : i32
        %add3A_264 = arith.addi %add3A_263, %mul3A_262 : i32
        %get3A_265 = arith.index_cast %add3A_264 : i32 to index
        %get3A_266 = tpu.vector_load %arg13[%get3A_265] {strides = array<i32>} : memref<5184xf32, #tpu.memory_space<vmem>>, vector<16xf32>,
        %add3A_267 = arith.addf %add3A_260, %get3A_266 : vector<16xf32>
        %mul3A_268 = arith.constant 0.176776692 : f32
        %mul3A_269 = vector.broadcast %mul3A_268 : f32 to vector<16xf32>
        %mul3A_270 = arith.mulf %add3A_267, %mul3A_269 : vector<16xf32>
        %exp3A = math.exp %mul3A_270 : vector<16xf32>
        %mul3A_271 = arith.constant 4 : i32
        %mul3A_272 = arith.muli %add3A_133, %mul3A_271 : i32
        %add3A_273 = arith.constant 0 : i32
        %add3A_274 = arith.addi %mul3A_272, %add3A_273 : i32
        %mul3A_275 = arith.constant 80 : i32
        %mul3A_276 = arith.muli %add3A_274, %mul3A_275 : i32
        %mul3A_277 = arith.constant 16 : i32
        %mul3A_278 = arith.muli %scan3A_151, %mul3A_277 : i32
        %add3A_279 = arith.addi %mul3A_276, %mul3A_278 : i32
        %swap3A = arith.index_cast %add3A_279 : i32 to index
        %swap3A_280 = tpu.vector_load %arg14[%swap3A] {strides = array<i32>} : memref<40000xf32, #tpu.memory_space<vmem>>, vector<16xf32>,
        tpu.vector_store %arg14[%swap3A], %exp3A {strides = array<i32>} : memref<40000xf32, #tpu.memory_space<vmem>>, vector<16xf32>,
        %mul3A_281 = arith.constant 16 : i32
        %mul3A_282 = arith.muli %scan3A_151, %mul3A_281 : i32
        %add3A_283 = arith.constant 0 : i32
        %add3A_284 = arith.addi %add3A_283, %mul3A_282 : i32
        %swap3A_285 = arith.index_cast %add3A_284 : i32 to index
        %swap3A_286 = tpu.vector_load %arg15[%swap3A_285] {strides = array<i32>} : memref<320xf32, #tpu.memory_space<vmem>>, vector<16xf32>,
        tpu.vector_store %arg15[%swap3A_285], %exp3A {strides = array<i32>} : memref<320xf32, #tpu.memory_space<vmem>>, vector<16xf32>,
        %mul3A_287 = arith.constant 4 : i32
        %mul3A_288 = vector.broadcast %mul3A_287 : i32 to vector<16xi32>
        %mul3A_289 = arith.muli %get3A_156, %mul3A_288 : vector<16xi32>
        %add3A_290 = arith.constant 0 : i32
        %add3A_291 = vector.broadcast %add3A_290 : i32 to vector<16xi32>
        %add3A_292 = arith.addi %mul3A_289, %add3A_291 : vector<16xi32>
        %mul3A_293 = arith.constant 16 : i32
        %mul3A_294 = arith.muli %scan3A_151, %mul3A_293 : i32
        %add3A_295 = arith.constant 0 : i32
        %add3A_296 = arith.addi %add3A_295, %mul3A_294 : i32
        %swap3A_297 = arith.index_cast %add3A_296 : i32 to index
        %swap3A_298 = tpu.vector_load %arg16[%swap3A_297] {strides = array<i32>} : memref<320xi32, #tpu.memory_space<vmem>>, vector<16xi32>,
        tpu.vector_store %arg16[%swap3A_297], %add3A_292 {strides = array<i32>} : memref<320xi32, #tpu.memory_space<vmem>>, vector<16xi32>,
        %mul3A_299 = arith.constant 16 : i32
        %mul3A_300 = arith.muli %scan3A_151, %mul3A_299 : i32
        %add3A_301 = arith.constant 1296 : i32
        %add3A_302 = arith.addi %add3A_301, %mul3A_300 : i32
        %get3A_303 = arith.index_cast %add3A_302 : i32 to index
        %get3A_304 = tpu.vector_load %arg13[%get3A_303] {strides = array<i32>} : memref<5184xf32, #tpu.memory_space<vmem>>, vector<16xf32>,
        %mul3A_305 = arith.constant 16 : i32
        %mul3A_306 = arith.muli %scan3A_151, %mul3A_305 : i32
        %add3A_307 = arith.constant 1377 : i32
        %add3A_308 = arith.addi %add3A_307, %mul3A_306 : i32
        %get3A_309 = arith.index_cast %add3A_308 : i32 to index
        %get3A_310 = tpu.vector_load %arg13[%get3A_309] {strides = array<i32>} : memref<5184xf32, #tpu.memory_space<vmem>>, vector<16xf32>,
        %add3A_311 = arith.addf %get3A_304, %get3A_310 : vector<16xf32>
        %mul3A_312 = arith.constant 16 : i32
        %mul3A_313 = arith.muli %scan3A_151, %mul3A_312 : i32
        %add3A_314 = arith.constant 1458 : i32
        %add3A_315 = arith.addi %add3A_314, %mul3A_313 : i32
        %get3A_316 = arith.index_cast %add3A_315 : i32 to index
        %get3A_317 = tpu.vector_load %arg13[%get3A_316] {strides = array<i32>} : memref<5184xf32, #tpu.memory_space<vmem>>, vector<16xf32>,
        %add3A_318 = arith.addf %add3A_311, %get3A_317 : vector<16xf32>
        %mul3A_319 = arith.constant 16 : i32
        %mul3A_320 = arith.muli %scan3A_151, %mul3A_319 : i32
        %add3A_321 = arith.constant 1539 : i32
        %add3A_322 = arith.addi %add3A_321, %mul3A_320 : i32
        %get3A_323 = arith.index_cast %add3A_322 : i32 to index
        %get3A_324 = tpu.vector_load %arg13[%get3A_323] {strides = array<i32>} : memref<5184xf32, #tpu.memory_space<vmem>>, vector<16xf32>,
        %add3A_325 = arith.addf %add3A_318, %get3A_324 : vector<16xf32>
        %mul3A_326 = arith.constant 16 : i32
        %mul3A_327 = arith.muli %scan3A_151, %mul3A_326 : i32
        %add3A_328 = arith.constant 1620 : i32
        %add3A_329 = arith.addi %add3A_328, %mul3A_327 : i32
        %get3A_330 = arith.index_cast %add3A_329 : i32 to index
        %get3A_331 = tpu.vector_load %arg13[%get3A_330] {strides = array<i32>} : memref<5184xf32, #tpu.memory_space<vmem>>, vector<16xf32>,
        %add3A_332 = arith.addf %add3A_325, %get3A_331 : vector<16xf32>
        %mul3A_333 = arith.constant 16 : i32
        %mul3A_334 = arith.muli %scan3A_151, %mul3A_333 : i32
        %add3A_335 = arith.constant 1701 : i32
        %add3A_336 = arith.addi %add3A_335, %mul3A_334 : i32
        %get3A_337 = arith.index_cast %add3A_336 : i32 to index
        %get3A_338 = tpu.vector_load %arg13[%get3A_337] {strides = array<i32>} : memref<5184xf32, #tpu.memory_space<vmem>>, vector<16xf32>,
        %add3A_339 = arith.addf %add3A_332, %get3A_338 : vector<16xf32>
        %mul3A_340 = arith.constant 16 : i32
        %mul3A_341 = arith.muli %scan3A_151, %mul3A_340 : i32
        %add3A_342 = arith.constant 1782 : i32
        %add3A_343 = arith.addi %add3A_342, %mul3A_341 : i32
        %get3A_344 = arith.index_cast %add3A_343 : i32 to index
        %get3A_345 = tpu.vector_load %arg13[%get3A_344] {strides = array<i32>} : memref<5184xf32, #tpu.memory_space<vmem>>, vector<16xf32>,
        %add3A_346 = arith.addf %add3A_339, %get3A_345 : vector<16xf32>
        %mul3A_347 = arith.constant 16 : i32
        %mul3A_348 = arith.muli %scan3A_151, %mul3A_347 : i32
        %add3A_349 = arith.constant 1863 : i32
        %add3A_350 = arith.addi %add3A_349, %mul3A_348 : i32
        %get3A_351 = arith.index_cast %add3A_350 : i32 to index
        %get3A_352 = tpu.vector_load %arg13[%get3A_351] {strides = array<i32>} : memref<5184xf32, #tpu.memory_space<vmem>>, vector<16xf32>,
        %add3A_353 = arith.addf %add3A_346, %get3A_352 : vector<16xf32>
        %mul3A_354 = arith.constant 16 : i32
        %mul3A_355 = arith.muli %scan3A_151, %mul3A_354 : i32
        %add3A_356 = arith.constant 1944 : i32
        %add3A_357 = arith.addi %add3A_356, %mul3A_355 : i32
        %get3A_358 = arith.index_cast %add3A_357 : i32 to index
        %get3A_359 = tpu.vector_load %arg13[%get3A_358] {strides = array<i32>} : memref<5184xf32, #tpu.memory_space<vmem>>, vector<16xf32>,
        %add3A_360 = arith.addf %add3A_353, %get3A_359 : vector<16xf32>
        %mul3A_361 = arith.constant 16 : i32
        %mul3A_362 = arith.muli %scan3A_151, %mul3A_361 : i32
        %add3A_363 = arith.constant 2025 : i32
        %add3A_364 = arith.addi %add3A_363, %mul3A_362 : i32
        %get3A_365 = arith.index_cast %add3A_364 : i32 to index
        %get3A_366 = tpu.vector_load %arg13[%get3A_365] {strides = array<i32>} : memref<5184xf32, #tpu.memory_space<vmem>>, vector<16xf32>,
        %add3A_367 = arith.addf %add3A_360, %get3A_366 : vector<16xf32>
        %mul3A_368 = arith.constant 16 : i32
        %mul3A_369 = arith.muli %scan3A_151, %mul3A_368 : i32
        %add3A_370 = arith.constant 2106 : i32
        %add3A_371 = arith.addi %add3A_370, %mul3A_369 : i32
        %get3A_372 = arith.index_cast %add3A_371 : i32 to index
        %get3A_373 = tpu.vector_load %arg13[%get3A_372] {strides = array<i32>} : memref<5184xf32, #tpu.memory_space<vmem>>, vector<16xf32>,
        %add3A_374 = arith.addf %add3A_367, %get3A_373 : vector<16xf32>
        %mul3A_375 = arith.constant 16 : i32
        %mul3A_376 = arith.muli %scan3A_151, %mul3A_375 : i32
        %add3A_377 = arith.constant 2187 : i32
        %add3A_378 = arith.addi %add3A_377, %mul3A_376 : i32
        %get3A_379 = arith.index_cast %add3A_378 : i32 to index
        %get3A_380 = tpu.vector_load %arg13[%get3A_379] {strides = array<i32>} : memref<5184xf32, #tpu.memory_space<vmem>>, vector<16xf32>,
        %add3A_381 = arith.addf %add3A_374, %get3A_380 : vector<16xf32>
        %mul3A_382 = arith.constant 16 : i32
        %mul3A_383 = arith.muli %scan3A_151, %mul3A_382 : i32
        %add3A_384 = arith.constant 2268 : i32
        %add3A_385 = arith.addi %add3A_384, %mul3A_383 : i32
        %get3A_386 = arith.index_cast %add3A_385 : i32 to index
        %get3A_387 = tpu.vector_load %arg13[%get3A_386] {strides = array<i32>} : memref<5184xf32, #tpu.memory_space<vmem>>, vector<16xf32>,
        %add3A_388 = arith.addf %add3A_381, %get3A_387 : vector<16xf32>
        %mul3A_389 = arith.constant 16 : i32
        %mul3A_390 = arith.muli %scan3A_151, %mul3A_389 : i32
        %add3A_391 = arith.constant 2349 : i32
        %add3A_392 = arith.addi %add3A_391, %mul3A_390 : i32
        %get3A_393 = arith.index_cast %add3A_392 : i32 to index
        %get3A_394 = tpu.vector_load %arg13[%get3A_393] {strides = array<i32>} : memref<5184xf32, #tpu.memory_space<vmem>>, vector<16xf32>,
        %add3A_395 = arith.addf %add3A_388, %get3A_394 : vector<16xf32>
        %mul3A_396 = arith.constant 16 : i32
        %mul3A_397 = arith.muli %scan3A_151, %mul3A_396 : i32
        %add3A_398 = arith.constant 2430 : i32
        %add3A_399 = arith.addi %add3A_398, %mul3A_397 : i32
        %get3A_400 = arith.index_cast %add3A_399 : i32 to index
        %get3A_401 = tpu.vector_load %arg13[%get3A_400] {strides = array<i32>} : memref<5184xf32, #tpu.memory_space<vmem>>, vector<16xf32>,
        %add3A_402 = arith.addf %add3A_395, %get3A_401 : vector<16xf32>
        %mul3A_403 = arith.constant 16 : i32
        %mul3A_404 = arith.muli %scan3A_151, %mul3A_403 : i32
        %add3A_405 = arith.constant 2511 : i32
        %add3A_406 = arith.addi %add3A_405, %mul3A_404 : i32
        %get3A_407 = arith.index_cast %add3A_406 : i32 to index
        %get3A_408 = tpu.vector_load %arg13[%get3A_407] {strides = array<i32>} : memref<5184xf32, #tpu.memory_space<vmem>>, vector<16xf32>,
        %add3A_409 = arith.addf %add3A_402, %get3A_408 : vector<16xf32>
        %mul3A_410 = arith.constant 0.176776692 : f32
        %mul3A_411 = vector.broadcast %mul3A_410 : f32 to vector<16xf32>
        %mul3A_412 = arith.mulf %add3A_409, %mul3A_411 : vector<16xf32>
        %exp3A_413 = math.exp %mul3A_412 : vector<16xf32>
        %mul3A_414 = arith.constant 4 : i32
        %mul3A_415 = arith.muli %add3A_133, %mul3A_414 : i32
        %add3A_416 = arith.constant 1 : i32
        %add3A_417 = arith.addi %mul3A_415, %add3A_416 : i32
        %mul3A_418 = arith.constant 80 : i32
        %mul3A_419 = arith.muli %add3A_417, %mul3A_418 : i32
        %mul3A_420 = arith.constant 16 : i32
        %mul3A_421 = arith.muli %scan3A_151, %mul3A_420 : i32
        %add3A_422 = arith.addi %mul3A_419, %mul3A_421 : i32
        %swap3A_423 = arith.index_cast %add3A_422 : i32 to index
        %swap3A_424 = tpu.vector_load %arg14[%swap3A_423] {strides = array<i32>} : memref<40000xf32, #tpu.memory_space<vmem>>, vector<16xf32>,
        tpu.vector_store %arg14[%swap3A_423], %exp3A_413 {strides = array<i32>} : memref<40000xf32, #tpu.memory_space<vmem>>, vector<16xf32>,
        %mul3A_425 = arith.constant 16 : i32
        %mul3A_426 = arith.muli %scan3A_151, %mul3A_425 : i32
        %add3A_427 = arith.constant 80 : i32
        %add3A_428 = arith.addi %add3A_427, %mul3A_426 : i32
        %swap3A_429 = arith.index_cast %add3A_428 : i32 to index
        %swap3A_430 = tpu.vector_load %arg15[%swap3A_429] {strides = array<i32>} : memref<320xf32, #tpu.memory_space<vmem>>, vector<16xf32>,
        tpu.vector_store %arg15[%swap3A_429], %exp3A_413 {strides = array<i32>} : memref<320xf32, #tpu.memory_space<vmem>>, vector<16xf32>,
        %mul3A_431 = arith.constant 4 : i32
        %mul3A_432 = vector.broadcast %mul3A_431 : i32 to vector<16xi32>
        %mul3A_433 = arith.muli %get3A_156, %mul3A_432 : vector<16xi32>
        %add3A_434 = arith.constant 1 : i32
        %add3A_435 = vector.broadcast %add3A_434 : i32 to vector<16xi32>
        %add3A_436 = arith.addi %mul3A_433, %add3A_435 : vector<16xi32>
        %mul3A_437 = arith.constant 16 : i32
        %mul3A_438 = arith.muli %scan3A_151, %mul3A_437 : i32
        %add3A_439 = arith.constant 80 : i32
        %add3A_440 = arith.addi %add3A_439, %mul3A_438 : i32
        %swap3A_441 = arith.index_cast %add3A_440 : i32 to index
        %swap3A_442 = tpu.vector_load %arg16[%swap3A_441] {strides = array<i32>} : memref<320xi32, #tpu.memory_space<vmem>>, vector<16xi32>,
        tpu.vector_store %arg16[%swap3A_441], %add3A_436 {strides = array<i32>} : memref<320xi32, #tpu.memory_space<vmem>>, vector<16xi32>,
        %mul3A_443 = arith.constant 16 : i32
        %mul3A_444 = arith.muli %scan3A_151, %mul3A_443 : i32
        %add3A_445 = arith.constant 2592 : i32
        %add3A_446 = arith.addi %add3A_445, %mul3A_444 : i32
        %get3A_447 = arith.index_cast %add3A_446 : i32 to index
        %get3A_448 = tpu.vector_load %arg13[%get3A_447] {strides = array<i32>} : memref<5184xf32, #tpu.memory_space<vmem>>, vector<16xf32>,
        %mul3A_449 = arith.constant 16 : i32
        %mul3A_450 = arith.muli %scan3A_151, %mul3A_449 : i32
        %add3A_451 = arith.constant 2673 : i32
        %add3A_452 = arith.addi %add3A_451, %mul3A_450 : i32
        %get3A_453 = arith.index_cast %add3A_452 : i32 to index
        %get3A_454 = tpu.vector_load %arg13[%get3A_453] {strides = array<i32>} : memref<5184xf32, #tpu.memory_space<vmem>>, vector<16xf32>,
        %add3A_455 = arith.addf %get3A_448, %get3A_454 : vector<16xf32>
        %mul3A_456 = arith.constant 16 : i32
        %mul3A_457 = arith.muli %scan3A_151, %mul3A_456 : i32
        %add3A_458 = arith.constant 2754 : i32
        %add3A_459 = arith.addi %add3A_458, %mul3A_457 : i32
        %get3A_460 = arith.index_cast %add3A_459 : i32 to index
        %get3A_461 = tpu.vector_load %arg13[%get3A_460] {strides = array<i32>} : memref<5184xf32, #tpu.memory_space<vmem>>, vector<16xf32>,
        %add3A_462 = arith.addf %add3A_455, %get3A_461 : vector<16xf32>
        %mul3A_463 = arith.constant 16 : i32
        %mul3A_464 = arith.muli %scan3A_151, %mul3A_463 : i32
        %add3A_465 = arith.constant 2835 : i32
        %add3A_466 = arith.addi %add3A_465, %mul3A_464 : i32
        %get3A_467 = arith.index_cast %add3A_466 : i32 to index
        %get3A_468 = tpu.vector_load %arg13[%get3A_467] {strides = array<i32>} : memref<5184xf32, #tpu.memory_space<vmem>>, vector<16xf32>,
        %add3A_469 = arith.addf %add3A_462, %get3A_468 : vector<16xf32>
        %mul3A_470 = arith.constant 16 : i32
        %mul3A_471 = arith.muli %scan3A_151, %mul3A_470 : i32
        %add3A_472 = arith.constant 2916 : i32
        %add3A_473 = arith.addi %add3A_472, %mul3A_471 : i32
        %get3A_474 = arith.index_cast %add3A_473 : i32 to index
        %get3A_475 = tpu.vector_load %arg13[%get3A_474] {strides = array<i32>} : memref<5184xf32, #tpu.memory_space<vmem>>, vector<16xf32>,
        %add3A_476 = arith.addf %add3A_469, %get3A_475 : vector<16xf32>
        %mul3A_477 = arith.constant 16 : i32
        %mul3A_478 = arith.muli %scan3A_151, %mul3A_477 : i32
        %add3A_479 = arith.constant 2997 : i32
        %add3A_480 = arith.addi %add3A_479, %mul3A_478 : i32
        %get3A_481 = arith.index_cast %add3A_480 : i32 to index
        %get3A_482 = tpu.vector_load %arg13[%get3A_481] {strides = array<i32>} : memref<5184xf32, #tpu.memory_space<vmem>>, vector<16xf32>,
        %add3A_483 = arith.addf %add3A_476, %get3A_482 : vector<16xf32>
        %mul3A_484 = arith.constant 16 : i32
        %mul3A_485 = arith.muli %scan3A_151, %mul3A_484 : i32
        %add3A_486 = arith.constant 3078 : i32
        %add3A_487 = arith.addi %add3A_486, %mul3A_485 : i32
        %get3A_488 = arith.index_cast %add3A_487 : i32 to index
        %get3A_489 = tpu.vector_load %arg13[%get3A_488] {strides = array<i32>} : memref<5184xf32, #tpu.memory_space<vmem>>, vector<16xf32>,
        %add3A_490 = arith.addf %add3A_483, %get3A_489 : vector<16xf32>
        %mul3A_491 = arith.constant 16 : i32
        %mul3A_492 = arith.muli %scan3A_151, %mul3A_491 : i32
        %add3A_493 = arith.constant 3159 : i32
        %add3A_494 = arith.addi %add3A_493, %mul3A_492 : i32
        %get3A_495 = arith.index_cast %add3A_494 : i32 to index
        %get3A_496 = tpu.vector_load %arg13[%get3A_495] {strides = array<i32>} : memref<5184xf32, #tpu.memory_space<vmem>>, vector<16xf32>,
        %add3A_497 = arith.addf %add3A_490, %get3A_496 : vector<16xf32>
        %mul3A_498 = arith.constant 16 : i32
        %mul3A_499 = arith.muli %scan3A_151, %mul3A_498 : i32
        %add3A_500 = arith.constant 3240 : i32
        %add3A_501 = arith.addi %add3A_500, %mul3A_499 : i32
        %get3A_502 = arith.index_cast %add3A_501 : i32 to index
        %get3A_503 = tpu.vector_load %arg13[%get3A_502] {strides = array<i32>} : memref<5184xf32, #tpu.memory_space<vmem>>, vector<16xf32>,
        %add3A_504 = arith.addf %add3A_497, %get3A_503 : vector<16xf32>
        %mul3A_505 = arith.constant 16 : i32
        %mul3A_506 = arith.muli %scan3A_151, %mul3A_505 : i32
        %add3A_507 = arith.constant 3321 : i32
        %add3A_508 = arith.addi %add3A_507, %mul3A_506 : i32
        %get3A_509 = arith.index_cast %add3A_508 : i32 to index
        %get3A_510 = tpu.vector_load %arg13[%get3A_509] {strides = array<i32>} : memref<5184xf32, #tpu.memory_space<vmem>>, vector<16xf32>,
        %add3A_511 = arith.addf %add3A_504, %get3A_510 : vector<16xf32>
        %mul3A_512 = arith.constant 16 : i32
        %mul3A_513 = arith.muli %scan3A_151, %mul3A_512 : i32
        %add3A_514 = arith.constant 3402 : i32
        %add3A_515 = arith.addi %add3A_514, %mul3A_513 : i32
        %get3A_516 = arith.index_cast %add3A_515 : i32 to index
        %get3A_517 = tpu.vector_load %arg13[%get3A_516] {strides = array<i32>} : memref<5184xf32, #tpu.memory_space<vmem>>, vector<16xf32>,
        %add3A_518 = arith.addf %add3A_511, %get3A_517 : vector<16xf32>
        %mul3A_519 = arith.constant 16 : i32
        %mul3A_520 = arith.muli %scan3A_151, %mul3A_519 : i32
        %add3A_521 = arith.constant 3483 : i32
        %add3A_522 = arith.addi %add3A_521, %mul3A_520 : i32
        %get3A_523 = arith.index_cast %add3A_522 : i32 to index
        %get3A_524 = tpu.vector_load %arg13[%get3A_523] {strides = array<i32>} : memref<5184xf32, #tpu.memory_space<vmem>>, vector<16xf32>,
        %add3A_525 = arith.addf %add3A_518, %get3A_524 : vector<16xf32>
        %mul3A_526 = arith.constant 16 : i32
        %mul3A_527 = arith.muli %scan3A_151, %mul3A_526 : i32
        %add3A_528 = arith.constant 3564 : i32
        %add3A_529 = arith.addi %add3A_528, %mul3A_527 : i32
        %get3A_530 = arith.index_cast %add3A_529 : i32 to index
        %get3A_531 = tpu.vector_load %arg13[%get3A_530] {strides = array<i32>} : memref<5184xf32, #tpu.memory_space<vmem>>, vector<16xf32>,
        %add3A_532 = arith.addf %add3A_525, %get3A_531 : vector<16xf32>
        %mul3A_533 = arith.constant 16 : i32
        %mul3A_534 = arith.muli %scan3A_151, %mul3A_533 : i32
        %add3A_535 = arith.constant 3645 : i32
        %add3A_536 = arith.addi %add3A_535, %mul3A_534 : i32
        %get3A_537 = arith.index_cast %add3A_536 : i32 to index
        %get3A_538 = tpu.vector_load %arg13[%get3A_537] {strides = array<i32>} : memref<5184xf32, #tpu.memory_space<vmem>>, vector<16xf32>,
        %add3A_539 = arith.addf %add3A_532, %get3A_538 : vector<16xf32>
        %mul3A_540 = arith.constant 16 : i32
        %mul3A_541 = arith.muli %scan3A_151, %mul3A_540 : i32
        %add3A_542 = arith.constant 3726 : i32
        %add3A_543 = arith.addi %add3A_542, %mul3A_541 : i32
        %get3A_544 = arith.index_cast %add3A_543 : i32 to index
        %get3A_545 = tpu.vector_load %arg13[%get3A_544] {strides = array<i32>} : memref<5184xf32, #tpu.memory_space<vmem>>, vector<16xf32>,
        %add3A_546 = arith.addf %add3A_539, %get3A_545 : vector<16xf32>
        %mul3A_547 = arith.constant 16 : i32
        %mul3A_548 = arith.muli %scan3A_151, %mul3A_547 : i32
        %add3A_549 = arith.constant 3807 : i32
        %add3A_550 = arith.addi %add3A_549, %mul3A_548 : i32
        %get3A_551 = arith.index_cast %add3A_550 : i32 to index
        %get3A_552 = tpu.vector_load %arg13[%get3A_551] {strides = array<i32>} : memref<5184xf32, #tpu.memory_space<vmem>>, vector<16xf32>,
        %add3A_553 = arith.addf %add3A_546, %get3A_552 : vector<16xf32>
        %mul3A_554 = arith.constant 0.176776692 : f32
        %mul3A_555 = vector.broadcast %mul3A_554 : f32 to vector<16xf32>
        %mul3A_556 = arith.mulf %add3A_553, %mul3A_555 : vector<16xf32>
        %exp3A_557 = math.exp %mul3A_556 : vector<16xf32>
        %mul3A_558 = arith.constant 4 : i32
        %mul3A_559 = arith.muli %add3A_133, %mul3A_558 : i32
        %add3A_560 = arith.constant 2 : i32
        %add3A_561 = arith.addi %mul3A_559, %add3A_560 : i32
        %mul3A_562 = arith.constant 80 : i32
        %mul3A_563 = arith.muli %add3A_561, %mul3A_562 : i32
        %mul3A_564 = arith.constant 16 : i32
        %mul3A_565 = arith.muli %scan3A_151, %mul3A_564 : i32
        %add3A_566 = arith.addi %mul3A_563, %mul3A_565 : i32
        %swap3A_567 = arith.index_cast %add3A_566 : i32 to index
        %swap3A_568 = tpu.vector_load %arg14[%swap3A_567] {strides = array<i32>} : memref<40000xf32, #tpu.memory_space<vmem>>, vector<16xf32>,
        tpu.vector_store %arg14[%swap3A_567], %exp3A_557 {strides = array<i32>} : memref<40000xf32, #tpu.memory_space<vmem>>, vector<16xf32>,
        %mul3A_569 = arith.constant 16 : i32
        %mul3A_570 = arith.muli %scan3A_151, %mul3A_569 : i32
        %add3A_571 = arith.constant 160 : i32
        %add3A_572 = arith.addi %add3A_571, %mul3A_570 : i32
        %swap3A_573 = arith.index_cast %add3A_572 : i32 to index
        %swap3A_574 = tpu.vector_load %arg15[%swap3A_573] {strides = array<i32>} : memref<320xf32, #tpu.memory_space<vmem>>, vector<16xf32>,
        tpu.vector_store %arg15[%swap3A_573], %exp3A_557 {strides = array<i32>} : memref<320xf32, #tpu.memory_space<vmem>>, vector<16xf32>,
        %mul3A_575 = arith.constant 4 : i32
        %mul3A_576 = vector.broadcast %mul3A_575 : i32 to vector<16xi32>
        %mul3A_577 = arith.muli %get3A_156, %mul3A_576 : vector<16xi32>
        %add3A_578 = arith.constant 2 : i32
        %add3A_579 = vector.broadcast %add3A_578 : i32 to vector<16xi32>
        %add3A_580 = arith.addi %mul3A_577, %add3A_579 : vector<16xi32>
        %mul3A_581 = arith.constant 16 : i32
        %mul3A_582 = arith.muli %scan3A_151, %mul3A_581 : i32
        %add3A_583 = arith.constant 160 : i32
        %add3A_584 = arith.addi %add3A_583, %mul3A_582 : i32
        %swap3A_585 = arith.index_cast %add3A_584 : i32 to index
        %swap3A_586 = tpu.vector_load %arg16[%swap3A_585] {strides = array<i32>} : memref<320xi32, #tpu.memory_space<vmem>>, vector<16xi32>,
        tpu.vector_store %arg16[%swap3A_585], %add3A_580 {strides = array<i32>} : memref<320xi32, #tpu.memory_space<vmem>>, vector<16xi32>,
        %mul3A_587 = arith.constant 16 : i32
        %mul3A_588 = arith.muli %scan3A_151, %mul3A_587 : i32
        %add3A_589 = arith.constant 3888 : i32
        %add3A_590 = arith.addi %add3A_589, %mul3A_588 : i32
        %get3A_591 = arith.index_cast %add3A_590 : i32 to index
        %get3A_592 = tpu.vector_load %arg13[%get3A_591] {strides = array<i32>} : memref<5184xf32, #tpu.memory_space<vmem>>, vector<16xf32>,
        %mul3A_593 = arith.constant 16 : i32
        %mul3A_594 = arith.muli %scan3A_151, %mul3A_593 : i32
        %add3A_595 = arith.constant 3969 : i32
        %add3A_596 = arith.addi %add3A_595, %mul3A_594 : i32
        %get3A_597 = arith.index_cast %add3A_596 : i32 to index
        %get3A_598 = tpu.vector_load %arg13[%get3A_597] {strides = array<i32>} : memref<5184xf32, #tpu.memory_space<vmem>>, vector<16xf32>,
        %add3A_599 = arith.addf %get3A_592, %get3A_598 : vector<16xf32>
        %mul3A_600 = arith.constant 16 : i32
        %mul3A_601 = arith.muli %scan3A_151, %mul3A_600 : i32
        %add3A_602 = arith.constant 4050 : i32
        %add3A_603 = arith.addi %add3A_602, %mul3A_601 : i32
        %get3A_604 = arith.index_cast %add3A_603 : i32 to index
        %get3A_605 = tpu.vector_load %arg13[%get3A_604] {strides = array<i32>} : memref<5184xf32, #tpu.memory_space<vmem>>, vector<16xf32>,
        %add3A_606 = arith.addf %add3A_599, %get3A_605 : vector<16xf32>
        %mul3A_607 = arith.constant 16 : i32
        %mul3A_608 = arith.muli %scan3A_151, %mul3A_607 : i32
        %add3A_609 = arith.constant 4131 : i32
        %add3A_610 = arith.addi %add3A_609, %mul3A_608 : i32
        %get3A_611 = arith.index_cast %add3A_610 : i32 to index
        %get3A_612 = tpu.vector_load %arg13[%get3A_611] {strides = array<i32>} : memref<5184xf32, #tpu.memory_space<vmem>>, vector<16xf32>,
        %add3A_613 = arith.addf %add3A_606, %get3A_612 : vector<16xf32>
        %mul3A_614 = arith.constant 16 : i32
        %mul3A_615 = arith.muli %scan3A_151, %mul3A_614 : i32
        %add3A_616 = arith.constant 4212 : i32
        %add3A_617 = arith.addi %add3A_616, %mul3A_615 : i32
        %get3A_618 = arith.index_cast %add3A_617 : i32 to index
        %get3A_619 = tpu.vector_load %arg13[%get3A_618] {strides = array<i32>} : memref<5184xf32, #tpu.memory_space<vmem>>, vector<16xf32>,
        %add3A_620 = arith.addf %add3A_613, %get3A_619 : vector<16xf32>
        %mul3A_621 = arith.constant 16 : i32
        %mul3A_622 = arith.muli %scan3A_151, %mul3A_621 : i32
        %add3A_623 = arith.constant 4293 : i32
        %add3A_624 = arith.addi %add3A_623, %mul3A_622 : i32
        %get3A_625 = arith.index_cast %add3A_624 : i32 to index
        %get3A_626 = tpu.vector_load %arg13[%get3A_625] {strides = array<i32>} : memref<5184xf32, #tpu.memory_space<vmem>>, vector<16xf32>,
        %add3A_627 = arith.addf %add3A_620, %get3A_626 : vector<16xf32>
        %mul3A_628 = arith.constant 16 : i32
        %mul3A_629 = arith.muli %scan3A_151, %mul3A_628 : i32
        %add3A_630 = arith.constant 4374 : i32
        %add3A_631 = arith.addi %add3A_630, %mul3A_629 : i32
        %get3A_632 = arith.index_cast %add3A_631 : i32 to index
        %get3A_633 = tpu.vector_load %arg13[%get3A_632] {strides = array<i32>} : memref<5184xf32, #tpu.memory_space<vmem>>, vector<16xf32>,
        %add3A_634 = arith.addf %add3A_627, %get3A_633 : vector<16xf32>
        %mul3A_635 = arith.constant 16 : i32
        %mul3A_636 = arith.muli %scan3A_151, %mul3A_635 : i32
        %add3A_637 = arith.constant 4455 : i32
        %add3A_638 = arith.addi %add3A_637, %mul3A_636 : i32
        %get3A_639 = arith.index_cast %add3A_638 : i32 to index
        %get3A_640 = tpu.vector_load %arg13[%get3A_639] {strides = array<i32>} : memref<5184xf32, #tpu.memory_space<vmem>>, vector<16xf32>,
        %add3A_641 = arith.addf %add3A_634, %get3A_640 : vector<16xf32>
        %mul3A_642 = arith.constant 16 : i32
        %mul3A_643 = arith.muli %scan3A_151, %mul3A_642 : i32
        %add3A_644 = arith.constant 4536 : i32
        %add3A_645 = arith.addi %add3A_644, %mul3A_643 : i32
        %get3A_646 = arith.index_cast %add3A_645 : i32 to index
        %get3A_647 = tpu.vector_load %arg13[%get3A_646] {strides = array<i32>} : memref<5184xf32, #tpu.memory_space<vmem>>, vector<16xf32>,
        %add3A_648 = arith.addf %add3A_641, %get3A_647 : vector<16xf32>
        %mul3A_649 = arith.constant 16 : i32
        %mul3A_650 = arith.muli %scan3A_151, %mul3A_649 : i32
        %add3A_651 = arith.constant 4617 : i32
        %add3A_652 = arith.addi %add3A_651, %mul3A_650 : i32
        %get3A_653 = arith.index_cast %add3A_652 : i32 to index
        %get3A_654 = tpu.vector_load %arg13[%get3A_653] {strides = array<i32>} : memref<5184xf32, #tpu.memory_space<vmem>>, vector<16xf32>,
        %add3A_655 = arith.addf %add3A_648, %get3A_654 : vector<16xf32>
        %mul3A_656 = arith.constant 16 : i32
        %mul3A_657 = arith.muli %scan3A_151, %mul3A_656 : i32
        %add3A_658 = arith.constant 4698 : i32
        %add3A_659 = arith.addi %add3A_658, %mul3A_657 : i32
        %get3A_660 = arith.index_cast %add3A_659 : i32 to index
        %get3A_661 = tpu.vector_load %arg13[%get3A_660] {strides = array<i32>} : memref<5184xf32, #tpu.memory_space<vmem>>, vector<16xf32>,
        %add3A_662 = arith.addf %add3A_655, %get3A_661 : vector<16xf32>
        %mul3A_663 = arith.constant 16 : i32
        %mul3A_664 = arith.muli %scan3A_151, %mul3A_663 : i32
        %add3A_665 = arith.constant 4779 : i32
        %add3A_666 = arith.addi %add3A_665, %mul3A_664 : i32
        %get3A_667 = arith.index_cast %add3A_666 : i32 to index
        %get3A_668 = tpu.vector_load %arg13[%get3A_667] {strides = array<i32>} : memref<5184xf32, #tpu.memory_space<vmem>>, vector<16xf32>,
        %add3A_669 = arith.addf %add3A_662, %get3A_668 : vector<16xf32>
        %mul3A_670 = arith.constant 16 : i32
        %mul3A_671 = arith.muli %scan3A_151, %mul3A_670 : i32
        %add3A_672 = arith.constant 4860 : i32
        %add3A_673 = arith.addi %add3A_672, %mul3A_671 : i32
        %get3A_674 = arith.index_cast %add3A_673 : i32 to index
        %get3A_675 = tpu.vector_load %arg13[%get3A_674] {strides = array<i32>} : memref<5184xf32, #tpu.memory_space<vmem>>, vector<16xf32>,
        %add3A_676 = arith.addf %add3A_669, %get3A_675 : vector<16xf32>
        %mul3A_677 = arith.constant 16 : i32
        %mul3A_678 = arith.muli %scan3A_151, %mul3A_677 : i32
        %add3A_679 = arith.constant 4941 : i32
        %add3A_680 = arith.addi %add3A_679, %mul3A_678 : i32
        %get3A_681 = arith.index_cast %add3A_680 : i32 to index
        %get3A_682 = tpu.vector_load %arg13[%get3A_681] {strides = array<i32>} : memref<5184xf32, #tpu.memory_space<vmem>>, vector<16xf32>,
        %add3A_683 = arith.addf %add3A_676, %get3A_682 : vector<16xf32>
        %mul3A_684 = arith.constant 16 : i32
        %mul3A_685 = arith.muli %scan3A_151, %mul3A_684 : i32
        %add3A_686 = arith.constant 5022 : i32
        %add3A_687 = arith.addi %add3A_686, %mul3A_685 : i32
        %get3A_688 = arith.index_cast %add3A_687 : i32 to index
        %get3A_689 = tpu.vector_load %arg13[%get3A_688] {strides = array<i32>} : memref<5184xf32, #tpu.memory_space<vmem>>, vector<16xf32>,
        %add3A_690 = arith.addf %add3A_683, %get3A_689 : vector<16xf32>
        %mul3A_691 = arith.constant 16 : i32
        %mul3A_692 = arith.muli %scan3A_151, %mul3A_691 : i32
        %add3A_693 = arith.constant 5103 : i32
        %add3A_694 = arith.addi %add3A_693, %mul3A_692 : i32
        %get3A_695 = arith.index_cast %add3A_694 : i32 to index
        %get3A_696 = tpu.vector_load %arg13[%get3A_695] {strides = array<i32>} : memref<5184xf32, #tpu.memory_space<vmem>>, vector<16xf32>,
        %add3A_697 = arith.addf %add3A_690, %get3A_696 : vector<16xf32>
        %mul3A_698 = arith.constant 0.176776692 : f32
        %mul3A_699 = vector.broadcast %mul3A_698 : f32 to vector<16xf32>
        %mul3A_700 = arith.mulf %add3A_697, %mul3A_699 : vector<16xf32>
        %exp3A_701 = math.exp %mul3A_700 : vector<16xf32>
        %mul3A_702 = arith.constant 4 : i32
        %mul3A_703 = arith.muli %add3A_133, %mul3A_702 : i32
        %add3A_704 = arith.constant 3 : i32
        %add3A_705 = arith.addi %mul3A_703, %add3A_704 : i32
        %mul3A_706 = arith.constant 80 : i32
        %mul3A_707 = arith.muli %add3A_705, %mul3A_706 : i32
        %mul3A_708 = arith.constant 16 : i32
        %mul3A_709 = arith.muli %scan3A_151, %mul3A_708 : i32
        %add3A_710 = arith.addi %mul3A_707, %mul3A_709 : i32
        %swap3A_711 = arith.index_cast %add3A_710 : i32 to index
        %swap3A_712 = tpu.vector_load %arg14[%swap3A_711] {strides = array<i32>} : memref<40000xf32, #tpu.memory_space<vmem>>, vector<16xf32>,
        tpu.vector_store %arg14[%swap3A_711], %exp3A_701 {strides = array<i32>} : memref<40000xf32, #tpu.memory_space<vmem>>, vector<16xf32>,
        %mul3A_713 = arith.constant 16 : i32
        %mul3A_714 = arith.muli %scan3A_151, %mul3A_713 : i32
        %add3A_715 = arith.constant 240 : i32
        %add3A_716 = arith.addi %add3A_715, %mul3A_714 : i32
        %swap3A_717 = arith.index_cast %add3A_716 : i32 to index
        %swap3A_718 = tpu.vector_load %arg15[%swap3A_717] {strides = array<i32>} : memref<320xf32, #tpu.memory_space<vmem>>, vector<16xf32>,
        tpu.vector_store %arg15[%swap3A_717], %exp3A_701 {strides = array<i32>} : memref<320xf32, #tpu.memory_space<vmem>>, vector<16xf32>,
        %mul3A_719 = arith.constant 4 : i32
        %mul3A_720 = vector.broadcast %mul3A_719 : i32 to vector<16xi32>
        %mul3A_721 = arith.muli %get3A_156, %mul3A_720 : vector<16xi32>
        %add3A_722 = arith.constant 3 : i32
        %add3A_723 = vector.broadcast %add3A_722 : i32 to vector<16xi32>
        %add3A_724 = arith.addi %mul3A_721, %add3A_723 : vector<16xi32>
        %mul3A_725 = arith.constant 16 : i32
        %mul3A_726 = arith.muli %scan3A_151, %mul3A_725 : i32
        %add3A_727 = arith.constant 240 : i32
        %add3A_728 = arith.addi %add3A_727, %mul3A_726 : i32
        %swap3A_729 = arith.index_cast %add3A_728 : i32 to index
        %swap3A_730 = tpu.vector_load %arg16[%swap3A_729] {strides = array<i32>} : memref<320xi32, #tpu.memory_space<vmem>>, vector<16xi32>,
        tpu.vector_store %arg16[%swap3A_729], %add3A_724 {strides = array<i32>} : memref<320xi32, #tpu.memory_space<vmem>>, vector<16xi32>,
        %scan3A_731 = arith.constant 0 : i32
        scf.yield %scan3A_731 : i32
      }
      %scan3A_149 = arith.constant 5 : i32
      "tpu.region"() ({
        %run_scoped3A = tpu.sem_alloc : memref<!tpu.dma_semaphore, #tpu.memory_space<semaphore_mem>>
        %dma_start3A_151 = arith.constant 0 : i32
        %dma_start3A_152 = tpu.memref_slice %arg18[%dma_start3A_151] : memref<40000xf32, #tpu.memory_space<vmem_shared>> -> memref<40000xf32, #tpu.memory_space<vmem_shared>>
        tpu.enqueue_indirect_dma source(%arg15 : memref<320xf32, #tpu.memory_space<vmem>>) target(%dma_start3A_152 : memref<40000xf32, #tpu.memory_space<vmem_shared>>) offsets(%arg16 : memref<320xi32, #tpu.memory_space<vmem>>) semaphore(%run_scoped3A : memref<!tpu.dma_semaphore, #tpu.memory_space<semaphore_mem>>) {add = true}
        %dma_wait3A_153 = arith.constant 0 : i32
        %dma_wait3A_154 = tpu.memref_slice %arg18[%dma_wait3A_153] : memref<40000xf32, #tpu.memory_space<vmem_shared>> -> memref<40000xf32, #tpu.memory_space<vmem_shared>>
        tpu.wait_indirect_dma semaphore(%run_scoped3A : memref<!tpu.dma_semaphore, #tpu.memory_space<semaphore_mem>>) src(%arg15 : memref<320xf32, #tpu.memory_space<vmem>>) dst(%dma_wait3A_154 : memref<40000xf32, #tpu.memory_space<vmem_shared>>)
        tpu.yield
      }) : () -> ()
      %scan3A_150 = arith.constant 0 : i32
      scf.yield %scan3A_150 : i32
    }
    %scan3A_34 = arith.constant 62 : i32
    %dma_wait3A = arith.constant 0 : i32
    %dma_wait3A_35 = tpu.memref_slice %arg7[%dma_wait3A] : memref<10000xi32, #tpu.memory_space<vmem>> -> memref<80xi32, #tpu.memory_space<vmem>>
    %dma_wait3A_36 = arith.constant 0 : i32
    %dma_wait3A_37 = arith.constant 0 : i32
    %dma_wait3A_38 = tpu.memref_slice %arg2[%dma_wait3A_36, %dma_wait3A_37] : memref<10000x128xf32, #tpu.memory_space<hbm>> -> memref<10000x128xf32, #tpu.memory_space<hbm>>
    tpu.wait_indirect_dma semaphore(%arg19 : memref<!tpu.dma_semaphore, #tpu.memory_space<semaphore_mem>>) src(%dma_wait3A_38 : memref<10000x128xf32, #tpu.memory_space<hbm>>) dst(%arg9 : memref<80x128xf32, #tpu.memory_space<vmem>>)
    %dma_wait3A_39 = arith.constant 0 : i32
    %dma_wait3A_40 = tpu.memref_slice %arg8[%dma_wait3A_39] : memref<10000xi32, #tpu.memory_space<vmem>> -> memref<80xi32, #tpu.memory_space<vmem>>
    %dma_wait3A_41 = arith.constant 0 : i32
    %dma_wait3A_42 = arith.constant 0 : i32
    %dma_wait3A_43 = tpu.memref_slice %arg2[%dma_wait3A_41, %dma_wait3A_42] : memref<10000x128xf32, #tpu.memory_space<hbm>> -> memref<10000x128xf32, #tpu.memory_space<hbm>>
    tpu.wait_indirect_dma semaphore(%arg19 : memref<!tpu.dma_semaphore, #tpu.memory_space<semaphore_mem>>) src(%dma_wait3A_43 : memref<10000x128xf32, #tpu.memory_space<hbm>>) dst(%arg10 : memref<80x128xf32, #tpu.memory_space<vmem>>)
    %scan3A_44 = arith.constant 0 : i32
    %scan3A_45 = arith.constant 0 : i32
    %scan3A_46 = arith.constant 80 : i32
    %scan3A_47 = arith.addi %scan3A_45, %scan3A_46 : i32
    %scan3A_48 = arith.constant 1 : i32
    %scan3A_49 = scf.for %scan3A_68 = %scan3A_45 to %scan3A_47 step %scan3A_48 iter_args(%scan3A_69 = %scan3A_44) -> (i32)  : i32 {
      %get3A = arith.index_cast %scan3A_68 : i32 to index
      %get3A_70 = arith.constant 0 : index
      %get3A_71 = tpu.vector_load %arg9[%get3A, %get3A_70] {strides = array<i32>} : memref<80x128xf32, #tpu.memory_space<vmem>>, vector<16xf32>,
      %get3A_72 = arith.index_cast %scan3A_68 : i32 to index
      %get3A_73 = arith.constant 0 : index
      %get3A_74 = tpu.vector_load %arg10[%get3A_72, %get3A_73] {strides = array<i32>} : memref<80x128xf32, #tpu.memory_space<vmem>>, vector<16xf32>,
      %mul3A_75 = arith.mulf %get3A_71, %get3A_74 : vector<16xf32>
      %get3A_76 = arith.index_cast %scan3A_68 : i32 to index
      %get3A_77 = arith.constant 16 : index
      %get3A_78 = tpu.vector_load %arg9[%get3A_76, %get3A_77] {strides = array<i32>} : memref<80x128xf32, #tpu.memory_space<vmem>>, vector<16xf32>,
      %get3A_79 = arith.index_cast %scan3A_68 : i32 to index
      %get3A_80 = arith.constant 16 : index
      %get3A_81 = tpu.vector_load %arg10[%get3A_79, %get3A_80] {strides = array<i32>} : memref<80x128xf32, #tpu.memory_space<vmem>>, vector<16xf32>,
      %mul3A_82 = arith.mulf %get3A_78, %get3A_81 : vector<16xf32>
      %add3A_83 = arith.addf %mul3A_75, %mul3A_82 : vector<16xf32>
      %add3A_84 = arith.constant 0 : i32
      %add3A_85 = arith.addi %add3A_84, %scan3A_68 : i32
      %add3A_86 = vector.broadcast %add3A_85 : i32 to vector<16xi32>
      %add3A_87 = arith.addi %mul3A_18, %add3A_86 : vector<16xi32>
      tpu.vector_store_idx %arg13[%add3A_87], %add3A_83 : memref<5184xf32, #tpu.memory_space<vmem>>[vector<16xi32>], vector<16xf32>,
      %get3A_88 = arith.index_cast %scan3A_68 : i32 to index
      %get3A_89 = arith.constant 32 : index
      %get3A_90 = tpu.vector_load %arg9[%get3A_88, %get3A_89] {strides = array<i32>} : memref<80x128xf32, #tpu.memory_space<vmem>>, vector<16xf32>,
      %get3A_91 = arith.index_cast %scan3A_68 : i32 to index
      %get3A_92 = arith.constant 32 : index
      %get3A_93 = tpu.vector_load %arg10[%get3A_91, %get3A_92] {strides = array<i32>} : memref<80x128xf32, #tpu.memory_space<vmem>>, vector<16xf32>,
      %mul3A_94 = arith.mulf %get3A_90, %get3A_93 : vector<16xf32>
      %get3A_95 = arith.index_cast %scan3A_68 : i32 to index
      %get3A_96 = arith.constant 48 : index
      %get3A_97 = tpu.vector_load %arg9[%get3A_95, %get3A_96] {strides = array<i32>} : memref<80x128xf32, #tpu.memory_space<vmem>>, vector<16xf32>,
      %get3A_98 = arith.index_cast %scan3A_68 : i32 to index
      %get3A_99 = arith.constant 48 : index
      %get3A_100 = tpu.vector_load %arg10[%get3A_98, %get3A_99] {strides = array<i32>} : memref<80x128xf32, #tpu.memory_space<vmem>>, vector<16xf32>,
      %mul3A_101 = arith.mulf %get3A_97, %get3A_100 : vector<16xf32>
      %add3A_102 = arith.addf %mul3A_94, %mul3A_101 : vector<16xf32>
      %add3A_103 = arith.constant 1296 : i32
      %add3A_104 = arith.addi %add3A_103, %scan3A_68 : i32
      %add3A_105 = vector.broadcast %add3A_104 : i32 to vector<16xi32>
      %add3A_106 = arith.addi %mul3A_18, %add3A_105 : vector<16xi32>
      tpu.vector_store_idx %arg13[%add3A_106], %add3A_102 : memref<5184xf32, #tpu.memory_space<vmem>>[vector<16xi32>], vector<16xf32>,
      %get3A_107 = arith.index_cast %scan3A_68 : i32 to index
      %get3A_108 = arith.constant 64 : index
      %get3A_109 = tpu.vector_load %arg9[%get3A_107, %get3A_108] {strides = array<i32>} : memref<80x128xf32, #tpu.memory_space<vmem>>, vector<16xf32>,
      %get3A_110 = arith.index_cast %scan3A_68 : i32 to index
      %get3A_111 = arith.constant 64 : index
      %get3A_112 = tpu.vector_load %arg10[%get3A_110, %get3A_111] {strides = array<i32>} : memref<80x128xf32, #tpu.memory_space<vmem>>, vector<16xf32>,
      %mul3A_113 = arith.mulf %get3A_109, %get3A_112 : vector<16xf32>
      %get3A_114 = arith.index_cast %scan3A_68 : i32 to index
      %get3A_115 = arith.constant 80 : index
      %get3A_116 = tpu.vector_load %arg9[%get3A_114, %get3A_115] {strides = array<i32>} : memref<80x128xf32, #tpu.memory_space<vmem>>, vector<16xf32>,
      %get3A_117 = arith.index_cast %scan3A_68 : i32 to index
      %get3A_118 = arith.constant 80 : index
      %get3A_119 = tpu.vector_load %arg10[%get3A_117, %get3A_118] {strides = array<i32>} : memref<80x128xf32, #tpu.memory_space<vmem>>, vector<16xf32>,
      %mul3A_120 = arith.mulf %get3A_116, %get3A_119 : vector<16xf32>
      %add3A_121 = arith.addf %mul3A_113, %mul3A_120 : vector<16xf32>
      %add3A_122 = arith.constant 2592 : i32
      %add3A_123 = arith.addi %add3A_122, %scan3A_68 : i32
      %add3A_124 = vector.broadcast %add3A_123 : i32 to vector<16xi32>
      %add3A_125 = arith.addi %mul3A_18, %add3A_124 : vector<16xi32>
      tpu.vector_store_idx %arg13[%add3A_125], %add3A_121 : memref<5184xf32, #tpu.memory_space<vmem>>[vector<16xi32>], vector<16xf32>,
      %get3A_126 = arith.index_cast %scan3A_68 : i32 to index
      %get3A_127 = arith.constant 96 : index
      %get3A_128 = tpu.vector_load %arg9[%get3A_126, %get3A_127] {strides = array<i32>} : memref<80x128xf32, #tpu.memory_space<vmem>>, vector<16xf32>,
      %get3A_129 = arith.index_cast %scan3A_68 : i32 to index
      %get3A_130 = arith.constant 96 : index
      %get3A_131 = tpu.vector_load %arg10[%get3A_129, %get3A_130] {strides = array<i32>} : memref<80x128xf32, #tpu.memory_space<vmem>>, vector<16xf32>,
      %mul3A_132 = arith.mulf %get3A_128, %get3A_131 : vector<16xf32>
      %get3A_133 = arith.index_cast %scan3A_68 : i32 to index
      %get3A_134 = arith.constant 112 : index
      %get3A_135 = tpu.vector_load %arg9[%get3A_133, %get3A_134] {strides = array<i32>} : memref<80x128xf32, #tpu.memory_space<vmem>>, vector<16xf32>,
      %get3A_136 = arith.index_cast %scan3A_68 : i32 to index
      %get3A_137 = arith.constant 112 : index
      %get3A_138 = tpu.vector_load %arg10[%get3A_136, %get3A_137] {strides = array<i32>} : memref<80x128xf32, #tpu.memory_space<vmem>>, vector<16xf32>,
      %mul3A_139 = arith.mulf %get3A_135, %get3A_138 : vector<16xf32>
      %add3A_140 = arith.addf %mul3A_132, %mul3A_139 : vector<16xf32>
      %add3A_141 = arith.constant 3888 : i32
      %add3A_142 = arith.addi %add3A_141, %scan3A_68 : i32
      %add3A_143 = vector.broadcast %add3A_142 : i32 to vector<16xi32>
      %add3A_144 = arith.addi %mul3A_18, %add3A_143 : vector<16xi32>
      tpu.vector_store_idx %arg13[%add3A_144], %add3A_140 : memref<5184xf32, #tpu.memory_space<vmem>>[vector<16xi32>], vector<16xf32>,
      %scan3A_145 = arith.constant 0 : i32
      scf.yield %scan3A_145 : i32
    }
    %scan3A_50 = arith.constant 80 : i32
    %scan3A_51 = arith.constant 0 : i32
    %scan3A_52 = arith.constant 0 : i32
    %scan3A_53 = arith.constant 5 : i32
    %scan3A_54 = arith.addi %scan3A_52, %scan3A_53 : i32
    %scan3A_55 = arith.constant 1 : i32
    %scan3A_56 = scf.for %scan3A_68 = %scan3A_52 to %scan3A_54 step %scan3A_55 iter_args(%scan3A_69 = %scan3A_51) -> (i32)  : i32 {
      %mul3A_70 = arith.constant 16 : i32
      %mul3A_71 = arith.muli %scan3A_68, %mul3A_70 : i32
      %add3A_72 = arith.constant 9920 : i32
      %add3A_73 = arith.addi %add3A_72, %mul3A_71 : i32
      %get3A = arith.index_cast %add3A_73 : i32 to index
      %get3A_74 = tpu.vector_load %arg8[%get3A] {strides = array<i32>} : memref<10000xi32, #tpu.memory_space<vmem>>, vector<16xi32>,
      %mul3A_75 = arith.constant 16 : i32
      %mul3A_76 = arith.muli %scan3A_68, %mul3A_75 : i32
      %add3A_77 = arith.constant 0 : i32
      %add3A_78 = arith.addi %add3A_77, %mul3A_76 : i32
      %get3A_79 = arith.index_cast %add3A_78 : i32 to index
      %get3A_80 = tpu.vector_load %arg13[%get3A_79] {strides = array<i32>} : memref<5184xf32, #tpu.memory_space<vmem>>, vector<16xf32>,
      %mul3A_81 = arith.constant 16 : i32
      %mul3A_82 = arith.muli %scan3A_68, %mul3A_81 : i32
      %add3A_83 = arith.constant 81 : i32
      %add3A_84 = arith.addi %add3A_83, %mul3A_82 : i32
      %get3A_85 = arith.index_cast %add3A_84 : i32 to index
      %get3A_86 = tpu.vector_load %arg13[%get3A_85] {strides = array<i32>} : memref<5184xf32, #tpu.memory_space<vmem>>, vector<16xf32>,
      %add3A_87 = arith.addf %get3A_80, %get3A_86 : vector<16xf32>
      %mul3A_88 = arith.constant 16 : i32
      %mul3A_89 = arith.muli %scan3A_68, %mul3A_88 : i32
      %add3A_90 = arith.constant 162 : i32
      %add3A_91 = arith.addi %add3A_90, %mul3A_89 : i32
      %get3A_92 = arith.index_cast %add3A_91 : i32 to index
      %get3A_93 = tpu.vector_load %arg13[%get3A_92] {strides = array<i32>} : memref<5184xf32, #tpu.memory_space<vmem>>, vector<16xf32>,
      %add3A_94 = arith.addf %add3A_87, %get3A_93 : vector<16xf32>
      %mul3A_95 = arith.constant 16 : i32
      %mul3A_96 = arith.muli %scan3A_68, %mul3A_95 : i32
      %add3A_97 = arith.constant 243 : i32
      %add3A_98 = arith.addi %add3A_97, %mul3A_96 : i32
      %get3A_99 = arith.index_cast %add3A_98 : i32 to index
      %get3A_100 = tpu.vector_load %arg13[%get3A_99] {strides = array<i32>} : memref<5184xf32, #tpu.memory_space<vmem>>, vector<16xf32>,
      %add3A_101 = arith.addf %add3A_94, %get3A_100 : vector<16xf32>
      %mul3A_102 = arith.constant 16 : i32
      %mul3A_103 = arith.muli %scan3A_68, %mul3A_102 : i32
      %add3A_104 = arith.constant 324 : i32
      %add3A_105 = arith.addi %add3A_104, %mul3A_103 : i32
      %get3A_106 = arith.index_cast %add3A_105 : i32 to index
      %get3A_107 = tpu.vector_load %arg13[%get3A_106] {strides = array<i32>} : memref<5184xf32, #tpu.memory_space<vmem>>, vector<16xf32>,
      %add3A_108 = arith.addf %add3A_101, %get3A_107 : vector<16xf32>
      %mul3A_109 = arith.constant 16 : i32
      %mul3A_110 = arith.muli %scan3A_68, %mul3A_109 : i32
      %add3A_111 = arith.constant 405 : i32
      %add3A_112 = arith.addi %add3A_111, %mul3A_110 : i32
      %get3A_113 = arith.index_cast %add3A_112 : i32 to index
      %get3A_114 = tpu.vector_load %arg13[%get3A_113] {strides = array<i32>} : memref<5184xf32, #tpu.memory_space<vmem>>, vector<16xf32>,
      %add3A_115 = arith.addf %add3A_108, %get3A_114 : vector<16xf32>
      %mul3A_116 = arith.constant 16 : i32
      %mul3A_117 = arith.muli %scan3A_68, %mul3A_116 : i32
      %add3A_118 = arith.constant 486 : i32
      %add3A_119 = arith.addi %add3A_118, %mul3A_117 : i32
      %get3A_120 = arith.index_cast %add3A_119 : i32 to index
      %get3A_121 = tpu.vector_load %arg13[%get3A_120] {strides = array<i32>} : memref<5184xf32, #tpu.memory_space<vmem>>, vector<16xf32>,
      %add3A_122 = arith.addf %add3A_115, %get3A_121 : vector<16xf32>
      %mul3A_123 = arith.constant 16 : i32
      %mul3A_124 = arith.muli %scan3A_68, %mul3A_123 : i32
      %add3A_125 = arith.constant 567 : i32
      %add3A_126 = arith.addi %add3A_125, %mul3A_124 : i32
      %get3A_127 = arith.index_cast %add3A_126 : i32 to index
      %get3A_128 = tpu.vector_load %arg13[%get3A_127] {strides = array<i32>} : memref<5184xf32, #tpu.memory_space<vmem>>, vector<16xf32>,
      %add3A_129 = arith.addf %add3A_122, %get3A_128 : vector<16xf32>
      %mul3A_130 = arith.constant 16 : i32
      %mul3A_131 = arith.muli %scan3A_68, %mul3A_130 : i32
      %add3A_132 = arith.constant 648 : i32
      %add3A_133 = arith.addi %add3A_132, %mul3A_131 : i32
      %get3A_134 = arith.index_cast %add3A_133 : i32 to index
      %get3A_135 = tpu.vector_load %arg13[%get3A_134] {strides = array<i32>} : memref<5184xf32, #tpu.memory_space<vmem>>, vector<16xf32>,
      %add3A_136 = arith.addf %add3A_129, %get3A_135 : vector<16xf32>
      %mul3A_137 = arith.constant 16 : i32
      %mul3A_138 = arith.muli %scan3A_68, %mul3A_137 : i32
      %add3A_139 = arith.constant 729 : i32
      %add3A_140 = arith.addi %add3A_139, %mul3A_138 : i32
      %get3A_141 = arith.index_cast %add3A_140 : i32 to index
      %get3A_142 = tpu.vector_load %arg13[%get3A_141] {strides = array<i32>} : memref<5184xf32, #tpu.memory_space<vmem>>, vector<16xf32>,
      %add3A_143 = arith.addf %add3A_136, %get3A_142 : vector<16xf32>
      %mul3A_144 = arith.constant 16 : i32
      %mul3A_145 = arith.muli %scan3A_68, %mul3A_144 : i32
      %add3A_146 = arith.constant 810 : i32
      %add3A_147 = arith.addi %add3A_146, %mul3A_145 : i32
      %get3A_148 = arith.index_cast %add3A_147 : i32 to index
      %get3A_149 = tpu.vector_load %arg13[%get3A_148] {strides = array<i32>} : memref<5184xf32, #tpu.memory_space<vmem>>, vector<16xf32>,
      %add3A_150 = arith.addf %add3A_143, %get3A_149 : vector<16xf32>
      %mul3A_151 = arith.constant 16 : i32
      %mul3A_152 = arith.muli %scan3A_68, %mul3A_151 : i32
      %add3A_153 = arith.constant 891 : i32
      %add3A_154 = arith.addi %add3A_153, %mul3A_152 : i32
      %get3A_155 = arith.index_cast %add3A_154 : i32 to index
      %get3A_156 = tpu.vector_load %arg13[%get3A_155] {strides = array<i32>} : memref<5184xf32, #tpu.memory_space<vmem>>, vector<16xf32>,
      %add3A_157 = arith.addf %add3A_150, %get3A_156 : vector<16xf32>
      %mul3A_158 = arith.constant 16 : i32
      %mul3A_159 = arith.muli %scan3A_68, %mul3A_158 : i32
      %add3A_160 = arith.constant 972 : i32
      %add3A_161 = arith.addi %add3A_160, %mul3A_159 : i32
      %get3A_162 = arith.index_cast %add3A_161 : i32 to index
      %get3A_163 = tpu.vector_load %arg13[%get3A_162] {strides = array<i32>} : memref<5184xf32, #tpu.memory_space<vmem>>, vector<16xf32>,
      %add3A_164 = arith.addf %add3A_157, %get3A_163 : vector<16xf32>
      %mul3A_165 = arith.constant 16 : i32
      %mul3A_166 = arith.muli %scan3A_68, %mul3A_165 : i32
      %add3A_167 = arith.constant 1053 : i32
      %add3A_168 = arith.addi %add3A_167, %mul3A_166 : i32
      %get3A_169 = arith.index_cast %add3A_168 : i32 to index
      %get3A_170 = tpu.vector_load %arg13[%get3A_169] {strides = array<i32>} : memref<5184xf32, #tpu.memory_space<vmem>>, vector<16xf32>,
      %add3A_171 = arith.addf %add3A_164, %get3A_170 : vector<16xf32>
      %mul3A_172 = arith.constant 16 : i32
      %mul3A_173 = arith.muli %scan3A_68, %mul3A_172 : i32
      %add3A_174 = arith.constant 1134 : i32
      %add3A_175 = arith.addi %add3A_174, %mul3A_173 : i32
      %get3A_176 = arith.index_cast %add3A_175 : i32 to index
      %get3A_177 = tpu.vector_load %arg13[%get3A_176] {strides = array<i32>} : memref<5184xf32, #tpu.memory_space<vmem>>, vector<16xf32>,
      %add3A_178 = arith.addf %add3A_171, %get3A_177 : vector<16xf32>
      %mul3A_179 = arith.constant 16 : i32
      %mul3A_180 = arith.muli %scan3A_68, %mul3A_179 : i32
      %add3A_181 = arith.constant 1215 : i32
      %add3A_182 = arith.addi %add3A_181, %mul3A_180 : i32
      %get3A_183 = arith.index_cast %add3A_182 : i32 to index
      %get3A_184 = tpu.vector_load %arg13[%get3A_183] {strides = array<i32>} : memref<5184xf32, #tpu.memory_space<vmem>>, vector<16xf32>,
      %add3A_185 = arith.addf %add3A_178, %get3A_184 : vector<16xf32>
      %mul3A_186 = arith.constant 0.176776692 : f32
      %mul3A_187 = vector.broadcast %mul3A_186 : f32 to vector<16xf32>
      %mul3A_188 = arith.mulf %add3A_185, %mul3A_187 : vector<16xf32>
      %exp3A = math.exp %mul3A_188 : vector<16xf32>
      %mul3A_189 = arith.constant 16 : i32
      %mul3A_190 = arith.muli %scan3A_68, %mul3A_189 : i32
      %add3A_191 = arith.constant 39680 : i32
      %add3A_192 = arith.addi %add3A_191, %mul3A_190 : i32
      %swap3A = arith.index_cast %add3A_192 : i32 to index
      %swap3A_193 = tpu.vector_load %arg14[%swap3A] {strides = array<i32>} : memref<40000xf32, #tpu.memory_space<vmem>>, vector<16xf32>,
      tpu.vector_store %arg14[%swap3A], %exp3A {strides = array<i32>} : memref<40000xf32, #tpu.memory_space<vmem>>, vector<16xf32>,
      %mul3A_194 = arith.constant 16 : i32
      %mul3A_195 = arith.muli %scan3A_68, %mul3A_194 : i32
      %add3A_196 = arith.constant 0 : i32
      %add3A_197 = arith.addi %add3A_196, %mul3A_195 : i32
      %swap3A_198 = arith.index_cast %add3A_197 : i32 to index
      %swap3A_199 = tpu.vector_load %arg15[%swap3A_198] {strides = array<i32>} : memref<320xf32, #tpu.memory_space<vmem>>, vector<16xf32>,
      tpu.vector_store %arg15[%swap3A_198], %exp3A {strides = array<i32>} : memref<320xf32, #tpu.memory_space<vmem>>, vector<16xf32>,
      %mul3A_200 = arith.constant 4 : i32
      %mul3A_201 = vector.broadcast %mul3A_200 : i32 to vector<16xi32>
      %mul3A_202 = arith.muli %get3A_74, %mul3A_201 : vector<16xi32>
      %add3A_203 = arith.constant 0 : i32
      %add3A_204 = vector.broadcast %add3A_203 : i32 to vector<16xi32>
      %add3A_205 = arith.addi %mul3A_202, %add3A_204 : vector<16xi32>
      %mul3A_206 = arith.constant 16 : i32
      %mul3A_207 = arith.muli %scan3A_68, %mul3A_206 : i32
      %add3A_208 = arith.constant 0 : i32
      %add3A_209 = arith.addi %add3A_208, %mul3A_207 : i32
      %swap3A_210 = arith.index_cast %add3A_209 : i32 to index
      %swap3A_211 = tpu.vector_load %arg16[%swap3A_210] {strides = array<i32>} : memref<320xi32, #tpu.memory_space<vmem>>, vector<16xi32>,
      tpu.vector_store %arg16[%swap3A_210], %add3A_205 {strides = array<i32>} : memref<320xi32, #tpu.memory_space<vmem>>, vector<16xi32>,
      %mul3A_212 = arith.constant 16 : i32
      %mul3A_213 = arith.muli %scan3A_68, %mul3A_212 : i32
      %add3A_214 = arith.constant 1296 : i32
      %add3A_215 = arith.addi %add3A_214, %mul3A_213 : i32
      %get3A_216 = arith.index_cast %add3A_215 : i32 to index
      %get3A_217 = tpu.vector_load %arg13[%get3A_216] {strides = array<i32>} : memref<5184xf32, #tpu.memory_space<vmem>>, vector<16xf32>,
      %mul3A_218 = arith.constant 16 : i32
      %mul3A_219 = arith.muli %scan3A_68, %mul3A_218 : i32
      %add3A_220 = arith.constant 1377 : i32
      %add3A_221 = arith.addi %add3A_220, %mul3A_219 : i32
      %get3A_222 = arith.index_cast %add3A_221 : i32 to index
      %get3A_223 = tpu.vector_load %arg13[%get3A_222] {strides = array<i32>} : memref<5184xf32, #tpu.memory_space<vmem>>, vector<16xf32>,
      %add3A_224 = arith.addf %get3A_217, %get3A_223 : vector<16xf32>
      %mul3A_225 = arith.constant 16 : i32
      %mul3A_226 = arith.muli %scan3A_68, %mul3A_225 : i32
      %add3A_227 = arith.constant 1458 : i32
      %add3A_228 = arith.addi %add3A_227, %mul3A_226 : i32
      %get3A_229 = arith.index_cast %add3A_228 : i32 to index
      %get3A_230 = tpu.vector_load %arg13[%get3A_229] {strides = array<i32>} : memref<5184xf32, #tpu.memory_space<vmem>>, vector<16xf32>,
      %add3A_231 = arith.addf %add3A_224, %get3A_230 : vector<16xf32>
      %mul3A_232 = arith.constant 16 : i32
      %mul3A_233 = arith.muli %scan3A_68, %mul3A_232 : i32
      %add3A_234 = arith.constant 1539 : i32
      %add3A_235 = arith.addi %add3A_234, %mul3A_233 : i32
      %get3A_236 = arith.index_cast %add3A_235 : i32 to index
      %get3A_237 = tpu.vector_load %arg13[%get3A_236] {strides = array<i32>} : memref<5184xf32, #tpu.memory_space<vmem>>, vector<16xf32>,
      %add3A_238 = arith.addf %add3A_231, %get3A_237 : vector<16xf32>
      %mul3A_239 = arith.constant 16 : i32
      %mul3A_240 = arith.muli %scan3A_68, %mul3A_239 : i32
      %add3A_241 = arith.constant 1620 : i32
      %add3A_242 = arith.addi %add3A_241, %mul3A_240 : i32
      %get3A_243 = arith.index_cast %add3A_242 : i32 to index
      %get3A_244 = tpu.vector_load %arg13[%get3A_243] {strides = array<i32>} : memref<5184xf32, #tpu.memory_space<vmem>>, vector<16xf32>,
      %add3A_245 = arith.addf %add3A_238, %get3A_244 : vector<16xf32>
      %mul3A_246 = arith.constant 16 : i32
      %mul3A_247 = arith.muli %scan3A_68, %mul3A_246 : i32
      %add3A_248 = arith.constant 1701 : i32
      %add3A_249 = arith.addi %add3A_248, %mul3A_247 : i32
      %get3A_250 = arith.index_cast %add3A_249 : i32 to index
      %get3A_251 = tpu.vector_load %arg13[%get3A_250] {strides = array<i32>} : memref<5184xf32, #tpu.memory_space<vmem>>, vector<16xf32>,
      %add3A_252 = arith.addf %add3A_245, %get3A_251 : vector<16xf32>
      %mul3A_253 = arith.constant 16 : i32
      %mul3A_254 = arith.muli %scan3A_68, %mul3A_253 : i32
      %add3A_255 = arith.constant 1782 : i32
      %add3A_256 = arith.addi %add3A_255, %mul3A_254 : i32
      %get3A_257 = arith.index_cast %add3A_256 : i32 to index
      %get3A_258 = tpu.vector_load %arg13[%get3A_257] {strides = array<i32>} : memref<5184xf32, #tpu.memory_space<vmem>>, vector<16xf32>,
      %add3A_259 = arith.addf %add3A_252, %get3A_258 : vector<16xf32>
      %mul3A_260 = arith.constant 16 : i32
      %mul3A_261 = arith.muli %scan3A_68, %mul3A_260 : i32
      %add3A_262 = arith.constant 1863 : i32
      %add3A_263 = arith.addi %add3A_262, %mul3A_261 : i32
      %get3A_264 = arith.index_cast %add3A_263 : i32 to index
      %get3A_265 = tpu.vector_load %arg13[%get3A_264] {strides = array<i32>} : memref<5184xf32, #tpu.memory_space<vmem>>, vector<16xf32>,
      %add3A_266 = arith.addf %add3A_259, %get3A_265 : vector<16xf32>
      %mul3A_267 = arith.constant 16 : i32
      %mul3A_268 = arith.muli %scan3A_68, %mul3A_267 : i32
      %add3A_269 = arith.constant 1944 : i32
      %add3A_270 = arith.addi %add3A_269, %mul3A_268 : i32
      %get3A_271 = arith.index_cast %add3A_270 : i32 to index
      %get3A_272 = tpu.vector_load %arg13[%get3A_271] {strides = array<i32>} : memref<5184xf32, #tpu.memory_space<vmem>>, vector<16xf32>,
      %add3A_273 = arith.addf %add3A_266, %get3A_272 : vector<16xf32>
      %mul3A_274 = arith.constant 16 : i32
      %mul3A_275 = arith.muli %scan3A_68, %mul3A_274 : i32
      %add3A_276 = arith.constant 2025 : i32
      %add3A_277 = arith.addi %add3A_276, %mul3A_275 : i32
      %get3A_278 = arith.index_cast %add3A_277 : i32 to index
      %get3A_279 = tpu.vector_load %arg13[%get3A_278] {strides = array<i32>} : memref<5184xf32, #tpu.memory_space<vmem>>, vector<16xf32>,
      %add3A_280 = arith.addf %add3A_273, %get3A_279 : vector<16xf32>
      %mul3A_281 = arith.constant 16 : i32
      %mul3A_282 = arith.muli %scan3A_68, %mul3A_281 : i32
      %add3A_283 = arith.constant 2106 : i32
      %add3A_284 = arith.addi %add3A_283, %mul3A_282 : i32
      %get3A_285 = arith.index_cast %add3A_284 : i32 to index
      %get3A_286 = tpu.vector_load %arg13[%get3A_285] {strides = array<i32>} : memref<5184xf32, #tpu.memory_space<vmem>>, vector<16xf32>,
      %add3A_287 = arith.addf %add3A_280, %get3A_286 : vector<16xf32>
      %mul3A_288 = arith.constant 16 : i32
      %mul3A_289 = arith.muli %scan3A_68, %mul3A_288 : i32
      %add3A_290 = arith.constant 2187 : i32
      %add3A_291 = arith.addi %add3A_290, %mul3A_289 : i32
      %get3A_292 = arith.index_cast %add3A_291 : i32 to index
      %get3A_293 = tpu.vector_load %arg13[%get3A_292] {strides = array<i32>} : memref<5184xf32, #tpu.memory_space<vmem>>, vector<16xf32>,
      %add3A_294 = arith.addf %add3A_287, %get3A_293 : vector<16xf32>
      %mul3A_295 = arith.constant 16 : i32
      %mul3A_296 = arith.muli %scan3A_68, %mul3A_295 : i32
      %add3A_297 = arith.constant 2268 : i32
      %add3A_298 = arith.addi %add3A_297, %mul3A_296 : i32
      %get3A_299 = arith.index_cast %add3A_298 : i32 to index
      %get3A_300 = tpu.vector_load %arg13[%get3A_299] {strides = array<i32>} : memref<5184xf32, #tpu.memory_space<vmem>>, vector<16xf32>,
      %add3A_301 = arith.addf %add3A_294, %get3A_300 : vector<16xf32>
      %mul3A_302 = arith.constant 16 : i32
      %mul3A_303 = arith.muli %scan3A_68, %mul3A_302 : i32
      %add3A_304 = arith.constant 2349 : i32
      %add3A_305 = arith.addi %add3A_304, %mul3A_303 : i32
      %get3A_306 = arith.index_cast %add3A_305 : i32 to index
      %get3A_307 = tpu.vector_load %arg13[%get3A_306] {strides = array<i32>} : memref<5184xf32, #tpu.memory_space<vmem>>, vector<16xf32>,
      %add3A_308 = arith.addf %add3A_301, %get3A_307 : vector<16xf32>
      %mul3A_309 = arith.constant 16 : i32
      %mul3A_310 = arith.muli %scan3A_68, %mul3A_309 : i32
      %add3A_311 = arith.constant 2430 : i32
      %add3A_312 = arith.addi %add3A_311, %mul3A_310 : i32
      %get3A_313 = arith.index_cast %add3A_312 : i32 to index
      %get3A_314 = tpu.vector_load %arg13[%get3A_313] {strides = array<i32>} : memref<5184xf32, #tpu.memory_space<vmem>>, vector<16xf32>,
      %add3A_315 = arith.addf %add3A_308, %get3A_314 : vector<16xf32>
      %mul3A_316 = arith.constant 16 : i32
      %mul3A_317 = arith.muli %scan3A_68, %mul3A_316 : i32
      %add3A_318 = arith.constant 2511 : i32
      %add3A_319 = arith.addi %add3A_318, %mul3A_317 : i32
      %get3A_320 = arith.index_cast %add3A_319 : i32 to index
      %get3A_321 = tpu.vector_load %arg13[%get3A_320] {strides = array<i32>} : memref<5184xf32, #tpu.memory_space<vmem>>, vector<16xf32>,
      %add3A_322 = arith.addf %add3A_315, %get3A_321 : vector<16xf32>
      %mul3A_323 = arith.constant 0.176776692 : f32
      %mul3A_324 = vector.broadcast %mul3A_323 : f32 to vector<16xf32>
      %mul3A_325 = arith.mulf %add3A_322, %mul3A_324 : vector<16xf32>
      %exp3A_326 = math.exp %mul3A_325 : vector<16xf32>
      %mul3A_327 = arith.constant 16 : i32
      %mul3A_328 = arith.muli %scan3A_68, %mul3A_327 : i32
      %add3A_329 = arith.constant 39760 : i32
      %add3A_330 = arith.addi %add3A_329, %mul3A_328 : i32
      %swap3A_331 = arith.index_cast %add3A_330 : i32 to index
      %swap3A_332 = tpu.vector_load %arg14[%swap3A_331] {strides = array<i32>} : memref<40000xf32, #tpu.memory_space<vmem>>, vector<16xf32>,
      tpu.vector_store %arg14[%swap3A_331], %exp3A_326 {strides = array<i32>} : memref<40000xf32, #tpu.memory_space<vmem>>, vector<16xf32>,
      %mul3A_333 = arith.constant 16 : i32
      %mul3A_334 = arith.muli %scan3A_68, %mul3A_333 : i32
      %add3A_335 = arith.constant 80 : i32
      %add3A_336 = arith.addi %add3A_335, %mul3A_334 : i32
      %swap3A_337 = arith.index_cast %add3A_336 : i32 to index
      %swap3A_338 = tpu.vector_load %arg15[%swap3A_337] {strides = array<i32>} : memref<320xf32, #tpu.memory_space<vmem>>, vector<16xf32>,
      tpu.vector_store %arg15[%swap3A_337], %exp3A_326 {strides = array<i32>} : memref<320xf32, #tpu.memory_space<vmem>>, vector<16xf32>,
      %mul3A_339 = arith.constant 4 : i32
      %mul3A_340 = vector.broadcast %mul3A_339 : i32 to vector<16xi32>
      %mul3A_341 = arith.muli %get3A_74, %mul3A_340 : vector<16xi32>
      %add3A_342 = arith.constant 1 : i32
      %add3A_343 = vector.broadcast %add3A_342 : i32 to vector<16xi32>
      %add3A_344 = arith.addi %mul3A_341, %add3A_343 : vector<16xi32>
      %mul3A_345 = arith.constant 16 : i32
      %mul3A_346 = arith.muli %scan3A_68, %mul3A_345 : i32
      %add3A_347 = arith.constant 80 : i32
      %add3A_348 = arith.addi %add3A_347, %mul3A_346 : i32
      %swap3A_349 = arith.index_cast %add3A_348 : i32 to index
      %swap3A_350 = tpu.vector_load %arg16[%swap3A_349] {strides = array<i32>} : memref<320xi32, #tpu.memory_space<vmem>>, vector<16xi32>,
      tpu.vector_store %arg16[%swap3A_349], %add3A_344 {strides = array<i32>} : memref<320xi32, #tpu.memory_space<vmem>>, vector<16xi32>,
      %mul3A_351 = arith.constant 16 : i32
      %mul3A_352 = arith.muli %scan3A_68, %mul3A_351 : i32
      %add3A_353 = arith.constant 2592 : i32
      %add3A_354 = arith.addi %add3A_353, %mul3A_352 : i32
      %get3A_355 = arith.index_cast %add3A_354 : i32 to index
      %get3A_356 = tpu.vector_load %arg13[%get3A_355] {strides = array<i32>} : memref<5184xf32, #tpu.memory_space<vmem>>, vector<16xf32>,
      %mul3A_357 = arith.constant 16 : i32
      %mul3A_358 = arith.muli %scan3A_68, %mul3A_357 : i32
      %add3A_359 = arith.constant 2673 : i32
      %add3A_360 = arith.addi %add3A_359, %mul3A_358 : i32
      %get3A_361 = arith.index_cast %add3A_360 : i32 to index
      %get3A_362 = tpu.vector_load %arg13[%get3A_361] {strides = array<i32>} : memref<5184xf32, #tpu.memory_space<vmem>>, vector<16xf32>,
      %add3A_363 = arith.addf %get3A_356, %get3A_362 : vector<16xf32>
      %mul3A_364 = arith.constant 16 : i32
      %mul3A_365 = arith.muli %scan3A_68, %mul3A_364 : i32
      %add3A_366 = arith.constant 2754 : i32
      %add3A_367 = arith.addi %add3A_366, %mul3A_365 : i32
      %get3A_368 = arith.index_cast %add3A_367 : i32 to index
      %get3A_369 = tpu.vector_load %arg13[%get3A_368] {strides = array<i32>} : memref<5184xf32, #tpu.memory_space<vmem>>, vector<16xf32>,
      %add3A_370 = arith.addf %add3A_363, %get3A_369 : vector<16xf32>
      %mul3A_371 = arith.constant 16 : i32
      %mul3A_372 = arith.muli %scan3A_68, %mul3A_371 : i32
      %add3A_373 = arith.constant 2835 : i32
      %add3A_374 = arith.addi %add3A_373, %mul3A_372 : i32
      %get3A_375 = arith.index_cast %add3A_374 : i32 to index
      %get3A_376 = tpu.vector_load %arg13[%get3A_375] {strides = array<i32>} : memref<5184xf32, #tpu.memory_space<vmem>>, vector<16xf32>,
      %add3A_377 = arith.addf %add3A_370, %get3A_376 : vector<16xf32>
      %mul3A_378 = arith.constant 16 : i32
      %mul3A_379 = arith.muli %scan3A_68, %mul3A_378 : i32
      %add3A_380 = arith.constant 2916 : i32
      %add3A_381 = arith.addi %add3A_380, %mul3A_379 : i32
      %get3A_382 = arith.index_cast %add3A_381 : i32 to index
      %get3A_383 = tpu.vector_load %arg13[%get3A_382] {strides = array<i32>} : memref<5184xf32, #tpu.memory_space<vmem>>, vector<16xf32>,
      %add3A_384 = arith.addf %add3A_377, %get3A_383 : vector<16xf32>
      %mul3A_385 = arith.constant 16 : i32
      %mul3A_386 = arith.muli %scan3A_68, %mul3A_385 : i32
      %add3A_387 = arith.constant 2997 : i32
      %add3A_388 = arith.addi %add3A_387, %mul3A_386 : i32
      %get3A_389 = arith.index_cast %add3A_388 : i32 to index
      %get3A_390 = tpu.vector_load %arg13[%get3A_389] {strides = array<i32>} : memref<5184xf32, #tpu.memory_space<vmem>>, vector<16xf32>,
      %add3A_391 = arith.addf %add3A_384, %get3A_390 : vector<16xf32>
      %mul3A_392 = arith.constant 16 : i32
      %mul3A_393 = arith.muli %scan3A_68, %mul3A_392 : i32
      %add3A_394 = arith.constant 3078 : i32
      %add3A_395 = arith.addi %add3A_394, %mul3A_393 : i32
      %get3A_396 = arith.index_cast %add3A_395 : i32 to index
      %get3A_397 = tpu.vector_load %arg13[%get3A_396] {strides = array<i32>} : memref<5184xf32, #tpu.memory_space<vmem>>, vector<16xf32>,
      %add3A_398 = arith.addf %add3A_391, %get3A_397 : vector<16xf32>
      %mul3A_399 = arith.constant 16 : i32
      %mul3A_400 = arith.muli %scan3A_68, %mul3A_399 : i32
      %add3A_401 = arith.constant 3159 : i32
      %add3A_402 = arith.addi %add3A_401, %mul3A_400 : i32
      %get3A_403 = arith.index_cast %add3A_402 : i32 to index
      %get3A_404 = tpu.vector_load %arg13[%get3A_403] {strides = array<i32>} : memref<5184xf32, #tpu.memory_space<vmem>>, vector<16xf32>,
      %add3A_405 = arith.addf %add3A_398, %get3A_404 : vector<16xf32>
      %mul3A_406 = arith.constant 16 : i32
      %mul3A_407 = arith.muli %scan3A_68, %mul3A_406 : i32
      %add3A_408 = arith.constant 3240 : i32
      %add3A_409 = arith.addi %add3A_408, %mul3A_407 : i32
      %get3A_410 = arith.index_cast %add3A_409 : i32 to index
      %get3A_411 = tpu.vector_load %arg13[%get3A_410] {strides = array<i32>} : memref<5184xf32, #tpu.memory_space<vmem>>, vector<16xf32>,
      %add3A_412 = arith.addf %add3A_405, %get3A_411 : vector<16xf32>
      %mul3A_413 = arith.constant 16 : i32
      %mul3A_414 = arith.muli %scan3A_68, %mul3A_413 : i32
      %add3A_415 = arith.constant 3321 : i32
      %add3A_416 = arith.addi %add3A_415, %mul3A_414 : i32
      %get3A_417 = arith.index_cast %add3A_416 : i32 to index
      %get3A_418 = tpu.vector_load %arg13[%get3A_417] {strides = array<i32>} : memref<5184xf32, #tpu.memory_space<vmem>>, vector<16xf32>,
      %add3A_419 = arith.addf %add3A_412, %get3A_418 : vector<16xf32>
      %mul3A_420 = arith.constant 16 : i32
      %mul3A_421 = arith.muli %scan3A_68, %mul3A_420 : i32
      %add3A_422 = arith.constant 3402 : i32
      %add3A_423 = arith.addi %add3A_422, %mul3A_421 : i32
      %get3A_424 = arith.index_cast %add3A_423 : i32 to index
      %get3A_425 = tpu.vector_load %arg13[%get3A_424] {strides = array<i32>} : memref<5184xf32, #tpu.memory_space<vmem>>, vector<16xf32>,
      %add3A_426 = arith.addf %add3A_419, %get3A_425 : vector<16xf32>
      %mul3A_427 = arith.constant 16 : i32
      %mul3A_428 = arith.muli %scan3A_68, %mul3A_427 : i32
      %add3A_429 = arith.constant 3483 : i32
      %add3A_430 = arith.addi %add3A_429, %mul3A_428 : i32
      %get3A_431 = arith.index_cast %add3A_430 : i32 to index
      %get3A_432 = tpu.vector_load %arg13[%get3A_431] {strides = array<i32>} : memref<5184xf32, #tpu.memory_space<vmem>>, vector<16xf32>,
      %add3A_433 = arith.addf %add3A_426, %get3A_432 : vector<16xf32>
      %mul3A_434 = arith.constant 16 : i32
      %mul3A_435 = arith.muli %scan3A_68, %mul3A_434 : i32
      %add3A_436 = arith.constant 3564 : i32
      %add3A_437 = arith.addi %add3A_436, %mul3A_435 : i32
      %get3A_438 = arith.index_cast %add3A_437 : i32 to index
      %get3A_439 = tpu.vector_load %arg13[%get3A_438] {strides = array<i32>} : memref<5184xf32, #tpu.memory_space<vmem>>, vector<16xf32>,
      %add3A_440 = arith.addf %add3A_433, %get3A_439 : vector<16xf32>
      %mul3A_441 = arith.constant 16 : i32
      %mul3A_442 = arith.muli %scan3A_68, %mul3A_441 : i32
      %add3A_443 = arith.constant 3645 : i32
      %add3A_444 = arith.addi %add3A_443, %mul3A_442 : i32
      %get3A_445 = arith.index_cast %add3A_444 : i32 to index
      %get3A_446 = tpu.vector_load %arg13[%get3A_445] {strides = array<i32>} : memref<5184xf32, #tpu.memory_space<vmem>>, vector<16xf32>,
      %add3A_447 = arith.addf %add3A_440, %get3A_446 : vector<16xf32>
      %mul3A_448 = arith.constant 16 : i32
      %mul3A_449 = arith.muli %scan3A_68, %mul3A_448 : i32
      %add3A_450 = arith.constant 3726 : i32
      %add3A_451 = arith.addi %add3A_450, %mul3A_449 : i32
      %get3A_452 = arith.index_cast %add3A_451 : i32 to index
      %get3A_453 = tpu.vector_load %arg13[%get3A_452] {strides = array<i32>} : memref<5184xf32, #tpu.memory_space<vmem>>, vector<16xf32>,
      %add3A_454 = arith.addf %add3A_447, %get3A_453 : vector<16xf32>
      %mul3A_455 = arith.constant 16 : i32
      %mul3A_456 = arith.muli %scan3A_68, %mul3A_455 : i32
      %add3A_457 = arith.constant 3807 : i32
      %add3A_458 = arith.addi %add3A_457, %mul3A_456 : i32
      %get3A_459 = arith.index_cast %add3A_458 : i32 to index
      %get3A_460 = tpu.vector_load %arg13[%get3A_459] {strides = array<i32>} : memref<5184xf32, #tpu.memory_space<vmem>>, vector<16xf32>,
      %add3A_461 = arith.addf %add3A_454, %get3A_460 : vector<16xf32>
      %mul3A_462 = arith.constant 0.176776692 : f32
      %mul3A_463 = vector.broadcast %mul3A_462 : f32 to vector<16xf32>
      %mul3A_464 = arith.mulf %add3A_461, %mul3A_463 : vector<16xf32>
      %exp3A_465 = math.exp %mul3A_464 : vector<16xf32>
      %mul3A_466 = arith.constant 16 : i32
      %mul3A_467 = arith.muli %scan3A_68, %mul3A_466 : i32
      %add3A_468 = arith.constant 39840 : i32
      %add3A_469 = arith.addi %add3A_468, %mul3A_467 : i32
      %swap3A_470 = arith.index_cast %add3A_469 : i32 to index
      %swap3A_471 = tpu.vector_load %arg14[%swap3A_470] {strides = array<i32>} : memref<40000xf32, #tpu.memory_space<vmem>>, vector<16xf32>,
      tpu.vector_store %arg14[%swap3A_470], %exp3A_465 {strides = array<i32>} : memref<40000xf32, #tpu.memory_space<vmem>>, vector<16xf32>,
      %mul3A_472 = arith.constant 16 : i32
      %mul3A_473 = arith.muli %scan3A_68, %mul3A_472 : i32
      %add3A_474 = arith.constant 160 : i32
      %add3A_475 = arith.addi %add3A_474, %mul3A_473 : i32
      %swap3A_476 = arith.index_cast %add3A_475 : i32 to index
      %swap3A_477 = tpu.vector_load %arg15[%swap3A_476] {strides = array<i32>} : memref<320xf32, #tpu.memory_space<vmem>>, vector<16xf32>,
      tpu.vector_store %arg15[%swap3A_476], %exp3A_465 {strides = array<i32>} : memref<320xf32, #tpu.memory_space<vmem>>, vector<16xf32>,
      %mul3A_478 = arith.constant 4 : i32
      %mul3A_479 = vector.broadcast %mul3A_478 : i32 to vector<16xi32>
      %mul3A_480 = arith.muli %get3A_74, %mul3A_479 : vector<16xi32>
      %add3A_481 = arith.constant 2 : i32
      %add3A_482 = vector.broadcast %add3A_481 : i32 to vector<16xi32>
      %add3A_483 = arith.addi %mul3A_480, %add3A_482 : vector<16xi32>
      %mul3A_484 = arith.constant 16 : i32
      %mul3A_485 = arith.muli %scan3A_68, %mul3A_484 : i32
      %add3A_486 = arith.constant 160 : i32
      %add3A_487 = arith.addi %add3A_486, %mul3A_485 : i32
      %swap3A_488 = arith.index_cast %add3A_487 : i32 to index
      %swap3A_489 = tpu.vector_load %arg16[%swap3A_488] {strides = array<i32>} : memref<320xi32, #tpu.memory_space<vmem>>, vector<16xi32>,
      tpu.vector_store %arg16[%swap3A_488], %add3A_483 {strides = array<i32>} : memref<320xi32, #tpu.memory_space<vmem>>, vector<16xi32>,
      %mul3A_490 = arith.constant 16 : i32
      %mul3A_491 = arith.muli %scan3A_68, %mul3A_490 : i32
      %add3A_492 = arith.constant 3888 : i32
      %add3A_493 = arith.addi %add3A_492, %mul3A_491 : i32
      %get3A_494 = arith.index_cast %add3A_493 : i32 to index
      %get3A_495 = tpu.vector_load %arg13[%get3A_494] {strides = array<i32>} : memref<5184xf32, #tpu.memory_space<vmem>>, vector<16xf32>,
      %mul3A_496 = arith.constant 16 : i32
      %mul3A_497 = arith.muli %scan3A_68, %mul3A_496 : i32
      %add3A_498 = arith.constant 3969 : i32
      %add3A_499 = arith.addi %add3A_498, %mul3A_497 : i32
      %get3A_500 = arith.index_cast %add3A_499 : i32 to index
      %get3A_501 = tpu.vector_load %arg13[%get3A_500] {strides = array<i32>} : memref<5184xf32, #tpu.memory_space<vmem>>, vector<16xf32>,
      %add3A_502 = arith.addf %get3A_495, %get3A_501 : vector<16xf32>
      %mul3A_503 = arith.constant 16 : i32
      %mul3A_504 = arith.muli %scan3A_68, %mul3A_503 : i32
      %add3A_505 = arith.constant 4050 : i32
      %add3A_506 = arith.addi %add3A_505, %mul3A_504 : i32
      %get3A_507 = arith.index_cast %add3A_506 : i32 to index
      %get3A_508 = tpu.vector_load %arg13[%get3A_507] {strides = array<i32>} : memref<5184xf32, #tpu.memory_space<vmem>>, vector<16xf32>,
      %add3A_509 = arith.addf %add3A_502, %get3A_508 : vector<16xf32>
      %mul3A_510 = arith.constant 16 : i32
      %mul3A_511 = arith.muli %scan3A_68, %mul3A_510 : i32
      %add3A_512 = arith.constant 4131 : i32
      %add3A_513 = arith.addi %add3A_512, %mul3A_511 : i32
      %get3A_514 = arith.index_cast %add3A_513 : i32 to index
      %get3A_515 = tpu.vector_load %arg13[%get3A_514] {strides = array<i32>} : memref<5184xf32, #tpu.memory_space<vmem>>, vector<16xf32>,
      %add3A_516 = arith.addf %add3A_509, %get3A_515 : vector<16xf32>
      %mul3A_517 = arith.constant 16 : i32
      %mul3A_518 = arith.muli %scan3A_68, %mul3A_517 : i32
      %add3A_519 = arith.constant 4212 : i32
      %add3A_520 = arith.addi %add3A_519, %mul3A_518 : i32
      %get3A_521 = arith.index_cast %add3A_520 : i32 to index
      %get3A_522 = tpu.vector_load %arg13[%get3A_521] {strides = array<i32>} : memref<5184xf32, #tpu.memory_space<vmem>>, vector<16xf32>,
      %add3A_523 = arith.addf %add3A_516, %get3A_522 : vector<16xf32>
      %mul3A_524 = arith.constant 16 : i32
      %mul3A_525 = arith.muli %scan3A_68, %mul3A_524 : i32
      %add3A_526 = arith.constant 4293 : i32
      %add3A_527 = arith.addi %add3A_526, %mul3A_525 : i32
      %get3A_528 = arith.index_cast %add3A_527 : i32 to index
      %get3A_529 = tpu.vector_load %arg13[%get3A_528] {strides = array<i32>} : memref<5184xf32, #tpu.memory_space<vmem>>, vector<16xf32>,
      %add3A_530 = arith.addf %add3A_523, %get3A_529 : vector<16xf32>
      %mul3A_531 = arith.constant 16 : i32
      %mul3A_532 = arith.muli %scan3A_68, %mul3A_531 : i32
      %add3A_533 = arith.constant 4374 : i32
      %add3A_534 = arith.addi %add3A_533, %mul3A_532 : i32
      %get3A_535 = arith.index_cast %add3A_534 : i32 to index
      %get3A_536 = tpu.vector_load %arg13[%get3A_535] {strides = array<i32>} : memref<5184xf32, #tpu.memory_space<vmem>>, vector<16xf32>,
      %add3A_537 = arith.addf %add3A_530, %get3A_536 : vector<16xf32>
      %mul3A_538 = arith.constant 16 : i32
      %mul3A_539 = arith.muli %scan3A_68, %mul3A_538 : i32
      %add3A_540 = arith.constant 4455 : i32
      %add3A_541 = arith.addi %add3A_540, %mul3A_539 : i32
      %get3A_542 = arith.index_cast %add3A_541 : i32 to index
      %get3A_543 = tpu.vector_load %arg13[%get3A_542] {strides = array<i32>} : memref<5184xf32, #tpu.memory_space<vmem>>, vector<16xf32>,
      %add3A_544 = arith.addf %add3A_537, %get3A_543 : vector<16xf32>
      %mul3A_545 = arith.constant 16 : i32
      %mul3A_546 = arith.muli %scan3A_68, %mul3A_545 : i32
      %add3A_547 = arith.constant 4536 : i32
      %add3A_548 = arith.addi %add3A_547, %mul3A_546 : i32
      %get3A_549 = arith.index_cast %add3A_548 : i32 to index
      %get3A_550 = tpu.vector_load %arg13[%get3A_549] {strides = array<i32>} : memref<5184xf32, #tpu.memory_space<vmem>>, vector<16xf32>,
      %add3A_551 = arith.addf %add3A_544, %get3A_550 : vector<16xf32>
      %mul3A_552 = arith.constant 16 : i32
      %mul3A_553 = arith.muli %scan3A_68, %mul3A_552 : i32
      %add3A_554 = arith.constant 4617 : i32
      %add3A_555 = arith.addi %add3A_554, %mul3A_553 : i32
      %get3A_556 = arith.index_cast %add3A_555 : i32 to index
      %get3A_557 = tpu.vector_load %arg13[%get3A_556] {strides = array<i32>} : memref<5184xf32, #tpu.memory_space<vmem>>, vector<16xf32>,
      %add3A_558 = arith.addf %add3A_551, %get3A_557 : vector<16xf32>
      %mul3A_559 = arith.constant 16 : i32
      %mul3A_560 = arith.muli %scan3A_68, %mul3A_559 : i32
      %add3A_561 = arith.constant 4698 : i32
      %add3A_562 = arith.addi %add3A_561, %mul3A_560 : i32
      %get3A_563 = arith.index_cast %add3A_562 : i32 to index
      %get3A_564 = tpu.vector_load %arg13[%get3A_563] {strides = array<i32>} : memref<5184xf32, #tpu.memory_space<vmem>>, vector<16xf32>,
      %add3A_565 = arith.addf %add3A_558, %get3A_564 : vector<16xf32>
      %mul3A_566 = arith.constant 16 : i32
      %mul3A_567 = arith.muli %scan3A_68, %mul3A_566 : i32
      %add3A_568 = arith.constant 4779 : i32
      %add3A_569 = arith.addi %add3A_568, %mul3A_567 : i32
      %get3A_570 = arith.index_cast %add3A_569 : i32 to index
      %get3A_571 = tpu.vector_load %arg13[%get3A_570] {strides = array<i32>} : memref<5184xf32, #tpu.memory_space<vmem>>, vector<16xf32>,
      %add3A_572 = arith.addf %add3A_565, %get3A_571 : vector<16xf32>
      %mul3A_573 = arith.constant 16 : i32
      %mul3A_574 = arith.muli %scan3A_68, %mul3A_573 : i32
      %add3A_575 = arith.constant 4860 : i32
      %add3A_576 = arith.addi %add3A_575, %mul3A_574 : i32
      %get3A_577 = arith.index_cast %add3A_576 : i32 to index
      %get3A_578 = tpu.vector_load %arg13[%get3A_577] {strides = array<i32>} : memref<5184xf32, #tpu.memory_space<vmem>>, vector<16xf32>,
      %add3A_579 = arith.addf %add3A_572, %get3A_578 : vector<16xf32>
      %mul3A_580 = arith.constant 16 : i32
      %mul3A_581 = arith.muli %scan3A_68, %mul3A_580 : i32
      %add3A_582 = arith.constant 4941 : i32
      %add3A_583 = arith.addi %add3A_582, %mul3A_581 : i32
      %get3A_584 = arith.index_cast %add3A_583 : i32 to index
      %get3A_585 = tpu.vector_load %arg13[%get3A_584] {strides = array<i32>} : memref<5184xf32, #tpu.memory_space<vmem>>, vector<16xf32>,
      %add3A_586 = arith.addf %add3A_579, %get3A_585 : vector<16xf32>
      %mul3A_587 = arith.constant 16 : i32
      %mul3A_588 = arith.muli %scan3A_68, %mul3A_587 : i32
      %add3A_589 = arith.constant 5022 : i32
      %add3A_590 = arith.addi %add3A_589, %mul3A_588 : i32
      %get3A_591 = arith.index_cast %add3A_590 : i32 to index
      %get3A_592 = tpu.vector_load %arg13[%get3A_591] {strides = array<i32>} : memref<5184xf32, #tpu.memory_space<vmem>>, vector<16xf32>,
      %add3A_593 = arith.addf %add3A_586, %get3A_592 : vector<16xf32>
      %mul3A_594 = arith.constant 16 : i32
      %mul3A_595 = arith.muli %scan3A_68, %mul3A_594 : i32
      %add3A_596 = arith.constant 5103 : i32
      %add3A_597 = arith.addi %add3A_596, %mul3A_595 : i32
      %get3A_598 = arith.index_cast %add3A_597 : i32 to index
      %get3A_599 = tpu.vector_load %arg13[%get3A_598] {strides = array<i32>} : memref<5184xf32, #tpu.memory_space<vmem>>, vector<16xf32>,
      %add3A_600 = arith.addf %add3A_593, %get3A_599 : vector<16xf32>
      %mul3A_601 = arith.constant 0.176776692 : f32
      %mul3A_602 = vector.broadcast %mul3A_601 : f32 to vector<16xf32>
      %mul3A_603 = arith.mulf %add3A_600, %mul3A_602 : vector<16xf32>
      %exp3A_604 = math.exp %mul3A_603 : vector<16xf32>
      %mul3A_605 = arith.constant 16 : i32
      %mul3A_606 = arith.muli %scan3A_68, %mul3A_605 : i32
      %add3A_607 = arith.constant 39920 : i32
      %add3A_608 = arith.addi %add3A_607, %mul3A_606 : i32
      %swap3A_609 = arith.index_cast %add3A_608 : i32 to index
      %swap3A_610 = tpu.vector_load %arg14[%swap3A_609] {strides = array<i32>} : memref<40000xf32, #tpu.memory_space<vmem>>, vector<16xf32>,
      tpu.vector_store %arg14[%swap3A_609], %exp3A_604 {strides = array<i32>} : memref<40000xf32, #tpu.memory_space<vmem>>, vector<16xf32>,
      %mul3A_611 = arith.constant 16 : i32
      %mul3A_612 = arith.muli %scan3A_68, %mul3A_611 : i32
      %add3A_613 = arith.constant 240 : i32
      %add3A_614 = arith.addi %add3A_613, %mul3A_612 : i32
      %swap3A_615 = arith.index_cast %add3A_614 : i32 to index
      %swap3A_616 = tpu.vector_load %arg15[%swap3A_615] {strides = array<i32>} : memref<320xf32, #tpu.memory_space<vmem>>, vector<16xf32>,
      tpu.vector_store %arg15[%swap3A_615], %exp3A_604 {strides = array<i32>} : memref<320xf32, #tpu.memory_space<vmem>>, vector<16xf32>,
      %mul3A_617 = arith.constant 4 : i32
      %mul3A_618 = vector.broadcast %mul3A_617 : i32 to vector<16xi32>
      %mul3A_619 = arith.muli %get3A_74, %mul3A_618 : vector<16xi32>
      %add3A_620 = arith.constant 3 : i32
      %add3A_621 = vector.broadcast %add3A_620 : i32 to vector<16xi32>
      %add3A_622 = arith.addi %mul3A_619, %add3A_621 : vector<16xi32>
      %mul3A_623 = arith.constant 16 : i32
      %mul3A_624 = arith.muli %scan3A_68, %mul3A_623 : i32
      %add3A_625 = arith.constant 240 : i32
      %add3A_626 = arith.addi %add3A_625, %mul3A_624 : i32
      %swap3A_627 = arith.index_cast %add3A_626 : i32 to index
      %swap3A_628 = tpu.vector_load %arg16[%swap3A_627] {strides = array<i32>} : memref<320xi32, #tpu.memory_space<vmem>>, vector<16xi32>,
      tpu.vector_store %arg16[%swap3A_627], %add3A_622 {strides = array<i32>} : memref<320xi32, #tpu.memory_space<vmem>>, vector<16xi32>,
      %scan3A_629 = arith.constant 0 : i32
      scf.yield %scan3A_629 : i32
    }
    %scan3A_57 = arith.constant 5 : i32
    "tpu.region"() ({
      %run_scoped3A = tpu.sem_alloc : memref<!tpu.dma_semaphore, #tpu.memory_space<semaphore_mem>>
      %dma_start3A_68 = arith.constant 0 : i32
      %dma_start3A_69 = tpu.memref_slice %arg18[%dma_start3A_68] : memref<40000xf32, #tpu.memory_space<vmem_shared>> -> memref<40000xf32, #tpu.memory_space<vmem_shared>>
      tpu.enqueue_indirect_dma source(%arg15 : memref<320xf32, #tpu.memory_space<vmem>>) target(%dma_start3A_69 : memref<40000xf32, #tpu.memory_space<vmem_shared>>) offsets(%arg16 : memref<320xi32, #tpu.memory_space<vmem>>) semaphore(%run_scoped3A : memref<!tpu.dma_semaphore, #tpu.memory_space<semaphore_mem>>) {add = true}
      %dma_wait3A_70 = arith.constant 0 : i32
      %dma_wait3A_71 = tpu.memref_slice %arg18[%dma_wait3A_70] : memref<40000xf32, #tpu.memory_space<vmem_shared>> -> memref<40000xf32, #tpu.memory_space<vmem_shared>>
      tpu.wait_indirect_dma semaphore(%run_scoped3A : memref<!tpu.dma_semaphore, #tpu.memory_space<semaphore_mem>>) src(%arg15 : memref<320xf32, #tpu.memory_space<vmem>>) dst(%dma_wait3A_71 : memref<40000xf32, #tpu.memory_space<vmem_shared>>)
      tpu.yield
    }) : () -> ()
    %mul3A_58 = arith.constant 10000 : i32
    %mul3A_59 = arith.muli %add3A, %mul3A_58 : i32
    %mul3A_60 = arith.constant 4 : i32
    %mul3A_61 = arith.muli %mul3A_59, %mul3A_60 : i32
    "tpu.region"() ({
      %run_scoped3A = tpu.sem_alloc : memref<!tpu.dma_semaphore, #tpu.memory_space<semaphore_mem>>
      %dma_start3A_68 = tpu.memref_slice %arg5[%mul3A_61] : memref<1280000xf32, #tpu.memory_space<hbm>> -> memref<40000xf32, #tpu.memory_space<hbm>>
      %dma_start3A_69 = tpu.memref_slice %arg5[%mul3A_61] : memref<1280000xf32, #tpu.memory_space<hbm>> -> memref<40000xf32, #tpu.memory_space<hbm>>
      tpu.enqueue_dma source(%arg14 : memref<40000xf32, #tpu.memory_space<vmem>>) target(%dma_start3A_69 : memref<40000xf32, #tpu.memory_space<hbm>>) target_semaphore(%run_scoped3A : memref<!tpu.dma_semaphore, #tpu.memory_space<semaphore_mem>>)
      %dma_wait3A_70 = tpu.memref_slice %arg5[%mul3A_61] : memref<1280000xf32, #tpu.memory_space<hbm>> -> memref<40000xf32, #tpu.memory_space<hbm>>
      %dma_wait3A_71 = tpu.memref_slice %arg5[%mul3A_61] : memref<1280000xf32, #tpu.memory_space<hbm>> -> memref<40000xf32, #tpu.memory_space<hbm>>
      tpu.wait_dma2 semaphore(%run_scoped3A : memref<!tpu.dma_semaphore, #tpu.memory_space<semaphore_mem>>) src(%arg14 : memref<40000xf32, #tpu.memory_space<vmem>>) dst(%dma_wait3A_71 : memref<40000xf32, #tpu.memory_space<hbm>>)
      tpu.yield
    }) : () -> ()
    %barrier3A_62 = arith.constant 0 : index
    tpu.barrier barrier_id(%barrier3A_62)
    %eq3A_63 = arith.constant 0 : i32
    %eq3A_64 = arith.cmpi eq, %arg1, %eq3A_63 : i32
    %convert_element_type3A_65 = arith.extui %eq3A_64 : i1 to i32
    %cond3A_66 = arith.constant 0 : i32
    %cond3A_67 = arith.cmpi ne, %convert_element_type3A_65, %cond3A_66 : i32
    scf.if %cond3A_67 {
      "tpu.region"() ({
        %run_scoped3A = tpu.sem_alloc : memref<!tpu.dma_semaphore, #tpu.memory_space<semaphore_mem>>
        tpu.enqueue_dma source(%arg18 : memref<40000xf32, #tpu.memory_space<vmem_shared>>) target(%arg14 : memref<40000xf32, #tpu.memory_space<vmem>>) target_semaphore(%run_scoped3A : memref<!tpu.dma_semaphore, #tpu.memory_space<semaphore_mem>>)
        tpu.wait_dma2 semaphore(%run_scoped3A : memref<!tpu.dma_semaphore, #tpu.memory_space<semaphore_mem>>) src(%arg18 : memref<40000xf32, #tpu.memory_space<vmem_shared>>) dst(%arg14 : memref<40000xf32, #tpu.memory_space<vmem>>)
        tpu.yield
      }) : () -> ()
      %mul3A_68 = arith.constant 10000 : i32
      %mul3A_69 = arith.muli %arg0, %mul3A_68 : i32
      %mul3A_70 = arith.constant 4 : i32
      %mul3A_71 = arith.muli %mul3A_69, %mul3A_70 : i32
      "tpu.region"() ({
        %run_scoped3A = tpu.sem_alloc : memref<!tpu.dma_semaphore, #tpu.memory_space<semaphore_mem>>
        %dma_start3A_72 = tpu.memref_slice %arg6[%mul3A_71] : memref<80000xf32, #tpu.memory_space<hbm>> -> memref<40000xf32, #tpu.memory_space<hbm>>
        %dma_start3A_73 = tpu.memref_slice %arg6[%mul3A_71] : memref<80000xf32, #tpu.memory_space<hbm>> -> memref<40000xf32, #tpu.memory_space<hbm>>
        tpu.enqueue_dma source(%arg14 : memref<40000xf32, #tpu.memory_space<vmem>>) target(%dma_start3A_73 : memref<40000xf32, #tpu.memory_space<hbm>>) target_semaphore(%run_scoped3A : memref<!tpu.dma_semaphore, #tpu.memory_space<semaphore_mem>>)
        %dma_wait3A_74 = tpu.memref_slice %arg6[%mul3A_71] : memref<80000xf32, #tpu.memory_space<hbm>> -> memref<40000xf32, #tpu.memory_space<hbm>>
        %dma_wait3A_75 = tpu.memref_slice %arg6[%mul3A_71] : memref<80000xf32, #tpu.memory_space<hbm>> -> memref<40000xf32, #tpu.memory_space<hbm>>
        tpu.wait_dma2 semaphore(%run_scoped3A : memref<!tpu.dma_semaphore, #tpu.memory_space<semaphore_mem>>) src(%arg14 : memref<40000xf32, #tpu.memory_space<vmem>>) dst(%dma_wait3A_75 : memref<40000xf32, #tpu.memory_space<hbm>>)
        tpu.yield
      }) : () -> ()
    } else {
    }
    return
  }
}

module attributes {stable_mosaic.version = 14 : i64} {
  func.func @_mm_body(%arg0: i32, %arg1: memref<1000x128xf32, #tpu.memory_space<vmem>>, %arg2: memref<128x128xf32, #tpu.memory_space<vmem>>, %arg3: memref<1000x128xf32, #tpu.memory_space<vmem>>) attributes {dimension_semantics = [#tpu.dimension_semantics<arbitrary>], iteration_bounds = array<i64: 10>, scalar_prefetch = 0 : i64, scratch_operands = 0 : i64, tpu.core_type = #tpu.core_type<tc>, window_params = [{transform_indices = @transform_0, window_bounds = array<i64: 1000, 128>}, {pipeline_mode = #tpu.pipeline_mode<synchronous>, transform_indices = @transform_1, window_bounds = array<i64: 128, 128>}, {transform_indices = @transform_2, window_bounds = array<i64: 1000, 128>}]} {
    %get3A = arith.constant 0 : index
    %get3A_0 = arith.constant 0 : index
    %get3A_1 = vector.load %arg1[%get3A, %get3A_0] : memref<1000x128xf32, #tpu.memory_space<vmem>>, vector<1000x128xf32>
    %get3A_2 = arith.constant 0 : index
    %get3A_3 = arith.constant 0 : index
    %get3A_4 = vector.load %arg2[%get3A_2, %get3A_3] : memref<128x128xf32, #tpu.memory_space<vmem>>, vector<128x128xf32>
    %dot_general3A = arith.constant dense<0.000000e+00> : vector<1000x128xf32>
    %dot_general3A_5 = tpu.matmul %get3A_1, %get3A_4, %dot_general3A {dimension_numbers = #tpu.dot_dimension_numbers<[1], [0], [0], [1], [0, 0, 1, 1], [], []>, transpose_lhs_hint = false} : vector<1000x128xf32>, vector<128x128xf32>, vector<1000x128xf32> -> vector<1000x128xf32>
    %swap3A = arith.constant 0 : index
    %swap3A_6 = arith.constant 0 : index
    %swap3A_7 = vector.load %arg3[%swap3A, %swap3A_6] : memref<1000x128xf32, #tpu.memory_space<vmem>>, vector<1000x128xf32>
    tpu.vector_store %arg3[%swap3A, %swap3A_6], %dot_general3A_5 {strides = array<i32>} : memref<1000x128xf32, #tpu.memory_space<vmem>>, vector<1000x128xf32>,
    return
  }
  func.func @transform_0(%arg0: i32) -> (i32, i32) {
    %c0_i32 = arith.constant 0 : i32
    %c0_i32_0 = arith.constant 0 : i32
    return %arg0, %c0_i32 : i32, i32
  }
  func.func @transform_1(%arg0: i32) -> (i32, i32) {
    %c0_i32 = arith.constant 0 : i32
    %c0_i32_0 = arith.constant 0 : i32
    %c0_i32_1 = arith.constant 0 : i32
    return %c0_i32, %c0_i32_0 : i32, i32
  }
  func.func @transform_2(%arg0: i32) -> (i32, i32) {
    %c0_i32 = arith.constant 0 : i32
    %c0_i32_0 = arith.constant 0 : i32
    return %arg0, %c0_i32 : i32, i32
  }
}

module attributes {stable_mosaic.version = 14 : i64} {
  func.func @_norm_body(%arg0: i32, %arg1: memref<1000x128xf32, #tpu.memory_space<vmem>>, %arg2: memref<1000x128xf32, #tpu.memory_space<vmem>>, %arg3: memref<1000x4xf32, #tpu.memory_space<vmem>>, %arg4: memref<1000x4xf32, #tpu.memory_space<vmem>>, %arg5: memref<1000x128xf32, #tpu.memory_space<vmem>>) attributes {dimension_semantics = [#tpu.dimension_semantics<arbitrary>], iteration_bounds = array<i64: 10>, scalar_prefetch = 0 : i64, scratch_operands = 0 : i64, tpu.core_type = #tpu.core_type<tc>, window_params = [{transform_indices = @transform_0, window_bounds = array<i64: 1000, 128>}, {transform_indices = @transform_1, window_bounds = array<i64: 1000, 128>}, {transform_indices = @transform_2, window_bounds = array<i64: 1000, 4>}, {transform_indices = @transform_3, window_bounds = array<i64: 1000, 4>}, {transform_indices = @transform_4, window_bounds = array<i64: 1000, 128>}]} {
    %get3A = arith.constant 0 : index
    %get3A_0 = arith.constant 0 : index
    %get3A_1 = vector.load %arg3[%get3A, %get3A_0] : memref<1000x4xf32, #tpu.memory_space<vmem>>, vector<1000x4xf32>
    %get3A_2 = arith.constant 0 : index
    %get3A_3 = arith.constant 0 : index
    %get3A_4 = vector.load %arg4[%get3A_2, %get3A_3] : memref<1000x4xf32, #tpu.memory_space<vmem>>, vector<1000x4xf32>
    %add3A = arith.addf %get3A_1, %get3A_4 : vector<1000x4xf32>
    %max3A = arith.constant 1.000000e-30 : f32
    %max3A_5 = vector.broadcast %max3A : f32 to vector<1000x4xf32>
    %max3A_6 = arith.maximumf %add3A, %max3A_5 : vector<1000x4xf32>
    %div3A = arith.constant 1.000000e+00 : f32
    %div3A_7 = vector.broadcast %div3A : f32 to vector<1000x4xf32>
    %div3A_8 = arith.divf %div3A_7, %max3A_6 : vector<1000x4xf32>
    %reshape3A = vector.shape_cast %div3A_8 : vector<1000x4xf32> to vector<1000x4x1xf32>
    %get3A_9 = arith.constant 0 : index
    %get3A_10 = arith.constant 0 : index
    %get3A_11 = vector.load %arg1[%get3A_9, %get3A_10] : memref<1000x128xf32, #tpu.memory_space<vmem>>, vector<1000x128xf32>
    %get3A_12 = arith.constant 0 : index
    %get3A_13 = arith.constant 0 : index
    %get3A_14 = vector.load %arg2[%get3A_12, %get3A_13] : memref<1000x128xf32, #tpu.memory_space<vmem>>, vector<1000x128xf32>
    %add3A_15 = arith.addf %get3A_11, %get3A_14 : vector<1000x128xf32>
    %reshape3A_16 = vector.shape_cast %add3A_15 : vector<1000x128xf32> to vector<1000x4x32xf32>
    %mul3A = vector.broadcast %reshape3A : vector<1000x4x1xf32> to vector<1000x4x32xf32>
    %mul3A_17 = arith.mulf %reshape3A_16, %mul3A : vector<1000x4x32xf32>
    %reshape3A_18 = vector.shape_cast %mul3A_17 : vector<1000x4x32xf32> to vector<1000x128xf32>
    %swap3A = arith.constant 0 : index
    %swap3A_19 = arith.constant 0 : index
    %swap3A_20 = vector.load %arg5[%swap3A, %swap3A_19] : memref<1000x128xf32, #tpu.memory_space<vmem>>, vector<1000x128xf32>
    tpu.vector_store %arg5[%swap3A, %swap3A_19], %reshape3A_18 {strides = array<i32>} : memref<1000x128xf32, #tpu.memory_space<vmem>>, vector<1000x128xf32>,
    return
  }
  func.func @transform_0(%arg0: i32) -> (i32, i32) {
    %c0_i32 = arith.constant 0 : i32
    %c0_i32_0 = arith.constant 0 : i32
    return %arg0, %c0_i32 : i32, i32
  }
  func.func @transform_1(%arg0: i32) -> (i32, i32) {
    %c0_i32 = arith.constant 0 : i32
    %c0_i32_0 = arith.constant 0 : i32
    return %arg0, %c0_i32 : i32, i32
  }
  func.func @transform_2(%arg0: i32) -> (i32, i32) {
    %c0_i32 = arith.constant 0 : i32
    %c0_i32_0 = arith.constant 0 : i32
    return %arg0, %c0_i32 : i32, i32
  }
  func.func @transform_3(%arg0: i32) -> (i32, i32) {
    %c0_i32 = arith.constant 0 : i32
    %c0_i32_0 = arith.constant 0 : i32
    return %arg0, %c0_i32 : i32, i32
  }
  func.func @transform_4(%arg0: i32) -> (i32, i32) {
    %c0_i32 = arith.constant 0 : i32
    %c0_i32_0 = arith.constant 0 : i32
    return %arg0, %c0_i32 : i32, i32
  }
}

</mosaic_0001>

<sc_bundles>
// kernel: kernel.6.cloned.1.call-start
scs
__scs_entry_jumppad:
0x0: {  	(pc) =	sbr.rel $0x88, $3  }
0x1: {  	(tag) =	ssettag $0x0;
	lr =	simm.s32 $0x1  }
0x2: {  	[smem:$0x3F9E] =	sst lr;
	_ =	strace $0xD0000000  }
0x3: {  	_ = 	snop  }
0x4: {  	_ = 	snop  }
0x5: {  	_ = 	snop  }
0x6: {  	_ = 	snop  }
0x7: {  	_ = 	snop  }
__scs_overlays_trampoline_lowered:
0x8: {  	[smem:$0x3FAD] =	sst s0  }
0x9: {  	[smem:$0x3FAE] =	sst s1  }
0xa: {  	[smem:$0x3FAF] =	sst s2  }
0xb: {  	[smem:$0x3FB0] =	sst s3  }
0xc: {  	[smem:$0x3FB1] =	sst s4  }
0xd: {  	[smem:$0x3FB2] =	sst s5  }
0xe: {  	[smem:$0x3FB3] =	sst s6  }
0xf: {  	[smem:$0x3FB4] =	sst s7  }
0x10: {  	[smem:$0x3FB5] =	sst s8  }
0x11: {  	[smem:$0x3FB6] =	sst s9;
	s0 =	simm.s32 @!p0 $0x0  }
0x12: {  	s1 =	sld [smem:$0x3F9C];
	s0 =	simm.s32 @p0 $0x1  }
0x13: {  	[smem:$0x3FB7] =	sst s0;
	s0 =	simm.s32 @!p1 $0x0  }
0x14: {  	s2 =	sld [smem:$0x3F9B];
	s0 =	simm.s32 @p1 $0x1  }
0x15: {  	[smem:$0x3FB8] =	sst s0;
	s0 =	simm.s32 @!p2 $0x0  }
0x16: {  	s3 =	sld [smem:$0x3FDB];
	s0 =	simm.s32 @p2 $0x1  }
0x17: {  	s4 =	simm.s32 $0x1BF5;
	[smem:$0x3FBA] =	sst s0  }
0x18: {  	s0 =	sld [smem:$0x3F9D];
	_ =	swait.ge [sflag:s4], $0x0  }
0x19: {  	s7 =	sld [smem:$0x3F9E]  }
0x1a: {  	s8 =	sadd.s32 $0xFFFFE003, lr  }
0x1b: {  	s9 =	sadd.s32 $0xFFFFFEF7, lr;
	s5 =	simm.s32 $0xFFFFFFFF;
	p2 =	slt.u32 s8, $0xFFFFF086  }
0x1c: {  	p1 =	slt.u32 s9, $0xF7A;
	s5 =	simm.s32 @!p2 $0x0  }
0x1d: {  	s5 =	simm.s32 @p1 $0x1;
	p0 =	seq.s32 s7, s2  }
0x1e: {  	s7 =	smul.u32 @!p0 $0xF7A, s2;
	p2 =	seq.s32 @!p0 s5, $0x0  }
0x1f: {  	s9 =	smul.u32 $0xF7A, s1;
	s8 =	simm.s32 @!p0 $0x1BF5;
	p2 =	por !p2, p0  }
0x20: {  	[sflag:s8] =	ssyncset.s32 @!p0 $0xFFFFF086;
	s6 =	sadd.s32 @!p0 s3, s7;
	s7 =	simm.s32 @!p0 $0x108  }
0x21: {  	s3 =	sadd.s32 s3, s9;
	s6 =	sadd.s32 @!p0 $0x88, s6;
	s7 =	simm.s32 @p2 $0x1082  }
0x22: {  	[simem:s7], [sflag:s8] =	dma.local @!p0 [hbm:s6], $0xF7A  }
0x23: {  	s9 =	sor.u32 $0xD0000000, s2;
	s6 =	simm.s32 $0x108;
	_ =	swait.ge @!p0 [sflag:s8], $0x0  }
0x24: {  	s3 =	sadd.s32 $0x88, s3;
	s6 =	simm.s32 @!p1 $0x1082;
	[sflag:s4] =	ssyncset.s32 $0xFFFFF086  }
0x25: {  	[simem:s6], [sflag:s4] =	dma.local [hbm:s3], $0xF7A  }
0x26: {  	[smem:$0x3F9E] =	sst s1;
	(tag) =	ssettag s2;
	_ =	strace s9  }
0x27: {  	s1 =	sld [smem:$0x3FAE]  }
0x28: {  	s2 =	sld [smem:$0x3FAF]  }
0x29: {  	s4 =	sld [smem:$0x3FB1]  }
0x2a: {  	p0 =	seq.s32 s5, $0x0;
	s5 =	sld [smem:$0x3FB2]  }
0x2b: {  	s6 =	sld [smem:$0x3FB3]  }
0x2c: {  	s7 =	sld [smem:$0x3FB4]  }
0x2d: {  	s3 =	simm.s32 $0x108;
	s8 =	sld [smem:$0x3FB5]  }
0x2e: {  	s3 =	simm.s32 @!p0 $0x1082;
	s9 =	sld [smem:$0x3FB6]  }
0x2f: {  	lr =	sadd.s32 s0, s3;
	s0 =	sld [smem:$0x3FAD]  }
0x30: {  	s3 =	sld [smem:$0x3FB0]  }
0x31: {  	[smem:$0x3FB9] =	sst s10  }
0x32: {  	s10 =	sld [smem:$0x3FB7];
	_ =	sdelay $0x3  }
0x33: {  	p0 =	seq.s32 s10, $0x1;
	s10 =	sld [smem:$0x3FB9];
	_ =	sdelay $0x3  }
0x34: {  	[smem:$0x3FB9] =	sst s10  }
0x35: {  	s10 =	sld [smem:$0x3FB8];
	_ =	sdelay $0x3  }
0x36: {  	p1 =	seq.s32 s10, $0x1;
	s10 =	sld [smem:$0x3FB9];
	_ =	sdelay $0x3  }
0x37: {  	[smem:$0x3FB9] =	sst s10  }
0x38: {  	s10 =	sld [smem:$0x3FBA]  }
0x39: {  	_ = 	snop;
	(pc) =	sbr.ind lr, $3  }
0x3a: {  	_ = 	snop  }
0x3b: {  	_ = 	snop  }
0x3c: {  	p2 =	seq.s32 s10, $0x1;
	s10 =	sld [smem:$0x3FB9]  }
0x3d: {  	_ =	shalt  }
0x3e: {  	_ =	shalt  }
0x3f: {  	_ =	shalt  }
0x40: {  	_ =	shalt  }
0x41: {  	_ =	shalt  }
0x42: {  	_ =	shalt  }
0x43: {  	_ =	shalt  }
0x44: {  	_ =	shalt  }
0x45: {  	_ =	shalt  }
0x46: {  	_ =	shalt  }
0x47: {  	_ =	shalt  }
0x48: {  	_ =	shalt  }
0x49: {  	_ =	shalt  }
0x4a: {  	_ =	shalt  }
0x4b: {  	_ =	shalt  }
0x4c: {  	_ =	shalt  }
0x4d: {  	_ =	shalt  }
0x4e: {  	_ =	shalt  }
0x4f: {  	_ =	shalt  }
0x50: {  	_ =	shalt  }
0x51: {  	_ =	shalt  }
0x52: {  	_ =	shalt  }
0x53: {  	_ =	shalt  }
0x54: {  	_ =	shalt  }
0x55: {  	_ =	shalt  }
0x56: {  	_ =	shalt  }
0x57: {  	_ =	shalt  }
0x58: {  	_ =	shalt  }
0x59: {  	_ =	shalt  }
0x5a: {  	_ =	shalt  }
0x5b: {  	_ =	shalt  }
0x5c: {  	_ =	shalt  }
0x5d: {  	_ =	shalt  }
0x5e: {  	_ =	shalt  }
0x5f: {  	_ =	shalt  }
0x60: {  	_ =	shalt  }
0x61: {  	_ =	shalt  }
0x62: {  	_ =	shalt  }
0x63: {  	_ =	shalt  }
0x64: {  	_ =	shalt  }
0x65: {  	_ =	shalt  }
0x66: {  	_ =	shalt  }
0x67: {  	_ =	shalt  }
0x68: {  	_ =	shalt  }
0x69: {  	_ =	shalt  }
0x6a: {  	_ =	shalt  }
0x6b: {  	_ =	shalt  }
0x6c: {  	_ =	shalt  }
0x6d: {  	_ =	shalt  }
0x6e: {  	_ =	shalt  }
0x6f: {  	_ =	shalt  }
0x70: {  	_ =	shalt  }
0x71: {  	_ =	shalt  }
0x72: {  	_ =	shalt  }
0x73: {  	_ =	shalt  }
0x74: {  	_ =	shalt  }
0x75: {  	_ =	shalt  }
0x76: {  	_ =	shalt  }
0x77: {  	_ =	shalt  }
0x78: {  	_ =	shalt  }
0x79: {  	_ =	shalt  }
0x7a: {  	_ =	shalt  }
0x7b: {  	_ =	shalt  }
0x7c: {  	_ =	shalt  }
0x7d: {  	_ =	shalt  }
0x7e: {  	_ =	shalt  }
0x7f: {  	_ =	shalt  }
0x80: {  	_ =	shalt  }
0x81: {  	_ =	shalt  }
0x82: {  	_ =	shalt  }
0x83: {  	_ =	shalt  }
0x84: {  	_ =	shalt  }
0x85: {  	_ =	shalt  }
0x86: {  	_ =	shalt  }
0x87: {  	_ =	shalt  }
.Lfunc_end0:
.L_simem_size_0:
called_computation_lowered:
.L_overlay_start_0:
0x88: {  	s2 =	sld [smem:$0x3FD9]  }
0x89: {  	s3 =	sld [smem:$0x3FFE];
	_ =	sdelay $0x1  }
0x8a: {  	s1 =	srdreg.scid  }
0x8b: {  	s0 =	sand.u32 $0x1, s1  }
0x8c: {  	s17 =	sshll.u32 s0, $0xA;
	s2 =	sadd.s32 s3, s2  }
0x8d: {  	s2 =	sadd.s32 s2, s17  }
0x8e: {  	[smem:$0x3FC5] =	sst s2  }
0x8f: {  	_ = 	snop  }
0x90: {  	s2 =	sld [smem:$0x3FD0];
	(tm) =	ssettm $0x1  }
0x91: {  	s18 =	sld [smem:$0x3FFB];
	_ =	sdelay $0x3  }
0x92: {  	_ =	strace s18  }
0x93: {  	s3 =	sld [smem:$0x3FFC];
	_ =	sdelay $0x3  }
0x94: {  	_ =	strace s3  }
0x95: {  	s3 =	sld [smem:$0x3FFD];
	_ =	sdelay $0x3  }
0x96: {  	_ =	strace s3  }
0x97: {  	_ =	strace $0x8FFFFFFF  }
0x98: {  	s19 =	sld [smem:$0x3FDB];
	_ =	sdelay $0x1  }
0x99: {  	s4 =	simm.s32 $_scs_section_size  }
0x9a: {  	s5 =	simm.s32 $_size__tile_overlayer_lowered;
	s6 =	simm.s32 $_tile_overlayer_lowered  }
0x9b: {  	s22 =	simm.s32 $0x1BFF;
	s21 =	sshll.u32 s6, $0x1;
	s3 =	sadd.s32 s4, s19  }
0x9c: {  	s7 =	simm.s32 $0x0;
	s20 =	sshll.u32 s5, $0x1;
	s5 =	sadd.s32 s21, s3  }
0x9d: {  	[timem:s7], [sflag:s22] =	dma.local [hbm:s5], s20  }
0x9e: {  	_ =	swait.ge [sflag:s22], s20  }
0x9f: {  	s4 =	ssub.s32 $0x0, s20;
	[sflag:s22] =	ssyncset.done $0x0  }
0xa0: {  	[sflag:s22] =	ssyncadd.s32 s4;
	_ =	sdelay $0x1  }
0xa1: {  	s23 =	simm.s32 $0x1B8B  }
0xa2: {  	_ =	swait.ge [sflag:s23], $0x1  }
0xa3: {  	[sflag:s23] =	ssyncset.done $0x0  }
0xa4: {  	s25 =	simm.s32 $0x1B8E;
	s24 =	sld [smem:$0x3FFE];
	[sflag:s23] =	ssyncadd.s32 $0xFFFFFFFF  }
0xa5: {  	s26 =	simm.s32 $execute0_lowered;
	[smem:$0x3FD2] =	sst s25  }
0xa6: {  	s5 =	sshll.u32 s26, $0x1;
	_ =	strace $0x80000046;
	[dreg:$0x1] =	wrdreg $0xFFFFFFFF  }
0xa7: {  	s28 =	simm.s32 $_size_execute0_lowered;
	s3 =	sadd.s32 s3, s5;
	[dreg:$0x0] =	wrdreg $0x0  }
0xa8: {  	s5 =	sshll.u32 s28, $0x1;
	[dreg:$0x2] =	wrdreg s3  }
0xa9: {  	[dreg:$0x3] =	wrdreg s5  }
0xaa: {  	[dreg:$0x4] =	wrdreg $0xC0  }
0xab: {  	_ =	task [dreg:s7], $0x5FFFF  }
0xac: {  	[dreg:$0x1] =	wrdreg $0xFFFFFFFF  }
0xad: {  	[dreg:$0x0] =	wrdreg $0x60  }
0xae: {  	[dreg:$0x2] =	wrdreg s2  }
0xaf: {  	[dreg:$0x3] =	wrdreg s24  }
0xb0: {  	[dreg:$0x4] =	wrdreg $0x1AD000  }
0xb1: {  	[dreg:$0x5] =	wrdreg $0x9  }
0xb2: {  	_ =	task.clear_ibuf [dreg:s7], $0x6FFFF;
	_ =	strace $0x90000046  }
0xb3: {  	s29 =	simm.s32 $0x9;
	_ =	strace $0x80000048  }
0xb4: {  	_ =	swait.ge [sflag:s29], $0x1  }
0xb5: {  	[sflag:s29] =	ssyncadd.s32 $0xFFFFFFFF  }
0xb6: {  	_ =	strace $0x90000048  }
0xb7: {  	_ =	sfence  }
0xb8: {  	s30 =	sld [smem:$0x0];
	_ =	sdelay $0x2  }
0xb9: {  	s31 =	sshll.u32 s1, $0xD;
	s1 =	sshrl.u32 s1, $0x2  }
0xba: {  	s3 =	sand.u32 $0x4000, s31;
	s1 =	sadd.s32 s1, s30  }
0xbb: {  	s0 =	sor.u32 s3, s0;
	s1 =	sshll.u32 s1, $0x11  }
0xbc: {  	s0 =	sor.u32 s1, s0  }
0xbd: {  	s0 =	sadd.s32 $0x8F2B, s0  }
0xbe: {  	[sflag:s0] =	ssyncadd.remote.s32 $0x1  }
0xbf: {  	_ =	sfence.sel $0xFFFF  }
0xc0: {  	[dreg:$0x0] =	wrdreg $0xFFFFFFFF;
	(pc) =	sbr.abs _section_cstart, $3  }
0xc1: {  	[dreg:$0x1] =	wrdreg $0xFFFFFFFF  }
0xc2: {  	_ =	task.clear_ibuf [dreg:s7], $0x2FFFF;
	_ =	strace $0x9FFFFFFF  }
0xc3: {  	(tm) =	ssettm $0x7FFFFFFF  }
tec
execute0_lowered:
.L_overlay_start_1:
0x0: {  	(tag) =	ssettag $0x1  }
0x1: {  	s0 =	srdreg.scid  }
0x2: {  	s4 =	stileid.u32;
	s5 =	rddreg [dreg:$0x1];
	s3 =	simm.s32 $0x0  }
0x3: {  	s11 =	simm.s32 $0x3;
	s13 =	simm.s32 $0x50;
	s14 =	simm.s32 $0x4F00  }
0x4: {  	s15 =	simm.s32 $0x7700;
	s16 =	simm.s32 $0x9F00;
	s17 =	simm.s32 $0xC700  }
0x5: {  	s18 =	simm.s32 $0x1;
	s19 =	simm.s32 $0xEF00;
	s20 =	simm.s32 $0x140  }
0x6: {  	s21 =	simm.s32 $0x1A180;
	s22 =	simm.s32 $0x1A000;
	s23 =	simm.s32 $0x2  }
0x7: {  	s25 =	simm.s32 $0x0;
	s1 =	sand.u32 $0x1, s0;
	s0 =	rddreg [dreg:$0x0]  }
0x8: {  	s26 =	simm.s32 $0x0;
	[smem:$0x7FF] =	sst s3;
	s9 =	smul.u32 $0x2800, s4  }
0x9: {  	p0 =	seq.s32 s4, $0xF;
	p1 =	sne.s32 s4, $0x0;
	s2 =	sshll.u32 s1, $0x4  }
0xa: {  	s8 =	smul.u32 $0x1388, s1;
	s1 =	ssub.s32 $0x2, s1;
	s6 =	sor.u32 s4, s2  }
0xb: {  	s2 =	rddreg [dreg:$0x2];
	_ =	strace $0x80000047;
	s7 =	smul.u32 $0x4E2, s6  }
0xc: {  	s28 =	sshrl.u32 s1, $0x1;
	s6 =	smul.u32 $0x1388, s6;
	s31 =	sadd.s32 $0x9600, s2  }
0xd: {  	s29 =	sshrl.u32 s9, $0x2;
	s1 =	ssub.s32 s1, s28;
	[dreg:$0x7] =	wrdreg s31  }
0xe: {  	s7 =	sadd.s32 s7, s5;
	s10 =	sadd.s32 s6, s5;
	s6 =	sadd.s32 s29, s2  }
0xf: {  	s5 =	sadd.s32 s8, s5;
	s30 =	sadd.s32 $0xAE00, s7;
	[dreg:$0x6] =	wrdreg s6  }
0x10: {  	v1 =	vlaneseq.u32;
	s7 =	sadd.s32 $0x1000, s7;
	s8 =	sadd.s32 $0x17400, s10;
	[dreg:$0x4] =	wrdreg s30  }
0x11: {  	v0 =	vimm.f32 $0.0e+00;
	v1 =	vmul.u32 $0x51, v1;
	s9 =	sadd.s32 $0x14C00, s5;
	s10 =	smax.u32 s1, $0x1;
	[dreg:$0x5] =	wrdreg s7  }
.LBB2_1:
0x12: {  	s1 =	rddreg [dreg:$0x4]  }
0x13: {  	[tilespmem:s3], [sflag:$0x3] =	stream.linear.gather [hbm4b:s1+s3], $0x2710, $0x38;
	[tilespmem:$0x1B6C8] =	vst v63  }
0x14: {  	_ =	swait.ge [sflag:s11], $0x2710  }
0x15: {  	[sflag:s11] =	ssyncset.done $0x0  }
0x16: {  	s4 =	simm.s32 $0x2780;
	s31 =	rddreg [dreg:$0x5];
	[sflag:s11] =	ssyncadd.s32 $0xFFFFD8F0  }
0x17: {  	[tilespmem:s4], [sflag:$0x3] =	stream.linear.gather [hbm4b:s31+s3], $0x2710, $0x38;
	[tilespmem:$0x1B6C8] =	vst v63  }
0x18: {  	_ =	swait.ge [sflag:s11], $0x2710  }
0x19: {  	[sflag:s11] =	ssyncset.done $0x0  }
0x1a: {  	s1 =	simm.s32 $0x40;
	s4 =	simm.s32 $0x0;
	[sflag:s11] =	ssyncadd.s32 $0xFFFFD8F0  }
.LBB2_2:
0x1b: {  	p2 =	sne.s32 s1, $0x27C0;
	[tilespmem:s4+$0x1A300] =	vst v0;
	s4 =	smov.u32 s1;
	s1 =	sadd.s32 $0x40, s1  }
.Ltmp0:
0x1c: {  	(pc) =	sbr.rel @p2 .LBB2_2-.Ltmp0, $2  }
0x1d: {  	_ =	sdelay $0x2  }
0x1e: {  	s4 =	sshra.s32 s4, $0x2  }
0x1f: {  	[tilespmem:s4+$0x1A300] =	vst v0;
	s1 =	simm.s32 @p0 $0x1A300;
	s4 =	rddreg [dreg:$0x7]  }
0x20: {  	[spmem:s4] =	stream.linear.scatter @p0 [tilespmem:s1], [sflag:$0x3], $0x640, $0x38;
	[tilespmem:$0x1B6C8] =	vst v63  }
0x21: {  	s1 =	simm.s32 @p0 $0x3  }
0x22: {  	_ =	swait.ge @p0 [sflag:s1], $0x640  }
0x23: {  	[sflag:s1] =	ssyncset.done @p0 $0x0  }
0x24: {  	s4 =	rddreg [dreg:$0x6];
	[sflag:s1] =	ssyncadd.s32 @p0 $0xFFFFF9C0;
	s1 =	simm.s32 @!p0 $0x1A300  }
0x25: {  	[spmem:s4] =	stream.linear.scatter @!p0 [tilespmem:s1], [sflag:$0x3], $0xA00, $0x38;
	[tilespmem:$0x1B6C8] =	vst v63  }
0x26: {  	s1 =	simm.s32 @!p0 $0x3  }
0x27: {  	_ =	swait.ge @!p0 [sflag:s1], $0xA00  }
0x28: {  	[sflag:s1] =	ssyncset.done @!p0 $0x0  }
0x29: {  	[sflag:s1] =	ssyncadd.s32 @!p0 $0xFFFFF600  }
0x2a: {  	s28 =	simm.s32 $0x2780;
	s29 =	simm.s32 $0x10420;
	[bflag:$0x0] =	sbarrier.arrive $0xFFFF  }
0x2b: {  	[tilespmem:s14], [sflag:$0x1] =	stream.indirect.gather [hbm4b:s0+s13], $0x80, s26, s13, $0xb8;
	[tilespmem:$0x1B6C8] =	vst v63  }
0x2c: {  	s30 =	simm.s32 $0x27D0;
	s31 =	simm.s32 $0x104C0;
	s1 =	simm.s32 $0x0  }
0x2d: {  	[tilespmem:s15], [sflag:$0x1] =	stream.indirect.gather [hbm4b:s0+s13], $0x80, s28, s13, $0xb8;
	[tilespmem:$0x1B6C8] =	vst v63  }
.LBB2_4:
0x2e: {  	s4 =	sshllo.u32 s1, $0x1  }
0x2f: {  	s4 =	smul.u32 $0x50, s4;
	_ =	sdelay $0x1  }
0x30: {  	[tilespmem:s16], [sflag:$0x2] =	stream.indirect.gather [hbm4b:s0+s13], $0x80, s4, s13, $0xb8;
	[tilespmem:$0x1B6C8] =	vst v63  }
0x31: {  	s4 =	sadd.s32 $0x2780, s4  }
0x32: {  	[tilespmem:s17], [sflag:$0x2] =	stream.indirect.gather [hbm4b:s0+s13], $0x80, s4, s13, $0xb8;
	[tilespmem:$0x1B6C8] =	vst v63  }
0x33: {  	_ =	swait.ge [sflag:s18], $0x2800  }
0x34: {  	[sflag:s18] =	ssyncset.done $0x0  }
0x35: {  	[sflag:s18] =	ssyncadd.s32 $0xFFFFD800  }
0x36: {  	_ =	swait.ge [sflag:s18], $0x2800  }
0x37: {  	[sflag:s18] =	ssyncset.done $0x0  }
0x38: {  	s4 =	simm.s32 $0x4F40;
	[sflag:s18] =	ssyncadd.s32 $0xFFFFD800  }
0x39: {  	s12 =	simm.s32 $0x7740;
	v2 =	vld [tilespmem:s4+$0xFFFFFFC0]  }
0x3a: {  	v3 =	vld [tilespmem:s12+$0xFFFFFFD0]  }
0x3b: {  	v4 =	vld [tilespmem:s4+$0xFFFFFFD0]  }
0x3c: {  	v5 =	vld [tilespmem:s12+$0xFFFFFFC0];
	_ =	sdelay $0x3  }
0x3d: {  	v6 =	vadd.s32 s26, v1  }
0x3e: {  	v3 =	vmul.f32 v3, v4;
	v2 =	vmul.f32 v5, v2;
	_ =	sdelay $0x1  }
0x3f: {  	v2 =	vadd.f32 v3, v2;
	_ =	sdelay $0x1  }
0x40: {  	[tilespmem:v6+s19+$0x0] =	vst.idx.msk $0xffff, v2  }
0x41: {  	v2 =	vld [tilespmem:s12+$0xFFFFFFF0]  }
0x42: {  	v3 =	vld [tilespmem:s12+$0xFFFFFFE0]  }
0x43: {  	v4 =	vld [tilespmem:s4+$0xFFFFFFF0]  }
0x44: {  	v5 =	vld [tilespmem:s4+$0xFFFFFFE0];
	_ =	sdelay $0x2  }
0x45: {  	s5 =	simm.s32 $0x510  }
0x46: {  	v6 =	vadd.s32 s5, v1  }
0x47: {  	v2 =	vmul.f32 v2, v4;
	v3 =	vmul.f32 v3, v5;
	_ =	sdelay $0x1  }
0x48: {  	v2 =	vadd.f32 v2, v3;
	_ =	sdelay $0x1  }
0x49: {  	[tilespmem:v6+s19+$0x0] =	vst.idx.msk $0xffff, v2  }
0x4a: {  	v2 =	vld [tilespmem:s4+$0x0]  }
0x4b: {  	v3 =	vld [tilespmem:s12+$0x0]  }
0x4c: {  	v4 =	vld [tilespmem:s4+$0x10]  }
0x4d: {  	v5 =	vld [tilespmem:s12+$0x10];
	_ =	sdelay $0x2  }
0x4e: {  	s24 =	simm.s32 $0xA20  }
0x4f: {  	v6 =	vadd.s32 s24, v1  }
0x50: {  	v2 =	vmul.f32 v3, v2;
	v3 =	vmul.f32 v5, v4;
	_ =	sdelay $0x1  }
0x51: {  	v2 =	vadd.f32 v3, v2;
	_ =	sdelay $0x1  }
0x52: {  	[tilespmem:v6+s19+$0x0] =	vst.idx.msk $0xffff, v2  }
0x53: {  	v2 =	vld [tilespmem:s4+$0x20]  }
0x54: {  	v3 =	vld [tilespmem:s12+$0x30]  }
0x55: {  	s5 =	simm.s32 $0x0;
	s24 =	simm.s32 $0x1;
	v4 =	vld [tilespmem:s12+$0x20]  }
.LBB2_5:
0x56: {  	p2 =	sne.s32 s24, $0x4F;
	v5 =	vld [tilespmem:s4+$0x30];
	s4 =	sadd.s32 $0x80, s4;
	s12 =	sadd.s32 $0x80, s12  }
0x57: {  	s6 =	smov.u32 s24;
	s24 =	sadd.s32 $0x1, s24  }
0x58: {  	s7 =	sadd.s32 $0xF30, s5;
	s5 =	smov.u32 s6  }
0x59: {  	v6 =	vadd.s32 s7, v1  }
0x5a: {  	v2 =	vmul.f32 v4, v2  }
0x5b: {  	v3 =	vmul.f32 v3, v5;
	_ =	sdelay $0x1  }
0x5c: {  	v2 =	vadd.f32 v3, v2;
	_ =	sdelay $0x1  }
0x5d: {  	[tilespmem:v6+s19+$0x0] =	vst.idx.msk $0xffff, v2  }
0x5e: {  	v2 =	vld [tilespmem:s4+$0xFFFFFFC0]  }
0x5f: {  	v3 =	vld [tilespmem:s12+$0xFFFFFFD0]  }
0x60: {  	v4 =	vld [tilespmem:s4+$0xFFFFFFD0]  }
0x61: {  	v5 =	vld [tilespmem:s12+$0xFFFFFFC0];
	_ =	sdelay $0x3  }
0x62: {  	v3 =	vmul.f32 v3, v4;
	v4 =	vadd.s32 s5, v1  }
0x63: {  	v2 =	vmul.f32 v5, v2;
	_ =	sdelay $0x1  }
0x64: {  	v2 =	vadd.f32 v3, v2;
	_ =	sdelay $0x1  }
0x65: {  	[tilespmem:v4+s19+$0x0] =	vst.idx.msk $0xffff, v2  }
0x66: {  	v2 =	vld [tilespmem:s12+$0xFFFFFFF0]  }
0x67: {  	v3 =	vld [tilespmem:s12+$0xFFFFFFE0]  }
0x68: {  	v4 =	vld [tilespmem:s4+$0xFFFFFFF0]  }
0x69: {  	v5 =	vld [tilespmem:s4+$0xFFFFFFE0];
	_ =	sdelay $0x2  }
0x6a: {  	s6 =	sadd.s32 $0x510, s5  }
0x6b: {  	v2 =	vmul.f32 v2, v4;
	v4 =	vadd.s32 s6, v1  }
0x6c: {  	v3 =	vmul.f32 v3, v5;
	_ =	sdelay $0x1  }
0x6d: {  	v2 =	vadd.f32 v2, v3;
	_ =	sdelay $0x1  }
0x6e: {  	[tilespmem:v4+s19+$0x0] =	vst.idx.msk $0xffff, v2  }
0x6f: {  	v2 =	vld [tilespmem:s4+$0x0]  }
0x70: {  	v3 =	vld [tilespmem:s12+$0x0]  }
0x71: {  	v4 =	vld [tilespmem:s4+$0x10]  }
0x72: {  	v5 =	vld [tilespmem:s12+$0x10];
	_ =	sdelay $0x2  }
0x73: {  	s6 =	sadd.s32 $0xA20, s5;
	v2 =	vmul.f32 v3, v2  }
0x74: {  	v3 =	vadd.s32 s6, v1  }
0x75: {  	v4 =	vmul.f32 v5, v4;
	_ =	sdelay $0x1  }
0x76: {  	v2 =	vadd.f32 v4, v2  }
.Ltmp1:
0x77: {  	(pc) =	sbr.rel @p2 .LBB2_5-.Ltmp1, $4  }
0x78: {  	[tilespmem:v3+s19+$0x0] =	vst.idx.msk $0xffff, v2  }
0x79: {  	v2 =	vld [tilespmem:s4+$0x20]  }
0x7a: {  	v3 =	vld [tilespmem:s12+$0x30]  }
0x7b: {  	v4 =	vld [tilespmem:s12+$0x20]  }
0x7c: {  	v5 =	vld [tilespmem:s4+$0x30];
	_ =	sdelay $0x2  }
0x7d: {  	s24 =	sadd.s32 $0xF30, s5  }
0x7e: {  	v6 =	vadd.s32 s24, v1  }
0x7f: {  	v2 =	vmul.f32 v4, v2;
	v3 =	vmul.f32 v3, v5;
	_ =	sdelay $0x1  }
0x80: {  	v2 =	vadd.f32 v3, v2;
	_ =	sdelay $0x1  }
0x81: {  	s12 =	simm.s32 $0x0;
	[tilespmem:v6+s19+$0x0] =	vst.idx.msk $0xffff, v2  }
0x82: {  	v2 =	vld [tilespmem:s12+$0xEF00]  }
0x83: {  	v3 =	vld [tilespmem:s12+$0xEF51];
	_ =	sdelay $0x1  }
0x84: {  	v4 =	vld [tilespmem:s12+$0xEFA2];
	_ =	sdelay $0x1  }
0x85: {  	v5 =	vld [tilespmem:s12+$0xEFF3]  }
0x86: {  	v2 =	vadd.f32 v3, v2  }
0x87: {  	v3 =	vld [tilespmem:s12+$0xF044]  }
0x88: {  	v2 =	vadd.f32 v4, v2  }
0x89: {  	v4 =	vld [tilespmem:s12+$0xF095]  }
0x8a: {  	v2 =	vadd.f32 v5, v2  }
0x8b: {  	v5 =	vld [tilespmem:s12+$0xF0E6]  }
0x8c: {  	v2 =	vadd.f32 v3, v2  }
0x8d: {  	v3 =	vld [tilespmem:s12+$0xF137]  }
0x8e: {  	v2 =	vadd.f32 v4, v2  }
0x8f: {  	v4 =	vld [tilespmem:s12+$0xF188]  }
0x90: {  	v2 =	vadd.f32 v5, v2  }
0x91: {  	v5 =	vld [tilespmem:s12+$0xF1D9]  }
0x92: {  	v2 =	vadd.f32 v3, v2  }
0x93: {  	v3 =	vld [tilespmem:s12+$0xF22A]  }
0x94: {  	v2 =	vadd.f32 v4, v2  }
0x95: {  	v4 =	vld [tilespmem:s12+$0xF27B]  }
0x96: {  	v2 =	vadd.f32 v5, v2  }
0x97: {  	v5 =	vld [tilespmem:s12+$0xF2CC]  }
0x98: {  	v2 =	vadd.f32 v3, v2  }
0x99: {  	v3 =	vld [tilespmem:s12+$0xF31D]  }
0x9a: {  	v2 =	vadd.f32 v4, v2  }
0x9b: {  	v4 =	vld [tilespmem:s12+$0xF36E]  }
0x9c: {  	v2 =	vadd.f32 v5, v2  }
0x9d: {  	v5 =	vld [tilespmem:s12+$0xF3BF]  }
0x9e: {  	v2 =	vadd.f32 v3, v2;
	_ =	sdelay $0x1  }
0x9f: {  	v2 =	vadd.f32 v4, v2;
	_ =	sdelay $0x1  }
0xa0: {  	v2 =	vadd.f32 v5, v2;
	_ =	sdelay $0x1  }
0xa1: {  	v2 =	vmul.f32 $1.767766920e-01, v2;
	_ =	sdelay $0x1  }
0xa2: {  	v2 =	vmul.f32 $1.442695020e+00, v2;
	_ =	sdelay $0x1  }
0xa3: {  	(erf) = vpow2.f32 v2;
	_ =	sdelay $0x4  }
0xa4: {  	v3 =	vmov s28;
	v2 =	vmov s29;
	_ =	sdelay $0x3  }
0xa5: {  	v5 =	vpop (erf)  }
0xa6: {  	v4 =	vld.idx.msk [tilespmem:v3+s12+$0x0 ss:$0x1], $0xffff;
	[tilespmem:v2+s12+$0xFFFFFF60 ss:$0x1] =	vst.idx.msk $0xffff, v5  }
0xa7: {  	[tilespmem:s12+$0x1A000] =	vst v5;
	v5 =	vld [tilespmem:s12+$0xF410]  }
0xa8: {  	v6 =	vld [tilespmem:s12+$0xF461];
	_ =	sdelay $0x1  }
0xa9: {  	v7 =	vld [tilespmem:s12+$0xF4B2];
	_ =	sdelay $0x1  }
0xaa: {  	v8 =	vld [tilespmem:s12+$0xF503]  }
0xab: {  	v5 =	vadd.f32 v6, v5  }
0xac: {  	v6 =	vld [tilespmem:s12+$0xF554]  }
0xad: {  	v5 =	vadd.f32 v7, v5  }
0xae: {  	v7 =	vld [tilespmem:s12+$0xF5A5]  }
0xaf: {  	v5 =	vadd.f32 v8, v5  }
0xb0: {  	v50 =	vld [tilespmem:s12+$0xF5F6]  }
0xb1: {  	v5 =	vadd.f32 v6, v5  }
0xb2: {  	v6 =	vld [tilespmem:s12+$0xF647]  }
0xb3: {  	v5 =	vadd.f32 v7, v5  }
0xb4: {  	v7 =	vld [tilespmem:s12+$0xF698]  }
0xb5: {  	v5 =	vadd.f32 v50, v5  }
0xb6: {  	v51 =	vld [tilespmem:s12+$0xF6E9]  }
0xb7: {  	v5 =	vadd.f32 v6, v5  }
0xb8: {  	v6 =	vld [tilespmem:s12+$0xF73A]  }
0xb9: {  	v5 =	vadd.f32 v7, v5  }
0xba: {  	v7 =	vld [tilespmem:s12+$0xF78B]  }
0xbb: {  	v5 =	vadd.f32 v51, v5  }
0xbc: {  	v52 =	vld [tilespmem:s12+$0xF7DC]  }
0xbd: {  	v5 =	vadd.f32 v6, v5  }
0xbe: {  	v6 =	vld [tilespmem:s12+$0xF82D]  }
0xbf: {  	v5 =	vadd.f32 v7, v5  }
0xc0: {  	v7 =	vld [tilespmem:s12+$0xF87E]  }
0xc1: {  	v5 =	vadd.f32 v52, v5  }
0xc2: {  	v53 =	vld [tilespmem:s12+$0xF8CF]  }
0xc3: {  	v5 =	vadd.f32 v6, v5;
	_ =	sdelay $0x1  }
0xc4: {  	v5 =	vadd.f32 v7, v5;
	_ =	sdelay $0x1  }
0xc5: {  	v5 =	vadd.f32 v53, v5;
	_ =	sdelay $0x1  }
0xc6: {  	v5 =	vmul.f32 $1.767766920e-01, v5;
	_ =	sdelay $0x1  }
0xc7: {  	v5 =	vmul.f32 $1.442695020e+00, v5;
	_ =	sdelay $0x1  }
0xc8: {  	(erf) = vpow2.f32 v5;
	_ =	sdelay $0x7  }
0xc9: {  	v4 =	vshll.u32 v4, $0x2  }
0xca: {  	[tilespmem:s12+$0x1A180] =	vst v4;
	v5 =	vpop (erf)  }
0xcb: {  	[tilespmem:v2+s12+$0xFFFFFFB0 ss:$0x1] =	vst.idx.msk $0xffff, v5  }
0xcc: {  	[tilespmem:s12+$0x1A050] =	vst v5;
	v5 =	vor.u32 $0x1, v4;
	v6 =	vld [tilespmem:s12+$0xF920]  }
0xcd: {  	[tilespmem:s12+$0x1A1D0] =	vst v5;
	v5 =	vld [tilespmem:s12+$0xF971];
	_ =	sdelay $0x1  }
0xce: {  	v7 =	vld [tilespmem:s12+$0xF9C2];
	_ =	sdelay $0x1  }
0xcf: {  	v54 =	vld [tilespmem:s12+$0xFA13]  }
0xd0: {  	v5 =	vadd.f32 v5, v6  }
0xd1: {  	v6 =	vld [tilespmem:s12+$0xFA64]  }
0xd2: {  	v5 =	vadd.f32 v7, v5  }
0xd3: {  	v7 =	vld [tilespmem:s12+$0xFAB5]  }
0xd4: {  	v5 =	vadd.f32 v54, v5  }
0xd5: {  	v55 =	vld [tilespmem:s12+$0xFB06]  }
0xd6: {  	v5 =	vadd.f32 v6, v5  }
0xd7: {  	v6 =	vld [tilespmem:s12+$0xFB57]  }
0xd8: {  	v5 =	vadd.f32 v7, v5  }
0xd9: {  	v7 =	vld [tilespmem:s12+$0xFBA8]  }
0xda: {  	v5 =	vadd.f32 v55, v5  }
0xdb: {  	v56 =	vld [tilespmem:s12+$0xFBF9]  }
0xdc: {  	v5 =	vadd.f32 v6, v5  }
0xdd: {  	v6 =	vld [tilespmem:s12+$0xFC4A]  }
0xde: {  	v5 =	vadd.f32 v7, v5  }
0xdf: {  	v7 =	vld [tilespmem:s12+$0xFC9B]  }
0xe0: {  	v5 =	vadd.f32 v56, v5  }
0xe1: {  	v57 =	vld [tilespmem:s12+$0xFCEC]  }
0xe2: {  	v5 =	vadd.f32 v6, v5  }
0xe3: {  	v6 =	vld [tilespmem:s12+$0xFD3D]  }
0xe4: {  	v5 =	vadd.f32 v7, v5  }
0xe5: {  	v7 =	vld [tilespmem:s12+$0xFD8E]  }
0xe6: {  	v5 =	vadd.f32 v57, v5  }
0xe7: {  	v58 =	vld [tilespmem:s12+$0xFDDF]  }
0xe8: {  	v5 =	vadd.f32 v6, v5;
	_ =	sdelay $0x1  }
0xe9: {  	v5 =	vadd.f32 v7, v5;
	_ =	sdelay $0x1  }
0xea: {  	v5 =	vadd.f32 v58, v5;
	_ =	sdelay $0x1  }
0xeb: {  	v5 =	vmul.f32 $1.767766920e-01, v5;
	_ =	sdelay $0x1  }
0xec: {  	v5 =	vmul.f32 $1.442695020e+00, v5;
	_ =	sdelay $0x1  }
0xed: {  	(erf) = vpow2.f32 v5;
	_ =	sdelay $0x8  }
0xee: {  	v5 =	vpop (erf)  }
0xef: {  	[tilespmem:v2+s12+$0x0 ss:$0x1] =	vst.idx.msk $0xffff, v5  }
0xf0: {  	[tilespmem:s12+$0x1A0A0] =	vst v5;
	v5 =	vor.u32 $0x2, v4;
	v6 =	vld [tilespmem:s12+$0xFE30]  }
0xf1: {  	[tilespmem:s12+$0x1A220] =	vst v5;
	v5 =	vld [tilespmem:s12+$0xFE81];
	_ =	sdelay $0x1  }
0xf2: {  	v7 =	vld [tilespmem:s12+$0xFED2];
	_ =	sdelay $0x1  }
0xf3: {  	v59 =	vld [tilespmem:s12+$0xFF23]  }
0xf4: {  	v5 =	vadd.f32 v5, v6  }
0xf5: {  	v6 =	vld [tilespmem:s12+$0xFF74]  }
0xf6: {  	v5 =	vadd.f32 v7, v5  }
0xf7: {  	v7 =	vld [tilespmem:s12+$0xFFC5]  }
0xf8: {  	v5 =	vadd.f32 v59, v5  }
0xf9: {  	v60 =	vld [tilespmem:s12+$0x10016]  }
0xfa: {  	v5 =	vadd.f32 v6, v5  }
0xfb: {  	v6 =	vld [tilespmem:s12+$0x10067]  }
0xfc: {  	v5 =	vadd.f32 v7, v5  }
0xfd: {  	v7 =	vld [tilespmem:s12+$0x100B8]  }
0xfe: {  	v5 =	vadd.f32 v60, v5  }
0xff: {  	v61 =	vld [tilespmem:s12+$0x10109]  }
0x100: {  	v5 =	vadd.f32 v6, v5  }
0x101: {  	v6 =	vld [tilespmem:s12+$0x1015A]  }
0x102: {  	v5 =	vadd.f32 v7, v5  }
0x103: {  	v7 =	vld [tilespmem:s12+$0x101AB]  }
0x104: {  	v5 =	vadd.f32 v61, v5  }
0x105: {  	v62 =	vld [tilespmem:s12+$0x101FC]  }
0x106: {  	v5 =	vadd.f32 v6, v5  }
0x107: {  	v6 =	vld [tilespmem:s12+$0x1024D]  }
0x108: {  	v5 =	vadd.f32 v7, v5  }
0x109: {  	v7 =	vld [tilespmem:s12+$0x1029E]  }
0x10a: {  	v5 =	vadd.f32 v62, v5  }
0x10b: {  	v63 =	vld [tilespmem:s12+$0x102EF]  }
0x10c: {  	v5 =	vadd.f32 v6, v5;
	_ =	sdelay $0x1  }
0x10d: {  	v5 =	vadd.f32 v7, v5;
	_ =	sdelay $0x1  }
0x10e: {  	v5 =	vadd.f32 v63, v5;
	_ =	sdelay $0x1  }
0x10f: {  	v5 =	vmul.f32 $1.767766920e-01, v5;
	_ =	sdelay $0x1  }
0x110: {  	v5 =	vmul.f32 $1.442695020e+00, v5;
	_ =	sdelay $0x1  }
0x111: {  	s4 =	simm.s32 $0x40;
	(erf) = vpow2.f32 v5  }
.LBB2_7:
0x112: {  	_ =	sdelay $0x4  }
0x113: {  	p2 =	sne.s32 s4, $0x100;
	s5 =	smov.u32 s4;
	s4 =	sadd.s32 $0x40, s4  }
0x114: {  	_ =	sdelay $0x1  }
0x115: {  	s5 =	sshra.s32 s5, $0x2;
	v5 =	vpop (erf)  }
0x116: {  	v4 =	vor.u32 $0x3, v4;
	[tilespmem:v2+s12+$0x50 ss:$0x1] =	vst.idx.msk $0xffff, v5  }
0x117: {  	v6 =	vld [tilespmem:s5+$0xEF00];
	[tilespmem:s12+$0x1A0F0] =	vst v5  }
0x118: {  	v5 =	vld [tilespmem:s5+$0xEF51];
	[tilespmem:s12+$0x1A270] =	vst v4;
	s12 =	smov.u32 s5;
	_ =	sdelay $0x1  }
0x119: {  	v4 =	vld [tilespmem:s12+$0xEFA2];
	_ =	sdelay $0x1  }
0x11a: {  	v7 =	vld [tilespmem:s12+$0xEFF3]  }
0x11b: {  	v5 =	vadd.f32 v5, v6  }
0x11c: {  	v6 =	vld [tilespmem:s12+$0xF044]  }
0x11d: {  	v4 =	vadd.f32 v4, v5  }
0x11e: {  	v5 =	vld [tilespmem:s12+$0xF095]  }
0x11f: {  	v4 =	vadd.f32 v7, v4  }
0x120: {  	v7 =	vld [tilespmem:s12+$0xF0E6]  }
0x121: {  	v4 =	vadd.f32 v6, v4  }
0x122: {  	v6 =	vld [tilespmem:s12+$0xF137]  }
0x123: {  	v4 =	vadd.f32 v5, v4  }
0x124: {  	v5 =	vld [tilespmem:s12+$0xF188]  }
0x125: {  	v4 =	vadd.f32 v7, v4  }
0x126: {  	v7 =	vld [tilespmem:s12+$0xF1D9]  }
0x127: {  	v4 =	vadd.f32 v6, v4  }
0x128: {  	v6 =	vld [tilespmem:s12+$0xF22A]  }
0x129: {  	v4 =	vadd.f32 v5, v4  }
0x12a: {  	v5 =	vld [tilespmem:s12+$0xF27B]  }
0x12b: {  	v4 =	vadd.f32 v7, v4  }
0x12c: {  	v7 =	vld [tilespmem:s12+$0xF2CC]  }
0x12d: {  	v4 =	vadd.f32 v6, v4  }
0x12e: {  	v6 =	vld [tilespmem:s12+$0xF31D]  }
0x12f: {  	v4 =	vadd.f32 v5, v4  }
0x130: {  	v5 =	vld [tilespmem:s12+$0xF36E]  }
0x131: {  	v4 =	vadd.f32 v7, v4  }
0x132: {  	v7 =	vld [tilespmem:s12+$0xF3BF]  }
0x133: {  	v4 =	vadd.f32 v6, v4;
	_ =	sdelay $0x1  }
0x134: {  	v4 =	vadd.f32 v5, v4;
	_ =	sdelay $0x1  }
0x135: {  	v4 =	vadd.f32 v7, v4;
	_ =	sdelay $0x1  }
0x136: {  	v4 =	vmul.f32 $1.767766920e-01, v4;
	_ =	sdelay $0x1  }
0x137: {  	v4 =	vmul.f32 $1.442695020e+00, v4;
	_ =	sdelay $0x1  }
0x138: {  	(erf) = vpow2.f32 v4;
	_ =	sdelay $0x8  }
0x139: {  	v4 =	vld.idx.msk [tilespmem:v3+s12+$0x0 ss:$0x1], $0xffff;
	v5 =	vpop (erf)  }
0x13a: {  	[tilespmem:v2+s12+$0xFFFFFF60 ss:$0x1] =	vst.idx.msk $0xffff, v5  }
0x13b: {  	[tilespmem:s12+$0x1A000] =	vst v5;
	v5 =	vld [tilespmem:s12+$0xF410]  }
0x13c: {  	v6 =	vld [tilespmem:s12+$0xF461];
	_ =	sdelay $0x1  }
0x13d: {  	v7 =	vld [tilespmem:s12+$0xF4B2];
	_ =	sdelay $0x1  }
0x13e: {  	v8 =	vld [tilespmem:s12+$0xF503]  }
0x13f: {  	v5 =	vadd.f32 v6, v5  }
0x140: {  	v6 =	vld [tilespmem:s12+$0xF554]  }
0x141: {  	v5 =	vadd.f32 v7, v5  }
0x142: {  	v7 =	vld [tilespmem:s12+$0xF5A5]  }
0x143: {  	v5 =	vadd.f32 v8, v5  }
0x144: {  	v8 =	vld [tilespmem:s12+$0xF5F6]  }
0x145: {  	v5 =	vadd.f32 v6, v5  }
0x146: {  	v6 =	vld [tilespmem:s12+$0xF647]  }
0x147: {  	v5 =	vadd.f32 v7, v5  }
0x148: {  	v7 =	vld [tilespmem:s12+$0xF698]  }
0x149: {  	v5 =	vadd.f32 v8, v5  }
0x14a: {  	v8 =	vld [tilespmem:s12+$0xF6E9]  }
0x14b: {  	v5 =	vadd.f32 v6, v5  }
0x14c: {  	v6 =	vld [tilespmem:s12+$0xF73A]  }
0x14d: {  	v5 =	vadd.f32 v7, v5  }
0x14e: {  	v7 =	vld [tilespmem:s12+$0xF78B]  }
0x14f: {  	v5 =	vadd.f32 v8, v5  }
0x150: {  	v8 =	vld [tilespmem:s12+$0xF7DC]  }
0x151: {  	v5 =	vadd.f32 v6, v5  }
0x152: {  	v6 =	vld [tilespmem:s12+$0xF82D]  }
0x153: {  	v5 =	vadd.f32 v7, v5  }
0x154: {  	v7 =	vld [tilespmem:s12+$0xF87E]  }
0x155: {  	v5 =	vadd.f32 v8, v5  }
0x156: {  	v8 =	vld [tilespmem:s12+$0xF8CF]  }
0x157: {  	v5 =	vadd.f32 v6, v5;
	_ =	sdelay $0x1  }
0x158: {  	v5 =	vadd.f32 v7, v5;
	_ =	sdelay $0x1  }
0x159: {  	v5 =	vadd.f32 v8, v5;
	_ =	sdelay $0x1  }
0x15a: {  	v5 =	vmul.f32 $1.767766920e-01, v5;
	_ =	sdelay $0x1  }
0x15b: {  	v5 =	vmul.f32 $1.442695020e+00, v5;
	_ =	sdelay $0x1  }
0x15c: {  	(erf) = vpow2.f32 v5;
	_ =	sdelay $0x7  }
0x15d: {  	v4 =	vshll.u32 v4, $0x2  }
0x15e: {  	[tilespmem:s12+$0x1A180] =	vst v4;
	v5 =	vpop (erf)  }
0x15f: {  	[tilespmem:v2+s12+$0xFFFFFFB0 ss:$0x1] =	vst.idx.msk $0xffff, v5  }
0x160: {  	[tilespmem:s12+$0x1A050] =	vst v5;
	v5 =	vor.u32 $0x1, v4;
	v6 =	vld [tilespmem:s12+$0xF920]  }
0x161: {  	[tilespmem:s12+$0x1A1D0] =	vst v5;
	v5 =	vld [tilespmem:s12+$0xF971];
	_ =	sdelay $0x1  }
0x162: {  	v7 =	vld [tilespmem:s12+$0xF9C2];
	_ =	sdelay $0x1  }
0x163: {  	v8 =	vld [tilespmem:s12+$0xFA13]  }
0x164: {  	v5 =	vadd.f32 v5, v6  }
0x165: {  	v6 =	vld [tilespmem:s12+$0xFA64]  }
0x166: {  	v5 =	vadd.f32 v7, v5  }
0x167: {  	v7 =	vld [tilespmem:s12+$0xFAB5]  }
0x168: {  	v5 =	vadd.f32 v8, v5  }
0x169: {  	v8 =	vld [tilespmem:s12+$0xFB06]  }
0x16a: {  	v5 =	vadd.f32 v6, v5  }
0x16b: {  	v6 =	vld [tilespmem:s12+$0xFB57]  }
0x16c: {  	v5 =	vadd.f32 v7, v5  }
0x16d: {  	v7 =	vld [tilespmem:s12+$0xFBA8]  }
0x16e: {  	v5 =	vadd.f32 v8, v5  }
0x16f: {  	v8 =	vld [tilespmem:s12+$0xFBF9]  }
0x170: {  	v5 =	vadd.f32 v6, v5  }
0x171: {  	v6 =	vld [tilespmem:s12+$0xFC4A]  }
0x172: {  	v5 =	vadd.f32 v7, v5  }
0x173: {  	v7 =	vld [tilespmem:s12+$0xFC9B]  }
0x174: {  	v5 =	vadd.f32 v8, v5  }
0x175: {  	v8 =	vld [tilespmem:s12+$0xFCEC]  }
0x176: {  	v5 =	vadd.f32 v6, v5  }
0x177: {  	v6 =	vld [tilespmem:s12+$0xFD3D]  }
0x178: {  	v5 =	vadd.f32 v7, v5  }
0x179: {  	v7 =	vld [tilespmem:s12+$0xFD8E]  }
0x17a: {  	v5 =	vadd.f32 v8, v5  }
0x17b: {  	v8 =	vld [tilespmem:s12+$0xFDDF]  }
0x17c: {  	v5 =	vadd.f32 v6, v5;
	_ =	sdelay $0x1  }
0x17d: {  	v5 =	vadd.f32 v7, v5;
	_ =	sdelay $0x1  }
0x17e: {  	v5 =	vadd.f32 v8, v5;
	_ =	sdelay $0x1  }
0x17f: {  	v5 =	vmul.f32 $1.767766920e-01, v5;
	_ =	sdelay $0x1  }
0x180: {  	v5 =	vmul.f32 $1.442695020e+00, v5;
	_ =	sdelay $0x1  }
0x181: {  	(erf) = vpow2.f32 v5;
	_ =	sdelay $0x8  }
0x182: {  	v5 =	vpop (erf)  }
0x183: {  	[tilespmem:v2+s12+$0x0 ss:$0x1] =	vst.idx.msk $0xffff, v5  }
0x184: {  	[tilespmem:s12+$0x1A0A0] =	vst v5;
	v5 =	vor.u32 $0x2, v4;
	v6 =	vld [tilespmem:s12+$0xFE30]  }
0x185: {  	[tilespmem:s12+$0x1A220] =	vst v5;
	v5 =	vld [tilespmem:s12+$0xFE81]  }
0x186: {  	v7 =	vld [tilespmem:s12+$0xFED2]  }
0x187: {  	v8 =	vld [tilespmem:s12+$0xFF23]  }
0x188: {  	v9 =	vld [tilespmem:s12+$0xFF74]  }
0x189: {  	v10 =	vld [tilespmem:s12+$0xFFC5]  }
0x18a: {  	v5 =	vadd.f32 v5, v6;
	v6 =	vld [tilespmem:s12+$0x10016]  }
0x18b: {  	v11 =	vld [tilespmem:s12+$0x10067]  }
0x18c: {  	v5 =	vadd.f32 v7, v5;
	v7 =	vld [tilespmem:s12+$0x100B8]  }
0x18d: {  	v12 =	vld [tilespmem:s12+$0x10109]  }
0x18e: {  	v5 =	vadd.f32 v8, v5;
	v8 =	vld [tilespmem:s12+$0x1015A]  }
0x18f: {  	v13 =	vld [tilespmem:s12+$0x101AB]  }
0x190: {  	v5 =	vadd.f32 v9, v5;
	v9 =	vld [tilespmem:s12+$0x101FC]  }
0x191: {  	v14 =	vld [tilespmem:s12+$0x1024D]  }
0x192: {  	v5 =	vadd.f32 v10, v5;
	v10 =	vld [tilespmem:s12+$0x1029E]  }
0x193: {  	v15 =	vld [tilespmem:s12+$0x102EF]  }
0x194: {  	v5 =	vadd.f32 v6, v5;
	_ =	sdelay $0x1  }
0x195: {  	v5 =	vadd.f32 v11, v5;
	_ =	sdelay $0x1  }
0x196: {  	v5 =	vadd.f32 v7, v5;
	_ =	sdelay $0x1  }
0x197: {  	v5 =	vadd.f32 v12, v5;
	_ =	sdelay $0x1  }
0x198: {  	v5 =	vadd.f32 v8, v5;
	_ =	sdelay $0x1  }
0x199: {  	v5 =	vadd.f32 v13, v5;
	_ =	sdelay $0x1  }
0x19a: {  	v5 =	vadd.f32 v9, v5;
	_ =	sdelay $0x1  }
0x19b: {  	v5 =	vadd.f32 v14, v5;
	_ =	sdelay $0x1  }
0x19c: {  	v5 =	vadd.f32 v10, v5;
	_ =	sdelay $0x1  }
0x19d: {  	v5 =	vadd.f32 v15, v5;
	_ =	sdelay $0x1  }
.Ltmp2:
0x19e: {  	v5 =	vmul.f32 $1.767766920e-01, v5;
	(pc) =	sbr.rel @p2 .LBB2_7-.Ltmp2, $3  }
0x19f: {  	_ = 	snop  }
0x1a0: {  	v5 =	vmul.f32 $1.442695020e+00, v5;
	_ =	sdelay $0x1  }
0x1a1: {  	(erf) = vpow2.f32 v5  }
0x1a2: {  	_ =	sdelay $0x7  }
0x1a3: {  	v3 =	vpop (erf)  }
0x1a4: {  	[tilespmem:v2+s12+$0x50 ss:$0x1] =	vst.idx.msk $0xffff, v3  }
0x1a5: {  	v2 =	vor.u32 $0x3, v4;
	[tilespmem:s12+$0x1A0F0] =	vst v3  }
0x1a6: {  	[tilespmem:s12+$0x1A270] =	vst v2  }
0x1a7: {  	[spmem:s2] =	stream.indirect.scatter.add.f32 [tilespmem:s22], [sflag:$0x3], $0x1, s21, s20, $0xb8;
	[tilespmem:$0x1B6C8] =	vst v63  }
0x1a8: {  	s4 =	smul.u32 $0xA0, s1;
	_ =	swait.ge [sflag:s11], $0x140  }
0x1a9: {  	[sflag:s11] =	ssyncset.done $0x0  }
0x1aa: {  	s5 =	sadd.s32 $0xA0, s4;
	[sflag:s11] =	ssyncadd.s32 $0xFFFFFEC0  }
0x1ab: {  	[tilespmem:s14], [sflag:$0x1] =	stream.indirect.gather [hbm4b:s0+s13], $0x80, s5, s13, $0xb8;
	[tilespmem:$0x1B6C8] =	vst v63  }
0x1ac: {  	s4 =	sadd.s32 $0x2820, s4  }
0x1ad: {  	[tilespmem:s15], [sflag:$0x1] =	stream.indirect.gather [hbm4b:s0+s13], $0x80, s4, s13, $0xb8;
	[tilespmem:$0x1B6C8] =	vst v63  }
0x1ae: {  	_ =	swait.ge [sflag:s23], $0x2800  }
0x1af: {  	[sflag:s23] =	ssyncset.done $0x0  }
0x1b0: {  	[sflag:s23] =	ssyncadd.s32 $0xFFFFD800  }
0x1b1: {  	_ =	swait.ge [sflag:s23], $0x2800  }
0x1b2: {  	[sflag:s23] =	ssyncset.done $0x0  }
0x1b3: {  	s4 =	simm.s32 $0x9F40;
	[sflag:s23] =	ssyncadd.s32 $0xFFFFD800  }
0x1b4: {  	s12 =	simm.s32 $0xC740;
	v2 =	vld [tilespmem:s4+$0xFFFFFFC0]  }
0x1b5: {  	v3 =	vld [tilespmem:s12+$0xFFFFFFD0]  }
0x1b6: {  	v4 =	vld [tilespmem:s4+$0xFFFFFFD0]  }
0x1b7: {  	v5 =	vld [tilespmem:s12+$0xFFFFFFC0];
	_ =	sdelay $0x2  }
0x1b8: {  	s24 =	simm.s32 $0x0  }
0x1b9: {  	v6 =	vadd.s32 s24, v1  }
0x1ba: {  	v3 =	vmul.f32 v3, v4;
	v2 =	vmul.f32 v5, v2;
	_ =	sdelay $0x1  }
0x1bb: {  	v2 =	vadd.f32 v3, v2;
	_ =	sdelay $0x1  }
0x1bc: {  	[tilespmem:v6+s19+$0x0] =	vst.idx.msk $0xffff, v2  }
0x1bd: {  	v2 =	vld [tilespmem:s12+$0xFFFFFFF0]  }
0x1be: {  	v3 =	vld [tilespmem:s12+$0xFFFFFFE0]  }
0x1bf: {  	v4 =	vld [tilespmem:s4+$0xFFFFFFF0]  }
0x1c0: {  	v5 =	vld [tilespmem:s4+$0xFFFFFFE0];
	_ =	sdelay $0x2  }
0x1c1: {  	s6 =	simm.s32 $0x510  }
0x1c2: {  	v6 =	vadd.s32 s6, v1  }
0x1c3: {  	v2 =	vmul.f32 v2, v4;
	v3 =	vmul.f32 v3, v5;
	_ =	sdelay $0x1  }
0x1c4: {  	v2 =	vadd.f32 v2, v3;
	_ =	sdelay $0x1  }
0x1c5: {  	[tilespmem:v6+s19+$0x0] =	vst.idx.msk $0xffff, v2  }
0x1c6: {  	v2 =	vld [tilespmem:s4+$0x0]  }
0x1c7: {  	v3 =	vld [tilespmem:s12+$0x0]  }
0x1c8: {  	v4 =	vld [tilespmem:s4+$0x10]  }
0x1c9: {  	v5 =	vld [tilespmem:s12+$0x10];
	_ =	sdelay $0x2  }
0x1ca: {  	s7 =	simm.s32 $0xA20  }
0x1cb: {  	v6 =	vadd.s32 s7, v1  }
0x1cc: {  	v2 =	vmul.f32 v3, v2;
	v3 =	vmul.f32 v5, v4;
	_ =	sdelay $0x1  }
0x1cd: {  	v2 =	vadd.f32 v3, v2;
	_ =	sdelay $0x1  }
0x1ce: {  	[tilespmem:v6+s19+$0x0] =	vst.idx.msk $0xffff, v2  }
0x1cf: {  	v2 =	vld [tilespmem:s4+$0x20]  }
0x1d0: {  	v3 =	vld [tilespmem:s12+$0x30]  }
0x1d1: {  	s5 =	simm.s32 $0x1;
	v4 =	vld [tilespmem:s12+$0x20]  }
.LBB2_9:
0x1d2: {  	p2 =	sne.s32 s5, $0x4F;
	v5 =	vld [tilespmem:s4+$0x30];
	s4 =	sadd.s32 $0x80, s4;
	s12 =	sadd.s32 $0x80, s12  }
0x1d3: {  	s6 =	smov.u32 s5;
	s5 =	sadd.s32 $0x1, s5  }
0x1d4: {  	s7 =	sadd.s32 $0xF30, s24;
	s24 =	smov.u32 s6  }
0x1d5: {  	v6 =	vadd.s32 s7, v1  }
0x1d6: {  	v2 =	vmul.f32 v4, v2  }
0x1d7: {  	v3 =	vmul.f32 v3, v5;
	_ =	sdelay $0x1  }
0x1d8: {  	v2 =	vadd.f32 v3, v2;
	_ =	sdelay $0x1  }
0x1d9: {  	[tilespmem:v6+s19+$0x0] =	vst.idx.msk $0xffff, v2  }
0x1da: {  	v2 =	vld [tilespmem:s4+$0xFFFFFFC0]  }
0x1db: {  	v3 =	vld [tilespmem:s12+$0xFFFFFFD0]  }
0x1dc: {  	v4 =	vld [tilespmem:s4+$0xFFFFFFD0]  }
0x1dd: {  	v5 =	vld [tilespmem:s12+$0xFFFFFFC0];
	_ =	sdelay $0x3  }
0x1de: {  	v3 =	vmul.f32 v3, v4;
	v4 =	vadd.s32 s24, v1  }
0x1df: {  	v2 =	vmul.f32 v5, v2;
	_ =	sdelay $0x1  }
0x1e0: {  	v2 =	vadd.f32 v3, v2;
	_ =	sdelay $0x1  }
0x1e1: {  	[tilespmem:v4+s19+$0x0] =	vst.idx.msk $0xffff, v2  }
0x1e2: {  	v2 =	vld [tilespmem:s12+$0xFFFFFFF0]  }
0x1e3: {  	v3 =	vld [tilespmem:s12+$0xFFFFFFE0]  }
0x1e4: {  	v4 =	vld [tilespmem:s4+$0xFFFFFFF0]  }
0x1e5: {  	v5 =	vld [tilespmem:s4+$0xFFFFFFE0];
	_ =	sdelay $0x2  }
0x1e6: {  	s6 =	sadd.s32 $0x510, s24  }
0x1e7: {  	v2 =	vmul.f32 v2, v4;
	v4 =	vadd.s32 s6, v1  }
0x1e8: {  	v3 =	vmul.f32 v3, v5;
	_ =	sdelay $0x1  }
0x1e9: {  	v2 =	vadd.f32 v2, v3;
	_ =	sdelay $0x1  }
0x1ea: {  	[tilespmem:v4+s19+$0x0] =	vst.idx.msk $0xffff, v2  }
0x1eb: {  	v2 =	vld [tilespmem:s4+$0x0]  }
0x1ec: {  	v3 =	vld [tilespmem:s12+$0x0]  }
0x1ed: {  	v4 =	vld [tilespmem:s4+$0x10]  }
0x1ee: {  	v5 =	vld [tilespmem:s12+$0x10];
	_ =	sdelay $0x2  }
0x1ef: {  	s6 =	sadd.s32 $0xA20, s24;
	v2 =	vmul.f32 v3, v2  }
0x1f0: {  	v3 =	vadd.s32 s6, v1  }
0x1f1: {  	v4 =	vmul.f32 v5, v4;
	_ =	sdelay $0x1  }
0x1f2: {  	v2 =	vadd.f32 v4, v2  }
.Ltmp3:
0x1f3: {  	(pc) =	sbr.rel @p2 .LBB2_9-.Ltmp3, $4  }
0x1f4: {  	[tilespmem:v3+s19+$0x0] =	vst.idx.msk $0xffff, v2  }
0x1f5: {  	v2 =	vld [tilespmem:s4+$0x20]  }
0x1f6: {  	v3 =	vld [tilespmem:s12+$0x30]  }
0x1f7: {  	v4 =	vld [tilespmem:s12+$0x20]  }
0x1f8: {  	v5 =	vld [tilespmem:s4+$0x30];
	_ =	sdelay $0x2  }
0x1f9: {  	s12 =	sadd.s32 $0xF30, s24  }
0x1fa: {  	v6 =	vadd.s32 s12, v1  }
0x1fb: {  	v2 =	vmul.f32 v4, v2;
	v3 =	vmul.f32 v3, v5;
	_ =	sdelay $0x1  }
0x1fc: {  	v2 =	vadd.f32 v3, v2;
	_ =	sdelay $0x1  }
0x1fd: {  	s12 =	simm.s32 $0x0;
	[tilespmem:v6+s19+$0x0] =	vst.idx.msk $0xffff, v2  }
0x1fe: {  	v2 =	vld [tilespmem:s12+$0xEF00]  }
0x1ff: {  	v3 =	vld [tilespmem:s12+$0xEF51];
	_ =	sdelay $0x1  }
0x200: {  	v10 =	vld [tilespmem:s12+$0xEFA2];
	_ =	sdelay $0x1  }
0x201: {  	v11 =	vld [tilespmem:s12+$0xEFF3]  }
0x202: {  	v2 =	vadd.f32 v3, v2  }
0x203: {  	v3 =	vld [tilespmem:s12+$0xF044]  }
0x204: {  	v2 =	vadd.f32 v10, v2  }
0x205: {  	v12 =	vld [tilespmem:s12+$0xF095]  }
0x206: {  	v2 =	vadd.f32 v11, v2  }
0x207: {  	v13 =	vld [tilespmem:s12+$0xF0E6]  }
0x208: {  	v2 =	vadd.f32 v3, v2  }
0x209: {  	v3 =	vld [tilespmem:s12+$0xF137]  }
0x20a: {  	v2 =	vadd.f32 v12, v2  }
0x20b: {  	v14 =	vld [tilespmem:s12+$0xF188]  }
0x20c: {  	v2 =	vadd.f32 v13, v2  }
0x20d: {  	v15 =	vld [tilespmem:s12+$0xF1D9]  }
0x20e: {  	v2 =	vadd.f32 v3, v2  }
0x20f: {  	v3 =	vld [tilespmem:s12+$0xF22A]  }
0x210: {  	v2 =	vadd.f32 v14, v2  }
0x211: {  	v16 =	vld [tilespmem:s12+$0xF27B]  }
0x212: {  	v2 =	vadd.f32 v15, v2  }
0x213: {  	v17 =	vld [tilespmem:s12+$0xF2CC]  }
0x214: {  	v2 =	vadd.f32 v3, v2  }
0x215: {  	v3 =	vld [tilespmem:s12+$0xF31D]  }
0x216: {  	v2 =	vadd.f32 v16, v2  }
0x217: {  	v18 =	vld [tilespmem:s12+$0xF36E]  }
0x218: {  	v2 =	vadd.f32 v17, v2  }
0x219: {  	v19 =	vld [tilespmem:s12+$0xF3BF]  }
0x21a: {  	v2 =	vadd.f32 v3, v2;
	_ =	sdelay $0x1  }
0x21b: {  	v2 =	vadd.f32 v18, v2;
	_ =	sdelay $0x1  }
0x21c: {  	v2 =	vadd.f32 v19, v2;
	_ =	sdelay $0x1  }
0x21d: {  	v2 =	vmul.f32 $1.767766920e-01, v2;
	_ =	sdelay $0x1  }
0x21e: {  	v2 =	vmul.f32 $1.442695020e+00, v2;
	_ =	sdelay $0x1  }
0x21f: {  	(erf) = vpow2.f32 v2;
	_ =	sdelay $0x7  }
0x220: {  	s24 =	sadd.s32 $0x0, s30  }
0x221: {  	v2 =	vld [tilespmem:s24+$0x0];
	s24 =	sadd.s32 $0x0, s31;
	v3 =	vpop (erf)  }
0x222: {  	[tilespmem:s24+$0x0] =	vst v3  }
0x223: {  	[tilespmem:s12+$0x1A000] =	vst v3;
	v3 =	vld [tilespmem:s12+$0xF410]  }
0x224: {  	v20 =	vld [tilespmem:s12+$0xF461];
	_ =	sdelay $0x1  }
0x225: {  	v21 =	vld [tilespmem:s12+$0xF4B2];
	_ =	sdelay $0x1  }
0x226: {  	v6 =	vld [tilespmem:s12+$0xF503]  }
0x227: {  	v3 =	vadd.f32 v20, v3  }
0x228: {  	v22 =	vld [tilespmem:s12+$0xF554]  }
0x229: {  	v3 =	vadd.f32 v21, v3  }
0x22a: {  	v23 =	vld [tilespmem:s12+$0xF5A5]  }
0x22b: {  	v3 =	vadd.f32 v6, v3  }
0x22c: {  	v24 =	vld [tilespmem:s12+$0xF5F6]  }
0x22d: {  	v3 =	vadd.f32 v22, v3  }
0x22e: {  	v25 =	vld [tilespmem:s12+$0xF647]  }
0x22f: {  	v3 =	vadd.f32 v23, v3  }
0x230: {  	v26 =	vld [tilespmem:s12+$0xF698]  }
0x231: {  	v3 =	vadd.f32 v24, v3  }
0x232: {  	v27 =	vld [tilespmem:s12+$0xF6E9]  }
0x233: {  	v3 =	vadd.f32 v25, v3  }
0x234: {  	v28 =	vld [tilespmem:s12+$0xF73A]  }
0x235: {  	v3 =	vadd.f32 v26, v3  }
0x236: {  	v29 =	vld [tilespmem:s12+$0xF78B]  }
0x237: {  	v3 =	vadd.f32 v27, v3  }
0x238: {  	v30 =	vld [tilespmem:s12+$0xF7DC]  }
0x239: {  	v3 =	vadd.f32 v28, v3  }
0x23a: {  	v31 =	vld [tilespmem:s12+$0xF82D]  }
0x23b: {  	v3 =	vadd.f32 v29, v3  }
0x23c: {  	v32 =	vld [tilespmem:s12+$0xF87E]  }
0x23d: {  	v3 =	vadd.f32 v30, v3  }
0x23e: {  	v33 =	vld [tilespmem:s12+$0xF8CF]  }
0x23f: {  	v3 =	vadd.f32 v31, v3;
	_ =	sdelay $0x1  }
0x240: {  	v3 =	vadd.f32 v32, v3;
	_ =	sdelay $0x1  }
0x241: {  	v3 =	vadd.f32 v33, v3;
	_ =	sdelay $0x1  }
0x242: {  	v3 =	vmul.f32 $1.767766920e-01, v3;
	_ =	sdelay $0x1  }
0x243: {  	v3 =	vmul.f32 $1.442695020e+00, v3;
	_ =	sdelay $0x1  }
0x244: {  	(erf) = vpow2.f32 v3;
	_ =	sdelay $0x7  }
0x245: {  	v2 =	vshll.u32 v2, $0x2  }
0x246: {  	[tilespmem:s12+$0x1A180] =	vst v2;
	v3 =	vpop (erf)  }
0x247: {  	[tilespmem:s24+$0x50] =	vst v3  }
0x248: {  	[tilespmem:s12+$0x1A050] =	vst v3;
	v3 =	vor.u32 $0x1, v2;
	v34 =	vld [tilespmem:s12+$0xF920]  }
0x249: {  	[tilespmem:s12+$0x1A1D0] =	vst v3;
	v3 =	vld [tilespmem:s12+$0xF971];
	_ =	sdelay $0x1  }
0x24a: {  	v35 =	vld [tilespmem:s12+$0xF9C2];
	_ =	sdelay $0x1  }
0x24b: {  	v36 =	vld [tilespmem:s12+$0xFA13]  }
0x24c: {  	v3 =	vadd.f32 v3, v34  }
0x24d: {  	v37 =	vld [tilespmem:s12+$0xFA64]  }
0x24e: {  	v3 =	vadd.f32 v35, v3  }
0x24f: {  	v38 =	vld [tilespmem:s12+$0xFAB5]  }
0x250: {  	v3 =	vadd.f32 v36, v3  }
0x251: {  	v39 =	vld [tilespmem:s12+$0xFB06]  }
0x252: {  	v3 =	vadd.f32 v37, v3  }
0x253: {  	v40 =	vld [tilespmem:s12+$0xFB57]  }
0x254: {  	v3 =	vadd.f32 v38, v3  }
0x255: {  	v41 =	vld [tilespmem:s12+$0xFBA8]  }
0x256: {  	v3 =	vadd.f32 v39, v3  }
0x257: {  	v42 =	vld [tilespmem:s12+$0xFBF9]  }
0x258: {  	v3 =	vadd.f32 v40, v3  }
0x259: {  	v43 =	vld [tilespmem:s12+$0xFC4A]  }
0x25a: {  	v3 =	vadd.f32 v41, v3  }
0x25b: {  	v44 =	vld [tilespmem:s12+$0xFC9B]  }
0x25c: {  	v3 =	vadd.f32 v42, v3  }
0x25d: {  	v45 =	vld [tilespmem:s12+$0xFCEC]  }
0x25e: {  	v3 =	vadd.f32 v43, v3  }
0x25f: {  	v46 =	vld [tilespmem:s12+$0xFD3D]  }
0x260: {  	v3 =	vadd.f32 v44, v3  }
0x261: {  	v47 =	vld [tilespmem:s12+$0xFD8E]  }
0x262: {  	v3 =	vadd.f32 v45, v3  }
0x263: {  	v48 =	vld [tilespmem:s12+$0xFDDF]  }
0x264: {  	v3 =	vadd.f32 v46, v3;
	_ =	sdelay $0x1  }
0x265: {  	v3 =	vadd.f32 v47, v3;
	_ =	sdelay $0x1  }
0x266: {  	v3 =	vadd.f32 v48, v3;
	_ =	sdelay $0x1  }
0x267: {  	v3 =	vmul.f32 $1.767766920e-01, v3;
	_ =	sdelay $0x1  }
0x268: {  	v3 =	vmul.f32 $1.442695020e+00, v3;
	_ =	sdelay $0x1  }
0x269: {  	(erf) = vpow2.f32 v3;
	_ =	sdelay $0x8  }
0x26a: {  	v3 =	vpop (erf)  }
0x26b: {  	[tilespmem:s24+$0xA0] =	vst v3  }
0x26c: {  	[tilespmem:s12+$0x1A0A0] =	vst v3;
	v3 =	vor.u32 $0x2, v2;
	v49 =	vld [tilespmem:s12+$0xFE30]  }
0x26d: {  	[tilespmem:s12+$0x1A220] =	vst v3;
	v3 =	vld [tilespmem:s12+$0xFE81];
	_ =	sdelay $0x1  }
0x26e: {  	v50 =	vld [tilespmem:s12+$0xFED2];
	_ =	sdelay $0x1  }
0x26f: {  	v51 =	vld [tilespmem:s12+$0xFF23]  }
0x270: {  	v3 =	vadd.f32 v3, v49  }
0x271: {  	v52 =	vld [tilespmem:s12+$0xFF74]  }
0x272: {  	v3 =	vadd.f32 v50, v3  }
0x273: {  	v53 =	vld [tilespmem:s12+$0xFFC5]  }
0x274: {  	v3 =	vadd.f32 v51, v3  }
0x275: {  	v54 =	vld [tilespmem:s12+$0x10016]  }
0x276: {  	v3 =	vadd.f32 v52, v3  }
0x277: {  	v55 =	vld [tilespmem:s12+$0x10067]  }
0x278: {  	v3 =	vadd.f32 v53, v3  }
0x279: {  	v56 =	vld [tilespmem:s12+$0x100B8]  }
0x27a: {  	v3 =	vadd.f32 v54, v3  }
0x27b: {  	v57 =	vld [tilespmem:s12+$0x10109]  }
0x27c: {  	v3 =	vadd.f32 v55, v3  }
0x27d: {  	v58 =	vld [tilespmem:s12+$0x1015A]  }
0x27e: {  	v3 =	vadd.f32 v56, v3  }
0x27f: {  	v59 =	vld [tilespmem:s12+$0x101AB]  }
0x280: {  	v3 =	vadd.f32 v57, v3  }
0x281: {  	v60 =	vld [tilespmem:s12+$0x101FC]  }
0x282: {  	v3 =	vadd.f32 v58, v3  }
0x283: {  	v61 =	vld [tilespmem:s12+$0x1024D]  }
0x284: {  	v3 =	vadd.f32 v59, v3  }
0x285: {  	v62 =	vld [tilespmem:s12+$0x1029E]  }
0x286: {  	v3 =	vadd.f32 v60, v3  }
0x287: {  	v63 =	vld [tilespmem:s12+$0x102EF]  }
0x288: {  	v3 =	vadd.f32 v61, v3;
	_ =	sdelay $0x1  }
0x289: {  	v3 =	vadd.f32 v62, v3;
	_ =	sdelay $0x1  }
0x28a: {  	v3 =	vadd.f32 v63, v3;
	_ =	sdelay $0x1  }
0x28b: {  	v3 =	vmul.f32 $1.767766920e-01, v3;
	_ =	sdelay $0x1  }
0x28c: {  	v3 =	vmul.f32 $1.442695020e+00, v3;
	_ =	sdelay $0x1  }
0x28d: {  	s4 =	simm.s32 $0x40;
	(erf) = vpow2.f32 v3  }
.LBB2_11:
0x28e: {  	_ =	sdelay $0x4  }
0x28f: {  	p2 =	sne.s32 s4, $0x100;
	s5 =	smov.u32 s4;
	s4 =	sadd.s32 $0x40, s4  }
0x290: {  	_ =	sdelay $0x1  }
0x291: {  	s5 =	sshra.s32 s5, $0x2;
	v3 =	vpop (erf)  }
0x292: {  	v2 =	vor.u32 $0x3, v2;
	[tilespmem:s24+$0xF0] =	vst v3  }
0x293: {  	v4 =	vld [tilespmem:s5+$0xEF00];
	[tilespmem:s12+$0x1A0F0] =	vst v3  }
0x294: {  	v3 =	vld [tilespmem:s5+$0xEF51];
	[tilespmem:s12+$0x1A270] =	vst v2;
	s12 =	smov.u32 s5;
	_ =	sdelay $0x1  }
0x295: {  	v2 =	vld [tilespmem:s12+$0xEFA2];
	_ =	sdelay $0x1  }
0x296: {  	v5 =	vld [tilespmem:s12+$0xEFF3]  }
0x297: {  	v3 =	vadd.f32 v3, v4  }
0x298: {  	v4 =	vld [tilespmem:s12+$0xF044]  }
0x299: {  	v2 =	vadd.f32 v2, v3  }
0x29a: {  	v3 =	vld [tilespmem:s12+$0xF095]  }
0x29b: {  	v2 =	vadd.f32 v5, v2  }
0x29c: {  	v5 =	vld [tilespmem:s12+$0xF0E6]  }
0x29d: {  	v2 =	vadd.f32 v4, v2  }
0x29e: {  	v4 =	vld [tilespmem:s12+$0xF137]  }
0x29f: {  	v2 =	vadd.f32 v3, v2  }
0x2a0: {  	v3 =	vld [tilespmem:s12+$0xF188]  }
0x2a1: {  	v2 =	vadd.f32 v5, v2  }
0x2a2: {  	v5 =	vld [tilespmem:s12+$0xF1D9]  }
0x2a3: {  	v2 =	vadd.f32 v4, v2  }
0x2a4: {  	v4 =	vld [tilespmem:s12+$0xF22A]  }
0x2a5: {  	v2 =	vadd.f32 v3, v2  }
0x2a6: {  	v3 =	vld [tilespmem:s12+$0xF27B]  }
0x2a7: {  	v2 =	vadd.f32 v5, v2  }
0x2a8: {  	v5 =	vld [tilespmem:s12+$0xF2CC]  }
0x2a9: {  	v2 =	vadd.f32 v4, v2  }
0x2aa: {  	v4 =	vld [tilespmem:s12+$0xF31D]  }
0x2ab: {  	v2 =	vadd.f32 v3, v2  }
0x2ac: {  	v3 =	vld [tilespmem:s12+$0xF36E]  }
0x2ad: {  	v2 =	vadd.f32 v5, v2  }
0x2ae: {  	v5 =	vld [tilespmem:s12+$0xF3BF]  }
0x2af: {  	v2 =	vadd.f32 v4, v2;
	_ =	sdelay $0x1  }
0x2b0: {  	v2 =	vadd.f32 v3, v2;
	_ =	sdelay $0x1  }
0x2b1: {  	v2 =	vadd.f32 v5, v2;
	_ =	sdelay $0x1  }
0x2b2: {  	v2 =	vmul.f32 $1.767766920e-01, v2;
	_ =	sdelay $0x1  }
0x2b3: {  	v2 =	vmul.f32 $1.442695020e+00, v2;
	_ =	sdelay $0x1  }
0x2b4: {  	(erf) = vpow2.f32 v2;
	_ =	sdelay $0x7  }
0x2b5: {  	s5 =	sadd.s32 s12, s30  }
0x2b6: {  	s24 =	sadd.s32 s12, s31;
	v2 =	vld [tilespmem:s5+$0x0];
	v3 =	vpop (erf)  }
0x2b7: {  	[tilespmem:s24+$0x0] =	vst v3  }
0x2b8: {  	[tilespmem:s12+$0x1A000] =	vst v3;
	v3 =	vld [tilespmem:s12+$0xF410]  }
0x2b9: {  	v4 =	vld [tilespmem:s12+$0xF461];
	_ =	sdelay $0x1  }
0x2ba: {  	v5 =	vld [tilespmem:s12+$0xF4B2];
	_ =	sdelay $0x1  }
0x2bb: {  	v6 =	vld [tilespmem:s12+$0xF503]  }
0x2bc: {  	v3 =	vadd.f32 v4, v3  }
0x2bd: {  	v4 =	vld [tilespmem:s12+$0xF554]  }
0x2be: {  	v3 =	vadd.f32 v5, v3  }
0x2bf: {  	v5 =	vld [tilespmem:s12+$0xF5A5]  }
0x2c0: {  	v3 =	vadd.f32 v6, v3  }
0x2c1: {  	v6 =	vld [tilespmem:s12+$0xF5F6]  }
0x2c2: {  	v3 =	vadd.f32 v4, v3  }
0x2c3: {  	v4 =	vld [tilespmem:s12+$0xF647]  }
0x2c4: {  	v3 =	vadd.f32 v5, v3  }
0x2c5: {  	v5 =	vld [tilespmem:s12+$0xF698]  }
0x2c6: {  	v3 =	vadd.f32 v6, v3  }
0x2c7: {  	v6 =	vld [tilespmem:s12+$0xF6E9]  }
0x2c8: {  	v3 =	vadd.f32 v4, v3  }
0x2c9: {  	v4 =	vld [tilespmem:s12+$0xF73A]  }
0x2ca: {  	v3 =	vadd.f32 v5, v3  }
0x2cb: {  	v5 =	vld [tilespmem:s12+$0xF78B]  }
0x2cc: {  	v3 =	vadd.f32 v6, v3  }
0x2cd: {  	v6 =	vld [tilespmem:s12+$0xF7DC]  }
0x2ce: {  	v3 =	vadd.f32 v4, v3  }
0x2cf: {  	v4 =	vld [tilespmem:s12+$0xF82D]  }
0x2d0: {  	v3 =	vadd.f32 v5, v3  }
0x2d1: {  	v5 =	vld [tilespmem:s12+$0xF87E]  }
0x2d2: {  	v3 =	vadd.f32 v6, v3  }
0x2d3: {  	v6 =	vld [tilespmem:s12+$0xF8CF]  }
0x2d4: {  	v3 =	vadd.f32 v4, v3;
	_ =	sdelay $0x1  }
0x2d5: {  	v3 =	vadd.f32 v5, v3;
	_ =	sdelay $0x1  }
0x2d6: {  	v3 =	vadd.f32 v6, v3;
	_ =	sdelay $0x1  }
0x2d7: {  	v3 =	vmul.f32 $1.767766920e-01, v3;
	_ =	sdelay $0x1  }
0x2d8: {  	v3 =	vmul.f32 $1.442695020e+00, v3;
	_ =	sdelay $0x1  }
0x2d9: {  	(erf) = vpow2.f32 v3;
	_ =	sdelay $0x7  }
0x2da: {  	v2 =	vshll.u32 v2, $0x2  }
0x2db: {  	[tilespmem:s12+$0x1A180] =	vst v2;
	v3 =	vpop (erf)  }
0x2dc: {  	[tilespmem:s24+$0x50] =	vst v3  }
0x2dd: {  	[tilespmem:s12+$0x1A050] =	vst v3;
	v3 =	vor.u32 $0x1, v2;
	v4 =	vld [tilespmem:s12+$0xF920]  }
0x2de: {  	[tilespmem:s12+$0x1A1D0] =	vst v3;
	v3 =	vld [tilespmem:s12+$0xF971];
	_ =	sdelay $0x1  }
0x2df: {  	v5 =	vld [tilespmem:s12+$0xF9C2];
	_ =	sdelay $0x1  }
0x2e0: {  	v6 =	vld [tilespmem:s12+$0xFA13]  }
0x2e1: {  	v3 =	vadd.f32 v3, v4  }
0x2e2: {  	v4 =	vld [tilespmem:s12+$0xFA64]  }
0x2e3: {  	v3 =	vadd.f32 v5, v3  }
0x2e4: {  	v5 =	vld [tilespmem:s12+$0xFAB5]  }
0x2e5: {  	v3 =	vadd.f32 v6, v3  }
0x2e6: {  	v6 =	vld [tilespmem:s12+$0xFB06]  }
0x2e7: {  	v3 =	vadd.f32 v4, v3  }
0x2e8: {  	v4 =	vld [tilespmem:s12+$0xFB57]  }
0x2e9: {  	v3 =	vadd.f32 v5, v3  }
0x2ea: {  	v5 =	vld [tilespmem:s12+$0xFBA8]  }
0x2eb: {  	v3 =	vadd.f32 v6, v3  }
0x2ec: {  	v6 =	vld [tilespmem:s12+$0xFBF9]  }
0x2ed: {  	v3 =	vadd.f32 v4, v3  }
0x2ee: {  	v4 =	vld [tilespmem:s12+$0xFC4A]  }
0x2ef: {  	v3 =	vadd.f32 v5, v3  }
0x2f0: {  	v5 =	vld [tilespmem:s12+$0xFC9B]  }
0x2f1: {  	v3 =	vadd.f32 v6, v3  }
0x2f2: {  	v6 =	vld [tilespmem:s12+$0xFCEC]  }
0x2f3: {  	v3 =	vadd.f32 v4, v3  }
0x2f4: {  	v4 =	vld [tilespmem:s12+$0xFD3D]  }
0x2f5: {  	v3 =	vadd.f32 v5, v3  }
0x2f6: {  	v5 =	vld [tilespmem:s12+$0xFD8E]  }
0x2f7: {  	v3 =	vadd.f32 v6, v3  }
0x2f8: {  	v6 =	vld [tilespmem:s12+$0xFDDF]  }
0x2f9: {  	v3 =	vadd.f32 v4, v3;
	_ =	sdelay $0x1  }
0x2fa: {  	v3 =	vadd.f32 v5, v3;
	_ =	sdelay $0x1  }
0x2fb: {  	v3 =	vadd.f32 v6, v3;
	_ =	sdelay $0x1  }
0x2fc: {  	v3 =	vmul.f32 $1.767766920e-01, v3;
	_ =	sdelay $0x1  }
0x2fd: {  	v3 =	vmul.f32 $1.442695020e+00, v3;
	_ =	sdelay $0x1  }
0x2fe: {  	(erf) = vpow2.f32 v3;
	_ =	sdelay $0x8  }
0x2ff: {  	v3 =	vpop (erf)  }
0x300: {  	[tilespmem:s24+$0xA0] =	vst v3  }
0x301: {  	[tilespmem:s12+$0x1A0A0] =	vst v3;
	v3 =	vor.u32 $0x2, v2;
	v4 =	vld [tilespmem:s12+$0xFE30]  }
0x302: {  	[tilespmem:s12+$0x1A220] =	vst v3;
	v3 =	vld [tilespmem:s12+$0xFE81]  }
0x303: {  	v5 =	vld [tilespmem:s12+$0xFED2]  }
0x304: {  	v6 =	vld [tilespmem:s12+$0xFF23]  }
0x305: {  	v7 =	vld [tilespmem:s12+$0xFF74]  }
0x306: {  	v8 =	vld [tilespmem:s12+$0xFFC5]  }
0x307: {  	v3 =	vadd.f32 v3, v4;
	v4 =	vld [tilespmem:s12+$0x10016]  }
0x308: {  	v9 =	vld [tilespmem:s12+$0x10067]  }
0x309: {  	v3 =	vadd.f32 v5, v3;
	v5 =	vld [tilespmem:s12+$0x100B8]  }
0x30a: {  	v10 =	vld [tilespmem:s12+$0x10109]  }
0x30b: {  	v3 =	vadd.f32 v6, v3;
	v6 =	vld [tilespmem:s12+$0x1015A]  }
0x30c: {  	v11 =	vld [tilespmem:s12+$0x101AB]  }
0x30d: {  	v3 =	vadd.f32 v7, v3;
	v7 =	vld [tilespmem:s12+$0x101FC]  }
0x30e: {  	v12 =	vld [tilespmem:s12+$0x1024D]  }
0x30f: {  	v3 =	vadd.f32 v8, v3;
	v8 =	vld [tilespmem:s12+$0x1029E]  }
0x310: {  	v13 =	vld [tilespmem:s12+$0x102EF]  }
0x311: {  	v3 =	vadd.f32 v4, v3;
	_ =	sdelay $0x1  }
0x312: {  	v3 =	vadd.f32 v9, v3;
	_ =	sdelay $0x1  }
0x313: {  	v3 =	vadd.f32 v5, v3;
	_ =	sdelay $0x1  }
0x314: {  	v3 =	vadd.f32 v10, v3;
	_ =	sdelay $0x1  }
0x315: {  	v3 =	vadd.f32 v6, v3;
	_ =	sdelay $0x1  }
0x316: {  	v3 =	vadd.f32 v11, v3;
	_ =	sdelay $0x1  }
0x317: {  	v3 =	vadd.f32 v7, v3;
	_ =	sdelay $0x1  }
0x318: {  	v3 =	vadd.f32 v12, v3;
	_ =	sdelay $0x1  }
0x319: {  	v3 =	vadd.f32 v8, v3;
	_ =	sdelay $0x1  }
0x31a: {  	v3 =	vadd.f32 v13, v3;
	_ =	sdelay $0x1  }
.Ltmp4:
0x31b: {  	v3 =	vmul.f32 $1.767766920e-01, v3;
	(pc) =	sbr.rel @p2 .LBB2_11-.Ltmp4, $3  }
0x31c: {  	_ = 	snop  }
0x31d: {  	v3 =	vmul.f32 $1.442695020e+00, v3;
	_ =	sdelay $0x1  }
0x31e: {  	(erf) = vpow2.f32 v3  }
0x31f: {  	_ =	sdelay $0x7  }
0x320: {  	v3 =	vpop (erf)  }
0x321: {  	s1 =	sadd.s32 $0x1, s1;
	[tilespmem:s24+$0xF0] =	vst v3  }
0x322: {  	v2 =	vor.u32 $0x3, v2;
	p2 =	sne.s32 s1, $0x3E;
	[tilespmem:s12+$0x1A0F0] =	vst v3  }
.Ltmp5:
0x323: {  	[tilespmem:s12+$0x1A270] =	vst v2;
	(pc) =	sbr.rel @p2 .LBB2_4-.Ltmp5, $4  }
0x324: {  	[spmem:s2] =	stream.indirect.scatter.add.f32 [tilespmem:s22], [sflag:$0x3], $0x1, s21, s20, $0xb8;
	[tilespmem:$0x1B6C8] =	vst v63  }
0x325: {  	_ =	swait.ge [sflag:s11], $0x140  }
0x326: {  	s28 =	sadd.s32 $0xA0, s28;
	s29 =	sadd.s32 $0x280, s29;
	[sflag:s11] =	ssyncset.done $0x0  }
0x327: {  	s30 =	sadd.s32 $0xA0, s30;
	s31 =	sadd.s32 $0x280, s31;
	[sflag:s11] =	ssyncadd.s32 $0xFFFFFEC0  }
0x328: {  	_ =	swait.ge [sflag:s18], $0x2800  }
0x329: {  	[sflag:s18] =	ssyncset.done $0x0  }
0x32a: {  	[sflag:s18] =	ssyncadd.s32 $0xFFFFD800  }
0x32b: {  	_ =	swait.ge [sflag:s18], $0x2800  }
0x32c: {  	[sflag:s18] =	ssyncset.done $0x0  }
0x32d: {  	s1 =	simm.s32 $0x4F40;
	[sflag:s18] =	ssyncadd.s32 $0xFFFFD800  }
0x32e: {  	s4 =	simm.s32 $0x7740;
	v2 =	vld [tilespmem:s1+$0xFFFFFFC0]  }
0x32f: {  	v3 =	vld [tilespmem:s4+$0xFFFFFFD0]  }
0x330: {  	v4 =	vld [tilespmem:s1+$0xFFFFFFD0]  }
0x331: {  	v5 =	vld [tilespmem:s4+$0xFFFFFFC0];
	_ =	sdelay $0x2  }
0x332: {  	s12 =	simm.s32 $0x0  }
0x333: {  	v6 =	vadd.s32 s12, v1  }
0x334: {  	v3 =	vmul.f32 v3, v4;
	v2 =	vmul.f32 v5, v2;
	_ =	sdelay $0x1  }
0x335: {  	v2 =	vadd.f32 v3, v2;
	_ =	sdelay $0x1  }
0x336: {  	[tilespmem:v6+s19+$0x0] =	vst.idx.msk $0xffff, v2  }
0x337: {  	v2 =	vld [tilespmem:s4+$0xFFFFFFF0]  }
0x338: {  	v3 =	vld [tilespmem:s4+$0xFFFFFFE0]  }
0x339: {  	v4 =	vld [tilespmem:s1+$0xFFFFFFF0]  }
0x33a: {  	v5 =	vld [tilespmem:s1+$0xFFFFFFE0];
	_ =	sdelay $0x2  }
0x33b: {  	s5 =	simm.s32 $0x510  }
0x33c: {  	v6 =	vadd.s32 s5, v1  }
0x33d: {  	v2 =	vmul.f32 v2, v4;
	v3 =	vmul.f32 v3, v5;
	_ =	sdelay $0x1  }
0x33e: {  	v2 =	vadd.f32 v2, v3;
	_ =	sdelay $0x1  }
0x33f: {  	[tilespmem:v6+s19+$0x0] =	vst.idx.msk $0xffff, v2  }
0x340: {  	v2 =	vld [tilespmem:s1+$0x0]  }
0x341: {  	v3 =	vld [tilespmem:s4+$0x0]  }
0x342: {  	v4 =	vld [tilespmem:s1+$0x10]  }
0x343: {  	v5 =	vld [tilespmem:s4+$0x10];
	_ =	sdelay $0x2  }
0x344: {  	s31 =	simm.s32 $0xA20  }
0x345: {  	v6 =	vadd.s32 s31, v1  }
0x346: {  	v2 =	vmul.f32 v3, v2;
	v3 =	vmul.f32 v5, v4;
	_ =	sdelay $0x1  }
0x347: {  	v2 =	vadd.f32 v3, v2;
	_ =	sdelay $0x1  }
0x348: {  	[tilespmem:v6+s19+$0x0] =	vst.idx.msk $0xffff, v2  }
0x349: {  	v2 =	vld [tilespmem:s1+$0x20]  }
0x34a: {  	v3 =	vld [tilespmem:s4+$0x30]  }
0x34b: {  	s5 =	simm.s32 $0x1;
	v4 =	vld [tilespmem:s4+$0x20]  }
.LBB2_14:
0x34c: {  	p2 =	sne.s32 s5, $0x4F;
	v5 =	vld [tilespmem:s1+$0x30];
	s1 =	sadd.s32 $0x80, s1;
	s4 =	sadd.s32 $0x80, s4  }
0x34d: {  	s6 =	smov.u32 s5;
	s5 =	sadd.s32 $0x1, s5  }
0x34e: {  	s7 =	sadd.s32 $0xF30, s12;
	s12 =	smov.u32 s6  }
0x34f: {  	v6 =	vadd.s32 s7, v1  }
0x350: {  	v2 =	vmul.f32 v4, v2  }
0x351: {  	v3 =	vmul.f32 v3, v5;
	_ =	sdelay $0x1  }
0x352: {  	v2 =	vadd.f32 v3, v2;
	_ =	sdelay $0x1  }
0x353: {  	[tilespmem:v6+s19+$0x0] =	vst.idx.msk $0xffff, v2  }
0x354: {  	v2 =	vld [tilespmem:s1+$0xFFFFFFC0]  }
0x355: {  	v3 =	vld [tilespmem:s4+$0xFFFFFFD0]  }
0x356: {  	v4 =	vld [tilespmem:s1+$0xFFFFFFD0]  }
0x357: {  	v5 =	vld [tilespmem:s4+$0xFFFFFFC0];
	_ =	sdelay $0x3  }
0x358: {  	v3 =	vmul.f32 v3, v4;
	v4 =	vadd.s32 s12, v1  }
0x359: {  	v2 =	vmul.f32 v5, v2;
	_ =	sdelay $0x1  }
0x35a: {  	v2 =	vadd.f32 v3, v2;
	_ =	sdelay $0x1  }
0x35b: {  	[tilespmem:v4+s19+$0x0] =	vst.idx.msk $0xffff, v2  }
0x35c: {  	v2 =	vld [tilespmem:s4+$0xFFFFFFF0]  }
0x35d: {  	v3 =	vld [tilespmem:s4+$0xFFFFFFE0]  }
0x35e: {  	v4 =	vld [tilespmem:s1+$0xFFFFFFF0]  }
0x35f: {  	v5 =	vld [tilespmem:s1+$0xFFFFFFE0];
	_ =	sdelay $0x2  }
0x360: {  	s6 =	sadd.s32 $0x510, s12  }
0x361: {  	v2 =	vmul.f32 v2, v4;
	v4 =	vadd.s32 s6, v1  }
0x362: {  	v3 =	vmul.f32 v3, v5;
	_ =	sdelay $0x1  }
0x363: {  	v2 =	vadd.f32 v2, v3;
	_ =	sdelay $0x1  }
0x364: {  	[tilespmem:v4+s19+$0x0] =	vst.idx.msk $0xffff, v2  }
0x365: {  	v2 =	vld [tilespmem:s1+$0x0]  }
0x366: {  	v3 =	vld [tilespmem:s4+$0x0]  }
0x367: {  	v4 =	vld [tilespmem:s1+$0x10]  }
0x368: {  	v5 =	vld [tilespmem:s4+$0x10];
	_ =	sdelay $0x2  }
0x369: {  	s6 =	sadd.s32 $0xA20, s12;
	v2 =	vmul.f32 v3, v2  }
0x36a: {  	v3 =	vadd.s32 s6, v1  }
0x36b: {  	v4 =	vmul.f32 v5, v4;
	_ =	sdelay $0x1  }
0x36c: {  	v2 =	vadd.f32 v4, v2  }
.Ltmp6:
0x36d: {  	(pc) =	sbr.rel @p2 .LBB2_14-.Ltmp6, $4  }
0x36e: {  	[tilespmem:v3+s19+$0x0] =	vst.idx.msk $0xffff, v2  }
0x36f: {  	v2 =	vld [tilespmem:s1+$0x20]  }
0x370: {  	v3 =	vld [tilespmem:s4+$0x30]  }
0x371: {  	v4 =	vld [tilespmem:s4+$0x20]  }
0x372: {  	v5 =	vld [tilespmem:s1+$0x30];
	_ =	sdelay $0x2  }
0x373: {  	s31 =	sadd.s32 $0xF30, s12  }
0x374: {  	v6 =	vadd.s32 s31, v1  }
0x375: {  	v2 =	vmul.f32 v4, v2;
	v3 =	vmul.f32 v3, v5;
	_ =	sdelay $0x1  }
0x376: {  	v2 =	vadd.f32 v3, v2;
	_ =	sdelay $0x1  }
0x377: {  	s1 =	simm.s32 $0x0;
	[tilespmem:v6+s19+$0x0] =	vst.idx.msk $0xffff, v2  }
0x378: {  	v2 =	vld [tilespmem:s1+$0xFE30]  }
0x379: {  	v3 =	vld [tilespmem:s1+$0xFE81]  }
0x37a: {  	v4 =	vld [tilespmem:s1+$0xEF00]  }
0x37b: {  	v5 =	vld [tilespmem:s1+$0xFED2]  }
0x37c: {  	v6 =	vld [tilespmem:s1+$0xEF51]  }
0x37d: {  	v7 =	vld [tilespmem:s1+$0xFF23]  }
0x37e: {  	v8 =	vld [tilespmem:s1+$0xF410]  }
0x37f: {  	v9 =	vld [tilespmem:s1+$0xF461]  }
0x380: {  	v10 =	vld [tilespmem:s1+$0xF920]  }
0x381: {  	v11 =	vld [tilespmem:s1+$0xF971]  }
0x382: {  	v12 =	vld [tilespmem:s1+$0xEFA2]  }
0x383: {  	v13 =	vld [tilespmem:s1+$0xF4B2]  }
0x384: {  	v14 =	vld [tilespmem:s1+$0xF9C2]  }
0x385: {  	v15 =	vld [tilespmem:s1+$0xEFF3]  }
0x386: {  	v16 =	vld [tilespmem:s1+$0xF503];
	v2 =	vadd.f32 v3, v2  }
0x387: {  	v3 =	vld [tilespmem:s1+$0xFF74]  }
0x388: {  	v17 =	vld [tilespmem:s1+$0xFA13];
	v2 =	vadd.f32 v5, v2  }
0x389: {  	v5 =	vld [tilespmem:s1+$0xFFC5]  }
0x38a: {  	v18 =	vld [tilespmem:s1+$0xF044];
	v2 =	vadd.f32 v7, v2  }
0x38b: {  	v7 =	vld [tilespmem:s1+$0x10016]  }
0x38c: {  	v19 =	vld [tilespmem:s1+$0xF554];
	v2 =	vadd.f32 v3, v2  }
0x38d: {  	v3 =	vld [tilespmem:s1+$0x10067]  }
0x38e: {  	v20 =	vld [tilespmem:s1+$0xFA64];
	v2 =	vadd.f32 v5, v2  }
0x38f: {  	v5 =	vld [tilespmem:s1+$0x100B8]  }
0x390: {  	v21 =	vld [tilespmem:s1+$0xF5A5];
	v2 =	vadd.f32 v7, v2  }
0x391: {  	v7 =	vld [tilespmem:s1+$0x10109]  }
0x392: {  	v22 =	vld [tilespmem:s1+$0xF0E6];
	v2 =	vadd.f32 v3, v2  }
0x393: {  	v3 =	vld [tilespmem:s1+$0x1015A]  }
0x394: {  	v23 =	vld [tilespmem:s1+$0xFB06];
	v2 =	vadd.f32 v5, v2  }
0x395: {  	v5 =	vld [tilespmem:s1+$0x101AB]  }
0x396: {  	v24 =	vld [tilespmem:s1+$0xF137];
	v2 =	vadd.f32 v7, v2  }
0x397: {  	v7 =	vld [tilespmem:s1+$0x101FC]  }
0x398: {  	v25 =	vld [tilespmem:s1+$0xF647];
	v2 =	vadd.f32 v3, v2  }
0x399: {  	v3 =	vld [tilespmem:s1+$0x1024D]  }
0x39a: {  	v26 =	vld [tilespmem:s1+$0xFB57];
	v2 =	vadd.f32 v5, v2  }
0x39b: {  	v5 =	vld [tilespmem:s1+$0x1029E]  }
0x39c: {  	v55 =	vld [tilespmem:s1+$0xF6E9];
	v2 =	vadd.f32 v7, v2  }
0x39d: {  	v7 =	vld [tilespmem:s1+$0x102EF]  }
0x39e: {  	v56 =	vld [tilespmem:s1+$0xFBF9];
	v4 =	vadd.f32 v6, v4;
	v2 =	vadd.f32 v3, v2  }
0x39f: {  	v57 =	vld [tilespmem:s1+$0xF22A];
	v8 =	vadd.f32 v9, v8;
	v9 =	vadd.f32 v11, v10  }
0x3a0: {  	v58 =	vld [tilespmem:s1+$0xF73A];
	v4 =	vadd.f32 v12, v4;
	v2 =	vadd.f32 v5, v2  }
0x3a1: {  	v8 =	vadd.f32 v13, v8;
	v9 =	vadd.f32 v14, v9;
	v3 =	vld [tilespmem:s1+$0xF095]  }
0x3a2: {  	v4 =	vadd.f32 v15, v4;
	v5 =	vld [tilespmem:s1+$0xFAB5];
	v2 =	vadd.f32 v7, v2  }
0x3a3: {  	v60 =	vld [tilespmem:s1+$0xF78B];
	v8 =	vadd.f32 v16, v8;
	v9 =	vadd.f32 v17, v9  }
0x3a4: {  	v4 =	vadd.f32 v18, v4;
	v7 =	vld [tilespmem:s1+$0xF5F6];
	v2 =	vmul.f32 $1.767766920e-01, v2  }
0x3a5: {  	v61 =	vld [tilespmem:s1+$0xF82D];
	v8 =	vadd.f32 v19, v8;
	v9 =	vadd.f32 v20, v9  }
0x3a6: {  	v6 =	vld [tilespmem:s1+$0xF188];
	v3 =	vadd.f32 v3, v4;
	v2 =	vmul.f32 $1.442695020e+00, v2  }
0x3a7: {  	v10 =	vld [tilespmem:s1+$0xFBA8];
	v8 =	vadd.f32 v21, v8;
	v5 =	vadd.f32 v5, v9  }
0x3a8: {  	v3 =	vadd.f32 v22, v3;
	(erf) = vpow2.f32 v2;
	v2 =	vld [tilespmem:s1+$0xF698]  }
0x3a9: {  	v11 =	vld [tilespmem:s1+$0xF1D9];
	v7 =	vadd.f32 v7, v8;
	v5 =	vadd.f32 v23, v5  }
0x3aa: {  	v62 =	vld [tilespmem:s1+$0xFD3D];
	v3 =	vadd.f32 v24, v3  }
0x3ab: {  	v4 =	vld [tilespmem:s1+$0xFC4A];
	v7 =	vadd.f32 v25, v7;
	v5 =	vadd.f32 v26, v5  }
0x3ac: {  	v9 =	vld [tilespmem:s1+$0xF27B];
	v3 =	vadd.f32 v6, v3  }
0x3ad: {  	v8 =	vld [tilespmem:s1+$0xFC9B];
	v5 =	vadd.f32 v10, v5;
	v2 =	vadd.f32 v2, v7  }
0x3ae: {  	v6 =	vld [tilespmem:s1+$0xF2CC];
	v3 =	vadd.f32 v11, v3  }
0x3af: {  	v10 =	vld [tilespmem:s1+$0xFCEC];
	v5 =	vadd.f32 v56, v5;
	v2 =	vadd.f32 v55, v2  }
0x3b0: {  	v7 =	vld [tilespmem:s1+$0xF7DC];
	v3 =	vadd.f32 v57, v3  }
0x3b1: {  	v11 =	vld [tilespmem:s1+$0xF31D];
	v4 =	vadd.f32 v4, v5;
	v2 =	vadd.f32 v58, v2  }
0x3b2: {  	v63 =	vld [tilespmem:s1+$0xF87E];
	v3 =	vadd.f32 v9, v3  }
0x3b3: {  	v9 =	vld [tilespmem:s1+$0xF36E];
	v4 =	vadd.f32 v8, v4;
	v2 =	vadd.f32 v60, v2  }
0x3b4: {  	v3 =	vadd.f32 v6, v3;
	v6 =	vld [tilespmem:s1+$0xFD8E]  }
0x3b5: {  	v5 =	vld [tilespmem:s1+$0xF3BF];
	v2 =	vadd.f32 v7, v2;
	v7 =	vadd.f32 v10, v4  }
0x3b6: {  	v59 =	vpop (erf);
	v8 =	vadd.f32 v11, v3;
	v4 =	vld [tilespmem:s1+$0xF8CF]  }
0x3b7: {  	[tilespmem:s1+$0x1A0F0] =	vst v59;
	v3 =	vld [tilespmem:s1+$0xFDDF];
	v2 =	vadd.f32 v61, v2;
	v10 =	vadd.f32 v62, v7  }
0x3b8: {  	s4 =	simm.s32 $0x10;
	[tilespmem:s1+$0x19F70] =	vst v59;
	v9 =	vadd.f32 v9, v8;
	v8 =	vld [tilespmem:s1+$0x4E40]  }
0x3b9: {  	s12 =	simm.s32 $0x80;
	v7 =	vadd.f32 v63, v2;
	v2 =	vld [tilespmem:s4+$0xFE30];
	v6 =	vadd.f32 v6, v10  }
.LBB2_16:
0x3ba: {  	p2 =	sne.s32 s12, $0x100;
	v10 =	vld [tilespmem:s4+$0xFE81];
	v5 =	vadd.f32 v5, v9  }
0x3bb: {  	v9 =	vld [tilespmem:s4+$0xEF00];
	v4 =	vadd.f32 v4, v7  }
0x3bc: {  	v7 =	vld [tilespmem:s4+$0xFED2];
	v5 =	vmul.f32 $1.767766920e-01, v5;
	v3 =	vadd.f32 v3, v6  }
0x3bd: {  	v6 =	vld [tilespmem:s4+$0xEF51];
	v8 =	vshll.u32 v8, $0x2;
	v4 =	vmul.f32 $1.767766920e-01, v4  }
0x3be: {  	v11 =	vld [tilespmem:s4+$0xFF23];
	v5 =	vmul.f32 $1.442695020e+00, v5;
	[tilespmem:s1+$0x1A180] =	vst v8;
	v12 =	vor.u32 $0x1, v8;
	v3 =	vmul.f32 $1.767766920e-01, v3  }
0x3bf: {  	v13 =	vld [tilespmem:s4+$0xF410];
	v2 =	vadd.f32 v10, v2;
	v4 =	vmul.f32 $1.442695020e+00, v4;
	[tilespmem:s1+$0x1A1D0] =	vst v12;
	v10 =	vor.u32 $0x2, v8  }
0x3c0: {  	v8 =	vor.u32 $0x3, v8;
	v12 =	vld [tilespmem:s4+$0xFF74];
	v3 =	vmul.f32 $1.442695020e+00, v3;
	[tilespmem:s1+$0x1A220] =	vst v10;
	(erf) = vpow2.f32 v5  }
0x3c1: {  	v5 =	vld [tilespmem:s4+$0xF461];
	v2 =	vadd.f32 v7, v2;
	[tilespmem:s1+$0x1A270] =	vst v8;
	(erf) = vpow2.f32 v4  }
0x3c2: {  	v4 =	vadd.f32 v6, v9;
	v6 =	vld [tilespmem:s4+$0xFFC5];
	(erf) = vpow2.f32 v3  }
0x3c3: {  	v3 =	vld [tilespmem:s4+$0xF920];
	v2 =	vadd.f32 v11, v2  }
0x3c4: {  	v7 =	vld [tilespmem:s4+$0x10016]  }
0x3c5: {  	v8 =	vld [tilespmem:s4+$0xF971];
	v2 =	vadd.f32 v12, v2  }
0x3c6: {  	v5 =	vadd.f32 v5, v13;
	v9 =	vld [tilespmem:s4+$0x10067]  }
0x3c7: {  	v10 =	vld [tilespmem:s4+$0xEFA2];
	v2 =	vadd.f32 v6, v2  }
0x3c8: {  	v6 =	vld [tilespmem:s4+$0x100B8]  }
0x3c9: {  	v11 =	vld [tilespmem:s4+$0xF4B2];
	v2 =	vadd.f32 v7, v2;
	v7 =	vpop (erf)  }
0x3ca: {  	v3 =	vadd.f32 v8, v3;
	v8 =	vld [tilespmem:s4+$0x10109];
	[tilespmem:s1+$0x19E80] =	vst v7;
	v12 =	vpop (erf)  }
0x3cb: {  	v13 =	vld [tilespmem:s4+$0xF9C2];
	v2 =	vadd.f32 v9, v2;
	[tilespmem:s1+$0x1A000] =	vst v7;
	v7 =	vpop (erf)  }
0x3cc: {  	v4 =	vadd.f32 v10, v4;
	v9 =	vld [tilespmem:s4+$0x1015A];
	[tilespmem:s1+$0x19ED0] =	vst v12  }
0x3cd: {  	v10 =	vld [tilespmem:s4+$0xEFF3];
	v2 =	vadd.f32 v6, v2;
	[tilespmem:s1+$0x1A050] =	vst v12  }
0x3ce: {  	v5 =	vadd.f32 v11, v5;
	v6 =	vld [tilespmem:s4+$0x101AB];
	[tilespmem:s1+$0x19F20] =	vst v7  }
0x3cf: {  	v11 =	vld [tilespmem:s4+$0xF503];
	v2 =	vadd.f32 v8, v2;
	[tilespmem:s1+$0x1A0A0] =	vst v7;
	s1 =	smov.u32 s4  }
0x3d0: {  	v3 =	vadd.f32 v13, v3;
	v7 =	vld [tilespmem:s1+$0x101FC]  }
0x3d1: {  	v8 =	vld [tilespmem:s1+$0xFA13];
	v2 =	vadd.f32 v9, v2  }
0x3d2: {  	v4 =	vadd.f32 v10, v4;
	v9 =	vld [tilespmem:s1+$0x1024D]  }
0x3d3: {  	v10 =	vld [tilespmem:s1+$0xF044];
	v2 =	vadd.f32 v6, v2  }
0x3d4: {  	v5 =	vadd.f32 v11, v5;
	v6 =	vld [tilespmem:s1+$0x1029E]  }
0x3d5: {  	v11 =	vld [tilespmem:s1+$0xF554];
	v2 =	vadd.f32 v7, v2  }
0x3d6: {  	v3 =	vadd.f32 v8, v3;
	v7 =	vld [tilespmem:s1+$0x102EF]  }
0x3d7: {  	v8 =	vld [tilespmem:s1+$0xFA64];
	v2 =	vadd.f32 v9, v2  }
0x3d8: {  	v4 =	vadd.f32 v10, v4;
	v9 =	vld [tilespmem:s1+$0xF095]  }
0x3d9: {  	v10 =	vld [tilespmem:s1+$0xF5A5];
	v2 =	vadd.f32 v6, v2  }
0x3da: {  	v5 =	vadd.f32 v11, v5;
	v6 =	vld [tilespmem:s1+$0xFAB5]  }
0x3db: {  	v11 =	vld [tilespmem:s1+$0xF0E6];
	v2 =	vadd.f32 v7, v2  }
0x3dc: {  	v7 =	vld [tilespmem:s1+$0xF5F6];
	v3 =	vadd.f32 v8, v3  }
0x3dd: {  	v4 =	vadd.f32 v9, v4;
	v8 =	vld [tilespmem:s1+$0xFB06];
	v2 =	vmul.f32 $1.767766920e-01, v2  }
0x3de: {  	v9 =	vld [tilespmem:s1+$0xF137];
	v5 =	vadd.f32 v10, v5  }
0x3df: {  	v10 =	vld [tilespmem:s1+$0xF647];
	v3 =	vadd.f32 v6, v3;
	v2 =	vmul.f32 $1.442695020e+00, v2  }
0x3e0: {  	v4 =	vadd.f32 v11, v4;
	v6 =	vld [tilespmem:s1+$0xFB57]  }
0x3e1: {  	v11 =	vld [tilespmem:s1+$0xF188];
	v5 =	vadd.f32 v7, v5;
	(erf) = vpow2.f32 v2  }
0x3e2: {  	v2 =	vld [tilespmem:s1+$0xF698];
	v3 =	vadd.f32 v8, v3  }
0x3e3: {  	v4 =	vadd.f32 v9, v4;
	v7 =	vld [tilespmem:s1+$0xFBA8]  }
0x3e4: {  	v8 =	vld [tilespmem:s1+$0xF1D9];
	v5 =	vadd.f32 v10, v5  }
0x3e5: {  	v9 =	vld [tilespmem:s1+$0xF6E9];
	v3 =	vadd.f32 v6, v3  }
0x3e6: {  	v4 =	vadd.f32 v11, v4;
	v6 =	vld [tilespmem:s1+$0xFBF9]  }
0x3e7: {  	v10 =	vld [tilespmem:s1+$0xF22A];
	v2 =	vadd.f32 v2, v5  }
0x3e8: {  	v5 =	vld [tilespmem:s1+$0xF73A];
	v3 =	vadd.f32 v7, v3  }
0x3e9: {  	v4 =	vadd.f32 v8, v4;
	v7 =	vld [tilespmem:s1+$0xFC4A]  }
0x3ea: {  	v8 =	vld [tilespmem:s1+$0xF27B];
	v2 =	vadd.f32 v9, v2;
	v9 =	vpop (erf)  }
0x3eb: {  	v11 =	vld [tilespmem:s1+$0xF78B];
	v3 =	vadd.f32 v6, v3;
	[tilespmem:s1+$0x1A0F0] =	vst v9  }
0x3ec: {  	v4 =	vadd.f32 v10, v4;
	v6 =	vld [tilespmem:s1+$0xFC9B];
	[tilespmem:s1+$0x19F70] =	vst v9  }
0x3ed: {  	v9 =	vld [tilespmem:s1+$0xF2CC];
	v2 =	vadd.f32 v5, v2  }
0x3ee: {  	v5 =	vld [tilespmem:s1+$0xF7DC];
	v3 =	vadd.f32 v7, v3  }
0x3ef: {  	v4 =	vadd.f32 v8, v4;
	v7 =	vld [tilespmem:s1+$0xFCEC]  }
0x3f0: {  	v8 =	vld [tilespmem:s1+$0xF31D];
	v2 =	vadd.f32 v11, v2  }
0x3f1: {  	v10 =	vld [tilespmem:s1+$0xF82D];
	v3 =	vadd.f32 v6, v3  }
0x3f2: {  	v4 =	vadd.f32 v9, v4;
	v6 =	vld [tilespmem:s1+$0xFD3D]  }
0x3f3: {  	v9 =	vld [tilespmem:s1+$0xF36E];
	v2 =	vadd.f32 v5, v2  }
0x3f4: {  	v11 =	vld [tilespmem:s1+$0xF87E];
	v3 =	vadd.f32 v7, v3  }
0x3f5: {  	v7 =	vadd.f32 v8, v4;
	v12 =	vld [tilespmem:s1+$0xFD8E]  }
.Ltmp7:
0x3f6: {  	v5 =	vld [tilespmem:s1+$0xF3BF];
	v2 =	vadd.f32 v10, v2;
	(pc) =	sbr.rel @p2 .LBB2_16-.Ltmp7, $4  }
0x3f7: {  	v4 =	vld [tilespmem:s1+$0xF8CF];
	v6 =	vadd.f32 v6, v3  }
0x3f8: {  	v9 =	vadd.f32 v9, v7;
	v3 =	vld [tilespmem:s1+$0xFDDF]  }
0x3f9: {  	s4 =	sshra.s32 s12, $0x2;
	v8 =	vld [tilespmem:s1+$0x4E40];
	v7 =	vadd.f32 v11, v2  }
0x3fa: {  	s12 =	sadd.s32 $0x40, s12;
	v2 =	vld [tilespmem:s4+$0xFE30];
	v6 =	vadd.f32 v12, v6  }
0x3fb: {  	v10 =	vld [tilespmem:s4+$0xFE81];
	v5 =	vadd.f32 v5, v9  }
0x3fc: {  	v11 =	vld [tilespmem:s4+$0xEF00]  }
0x3fd: {  	v12 =	vld [tilespmem:s4+$0xFED2];
	v4 =	vadd.f32 v4, v7;
	v5 =	vmul.f32 $1.767766920e-01, v5  }
0x3fe: {  	v13 =	vld [tilespmem:s4+$0xEF51];
	v3 =	vadd.f32 v3, v6;
	v8 =	vshll.u32 v8, $0x2  }
0x3ff: {  	v14 =	vld [tilespmem:s4+$0xFF23];
	v4 =	vmul.f32 $1.767766920e-01, v4;
	[tilespmem:s1+$0x1A180] =	vst v8;
	v51 =	vor.u32 $0x1, v8;
	v5 =	vmul.f32 $1.442695020e+00, v5  }
0x400: {  	v52 =	vor.u32 $0x2, v8;
	v3 =	vmul.f32 $1.767766920e-01, v3;
	v15 =	vld [tilespmem:s4+$0xF410];
	[tilespmem:s1+$0x1A1D0] =	vst v51  }
0x401: {  	v53 =	vor.u32 $0x3, v8;
	v4 =	vmul.f32 $1.442695020e+00, v4;
	v16 =	vld [tilespmem:s4+$0xFF74];
	[tilespmem:s1+$0x1A220] =	vst v52;
	(erf) = vpow2.f32 v5  }
0x402: {  	v54 =	vld [tilespmem:s4+$0xF461];
	[tilespmem:s1+$0x1A270] =	vst v53  }
0x403: {  	v3 =	vmul.f32 $1.442695020e+00, v3;
	(erf) = vpow2.f32 v4;
	v55 =	vld [tilespmem:s4+$0xFFC5]  }
0x404: {  	v56 =	vld [tilespmem:s4+$0xF920]  }
0x405: {  	v7 =	vld [tilespmem:s4+$0x10016];
	(erf) = vpow2.f32 v3  }
0x406: {  	v57 =	vld [tilespmem:s4+$0xF971]  }
0x407: {  	v9 =	vld [tilespmem:s4+$0x10067]  }
0x408: {  	v2 =	vadd.f32 v10, v2;
	v58 =	vld [tilespmem:s4+$0xEFA2]  }
0x409: {  	v59 =	vld [tilespmem:s4+$0x100B8]  }
0x40a: {  	v2 =	vadd.f32 v12, v2;
	v3 =	vld [tilespmem:s4+$0xF4B2];
	v60 =	vpop (erf)  }
0x40b: {  	v17 =	vld [tilespmem:s4+$0x10109];
	[tilespmem:s1+$0x19E80] =	vst v60  }
0x40c: {  	v2 =	vadd.f32 v14, v2;
	v62 =	vpop (erf);
	v61 =	vld [tilespmem:s4+$0xF9C2];
	[tilespmem:s1+$0x1A000] =	vst v60  }
0x40d: {  	v14 =	vld [tilespmem:s4+$0x1015A];
	[tilespmem:s1+$0x19ED0] =	vst v62  }
0x40e: {  	v2 =	vadd.f32 v16, v2;
	v28 =	vpop (erf);
	v63 =	vld [tilespmem:s4+$0xEFF3];
	[tilespmem:s1+$0x1A050] =	vst v62  }
0x40f: {  	v29 =	vld [tilespmem:s4+$0x101AB];
	[tilespmem:s1+$0x19F20] =	vst v28  }
0x410: {  	v2 =	vadd.f32 v55, v2;
	v30 =	vld [tilespmem:s4+$0xF503];
	[tilespmem:s1+$0x1A0A0] =	vst v28  }
0x411: {  	v5 =	vld [tilespmem:s4+$0x101FC]  }
0x412: {  	v2 =	vadd.f32 v7, v2;
	v31 =	vld [tilespmem:s4+$0xFA13]  }
0x413: {  	v32 =	vld [tilespmem:s4+$0x1024D]  }
0x414: {  	v2 =	vadd.f32 v9, v2;
	v18 =	vld [tilespmem:s4+$0xF044]  }
0x415: {  	v33 =	vld [tilespmem:s4+$0x1029E]  }
0x416: {  	v2 =	vadd.f32 v59, v2;
	v19 =	vld [tilespmem:s4+$0xF554]  }
0x417: {  	v34 =	vld [tilespmem:s4+$0x102EF]  }
0x418: {  	v2 =	vadd.f32 v17, v2;
	v20 =	vld [tilespmem:s4+$0xFA64]  }
0x419: {  	v35 =	vld [tilespmem:s4+$0xF095]  }
0x41a: {  	v21 =	vld [tilespmem:s4+$0xF5A5];
	v2 =	vadd.f32 v14, v2  }
0x41b: {  	v36 =	vld [tilespmem:s4+$0xFAB5]  }
0x41c: {  	v22 =	vld [tilespmem:s4+$0xF0E6];
	v2 =	vadd.f32 v29, v2  }
0x41d: {  	v37 =	vld [tilespmem:s4+$0xF5F6]  }
0x41e: {  	v23 =	vld [tilespmem:s4+$0xFB06];
	v2 =	vadd.f32 v5, v2  }
0x41f: {  	v11 =	vadd.f32 v13, v11;
	v24 =	vld [tilespmem:s4+$0xF137]  }
0x420: {  	v25 =	vld [tilespmem:s4+$0xF647];
	v2 =	vadd.f32 v32, v2  }
0x421: {  	v8 =	vadd.f32 v54, v15;
	v10 =	vadd.f32 v58, v11;
	v38 =	vld [tilespmem:s4+$0xFB57]  }
0x422: {  	v4 =	vadd.f32 v57, v56;
	v26 =	vld [tilespmem:s4+$0xF188];
	v2 =	vadd.f32 v33, v2  }
0x423: {  	v3 =	vadd.f32 v3, v8;
	v39 =	vld [tilespmem:s4+$0xFBA8];
	v7 =	vadd.f32 v63, v10  }
0x424: {  	v40 =	vld [tilespmem:s4+$0xF1D9];
	v4 =	vadd.f32 v61, v4;
	v2 =	vadd.f32 v34, v2  }
0x425: {  	v41 =	vld [tilespmem:s4+$0xF6E9];
	v3 =	vadd.f32 v30, v3;
	v7 =	vadd.f32 v18, v7  }
0x426: {  	v42 =	vld [tilespmem:s4+$0xFBF9];
	v4 =	vadd.f32 v31, v4;
	v2 =	vmul.f32 $1.767766920e-01, v2  }
0x427: {  	v43 =	vld [tilespmem:s4+$0xF22A];
	v3 =	vadd.f32 v19, v3;
	v7 =	vadd.f32 v35, v7  }
0x428: {  	v44 =	vld [tilespmem:s4+$0xF73A];
	v4 =	vadd.f32 v20, v4;
	v2 =	vmul.f32 $1.442695020e+00, v2  }
0x429: {  	v45 =	vld [tilespmem:s4+$0xFC4A];
	v3 =	vadd.f32 v21, v3;
	v7 =	vadd.f32 v22, v7  }
0x42a: {  	v4 =	vadd.f32 v36, v4;
	(erf) = vpow2.f32 v2;
	v2 =	vld [tilespmem:s4+$0xF698]  }
0x42b: {  	v46 =	vld [tilespmem:s4+$0xF27B];
	v3 =	vadd.f32 v37, v3;
	v49 =	vadd.f32 v24, v7  }
0x42c: {  	v48 =	vld [tilespmem:s4+$0xF78B];
	v4 =	vadd.f32 v23, v4  }
0x42d: {  	v50 =	vld [tilespmem:s4+$0xFC9B];
	v3 =	vadd.f32 v25, v3;
	v5 =	vadd.f32 v26, v49  }
0x42e: {  	v51 =	vld [tilespmem:s4+$0xF2CC];
	v4 =	vadd.f32 v38, v4  }
0x42f: {  	v52 =	vld [tilespmem:s4+$0xF7DC];
	v2 =	vadd.f32 v2, v3;
	v3 =	vadd.f32 v40, v5  }
0x430: {  	v53 =	vld [tilespmem:s4+$0xFCEC];
	v4 =	vadd.f32 v39, v4  }
0x431: {  	v54 =	vld [tilespmem:s4+$0xF31D];
	v2 =	vadd.f32 v41, v2;
	v3 =	vadd.f32 v43, v3  }
0x432: {  	v55 =	vld [tilespmem:s4+$0xF82D];
	v4 =	vadd.f32 v42, v4  }
0x433: {  	v56 =	vld [tilespmem:s4+$0xFD3D];
	v2 =	vadd.f32 v44, v2;
	v3 =	vadd.f32 v46, v3  }
0x434: {  	v57 =	vld [tilespmem:s4+$0xF36E];
	v4 =	vadd.f32 v45, v4  }
0x435: {  	v58 =	vld [tilespmem:s4+$0xF87E];
	v2 =	vadd.f32 v48, v2;
	v3 =	vadd.f32 v51, v3  }
0x436: {  	v59 =	vld [tilespmem:s4+$0xF3BF];
	v4 =	vadd.f32 v50, v4  }
0x437: {  	v60 =	vld [tilespmem:s4+$0xFD8E];
	v2 =	vadd.f32 v52, v2;
	v3 =	vadd.f32 v54, v3  }
0x438: {  	v61 =	vld [tilespmem:s4+$0xF8CF];
	v4 =	vadd.f32 v53, v4  }
0x439: {  	v62 =	vld [tilespmem:s4+$0xFDDF];
	v2 =	vadd.f32 v55, v2;
	v3 =	vadd.f32 v57, v3  }
0x43a: {  	v4 =	vadd.f32 v56, v4  }
0x43b: {  	v2 =	vadd.f32 v58, v2;
	v3 =	vadd.f32 v59, v3  }
0x43c: {  	v4 =	vadd.f32 v60, v4  }
0x43d: {  	v2 =	vadd.f32 v61, v2;
	v3 =	vmul.f32 $1.767766920e-01, v3  }
0x43e: {  	v4 =	vadd.f32 v62, v4  }
0x43f: {  	v2 =	vmul.f32 $1.767766920e-01, v2;
	v3 =	vmul.f32 $1.442695020e+00, v3  }
0x440: {  	v63 =	vld [tilespmem:s4+$0x4E40];
	v4 =	vmul.f32 $1.767766920e-01, v4  }
0x441: {  	v2 =	vmul.f32 $1.442695020e+00, v2;
	(erf) = vpow2.f32 v3;
	_ =	sdelay $0x1  }
0x442: {  	v3 =	vmul.f32 $1.442695020e+00, v4;
	(erf) = vpow2.f32 v2  }
0x443: {  	v47 =	vpop (erf)  }
0x444: {  	[tilespmem:s4+$0x1A0F0] =	vst v47;
	v2 =	vshll.u32 v63, $0x2;
	(erf) = vpow2.f32 v3  }
0x445: {  	[tilespmem:s4+$0x1A180] =	vst v2;
	v3 =	vor.u32 $0x1, v2  }
0x446: {  	[tilespmem:s4+$0x1A1D0] =	vst v3;
	v3 =	vor.u32 $0x2, v2;
	v2 =	vor.u32 $0x3, v2  }
0x447: {  	[tilespmem:s4+$0x19F70] =	vst v47  }
0x448: {  	[tilespmem:s4+$0x1A220] =	vst v3  }
0x449: {  	[tilespmem:s4+$0x1A270] =	vst v2;
	v2 =	vpop (erf)  }
0x44a: {  	[tilespmem:s4+$0x19E80] =	vst v2  }
0x44b: {  	[tilespmem:s4+$0x1A000] =	vst v2;
	v3 =	vpop (erf)  }
0x44c: {  	[tilespmem:s4+$0x19ED0] =	vst v3  }
0x44d: {  	v2 =	vpop (erf);
	[tilespmem:s4+$0x1A050] =	vst v3  }
0x44e: {  	[tilespmem:s4+$0x19F20] =	vst v2  }
0x44f: {  	[tilespmem:s4+$0x1A0A0] =	vst v2  }
0x450: {  	[spmem:s2] =	stream.indirect.scatter.add.f32 [tilespmem:s22], [sflag:$0x3], $0x1, s21, s20, $0xb8;
	[tilespmem:$0x1B6C8] =	vst v63  }
0x451: {  	_ =	swait.ge [sflag:s11], $0x140  }
0x452: {  	[sflag:s11] =	ssyncset.done $0x0  }
0x453: {  	s31 =	simm.s32 $0x10380;
	[sflag:s11] =	ssyncadd.s32 $0xFFFFFEC0  }
0x454: {  	[hbm4b:s8+s3] =	stream.linear.scatter [tilespmem:s31], [sflag:$0x3], $0x9C40, $0x38;
	[tilespmem:$0x1B6C8] =	vst v63  }
0x455: {  	_ =	swait.ge [sflag:s11], $0x9C40  }
0x456: {  	[sflag:s11] =	ssyncset.done $0x0  }
0x457: {  	[sflag:s11] =	ssyncadd.s32 $0xFFFF63C0  }
0x458: {  	s1 =	simm.s32 @!p1 $0x10380;
	s4 =	simm.s32 @!p1 $0x3;
	[bflag:$0x0] =	sbarrier.arrive $0xFFFF  }
0x459: {  	[tilespmem:s1], [sflag:$0x3] =	stream.linear.gather @!p1 [spmem:s2], $0x9C80, $0x38;
	[tilespmem:$0x1B6C8] =	vst v63  }
0x45a: {  	s25 =	sadd.s32 $0x1, s25;
	_ =	swait.ge @!p1 [sflag:s4], $0x9C80  }
0x45b: {  	p2 =	sne.s32 s25, s10;
	[sflag:s4] =	ssyncset.done @!p1 $0x0  }
.Ltmp8:
0x45c: {  	s5 =	simm.s32 @!p1 $0x0;
	[sflag:s4] =	ssyncadd.s32 @!p1 $0xFFFF6380;
	(pc) =	sbr.rel @p2 .LBB2_1-.Ltmp8, $4  }
0x45d: {  	[hbm4b:s9+s5] =	stream.linear.scatter @!p1 [tilespmem:s1], [sflag:$0x3], $0x9C40, $0x38;
	[tilespmem:$0x1B6C8] =	vst v63  }
0x45e: {  	_ =	swait.ge @!p1 [sflag:s4], $0x9C40  }
0x45f: {  	[sflag:s4] =	ssyncset.done @!p1 $0x0  }
0x460: {  	[sflag:s4] =	ssyncadd.s32 @!p1 $0xFFFF63C0  }
0x461: {  	_ =	sfence.sel $0x180000  }
0x462: {  	[bflag:$0x0] =	sbarrier.arrive $0xFFFF  }
0x463: {  	_ =	strace $0x90000047  }
0x464: {  	[bflag:$0x2] =	sbarrier.arrive $0xFFFF  }
0x465: {  	s0 =	rddreg [dreg:$0x3]  }
0x466: {  	s0 =	sadd.s32 @!p1 $0x100000, s0  }
0x467: {  	[sflag:s0] =	ssyncadd.tile.s32 @!p1 $0x1;
	_ =	shalt  }
.Lfunc_end2:
_tile_overlayer_lowered:
.L_overlay_start_2:
0x468: {  	(tag) =	ssettag $0x2  }
0x469: {  	s0 =	rddreg [dreg:$0x0];
	s2 =	stileid.u32  }
0x46a: {  	s1 =	rddreg [dreg:$0x1];
	p0 =	sne.s32 s2, $0x0  }
0x46b: {  	s3 =	rddreg [dreg:$0x2];
	[bflag:$0x3] =	sbarrier.arrive $0xFFFF;
	s2 =	simm.s32 @!p0 $0x1C03  }
0x46c: {  	[timem:s3], [sflag:s2] =	dma.local @!p0 [hbm:s0], s1  }
0x46d: {  	s0 =	simm.s32 @!p0 $0x3  }
0x46e: {  	_ =	swait.ge @!p0 [sflag:s0], s1  }
0x46f: {  	s1 =	ssub.s32 @!p0 $0x0, s1;
	[sflag:s0] =	ssyncset.done @!p0 $0x0  }
0x470: {  	[sflag:s0] =	ssyncadd.s32 @!p0 s1  }
0x471: {  	[bflag:$0x3] =	sbarrier.arrive $0xFFFF  }
0x472: {  	_ =	shalt  }

// kernel: kernel.9.cloned.1.call-start
scs
__scs_entry_jumppad:
0x0: {  	(pc) =	sbr.rel $0x88, $3  }
0x1: {  	(tag) =	ssettag $0x0;
	lr =	simm.s32 $0x1  }
0x2: {  	[smem:$0x3F9E] =	sst lr;
	_ =	strace $0xD0000000  }
0x3: {  	_ = 	snop  }
0x4: {  	_ = 	snop  }
0x5: {  	_ = 	snop  }
0x6: {  	_ = 	snop  }
0x7: {  	_ = 	snop  }
__scs_overlays_trampoline_lowered:
0x8: {  	[smem:$0x3FAD] =	sst s0  }
0x9: {  	[smem:$0x3FAE] =	sst s1  }
0xa: {  	[smem:$0x3FAF] =	sst s2  }
0xb: {  	[smem:$0x3FB0] =	sst s3  }
0xc: {  	[smem:$0x3FB1] =	sst s4  }
0xd: {  	[smem:$0x3FB2] =	sst s5  }
0xe: {  	[smem:$0x3FB3] =	sst s6  }
0xf: {  	[smem:$0x3FB4] =	sst s7  }
0x10: {  	[smem:$0x3FB5] =	sst s8  }
0x11: {  	[smem:$0x3FB6] =	sst s9;
	s0 =	simm.s32 @!p0 $0x0  }
0x12: {  	s1 =	sld [smem:$0x3F9C];
	s0 =	simm.s32 @p0 $0x1  }
0x13: {  	[smem:$0x3FB7] =	sst s0;
	s0 =	simm.s32 @!p1 $0x0  }
0x14: {  	s2 =	sld [smem:$0x3F9B];
	s0 =	simm.s32 @p1 $0x1  }
0x15: {  	[smem:$0x3FB8] =	sst s0;
	s0 =	simm.s32 @!p2 $0x0  }
0x16: {  	s3 =	sld [smem:$0x3FDB];
	s0 =	simm.s32 @p2 $0x1  }
0x17: {  	s4 =	simm.s32 $0x1BF5;
	[smem:$0x3FBA] =	sst s0  }
0x18: {  	s0 =	sld [smem:$0x3F9D];
	_ =	swait.ge [sflag:s4], $0x0  }
0x19: {  	s7 =	sld [smem:$0x3F9E]  }
0x1a: {  	s8 =	sadd.s32 $0xFFFFE003, lr  }
0x1b: {  	s9 =	sadd.s32 $0xFFFFFEF7, lr;
	s5 =	simm.s32 $0xFFFFFFFF;
	p2 =	slt.u32 s8, $0xFFFFF086  }
0x1c: {  	p1 =	slt.u32 s9, $0xF7A;
	s5 =	simm.s32 @!p2 $0x0  }
0x1d: {  	s5 =	simm.s32 @p1 $0x1;
	p0 =	seq.s32 s7, s2  }
0x1e: {  	s7 =	smul.u32 @!p0 $0xF7A, s2;
	p2 =	seq.s32 @!p0 s5, $0x0  }
0x1f: {  	s9 =	smul.u32 $0xF7A, s1;
	s8 =	simm.s32 @!p0 $0x1BF5;
	p2 =	por !p2, p0  }
0x20: {  	[sflag:s8] =	ssyncset.s32 @!p0 $0xFFFFF086;
	s6 =	sadd.s32 @!p0 s3, s7;
	s7 =	simm.s32 @!p0 $0x108  }
0x21: {  	s3 =	sadd.s32 s3, s9;
	s6 =	sadd.s32 @!p0 $0x88, s6;
	s7 =	simm.s32 @p2 $0x1082  }
0x22: {  	[simem:s7], [sflag:s8] =	dma.local @!p0 [hbm:s6], $0xF7A  }
0x23: {  	s9 =	sor.u32 $0xD0000000, s2;
	s6 =	simm.s32 $0x108;
	_ =	swait.ge @!p0 [sflag:s8], $0x0  }
0x24: {  	s3 =	sadd.s32 $0x88, s3;
	s6 =	simm.s32 @!p1 $0x1082;
	[sflag:s4] =	ssyncset.s32 $0xFFFFF086  }
0x25: {  	[simem:s6], [sflag:s4] =	dma.local [hbm:s3], $0xF7A  }
0x26: {  	[smem:$0x3F9E] =	sst s1;
	(tag) =	ssettag s2;
	_ =	strace s9  }
0x27: {  	s1 =	sld [smem:$0x3FAE]  }
0x28: {  	s2 =	sld [smem:$0x3FAF]  }
0x29: {  	s4 =	sld [smem:$0x3FB1]  }
0x2a: {  	p0 =	seq.s32 s5, $0x0;
	s5 =	sld [smem:$0x3FB2]  }
0x2b: {  	s6 =	sld [smem:$0x3FB3]  }
0x2c: {  	s7 =	sld [smem:$0x3FB4]  }
0x2d: {  	s3 =	simm.s32 $0x108;
	s8 =	sld [smem:$0x3FB5]  }
0x2e: {  	s3 =	simm.s32 @!p0 $0x1082;
	s9 =	sld [smem:$0x3FB6]  }
0x2f: {  	lr =	sadd.s32 s0, s3;
	s0 =	sld [smem:$0x3FAD]  }
0x30: {  	s3 =	sld [smem:$0x3FB0]  }
0x31: {  	[smem:$0x3FB9] =	sst s10  }
0x32: {  	s10 =	sld [smem:$0x3FB7];
	_ =	sdelay $0x3  }
0x33: {  	p0 =	seq.s32 s10, $0x1;
	s10 =	sld [smem:$0x3FB9];
	_ =	sdelay $0x3  }
0x34: {  	[smem:$0x3FB9] =	sst s10  }
0x35: {  	s10 =	sld [smem:$0x3FB8];
	_ =	sdelay $0x3  }
0x36: {  	p1 =	seq.s32 s10, $0x1;
	s10 =	sld [smem:$0x3FB9];
	_ =	sdelay $0x3  }
0x37: {  	[smem:$0x3FB9] =	sst s10  }
0x38: {  	s10 =	sld [smem:$0x3FBA]  }
0x39: {  	_ = 	snop;
	(pc) =	sbr.ind lr, $3  }
0x3a: {  	_ = 	snop  }
0x3b: {  	_ = 	snop  }
0x3c: {  	p2 =	seq.s32 s10, $0x1;
	s10 =	sld [smem:$0x3FB9]  }
0x3d: {  	_ =	shalt  }
0x3e: {  	_ =	shalt  }
0x3f: {  	_ =	shalt  }
0x40: {  	_ =	shalt  }
0x41: {  	_ =	shalt  }
0x42: {  	_ =	shalt  }
0x43: {  	_ =	shalt  }
0x44: {  	_ =	shalt  }
0x45: {  	_ =	shalt  }
0x46: {  	_ =	shalt  }
0x47: {  	_ =	shalt  }
0x48: {  	_ =	shalt  }
0x49: {  	_ =	shalt  }
0x4a: {  	_ =	shalt  }
0x4b: {  	_ =	shalt  }
0x4c: {  	_ =	shalt  }
0x4d: {  	_ =	shalt  }
0x4e: {  	_ =	shalt  }
0x4f: {  	_ =	shalt  }
0x50: {  	_ =	shalt  }
0x51: {  	_ =	shalt  }
0x52: {  	_ =	shalt  }
0x53: {  	_ =	shalt  }
0x54: {  	_ =	shalt  }
0x55: {  	_ =	shalt  }
0x56: {  	_ =	shalt  }
0x57: {  	_ =	shalt  }
0x58: {  	_ =	shalt  }
0x59: {  	_ =	shalt  }
0x5a: {  	_ =	shalt  }
0x5b: {  	_ =	shalt  }
0x5c: {  	_ =	shalt  }
0x5d: {  	_ =	shalt  }
0x5e: {  	_ =	shalt  }
0x5f: {  	_ =	shalt  }
0x60: {  	_ =	shalt  }
0x61: {  	_ =	shalt  }
0x62: {  	_ =	shalt  }
0x63: {  	_ =	shalt  }
0x64: {  	_ =	shalt  }
0x65: {  	_ =	shalt  }
0x66: {  	_ =	shalt  }
0x67: {  	_ =	shalt  }
0x68: {  	_ =	shalt  }
0x69: {  	_ =	shalt  }
0x6a: {  	_ =	shalt  }
0x6b: {  	_ =	shalt  }
0x6c: {  	_ =	shalt  }
0x6d: {  	_ =	shalt  }
0x6e: {  	_ =	shalt  }
0x6f: {  	_ =	shalt  }
0x70: {  	_ =	shalt  }
0x71: {  	_ =	shalt  }
0x72: {  	_ =	shalt  }
0x73: {  	_ =	shalt  }
0x74: {  	_ =	shalt  }
0x75: {  	_ =	shalt  }
0x76: {  	_ =	shalt  }
0x77: {  	_ =	shalt  }
0x78: {  	_ =	shalt  }
0x79: {  	_ =	shalt  }
0x7a: {  	_ =	shalt  }
0x7b: {  	_ =	shalt  }
0x7c: {  	_ =	shalt  }
0x7d: {  	_ =	shalt  }
0x7e: {  	_ =	shalt  }
0x7f: {  	_ =	shalt  }
0x80: {  	_ =	shalt  }
0x81: {  	_ =	shalt  }
0x82: {  	_ =	shalt  }
0x83: {  	_ =	shalt  }
0x84: {  	_ =	shalt  }
0x85: {  	_ =	shalt  }
0x86: {  	_ =	shalt  }
0x87: {  	_ =	shalt  }
.Lfunc_end0:
.L_simem_size_0:
called_computation.1_lowered:
.L_overlay_start_0:
0x88: {  	s2 =	sld [smem:$0x3FD9]  }
0x89: {  	s3 =	sld [smem:$0x3FFE];
	_ =	sdelay $0x1  }
0x8a: {  	s1 =	srdreg.scid  }
0x8b: {  	s0 =	sand.u32 $0x1, s1  }
0x8c: {  	s17 =	sshll.u32 s0, $0xA;
	s2 =	sadd.s32 s3, s2  }
0x8d: {  	s2 =	sadd.s32 s2, s17  }
0x8e: {  	[smem:$0x3FC5] =	sst s2  }
0x8f: {  	_ = 	snop  }
0x90: {  	s2 =	sld [smem:$0x3FD0];
	(tm) =	ssettm $0x1  }
0x91: {  	s18 =	sld [smem:$0x3FFB];
	_ =	sdelay $0x3  }
0x92: {  	_ =	strace s18  }
0x93: {  	s3 =	sld [smem:$0x3FFC];
	_ =	sdelay $0x3  }
0x94: {  	_ =	strace s3  }
0x95: {  	s3 =	sld [smem:$0x3FFD];
	_ =	sdelay $0x3  }
0x96: {  	_ =	strace s3  }
0x97: {  	_ =	strace $0x8FFFFFFF  }
0x98: {  	s19 =	sld [smem:$0x3FDB];
	_ =	sdelay $0x1  }
0x99: {  	s4 =	simm.s32 $_scs_section_size  }
0x9a: {  	s5 =	simm.s32 $_size__tile_overlayer_lowered;
	s6 =	simm.s32 $_tile_overlayer_lowered  }
0x9b: {  	s22 =	simm.s32 $0x1BFF;
	s21 =	sshll.u32 s6, $0x1;
	s3 =	sadd.s32 s4, s19  }
0x9c: {  	s7 =	simm.s32 $0x0;
	s20 =	sshll.u32 s5, $0x1;
	s5 =	sadd.s32 s21, s3  }
0x9d: {  	[timem:s7], [sflag:s22] =	dma.local [hbm:s5], s20  }
0x9e: {  	_ =	swait.ge [sflag:s22], s20  }
0x9f: {  	s4 =	ssub.s32 $0x0, s20;
	[sflag:s22] =	ssyncset.done $0x0  }
0xa0: {  	[sflag:s22] =	ssyncadd.s32 s4;
	_ =	sdelay $0x1  }
0xa1: {  	s23 =	simm.s32 $0x1B8B  }
0xa2: {  	_ =	swait.ge [sflag:s23], $0x1  }
0xa3: {  	[sflag:s23] =	ssyncset.done $0x0  }
0xa4: {  	s25 =	simm.s32 $0x1B8E;
	s24 =	sld [smem:$0x3FFE];
	[sflag:s23] =	ssyncadd.s32 $0xFFFFFFFF  }
0xa5: {  	s26 =	simm.s32 $execute0_lowered;
	[smem:$0x3FD2] =	sst s25  }
0xa6: {  	s5 =	sshll.u32 s26, $0x1;
	_ =	strace $0x80000049;
	[dreg:$0x1] =	wrdreg $0xFFFFFFFF  }
0xa7: {  	s28 =	simm.s32 $_size_execute0_lowered;
	s3 =	sadd.s32 s3, s5;
	[dreg:$0x0] =	wrdreg $0x0  }
0xa8: {  	s5 =	sshll.u32 s28, $0x1;
	[dreg:$0x2] =	wrdreg s3  }
0xa9: {  	[dreg:$0x3] =	wrdreg s5  }
0xaa: {  	[dreg:$0x4] =	wrdreg $0xC0  }
0xab: {  	_ =	task [dreg:s7], $0x5FFFF  }
0xac: {  	[dreg:$0x1] =	wrdreg $0xFFFFFFFF  }
0xad: {  	[dreg:$0x0] =	wrdreg $0x60  }
0xae: {  	[dreg:$0x2] =	wrdreg s2  }
0xaf: {  	[dreg:$0x3] =	wrdreg s24  }
0xb0: {  	[dreg:$0x4] =	wrdreg $0xA2800  }
0xb1: {  	[dreg:$0x5] =	wrdreg $0x9  }
0xb2: {  	_ =	task.clear_ibuf [dreg:s7], $0x6FFFF;
	_ =	strace $0x90000049  }
0xb3: {  	s29 =	simm.s32 $0x9;
	_ =	strace $0x8000004B  }
0xb4: {  	_ =	swait.ge [sflag:s29], $0x1  }
0xb5: {  	[sflag:s29] =	ssyncadd.s32 $0xFFFFFFFF  }
0xb6: {  	_ =	strace $0x9000004B  }
0xb7: {  	_ =	sfence  }
0xb8: {  	s30 =	sld [smem:$0x0];
	_ =	sdelay $0x2  }
0xb9: {  	s31 =	sshll.u32 s1, $0xD;
	s1 =	sshrl.u32 s1, $0x2  }
0xba: {  	s3 =	sand.u32 $0x4000, s31;
	s1 =	sadd.s32 s1, s30  }
0xbb: {  	s0 =	sor.u32 s3, s0;
	s1 =	sshll.u32 s1, $0x11  }
0xbc: {  	s0 =	sor.u32 s1, s0  }
0xbd: {  	s0 =	sadd.s32 $0x8F2B, s0  }
0xbe: {  	[sflag:s0] =	ssyncadd.remote.s32 $0x1  }
0xbf: {  	_ =	sfence.sel $0xFFFF  }
0xc0: {  	[dreg:$0x0] =	wrdreg $0xFFFFFFFF;
	(pc) =	sbr.abs _section_cstart, $3  }
0xc1: {  	[dreg:$0x1] =	wrdreg $0xFFFFFFFF  }
0xc2: {  	_ =	task.clear_ibuf [dreg:s7], $0x2FFFF;
	_ =	strace $0x9FFFFFFF  }
0xc3: {  	(tm) =	ssettm $0x7FFFFFFF  }
tec
execute0_lowered:
.L_overlay_start_1:
0x0: {  	(tag) =	ssettag $0x1  }
0x1: {  	s0 =	srdreg.scid;
	s1 =	rddreg [dreg:$0x0]  }
0x2: {  	s2 =	rddreg [dreg:$0x1];
	s11 =	stileid.u32  }
0x3: {  	s3 =	rddreg [dreg:$0x2];
	s6 =	simm.s32 $0x0;
	s30 =	simm.s32 $0x3  }
0x4: {  	s31 =	simm.s32 $0x4F00;
	s12 =	simm.s32 $0x0;
	s0 =	sand.u32 $0x1, s0  }
0x5: {  	[smem:$0x7FF] =	sst s6;
	s7 =	smul.u32 $0x4E000, s11;
	s6 =	sadd.s32 $0x17400, s2  }
0x6: {  	s22 =	smul.u32 $0x13800, s11;
	s24 =	sadd.s32 $0x127000, s3;
	s25 =	sadd.s32 $0x129800, s3  }
0x7: {  	s26 =	sadd.s32 $0x12C000, s3;
	p0 =	seq.s32 s11, $0xF;
	s28 =	sadd.s32 $0x133800, s3  }
0x8: {  	s29 =	sadd.s32 $0x136000, s3;
	_ =	strace $0x8000004A;
	[dreg:$0xd] =	wrdreg s24  }
0x9: {  	s4 =	sshll.u32 s0, $0x4;
	s8 =	ssub.s32 $0x2, s0;
	[dreg:$0xe] =	wrdreg s25  }
0xa: {  	s0 =	smul.u32 $0x138800, s0;
	[dreg:$0xf] =	wrdreg s26;
	s26 =	sadd.s32 $0x131000, s3  }
0xb: {  	s4 =	sor.u32 s11, s4;
	s10 =	sshrl.u32 s8, $0x1;
	s7 =	sshrl.u32 s7, $0x2  }
0xc: {  	s11 =	simm.s32 $0x2;
	s10 =	ssub.s32 s8, s10;
	s8 =	sadd.s32 s7, s3  }
0xd: {  	s5 =	smul.u32 $0x2710, s4;
	s7 =	sadd.s32 s22, s0;
	s16 =	sadd.s32 $0x2800, s8  }
0xe: {  	s4 =	smul.u32 $0x1388, s4;
	s17 =	sadd.s32 $0x5000, s8;
	[dreg:$0x6] =	wrdreg s16  }
0xf: {  	s0 =	sshrl.u32 s0, $0x3;
	s18 =	sadd.s32 $0x7800, s8;
	[dreg:$0x7] =	wrdreg s17  }
0x10: {  	s22 =	sadd.s32 $0x12E800, s3;
	s19 =	sadd.s32 $0xA000, s8;
	[dreg:$0x8] =	wrdreg s18  }
0x11: {  	s20 =	sadd.s32 $0xC800, s8;
	s21 =	sadd.s32 $0xF000, s8;
	[dreg:$0x9] =	wrdreg s19  }
0x12: {  	s23 =	sadd.s32 $0x11800, s8;
	s7 =	sshrl.u32 s7, $0x3;
	[dreg:$0xa] =	wrdreg s20  }
0x13: {  	s25 =	smax.u32 s10, $0x1;
	s10 =	simm.s32 $0xA200;
	[dreg:$0xb] =	wrdreg s21  }
0x14: {  	s13 =	sshrl.u32 s5, $0x3;
	[dreg:$0xc] =	wrdreg s23;
	s17 =	sadd.s32 $0x124800, s3  }
0x15: {  	s23 =	sadd.s32 s6, s4;
	s4 =	simm.s32 $0x7700;
	s9 =	sadd.s32 s13, s2  }
0x16: {  	s2 =	sadd.s32 $0x3E600, s2;
	s14 =	sadd.s32 $0xAE00, s9;
	s15 =	sadd.s32 $0x1000, s9  }
0x17: {  	s21 =	sadd.s32 s2, s7;
	s0 =	sadd.s32 s2, s0;
	s2 =	simm.s32 $0x50  }
0x18: {  	s7 =	simm.s32 $0xA080;
	s9 =	simm.s32 $0x1;
	[dreg:$0x4] =	wrdreg s14  }
0x19: {  	v0 =	vimm.f32 $0.0e+00;
	[dreg:$0x5] =	wrdreg s15;
	s24 =	sadd.s32 $0x24900, s0;
	s0 =	simm.s32 $0x9F00  }
.LBB2_1:
0x1a: {  	s13 =	simm.s32 $0x0;
	s14 =	rddreg [dreg:$0x4]  }
0x1b: {  	[tilespmem:s13], [sflag:$0x3] =	stream.linear.gather [hbm4b:s14+s13], $0x2710, $0x38;
	[tilespmem:$0x1DB00] =	vst v63  }
0x1c: {  	_ =	swait.ge [sflag:s30], $0x2710  }
0x1d: {  	[sflag:s30] =	ssyncset.done $0x0  }
0x1e: {  	s15 =	simm.s32 $0x2780;
	s20 =	rddreg [dreg:$0x5];
	[sflag:s30] =	ssyncadd.s32 $0xFFFFD8F0  }
0x1f: {  	[tilespmem:s15], [sflag:$0x3] =	stream.linear.gather [hbm4b:s20+s13], $0x2710, $0x38;
	[tilespmem:$0x1DB00] =	vst v63  }
0x20: {  	_ =	swait.ge [sflag:s30], $0x2710  }
0x21: {  	[sflag:s30] =	ssyncset.done $0x0  }
0x22: {  	s14 =	simm.s32 $0x200;
	s13 =	simm.s32 $0x0;
	[sflag:s30] =	ssyncadd.s32 $0xFFFFD8F0  }
.LBB2_2:
0x23: {  	p1 =	sne.s32 s14, $0x9E00;
	[tilespmem:s13+$0x4F70] =	vst v0  }
0x24: {  	[tilespmem:s13+$0x4F00] =	vst v0  }
0x25: {  	[tilespmem:s13+$0x4F10] =	vst v0  }
.Ltmp0:
0x26: {  	[tilespmem:s13+$0x4F20] =	vst v0;
	(pc) =	sbr.rel @p1 .LBB2_2-.Ltmp0, $4  }
0x27: {  	[tilespmem:s13+$0x4F30] =	vst v0  }
0x28: {  	[tilespmem:s13+$0x4F40] =	vst v0  }
0x29: {  	[tilespmem:s13+$0x4F50] =	vst v0  }
0x2a: {  	[tilespmem:s13+$0x4F60] =	vst v0;
	s13 =	sshra.s32 s14, $0x2;
	s14 =	sadd.s32 $0x200, s14  }
0x2b: {  	[tilespmem:s13+$0x4F70] =	vst v0  }
0x2c: {  	[tilespmem:s13+$0x4F00] =	vst v0  }
0x2d: {  	[tilespmem:s13+$0x4F10] =	vst v0  }
0x2e: {  	[tilespmem:s13+$0x4F20] =	vst v0  }
0x2f: {  	[tilespmem:s13+$0x4F30] =	vst v0  }
0x30: {  	[tilespmem:s13+$0x4F40] =	vst v0  }
0x31: {  	[tilespmem:s13+$0x4F50] =	vst v0  }
0x32: {  	[tilespmem:s13+$0x4F60] =	vst v0;
	s13 =	simm.s32 @p0 $0x4F00;
	s14 =	simm.s32 @p0 $0x3  }
0x33: {  	[spmem:s17] =	stream.linear.scatter @p0 [tilespmem:s13], [sflag:$0x3], $0x2800, $0x38;
	[tilespmem:$0x1DB00] =	vst v63  }
0x34: {  	_ =	swait.ge @p0 [sflag:s14], $0x2800  }
0x35: {  	[sflag:s14] =	ssyncset.done @p0 $0x0  }
0x36: {  	s15 =	rddreg [dreg:$0xd];
	[sflag:s14] =	ssyncadd.s32 @p0 $0xFFFFD800  }
0x37: {  	[spmem:s15] =	stream.linear.scatter @p0 [tilespmem:s13], [sflag:$0x3], $0x2800, $0x38;
	[tilespmem:$0x1DB00] =	vst v63  }
0x38: {  	_ =	swait.ge @p0 [sflag:s14], $0x2800  }
0x39: {  	[sflag:s14] =	ssyncset.done @p0 $0x0  }
0x3a: {  	s15 =	rddreg [dreg:$0xe];
	[sflag:s14] =	ssyncadd.s32 @p0 $0xFFFFD800  }
0x3b: {  	[spmem:s15] =	stream.linear.scatter @p0 [tilespmem:s13], [sflag:$0x3], $0x2800, $0x38;
	[tilespmem:$0x1DB00] =	vst v63  }
0x3c: {  	_ =	swait.ge @p0 [sflag:s14], $0x2800  }
0x3d: {  	[sflag:s14] =	ssyncset.done @p0 $0x0  }
0x3e: {  	s15 =	rddreg [dreg:$0xf];
	[sflag:s14] =	ssyncadd.s32 @p0 $0xFFFFD800  }
0x3f: {  	[spmem:s15] =	stream.linear.scatter @p0 [tilespmem:s13], [sflag:$0x3], $0x2800, $0x38;
	[tilespmem:$0x1DB00] =	vst v63  }
0x40: {  	_ =	swait.ge @p0 [sflag:s14], $0x2800  }
0x41: {  	[sflag:s14] =	ssyncset.done @p0 $0x0  }
0x42: {  	[sflag:s14] =	ssyncadd.s32 @p0 $0xFFFFD800  }
0x43: {  	[spmem:s22] =	stream.linear.scatter @p0 [tilespmem:s13], [sflag:$0x3], $0x2800, $0x38;
	[tilespmem:$0x1DB00] =	vst v63  }
0x44: {  	_ =	swait.ge @p0 [sflag:s14], $0x2800  }
0x45: {  	[sflag:s14] =	ssyncset.done @p0 $0x0  }
0x46: {  	[sflag:s14] =	ssyncadd.s32 @p0 $0xFFFFD800  }
0x47: {  	[spmem:s26] =	stream.linear.scatter @p0 [tilespmem:s13], [sflag:$0x3], $0x2800, $0x38;
	[tilespmem:$0x1DB00] =	vst v63  }
0x48: {  	_ =	swait.ge @p0 [sflag:s14], $0x2800  }
0x49: {  	[sflag:s14] =	ssyncset.done @p0 $0x0  }
0x4a: {  	[sflag:s14] =	ssyncadd.s32 @p0 $0xFFFFD800  }
0x4b: {  	[spmem:s28] =	stream.linear.scatter @p0 [tilespmem:s13], [sflag:$0x3], $0x2800, $0x38;
	[tilespmem:$0x1DB00] =	vst v63  }
0x4c: {  	_ =	swait.ge @p0 [sflag:s14], $0x2800  }
0x4d: {  	[sflag:s14] =	ssyncset.done @p0 $0x0  }
0x4e: {  	[sflag:s14] =	ssyncadd.s32 @p0 $0xFFFFD800  }
0x4f: {  	[spmem:s29] =	stream.linear.scatter @p0 [tilespmem:s13], [sflag:$0x3], $0x2800, $0x38;
	[tilespmem:$0x1DB00] =	vst v63  }
0x50: {  	_ =	swait.ge @p0 [sflag:s14], $0x2800  }
0x51: {  	[sflag:s14] =	ssyncset.done @p0 $0x0  }
0x52: {  	s13 =	simm.s32 @!p0 $0x4F00;
	[sflag:s14] =	ssyncadd.s32 @p0 $0xFFFFD800;
	s14 =	simm.s32 @!p0 $0x3  }
0x53: {  	[spmem:s8] =	stream.linear.scatter @!p0 [tilespmem:s13], [sflag:$0x3], $0x2800, $0x38;
	[tilespmem:$0x1DB00] =	vst v63  }
0x54: {  	_ =	swait.ge @!p0 [sflag:s14], $0x2800  }
0x55: {  	[sflag:s14] =	ssyncset.done @!p0 $0x0  }
0x56: {  	s15 =	rddreg [dreg:$0x6];
	[sflag:s14] =	ssyncadd.s32 @!p0 $0xFFFFD800  }
0x57: {  	[spmem:s15] =	stream.linear.scatter @!p0 [tilespmem:s13], [sflag:$0x3], $0x2800, $0x38;
	[tilespmem:$0x1DB00] =	vst v63  }
0x58: {  	_ =	swait.ge @!p0 [sflag:s14], $0x2800  }
0x59: {  	[sflag:s14] =	ssyncset.done @!p0 $0x0  }
0x5a: {  	s15 =	rddreg [dreg:$0x7];
	[sflag:s14] =	ssyncadd.s32 @!p0 $0xFFFFD800  }
0x5b: {  	[spmem:s15] =	stream.linear.scatter @!p0 [tilespmem:s13], [sflag:$0x3], $0x2800, $0x38;
	[tilespmem:$0x1DB00] =	vst v63  }
0x5c: {  	_ =	swait.ge @!p0 [sflag:s14], $0x2800  }
0x5d: {  	[sflag:s14] =	ssyncset.done @!p0 $0x0  }
0x5e: {  	s15 =	rddreg [dreg:$0x8];
	[sflag:s14] =	ssyncadd.s32 @!p0 $0xFFFFD800  }
0x5f: {  	[spmem:s15] =	stream.linear.scatter @!p0 [tilespmem:s13], [sflag:$0x3], $0x2800, $0x38;
	[tilespmem:$0x1DB00] =	vst v63  }
0x60: {  	_ =	swait.ge @!p0 [sflag:s14], $0x2800  }
0x61: {  	[sflag:s14] =	ssyncset.done @!p0 $0x0  }
0x62: {  	s15 =	rddreg [dreg:$0x9];
	[sflag:s14] =	ssyncadd.s32 @!p0 $0xFFFFD800  }
0x63: {  	[spmem:s15] =	stream.linear.scatter @!p0 [tilespmem:s13], [sflag:$0x3], $0x2800, $0x38;
	[tilespmem:$0x1DB00] =	vst v63  }
0x64: {  	_ =	swait.ge @!p0 [sflag:s14], $0x2800  }
0x65: {  	[sflag:s14] =	ssyncset.done @!p0 $0x0  }
0x66: {  	s15 =	rddreg [dreg:$0xa];
	[sflag:s14] =	ssyncadd.s32 @!p0 $0xFFFFD800  }
0x67: {  	[spmem:s15] =	stream.linear.scatter @!p0 [tilespmem:s13], [sflag:$0x3], $0x2800, $0x38;
	[tilespmem:$0x1DB00] =	vst v63  }
0x68: {  	_ =	swait.ge @!p0 [sflag:s14], $0x2800  }
0x69: {  	[sflag:s14] =	ssyncset.done @!p0 $0x0  }
0x6a: {  	s15 =	rddreg [dreg:$0xb];
	[sflag:s14] =	ssyncadd.s32 @!p0 $0xFFFFD800  }
0x6b: {  	[spmem:s15] =	stream.linear.scatter @!p0 [tilespmem:s13], [sflag:$0x3], $0x2800, $0x38;
	[tilespmem:$0x1DB00] =	vst v63  }
0x6c: {  	_ =	swait.ge @!p0 [sflag:s14], $0x2800  }
0x6d: {  	[sflag:s14] =	ssyncset.done @!p0 $0x0  }
0x6e: {  	s15 =	rddreg [dreg:$0xc];
	[sflag:s14] =	ssyncadd.s32 @!p0 $0xFFFFD800  }
0x6f: {  	[spmem:s15] =	stream.linear.scatter @!p0 [tilespmem:s13], [sflag:$0x3], $0x2000, $0x38;
	[tilespmem:$0x1DB00] =	vst v63  }
0x70: {  	_ =	swait.ge @!p0 [sflag:s14], $0x2000  }
0x71: {  	[sflag:s14] =	ssyncset.done @!p0 $0x0  }
0x72: {  	[sflag:s14] =	ssyncadd.s32 @!p0 $0xFFFFE000  }
0x73: {  	s13 =	simm.s32 $0x0;
	[bflag:$0x0] =	sbarrier.arrive $0xFFFF  }
0x74: {  	[tilespmem:s31], [sflag:$0x1] =	stream.indirect.gather [hbm4b:s1+s2], $0x80, s13, s2, $0xb8;
	[tilespmem:$0x1DB00] =	vst v63  }
0x75: {  	s14 =	simm.s32 $0x0  }
0x76: {  	[tilespmem:s0], [sflag:$0x1] =	stream.linear.gather [hbm4b:s23+s13], $0x140, $0x38;
	[tilespmem:$0x1DB00] =	vst v63  }
.LBB2_4:
0x77: {  	s16 =	smul.u32 $0xA0, s14;
	_ =	sdelay $0x1  }
0x78: {  	s15 =	sadd.s32 $0x50, s16  }
0x79: {  	[tilespmem:s4], [sflag:$0x2] =	stream.indirect.gather [hbm4b:s1+s2], $0x80, s15, s2, $0xb8;
	[tilespmem:$0x1DB00] =	vst v63  }
0x7a: {  	s18 =	sadd.s32 s5, s15  }
0x7b: {  	s18 =	sshrl.u32 s18, $0x1  }
0x7c: {  	s18 =	sadd.s32 s6, s18  }
0x7d: {  	[tilespmem:s7], [sflag:$0x2] =	stream.linear.gather [hbm4b:s18+s13], $0x140, $0x38;
	[tilespmem:$0x1DB00] =	vst v63  }
0x7e: {  	_ =	swait.ge [sflag:s9], $0x2800  }
0x7f: {  	[sflag:s9] =	ssyncset.done $0x0  }
0x80: {  	[sflag:s9] =	ssyncadd.s32 $0xFFFFD800  }
0x81: {  	s20 =	smul.u32 $0x280, s14;
	_ =	swait.ge [sflag:s9], $0x140  }
0x82: {  	[sflag:s9] =	ssyncset.done $0x0  }
0x83: {  	s18 =	sshra.s32 s20, $0x2;
	[sflag:s9] =	ssyncadd.s32 $0xFFFFFEC0  }
0x84: {  	v1 =	vld [tilespmem:s18+$0x2780];
	_ =	sdelay $0x4  }
0x85: {  	[tilespmem:$0xA200] =	vst v1  }
0x86: {  	v1 =	vld [tilespmem:s18+$0x2790];
	_ =	sdelay $0x4  }
0x87: {  	[tilespmem:$0xA210] =	vst v1  }
0x88: {  	v1 =	vld [tilespmem:s18+$0x27A0];
	_ =	sdelay $0x4  }
0x89: {  	[tilespmem:$0xA220] =	vst v1  }
0x8a: {  	v1 =	vld [tilespmem:s18+$0x27B0];
	_ =	sdelay $0x4  }
0x8b: {  	[tilespmem:$0xA230] =	vst v1  }
0x8c: {  	v1 =	vld [tilespmem:s18+$0x27C0];
	_ =	sdelay $0x4  }
0x8d: {  	s19 =	simm.s32 $0x0;
	[tilespmem:$0xA240] =	vst v1  }
0x8e: {  	s18 =	simm.s32 $0x4F40;
	v1 =	vld.msk [tilespmem:s19+$0x9F00 ss:$0x0], $0xffff  }
0x8f: {  	s20 =	simm.s32 $0x4;
	v2 =	vld [tilespmem:s18+$0xFFFFFFC0]  }
.LBB2_5:
0x90: {  	p1 =	sne.s32 s20, $0x13C;
	v3 =	vld [tilespmem:s18+$0xFFFFFFD0];
	_ =	sdelay $0x3  }
0x91: {  	v2 =	vmul.f32 v1, v2  }
0x92: {  	v1 =	vmul.f32 v3, v1  }
0x93: {  	[tilespmem:s18+$0xFFFFFFC0] =	vst v2  }
0x94: {  	[tilespmem:s18+$0xFFFFFFD0] =	vst v1  }
0x95: {  	v1 =	vld.msk [tilespmem:s19+$0x9F50 ss:$0x0], $0xffff  }
0x96: {  	v2 =	vld [tilespmem:s18+$0xFFFFFFE0]  }
0x97: {  	v3 =	vld [tilespmem:s18+$0xFFFFFFF0];
	_ =	sdelay $0x3  }
0x98: {  	v2 =	vmul.f32 v1, v2  }
0x99: {  	v1 =	vmul.f32 v3, v1  }
0x9a: {  	[tilespmem:s18+$0xFFFFFFE0] =	vst v2  }
0x9b: {  	[tilespmem:s18+$0xFFFFFFF0] =	vst v1;
	v1 =	vld [tilespmem:s18+$0x10]  }
0x9c: {  	v2 =	vld.msk [tilespmem:s19+$0x9FA0 ss:$0x0], $0xffff  }
0x9d: {  	v3 =	vld [tilespmem:s18+$0x0];
	_ =	sdelay $0x4  }
0x9e: {  	v1 =	vmul.f32 v1, v2;
	v3 =	vmul.f32 v2, v3;
	_ =	sdelay $0x1  }
0x9f: {  	[tilespmem:s18+$0x10] =	vst v1  }
0xa0: {  	[tilespmem:s18+$0x0] =	vst v3;
	v1 =	vld [tilespmem:s18+$0x30]  }
0xa1: {  	v2 =	vld.msk [tilespmem:s19+$0x9FF0 ss:$0x0], $0xffff  }
0xa2: {  	v3 =	vld [tilespmem:s18+$0x20];
	_ =	sdelay $0x4  }
0xa3: {  	v1 =	vmul.f32 v1, v2;
	v3 =	vmul.f32 v2, v3  }
.Ltmp1:
0xa4: {  	(pc) =	sbr.rel @p1 .LBB2_5-.Ltmp1, $4  }
0xa5: {  	[tilespmem:s18+$0x20] =	vst v3  }
0xa6: {  	s19 =	sshra.s32 s20, $0x2;
	[tilespmem:s18+$0x30] =	vst v1  }
0xa7: {  	s18 =	sadd.s32 $0x80, s18;
	v1 =	vld.msk [tilespmem:s19+$0x9F00 ss:$0x0], $0xffff  }
0xa8: {  	s20 =	sadd.s32 $0x4, s20;
	v2 =	vld [tilespmem:s18+$0xFFFFFFC0]  }
0xa9: {  	v3 =	vld [tilespmem:s18+$0xFFFFFFD0];
	_ =	sdelay $0x3  }
0xaa: {  	v2 =	vmul.f32 v1, v2  }
0xab: {  	v1 =	vmul.f32 v3, v1  }
0xac: {  	[tilespmem:s18+$0xFFFFFFC0] =	vst v2  }
0xad: {  	v2 =	vld [tilespmem:s18+$0xFFFFFFE0];
	[tilespmem:s18+$0xFFFFFFD0] =	vst v1  }
0xae: {  	v1 =	vld.msk [tilespmem:s19+$0x9F50 ss:$0x0], $0xffff  }
0xaf: {  	v3 =	vld [tilespmem:s18+$0xFFFFFFF0];
	_ =	sdelay $0x3  }
0xb0: {  	v2 =	vmul.f32 v1, v2  }
0xb1: {  	v1 =	vmul.f32 v3, v1  }
0xb2: {  	[tilespmem:s18+$0xFFFFFFE0] =	vst v2  }
0xb3: {  	[tilespmem:s18+$0xFFFFFFF0] =	vst v1;
	v1 =	vld [tilespmem:s18+$0x10]  }
0xb4: {  	v2 =	vld.msk [tilespmem:s19+$0x9FA0 ss:$0x0], $0xffff  }
0xb5: {  	v3 =	vld [tilespmem:s18+$0x0];
	_ =	sdelay $0x3  }
0xb6: {  	v1 =	vmul.f32 v1, v2  }
0xb7: {  	v2 =	vmul.f32 v2, v3  }
0xb8: {  	[tilespmem:s18+$0x10] =	vst v1  }
0xb9: {  	[tilespmem:s18+$0x0] =	vst v2;
	v2 =	vld [tilespmem:s18+$0x20]  }
0xba: {  	v1 =	vld.msk [tilespmem:s19+$0x9FF0 ss:$0x0], $0xffff  }
0xbb: {  	v3 =	vld [tilespmem:s18+$0x30];
	_ =	sdelay $0x3  }
0xbc: {  	v2 =	vmul.f32 v1, v2  }
0xbd: {  	v1 =	vmul.f32 v3, v1  }
0xbe: {  	[tilespmem:s18+$0x20] =	vst v2  }
0xbf: {  	[tilespmem:s18+$0x30] =	vst v1  }
0xc0: {  	[spmem:s3] =	stream.indirect.scatter.add.f32 [tilespmem:s31], [sflag:$0x3], $0x80, s10, s2, $0xb8;
	[tilespmem:$0x1DB00] =	vst v63  }
0xc1: {  	_ =	swait.ge [sflag:s30], $0x2800  }
0xc2: {  	[sflag:s30] =	ssyncset.done $0x0  }
0xc3: {  	s16 =	sadd.s32 $0xA0, s16;
	[sflag:s30] =	ssyncadd.s32 $0xFFFFD800  }
0xc4: {  	[tilespmem:s31], [sflag:$0x1] =	stream.indirect.gather [hbm4b:s1+s2], $0x80, s16, s2, $0xb8;
	[tilespmem:$0x1DB00] =	vst v63  }
0xc5: {  	s16 =	sadd.s32 s5, s16  }
0xc6: {  	s16 =	sshrl.u32 s16, $0x1  }
0xc7: {  	s16 =	sand.u32 $0x1FFFFFF8, s16  }
0xc8: {  	s20 =	simm.s32 $0x0;
	s16 =	sadd.s32 s6, s16  }
0xc9: {  	[tilespmem:s0], [sflag:$0x1] =	stream.linear.gather [hbm4b:s16+s20], $0x140, $0x38;
	[tilespmem:$0x1DB00] =	vst v63  }
0xca: {  	_ =	swait.ge [sflag:s11], $0x2800  }
0xcb: {  	[sflag:s11] =	ssyncset.done $0x0  }
0xcc: {  	[sflag:s11] =	ssyncadd.s32 $0xFFFFD800  }
0xcd: {  	_ =	swait.ge [sflag:s11], $0x140  }
0xce: {  	[sflag:s11] =	ssyncset.done $0x0  }
0xcf: {  	[sflag:s11] =	ssyncadd.s32 $0xFFFFFEC0  }
0xd0: {  	v1 =	vld [tilespmem:s15+$0x2780];
	_ =	sdelay $0x4  }
0xd1: {  	[tilespmem:$0xA200] =	vst v1  }
0xd2: {  	v1 =	vld [tilespmem:s15+$0x2790];
	_ =	sdelay $0x4  }
0xd3: {  	[tilespmem:$0xA210] =	vst v1  }
0xd4: {  	v1 =	vld [tilespmem:s15+$0x27A0];
	_ =	sdelay $0x4  }
0xd5: {  	[tilespmem:$0xA220] =	vst v1  }
0xd6: {  	v1 =	vld [tilespmem:s15+$0x27B0];
	_ =	sdelay $0x4  }
0xd7: {  	[tilespmem:$0xA230] =	vst v1  }
0xd8: {  	v1 =	vld [tilespmem:s15+$0x27C0];
	_ =	sdelay $0x4  }
0xd9: {  	s16 =	simm.s32 $0x0;
	[tilespmem:$0xA240] =	vst v1  }
0xda: {  	s15 =	simm.s32 $0x7740;
	v1 =	vld.msk [tilespmem:s16+$0xA080 ss:$0x0], $0xffff  }
0xdb: {  	s18 =	simm.s32 $0x4;
	v2 =	vld [tilespmem:s15+$0xFFFFFFC0]  }
.LBB2_7:
0xdc: {  	p1 =	sne.s32 s18, $0x13C;
	v3 =	vld [tilespmem:s15+$0xFFFFFFD0];
	_ =	sdelay $0x3  }
0xdd: {  	v2 =	vmul.f32 v1, v2  }
0xde: {  	v1 =	vmul.f32 v3, v1  }
0xdf: {  	[tilespmem:s15+$0xFFFFFFC0] =	vst v2  }
0xe0: {  	[tilespmem:s15+$0xFFFFFFD0] =	vst v1  }
0xe1: {  	v1 =	vld.msk [tilespmem:s16+$0xA0D0 ss:$0x0], $0xffff  }
0xe2: {  	v2 =	vld [tilespmem:s15+$0xFFFFFFE0]  }
0xe3: {  	v3 =	vld [tilespmem:s15+$0xFFFFFFF0];
	_ =	sdelay $0x3  }
0xe4: {  	v2 =	vmul.f32 v1, v2  }
0xe5: {  	v1 =	vmul.f32 v3, v1  }
0xe6: {  	[tilespmem:s15+$0xFFFFFFE0] =	vst v2  }
0xe7: {  	[tilespmem:s15+$0xFFFFFFF0] =	vst v1;
	v1 =	vld [tilespmem:s15+$0x10]  }
0xe8: {  	v2 =	vld.msk [tilespmem:s16+$0xA120 ss:$0x0], $0xffff  }
0xe9: {  	v3 =	vld [tilespmem:s15+$0x0];
	_ =	sdelay $0x4  }
0xea: {  	v1 =	vmul.f32 v1, v2;
	v3 =	vmul.f32 v2, v3;
	_ =	sdelay $0x1  }
0xeb: {  	[tilespmem:s15+$0x10] =	vst v1  }
0xec: {  	[tilespmem:s15+$0x0] =	vst v3;
	v1 =	vld [tilespmem:s15+$0x30]  }
0xed: {  	v2 =	vld.msk [tilespmem:s16+$0xA170 ss:$0x0], $0xffff  }
0xee: {  	v3 =	vld [tilespmem:s15+$0x20];
	_ =	sdelay $0x4  }
0xef: {  	v1 =	vmul.f32 v1, v2;
	v3 =	vmul.f32 v2, v3  }
.Ltmp2:
0xf0: {  	(pc) =	sbr.rel @p1 .LBB2_7-.Ltmp2, $4  }
0xf1: {  	[tilespmem:s15+$0x20] =	vst v3  }
0xf2: {  	s16 =	sshra.s32 s18, $0x2;
	[tilespmem:s15+$0x30] =	vst v1  }
0xf3: {  	s15 =	sadd.s32 $0x80, s15;
	v1 =	vld.msk [tilespmem:s16+$0xA080 ss:$0x0], $0xffff  }
0xf4: {  	s18 =	sadd.s32 $0x4, s18;
	v2 =	vld [tilespmem:s15+$0xFFFFFFC0]  }
0xf5: {  	v3 =	vld [tilespmem:s15+$0xFFFFFFD0];
	_ =	sdelay $0x3  }
0xf6: {  	v2 =	vmul.f32 v1, v2  }
0xf7: {  	v1 =	vmul.f32 v3, v1  }
0xf8: {  	[tilespmem:s15+$0xFFFFFFC0] =	vst v2  }
0xf9: {  	v2 =	vld [tilespmem:s15+$0xFFFFFFE0];
	[tilespmem:s15+$0xFFFFFFD0] =	vst v1  }
0xfa: {  	v1 =	vld.msk [tilespmem:s16+$0xA0D0 ss:$0x0], $0xffff  }
0xfb: {  	v3 =	vld [tilespmem:s15+$0xFFFFFFF0];
	_ =	sdelay $0x3  }
0xfc: {  	v2 =	vmul.f32 v1, v2  }
0xfd: {  	v1 =	vmul.f32 v3, v1  }
0xfe: {  	[tilespmem:s15+$0xFFFFFFE0] =	vst v2  }
0xff: {  	[tilespmem:s15+$0xFFFFFFF0] =	vst v1;
	v1 =	vld [tilespmem:s15+$0x10]  }
0x100: {  	v2 =	vld.msk [tilespmem:s16+$0xA120 ss:$0x0], $0xffff  }
0x101: {  	v3 =	vld [tilespmem:s15+$0x0];
	_ =	sdelay $0x3  }
0x102: {  	v1 =	vmul.f32 v1, v2  }
0x103: {  	v2 =	vmul.f32 v2, v3  }
0x104: {  	[tilespmem:s15+$0x10] =	vst v1  }
0x105: {  	[tilespmem:s15+$0x0] =	vst v2;
	v2 =	vld [tilespmem:s15+$0x20]  }
0x106: {  	v1 =	vld.msk [tilespmem:s16+$0xA170 ss:$0x0], $0xffff  }
0x107: {  	v3 =	vld [tilespmem:s15+$0x30];
	_ =	sdelay $0x3  }
0x108: {  	v2 =	vmul.f32 v1, v2  }
0x109: {  	s14 =	sadd.s32 $0x1, s14;
	v1 =	vmul.f32 v3, v1  }
0x10a: {  	p1 =	sne.s32 s14, $0x3E;
	[tilespmem:s15+$0x20] =	vst v2  }
.Ltmp3:
0x10b: {  	[tilespmem:s15+$0x30] =	vst v1;
	(pc) =	sbr.rel @p1 .LBB2_4-.Ltmp3, $4  }
0x10c: {  	[spmem:s3] =	stream.indirect.scatter.add.f32 [tilespmem:s4], [sflag:$0x3], $0x80, s10, s2, $0xb8;
	[tilespmem:$0x1DB00] =	vst v63  }
0x10d: {  	_ =	swait.ge [sflag:s30], $0x2800  }
0x10e: {  	[sflag:s30] =	ssyncset.done $0x0  }
0x10f: {  	[sflag:s30] =	ssyncadd.s32 $0xFFFFD800  }
0x110: {  	_ =	swait.ge [sflag:s9], $0x2800  }
0x111: {  	[sflag:s9] =	ssyncset.done $0x0  }
0x112: {  	[sflag:s9] =	ssyncadd.s32 $0xFFFFD800  }
0x113: {  	_ =	swait.ge [sflag:s9], $0x140  }
0x114: {  	[sflag:s9] =	ssyncset.done $0x0  }
0x115: {  	[sflag:s9] =	ssyncadd.s32 $0xFFFFFEC0  }
0x116: {  	v1 =	vld [tilespmem:$0x4E40]  }
0x117: {  	v2 =	vld [tilespmem:$0x4E50]  }
0x118: {  	v3 =	vld [tilespmem:$0x4E60]  }
0x119: {  	v4 =	vld [tilespmem:$0x4E70]  }
0x11a: {  	v5 =	vld [tilespmem:$0x4E80]  }
0x11b: {  	[tilespmem:$0xA200] =	vst v1  }
0x11c: {  	[tilespmem:$0xA210] =	vst v2  }
0x11d: {  	[tilespmem:$0xA220] =	vst v3  }
0x11e: {  	[tilespmem:$0xA230] =	vst v4  }
0x11f: {  	s14 =	simm.s32 $0x0;
	[tilespmem:$0xA240] =	vst v5  }
0x120: {  	s13 =	simm.s32 $0x4F40;
	v1 =	vld.msk [tilespmem:s14+$0x9F00 ss:$0x0], $0xffff  }
0x121: {  	s15 =	simm.s32 $0x4;
	v2 =	vld [tilespmem:s13+$0xFFFFFFC0]  }
.LBB2_10:
0x122: {  	p1 =	sne.s32 s15, $0x13C;
	v3 =	vld [tilespmem:s13+$0xFFFFFFD0];
	_ =	sdelay $0x3  }
0x123: {  	v2 =	vmul.f32 v1, v2  }
0x124: {  	v1 =	vmul.f32 v3, v1  }
0x125: {  	[tilespmem:s13+$0xFFFFFFC0] =	vst v2  }
0x126: {  	[tilespmem:s13+$0xFFFFFFD0] =	vst v1  }
0x127: {  	v1 =	vld.msk [tilespmem:s14+$0x9F50 ss:$0x0], $0xffff  }
0x128: {  	v2 =	vld [tilespmem:s13+$0xFFFFFFE0]  }
0x129: {  	v3 =	vld [tilespmem:s13+$0xFFFFFFF0];
	_ =	sdelay $0x3  }
0x12a: {  	v2 =	vmul.f32 v1, v2  }
0x12b: {  	v1 =	vmul.f32 v3, v1  }
0x12c: {  	[tilespmem:s13+$0xFFFFFFE0] =	vst v2  }
0x12d: {  	[tilespmem:s13+$0xFFFFFFF0] =	vst v1;
	v1 =	vld [tilespmem:s13+$0x10]  }
0x12e: {  	v2 =	vld.msk [tilespmem:s14+$0x9FA0 ss:$0x0], $0xffff  }
0x12f: {  	v3 =	vld [tilespmem:s13+$0x0];
	_ =	sdelay $0x4  }
0x130: {  	v1 =	vmul.f32 v1, v2;
	v3 =	vmul.f32 v2, v3;
	_ =	sdelay $0x1  }
0x131: {  	[tilespmem:s13+$0x10] =	vst v1  }
0x132: {  	[tilespmem:s13+$0x0] =	vst v3;
	v1 =	vld [tilespmem:s13+$0x30]  }
0x133: {  	v2 =	vld.msk [tilespmem:s14+$0x9FF0 ss:$0x0], $0xffff  }
0x134: {  	v3 =	vld [tilespmem:s13+$0x20];
	_ =	sdelay $0x4  }
0x135: {  	v1 =	vmul.f32 v1, v2;
	v3 =	vmul.f32 v2, v3  }
.Ltmp4:
0x136: {  	(pc) =	sbr.rel @p1 .LBB2_10-.Ltmp4, $4  }
0x137: {  	[tilespmem:s13+$0x20] =	vst v3  }
0x138: {  	s14 =	sshra.s32 s15, $0x2;
	[tilespmem:s13+$0x30] =	vst v1  }
0x139: {  	s13 =	sadd.s32 $0x80, s13;
	v1 =	vld.msk [tilespmem:s14+$0x9F00 ss:$0x0], $0xffff  }
0x13a: {  	s15 =	sadd.s32 $0x4, s15;
	v2 =	vld [tilespmem:s13+$0xFFFFFFC0]  }
0x13b: {  	v3 =	vld [tilespmem:s13+$0xFFFFFFD0];
	_ =	sdelay $0x3  }
0x13c: {  	v2 =	vmul.f32 v1, v2  }
0x13d: {  	v1 =	vmul.f32 v3, v1  }
0x13e: {  	[tilespmem:s13+$0xFFFFFFC0] =	vst v2  }
0x13f: {  	v2 =	vld [tilespmem:s13+$0xFFFFFFE0];
	[tilespmem:s13+$0xFFFFFFD0] =	vst v1  }
0x140: {  	v1 =	vld.msk [tilespmem:s14+$0x9F50 ss:$0x0], $0xffff  }
0x141: {  	v3 =	vld [tilespmem:s13+$0xFFFFFFF0];
	_ =	sdelay $0x3  }
0x142: {  	v2 =	vmul.f32 v1, v2  }
0x143: {  	v1 =	vmul.f32 v3, v1  }
0x144: {  	[tilespmem:s13+$0xFFFFFFE0] =	vst v2  }
0x145: {  	[tilespmem:s13+$0xFFFFFFF0] =	vst v1;
	v1 =	vld [tilespmem:s13+$0x10]  }
0x146: {  	v2 =	vld.msk [tilespmem:s14+$0x9FA0 ss:$0x0], $0xffff  }
0x147: {  	v3 =	vld [tilespmem:s13+$0x0];
	_ =	sdelay $0x3  }
0x148: {  	v1 =	vmul.f32 v1, v2  }
0x149: {  	v2 =	vmul.f32 v2, v3  }
0x14a: {  	[tilespmem:s13+$0x10] =	vst v1  }
0x14b: {  	[tilespmem:s13+$0x0] =	vst v2;
	v2 =	vld [tilespmem:s13+$0x20]  }
0x14c: {  	v1 =	vld.msk [tilespmem:s14+$0x9FF0 ss:$0x0], $0xffff  }
0x14d: {  	v3 =	vld [tilespmem:s13+$0x30];
	_ =	sdelay $0x3  }
0x14e: {  	v2 =	vmul.f32 v1, v2  }
0x14f: {  	v1 =	vmul.f32 v3, v1  }
0x150: {  	[tilespmem:s13+$0x20] =	vst v2  }
0x151: {  	[tilespmem:s13+$0x30] =	vst v1  }
0x152: {  	[spmem:s3] =	stream.indirect.scatter.add.f32 [tilespmem:s31], [sflag:$0x3], $0x80, s10, s2, $0xb8;
	[tilespmem:$0x1DB00] =	vst v63  }
0x153: {  	_ =	swait.ge [sflag:s30], $0x2800  }
0x154: {  	[sflag:s30] =	ssyncset.done $0x0  }
0x155: {  	[sflag:s30] =	ssyncadd.s32 $0xFFFFD800  }
0x156: {  	s14 =	simm.s32 @p0 $0x1FC3;
	s13 =	sshrl.u32 @p0 s17, $0x3;
	[bflag:$0x0] =	sbarrier.arrive $0xFFFF  }
0x157: {  	[hbm:s24], [sflag:s14] =	dma.local @p0 [spmem:s13], $0x2800  }
0x158: {  	s13 =	simm.s32 @p0 $0x3  }
0x159: {  	s12 =	sadd.s32 $0x1, s12;
	s14 =	stileid.u32;
	_ =	swait.ge @p0 [sflag:s13], $0x2800  }
0x15a: {  	p1 =	sne.s32 s12, s25;
	s14 =	sshll.u32 @!p0 s14, $0x6;
	[sflag:s13] =	ssyncset.done @p0 $0x0  }
0x15b: {  	[sflag:s13] =	ssyncadd.s32 @p0 $0xFFFFD800;
	s13 =	sor.u32 @!p0 $0x1C03, s14;
	s14 =	sshrl.u32 @!p0 s8, $0x3  }
0x15c: {  	[hbm:s21], [sflag:s13] =	dma.local @!p0 [spmem:s14], $0x2700  }
.Ltmp5:
0x15d: {  	_ = 	snop;
	(pc) =	sbr.rel @p1 .LBB2_1-.Ltmp5, $4  }
0x15e: {  	s13 =	simm.s32 @!p0 $0x3  }
0x15f: {  	_ =	swait.ge @!p0 [sflag:s13], $0x2700  }
0x160: {  	[sflag:s13] =	ssyncset.done @!p0 $0x0  }
0x161: {  	[sflag:s13] =	ssyncadd.s32 @!p0 $0xFFFFD900  }
0x162: {  	_ =	sfence.sel $0x180000  }
0x163: {  	[bflag:$0x0] =	sbarrier.arrive $0xFFFF  }
0x164: {  	_ =	strace $0x9000004A  }
0x165: {  	s0 =	stileid.u32;
	[bflag:$0x2] =	sbarrier.arrive $0xFFFF  }
0x166: {  	p0 =	sne.s32 s0, $0x0;
	s0 =	rddreg [dreg:$0x3]  }
0x167: {  	s0 =	sadd.s32 @!p0 $0x100000, s0  }
0x168: {  	[sflag:s0] =	ssyncadd.tile.s32 @!p0 $0x1;
	_ =	shalt  }
.Lfunc_end2:
_tile_overlayer_lowered:
.L_overlay_start_2:
0x169: {  	(tag) =	ssettag $0x2  }
0x16a: {  	s0 =	rddreg [dreg:$0x0];
	s2 =	stileid.u32  }
0x16b: {  	s1 =	rddreg [dreg:$0x1];
	p0 =	sne.s32 s2, $0x0  }
0x16c: {  	s3 =	rddreg [dreg:$0x2];
	[bflag:$0x3] =	sbarrier.arrive $0xFFFF;
	s2 =	simm.s32 @!p0 $0x1C03  }
0x16d: {  	[timem:s3], [sflag:s2] =	dma.local @!p0 [hbm:s0], s1  }
0x16e: {  	s0 =	simm.s32 @!p0 $0x3  }
0x16f: {  	_ =	swait.ge @!p0 [sflag:s0], s1  }
0x170: {  	s1 =	ssub.s32 @!p0 $0x0, s1;
	[sflag:s0] =	ssyncset.done @!p0 $0x0  }
0x171: {  	[sflag:s0] =	ssyncadd.s32 @!p0 s1  }
0x172: {  	[bflag:$0x3] =	sbarrier.arrive $0xFFFF  }
0x173: {  	_ =	shalt  }

</sc_bundles>
